<compile_context>
chip_gen: v7x
topology: tpu7x:2x2x1
jax: 0.10.2.dev20260603
libtpu: 0.0.44.dev20260713+nightly
codegen_flags: <defaults>
</compile_context>

<pallas_src>
import functools

import jax
import jax.numpy as jnp
from jax import lax
from jax.experimental import pallas as pl
from jax.experimental.pallas import tpu as pltpu
from jax.experimental.pallas import tpu_sc as plsc

_NC = 2
_NS = 16
_LANES = 16
_NW = _NC * _NS
_W = 128


@functools.lru_cache(maxsize=None)
def _build_sc_call(B, L, D):
    F = L * D
    g_per = F // _NW
    n_out = B // _W
    mesh = plsc.VectorSubcoreMesh(core_axis_name="c", subcore_axis_name="s")

    @functools.partial(
        pl.kernel,
        out_type=jax.ShapeDtypeStruct((F, B), jnp.float32),
        mesh=mesh,
        scratch_types=[
            pltpu.VMEM((g_per,), jnp.float32),
            pltpu.VMEM((g_per,), jnp.float32),
            pltpu.VMEM((g_per, _W), jnp.float32),
            pltpu.SemaphoreType.DMA,
        ],
    )
    def sc_fn(emb_hbm, pos_hbm, out_hbm, ebuf, pbuf, rbuf, sem):
        wid = lax.axis_index("s") * _NC + lax.axis_index("c")
        gbase = wid * g_per
        in_copies = [
            pltpu.async_copy(emb_hbm.at[pl.ds(gbase, g_per)], ebuf, sem),
            pltpu.async_copy(pos_hbm.at[pl.ds(gbase, g_per)], pbuf, sem),
        ]
        for c in in_copies:
            c.wait()

        def blk_body(i, carry):
            sl = pl.ds(pl.multiple_of(i * _LANES, _LANES), _LANES)
            v16 = ebuf[sl] + pbuf[sl]
            for j in range(_LANES):
                w = v16.at[jnp.full((_LANES,), j, jnp.int32)].get(
                    mode="promise_in_bounds"
                )
                row = rbuf.at[i * _LANES + j]
                for c in range(_W // _LANES):
                    row[pl.ds(c * _LANES, _LANES)] = w
            return carry

        splits = (0, (g_per // (2 * _LANES)) * _LANES, g_per)
        copies = []
        for p in range(2):
            lo, hi = splits[p], splits[p + 1]
            lax.fori_loop(lo // _LANES, hi // _LANES, blk_body, 0)
            copies.extend(
                pltpu.async_copy(
                    rbuf.at[pl.ds(lo, hi - lo)],
                    out_hbm.at[pl.ds(gbase + lo, hi - lo),
                               pl.ds(t * _W, _W)],
                    sem,
                )
                for t in range(n_out)
            )
        for c in copies:
            c.wait()

    return sc_fn


def kernel(input_char, emb_table, pos_table):
    B, L = input_char.shape
    D = emb_table.shape[1]
    emb_flat = emb_table[:L].reshape(L * D)
    pos_flat = pos_table[0, :L].reshape(L * D)
    out_fb = _build_sc_call(B, L, D)(emb_flat, pos_flat)
    return jnp.transpose(out_fb, (1, 0)).reshape(B, L, D)

# --- scband reference (transcript-rebuilt; emitter-appended) ---
"""Pipeline reference for scband-positional-embedding-24661702213756 (READ-ONLY COPY).

The authoritative reference and input builder live on the scoring server;
editing this copy changes nothing except your own understanding.
"""

import jax, jax.numpy as jnp
import numpy as np

D_ONEHOT = 64
D_HID = 64
MAX_SEQ_LEN = 200
N_POSITION = 200


def _sinusoid_table(n_position, d_hid):
    pos = np.arange(n_position)[:, None].astype(np.float64)
    hid = np.arange(d_hid)[None, :]
    angle = pos / np.power(10000.0, 2 * (hid // 2) / d_hid)
    table = angle.copy()
    table[:, 0::2] = np.sin(angle[:, 0::2])
    table[:, 1::2] = np.cos(angle[:, 1::2])
    return jnp.asarray(table[None, :, :], dtype=jnp.float32)  # [1, n_position, d_hid]


def setup_inputs(seed: int = 0) -> dict:
    key = jax.random.key(seed)
    input_char = jax.random.randint(jax.random.fold_in(key, 0), (4096, 200), 0, 100, dtype=jnp.int32)
    emb_table = jax.random.normal(jax.random.fold_in(key, 1), (MAX_SEQ_LEN + 1, D_ONEHOT), dtype=jnp.float32) * 0.02
    pos_table = _sinusoid_table(N_POSITION, D_HID)
    return {"input_char": input_char, "emb_table": emb_table, "pos_table": pos_table}


def reference(input_char, emb_table, pos_table):
    batch_size, length = input_char.shape
    # _get_position_index: arange(length) repeated for each batch row
    position_index = jnp.broadcast_to(jnp.arange(length, dtype=jnp.int32)[None, :], (batch_size, length))
    # embedding lookup (gather)
    one_hot_embedding = jnp.take(emb_table, position_index, axis=0)  # [B, L, d_onehot]
    # positional encoding: add detached sinusoid table slice
    positional_embedding = one_hot_embedding + jax.lax.stop_gradient(pos_table[:, :length])
    return positional_embedding

if __name__ == "__main__":
    import jax
    _d = setup_inputs()
    print(jax.jit(kernel)(*tuple(_d.values())))

</pallas_src>

<mosaic_0001>
#map = affine_map<(d0, d1) -> (0)>
#map1 = affine_map<(d0, d1) -> (0, 0)>
module attributes {stable_mosaic.version = 14 : i64} {
  func.func @sc_fn(%arg0: i32, %arg1: i32, %arg2: memref<12800xf32, #tpu.memory_space<hbm>>, %arg3: memref<12800xf32, #tpu.memory_space<hbm>>, %arg4: memref<12800x4096xf32, #tpu.memory_space<hbm>>, %arg5: memref<400xf32, #tpu.memory_space<vmem>>, %arg6: memref<400xf32, #tpu.memory_space<vmem>>, %arg7: memref<400x128xf32, #tpu.memory_space<vmem>>, %arg8: memref<!tpu.dma_semaphore, #tpu.memory_space<semaphore_mem>>) attributes {dimension_semantics = [#tpu.dimension_semantics<core_parallel>, #tpu.dimension_semantics<subcore_parallel>], iteration_bounds = array<i64: 2, 16>, scalar_prefetch = 0 : i64, scratch_operands = 4 : i64, tpu.core_type = #tpu.core_type<sc_vector_subcore>, window_params = [{transform_indices = #map}, {transform_indices = #map}, {transform_indices = #map1}]} {
    %mul3A = arith.constant 2 : i32
    %mul3A_0 = arith.muli %arg1, %mul3A : i32
    %add3A = arith.addi %mul3A_0, %arg0 : i32
    %mul3A_1 = arith.constant 400 : i32
    %mul3A_2 = arith.muli %add3A, %mul3A_1 : i32
    %dma_start3A = tpu.memref_slice %arg2[%mul3A_2] : memref<12800xf32, #tpu.memory_space<hbm>> -> memref<400xf32, #tpu.memory_space<hbm>>
    %dma_start3A_3 = tpu.memref_slice %arg2[%mul3A_2] : memref<12800xf32, #tpu.memory_space<hbm>> -> memref<400xf32, #tpu.memory_space<hbm>>
    tpu.enqueue_dma source(%dma_start3A_3 : memref<400xf32, #tpu.memory_space<hbm>>) target(%arg5 : memref<400xf32, #tpu.memory_space<vmem>>) target_semaphore(%arg8 : memref<!tpu.dma_semaphore, #tpu.memory_space<semaphore_mem>>)
    %dma_start3A_4 = tpu.memref_slice %arg3[%mul3A_2] : memref<12800xf32, #tpu.memory_space<hbm>> -> memref<400xf32, #tpu.memory_space<hbm>>
    %dma_start3A_5 = tpu.memref_slice %arg3[%mul3A_2] : memref<12800xf32, #tpu.memory_space<hbm>> -> memref<400xf32, #tpu.memory_space<hbm>>
    tpu.enqueue_dma source(%dma_start3A_5 : memref<400xf32, #tpu.memory_space<hbm>>) target(%arg6 : memref<400xf32, #tpu.memory_space<vmem>>) target_semaphore(%arg8 : memref<!tpu.dma_semaphore, #tpu.memory_space<semaphore_mem>>)
    %dma_wait3A = tpu.memref_slice %arg2[%mul3A_2] : memref<12800xf32, #tpu.memory_space<hbm>> -> memref<400xf32, #tpu.memory_space<hbm>>
    %dma_wait3A_6 = tpu.memref_slice %arg2[%mul3A_2] : memref<12800xf32, #tpu.memory_space<hbm>> -> memref<400xf32, #tpu.memory_space<hbm>>
    tpu.wait_dma2 semaphore(%arg8 : memref<!tpu.dma_semaphore, #tpu.memory_space<semaphore_mem>>) src(%dma_wait3A_6 : memref<400xf32, #tpu.memory_space<hbm>>) dst(%arg5 : memref<400xf32, #tpu.memory_space<vmem>>)
    %dma_wait3A_7 = tpu.memref_slice %arg3[%mul3A_2] : memref<12800xf32, #tpu.memory_space<hbm>> -> memref<400xf32, #tpu.memory_space<hbm>>
    %dma_wait3A_8 = tpu.memref_slice %arg3[%mul3A_2] : memref<12800xf32, #tpu.memory_space<hbm>> -> memref<400xf32, #tpu.memory_space<hbm>>
    tpu.wait_dma2 semaphore(%arg8 : memref<!tpu.dma_semaphore, #tpu.memory_space<semaphore_mem>>) src(%dma_wait3A_8 : memref<400xf32, #tpu.memory_space<hbm>>) dst(%arg6 : memref<400xf32, #tpu.memory_space<vmem>>)
    %scan3A = arith.constant 0 : i32
    %scan3A_9 = arith.constant 0 : i32
    %scan3A_10 = arith.constant 12 : i32
    %scan3A_11 = arith.addi %scan3A_9, %scan3A_10 : i32
    %scan3A_12 = arith.constant 1 : i32
    scf.for %scan3A_1428 = %scan3A_9 to %scan3A_11 step %scan3A_12  : i32 {
      %mul3A_1429 = arith.constant 16 : i32
      %mul3A_1430 = arith.muli %scan3A_1428, %mul3A_1429 : i32
      %multiple_of3A = tpu.assume_multiple %mul3A_1430, 16 : i32
      %get3A = arith.index_cast %multiple_of3A : i32 to index
      %get3A_1431 = tpu.vector_load %arg5[%get3A] {strides = array<i32>} : memref<400xf32, #tpu.memory_space<vmem>>, vector<16xf32>,
      %get3A_1432 = vector.shape_cast %get3A_1431 : vector<16xf32> to vector<16xf32>
      %get3A_1433 = arith.index_cast %multiple_of3A : i32 to index
      %get3A_1434 = tpu.vector_load %arg6[%get3A_1433] {strides = array<i32>} : memref<400xf32, #tpu.memory_space<vmem>>, vector<16xf32>,
      %get3A_1435 = vector.shape_cast %get3A_1434 : vector<16xf32> to vector<16xf32>
      %add3A_1436 = arith.addf %get3A_1432, %get3A_1435 : vector<16xf32>
      %broadcast_in_dim3A = arith.constant 0 : i32
      %broadcast_in_dim3A_1437 = vector.broadcast %broadcast_in_dim3A : i32 to vector<16xi32>
      %lt3A = arith.constant 0 : i32
      %lt3A_1438 = vector.broadcast %lt3A : i32 to vector<16xi32>
      %lt3A_1439 = arith.cmpi slt, %broadcast_in_dim3A_1437, %lt3A_1438 : vector<16xi32>
      %add3A_1440 = arith.constant 16 : i32
      %add3A_1441 = vector.broadcast %add3A_1440 : i32 to vector<16xi32>
      %add3A_1442 = arith.addi %broadcast_in_dim3A_1437, %add3A_1441 : vector<16xi32>
      %select_n3A = arith.select %lt3A_1439, %add3A_1442, %broadcast_in_dim3A_1437 : vector<16xi1>, vector<16xi32>
      %broadcast_in_dim3A_1443 = vector.shape_cast %select_n3A : vector<16xi32> to vector<16x1xi32>
      %gather3A = vector.shape_cast %broadcast_in_dim3A_1443 : vector<16x1xi32> to vector<16xi32>
      %gather3A_1444 = tpu.dynamic_gather %add3A_1436[%gather3A] in [0] : vector<16xf32>, vector<16xi32> -> vector<16xf32>
      %mul3A_1445 = arith.constant 16 : i32
      %mul3A_1446 = arith.muli %scan3A_1428, %mul3A_1445 : i32
      %add3A_1447 = arith.constant 0 : i32
      %add3A_1448 = arith.addi %mul3A_1446, %add3A_1447 : i32
      %swap3A = arith.constant 0 : i32
      %swap3A_1449 = tpu.memref_slice %arg7[%add3A_1448, %swap3A] : memref<400x128xf32, #tpu.memory_space<vmem>> -> memref<1x128xf32, #tpu.memory_space<vmem>>
      %swap3A_1450 = tpu.memref_squeeze %swap3A_1449 : memref<1x128xf32, #tpu.memory_space<vmem>> -> memref<128xf32, #tpu.memory_space<vmem>>
      %swap3A_1451 = arith.constant 0 : index
      %swap3A_1452 = tpu.vector_load %swap3A_1450[%swap3A_1451] {strides = array<i32>} : memref<128xf32, #tpu.memory_space<vmem>>, vector<16xf32>,
      %swap3A_1453 = vector.shape_cast %swap3A_1452 : vector<16xf32> to vector<16xf32>
      %swap3A_1454 = vector.shape_cast %gather3A_1444 : vector<16xf32> to vector<16xf32>
      tpu.vector_store %swap3A_1450[%swap3A_1451], %swap3A_1454 {strides = array<i32>} : memref<128xf32, #tpu.memory_space<vmem>>, vector<16xf32>,
      %swap3A_1455 = arith.constant 0 : i32
      %swap3A_1456 = tpu.memref_slice %arg7[%add3A_1448, %swap3A_1455] : memref<400x128xf32, #tpu.memory_space<vmem>> -> memref<1x128xf32, #tpu.memory_space<vmem>>
      %swap3A_1457 = tpu.memref_squeeze %swap3A_1456 : memref<1x128xf32, #tpu.memory_space<vmem>> -> memref<128xf32, #tpu.memory_space<vmem>>
      %swap3A_1458 = arith.constant 16 : index
      %swap3A_1459 = tpu.vector_load %swap3A_1457[%swap3A_1458] {strides = array<i32>} : memref<128xf32, #tpu.memory_space<vmem>>, vector<16xf32>,
      %swap3A_1460 = vector.shape_cast %swap3A_1459 : vector<16xf32> to vector<16xf32>
      %swap3A_1461 = vector.shape_cast %gather3A_1444 : vector<16xf32> to vector<16xf32>
      tpu.vector_store %swap3A_1457[%swap3A_1458], %swap3A_1461 {strides = array<i32>} : memref<128xf32, #tpu.memory_space<vmem>>, vector<16xf32>,
      %swap3A_1462 = arith.constant 0 : i32
      %swap3A_1463 = tpu.memref_slice %arg7[%add3A_1448, %swap3A_1462] : memref<400x128xf32, #tpu.memory_space<vmem>> -> memref<1x128xf32, #tpu.memory_space<vmem>>
      %swap3A_1464 = tpu.memref_squeeze %swap3A_1463 : memref<1x128xf32, #tpu.memory_space<vmem>> -> memref<128xf32, #tpu.memory_space<vmem>>
      %swap3A_1465 = arith.constant 32 : index
      %swap3A_1466 = tpu.vector_load %swap3A_1464[%swap3A_1465] {strides = array<i32>} : memref<128xf32, #tpu.memory_space<vmem>>, vector<16xf32>,
      %swap3A_1467 = vector.shape_cast %swap3A_1466 : vector<16xf32> to vector<16xf32>
      %swap3A_1468 = vector.shape_cast %gather3A_1444 : vector<16xf32> to vector<16xf32>
      tpu.vector_store %swap3A_1464[%swap3A_1465], %swap3A_1468 {strides = array<i32>} : memref<128xf32, #tpu.memory_space<vmem>>, vector<16xf32>,
      %swap3A_1469 = arith.constant 0 : i32
      %swap3A_1470 = tpu.memref_slice %arg7[%add3A_1448, %swap3A_1469] : memref<400x128xf32, #tpu.memory_space<vmem>> -> memref<1x128xf32, #tpu.memory_space<vmem>>
      %swap3A_1471 = tpu.memref_squeeze %swap3A_1470 : memref<1x128xf32, #tpu.memory_space<vmem>> -> memref<128xf32, #tpu.memory_space<vmem>>
      %swap3A_1472 = arith.constant 48 : index
      %swap3A_1473 = tpu.vector_load %swap3A_1471[%swap3A_1472] {strides = array<i32>} : memref<128xf32, #tpu.memory_space<vmem>>, vector<16xf32>,
      %swap3A_1474 = vector.shape_cast %swap3A_1473 : vector<16xf32> to vector<16xf32>
      %swap3A_1475 = vector.shape_cast %gather3A_1444 : vector<16xf32> to vector<16xf32>
      tpu.vector_store %swap3A_1471[%swap3A_1472], %swap3A_1475 {strides = array<i32>} : memref<128xf32, #tpu.memory_space<vmem>>, vector<16xf32>,
      %swap3A_1476 = arith.constant 0 : i32
      %swap3A_1477 = tpu.memref_slice %arg7[%add3A_1448, %swap3A_1476] : memref<400x128xf32, #tpu.memory_space<vmem>> -> memref<1x128xf32, #tpu.memory_space<vmem>>
      %swap3A_1478 = tpu.memref_squeeze %swap3A_1477 : memref<1x128xf32, #tpu.memory_space<vmem>> -> memref<128xf32, #tpu.memory_space<vmem>>
      %swap3A_1479 = arith.constant 64 : index
      %swap3A_1480 = tpu.vector_load %swap3A_1478[%swap3A_1479] {strides = array<i32>} : memref<128xf32, #tpu.memory_space<vmem>>, vector<16xf32>,
      %swap3A_1481 = vector.shape_cast %swap3A_1480 : vector<16xf32> to vector<16xf32>
      %swap3A_1482 = vector.shape_cast %gather3A_1444 : vector<16xf32> to vector<16xf32>
      tpu.vector_store %swap3A_1478[%swap3A_1479], %swap3A_1482 {strides = array<i32>} : memref<128xf32, #tpu.memory_space<vmem>>, vector<16xf32>,
      %swap3A_1483 = arith.constant 0 : i32
      %swap3A_1484 = tpu.memref_slice %arg7[%add3A_1448, %swap3A_1483] : memref<400x128xf32, #tpu.memory_space<vmem>> -> memref<1x128xf32, #tpu.memory_space<vmem>>
      %swap3A_1485 = tpu.memref_squeeze %swap3A_1484 : memref<1x128xf32, #tpu.memory_space<vmem>> -> memref<128xf32, #tpu.memory_space<vmem>>
      %swap3A_1486 = arith.constant 80 : index
      %swap3A_1487 = tpu.vector_load %swap3A_1485[%swap3A_1486] {strides = array<i32>} : memref<128xf32, #tpu.memory_space<vmem>>, vector<16xf32>,
      %swap3A_1488 = vector.shape_cast %swap3A_1487 : vector<16xf32> to vector<16xf32>
      %swap3A_1489 = vector.shape_cast %gather3A_1444 : vector<16xf32> to vector<16xf32>
      tpu.vector_store %swap3A_1485[%swap3A_1486], %swap3A_1489 {strides = array<i32>} : memref<128xf32, #tpu.memory_space<vmem>>, vector<16xf32>,
      %swap3A_1490 = arith.constant 0 : i32
      %swap3A_1491 = tpu.memref_slice %arg7[%add3A_1448, %swap3A_1490] : memref<400x128xf32, #tpu.memory_space<vmem>> -> memref<1x128xf32, #tpu.memory_space<vmem>>
      %swap3A_1492 = tpu.memref_squeeze %swap3A_1491 : memref<1x128xf32, #tpu.memory_space<vmem>> -> memref<128xf32, #tpu.memory_space<vmem>>
      %swap3A_1493 = arith.constant 96 : index
      %swap3A_1494 = tpu.vector_load %swap3A_1492[%swap3A_1493] {strides = array<i32>} : memref<128xf32, #tpu.memory_space<vmem>>, vector<16xf32>,
      %swap3A_1495 = vector.shape_cast %swap3A_1494 : vector<16xf32> to vector<16xf32>
      %swap3A_1496 = vector.shape_cast %gather3A_1444 : vector<16xf32> to vector<16xf32>
      tpu.vector_store %swap3A_1492[%swap3A_1493], %swap3A_1496 {strides = array<i32>} : memref<128xf32, #tpu.memory_space<vmem>>, vector<16xf32>,
      %swap3A_1497 = arith.constant 0 : i32
      %swap3A_1498 = tpu.memref_slice %arg7[%add3A_1448, %swap3A_1497] : memref<400x128xf32, #tpu.memory_space<vmem>> -> memref<1x128xf32, #tpu.memory_space<vmem>>
      %swap3A_1499 = tpu.memref_squeeze %swap3A_1498 : memref<1x128xf32, #tpu.memory_space<vmem>> -> memref<128xf32, #tpu.memory_space<vmem>>
      %swap3A_1500 = arith.constant 112 : index
      %swap3A_1501 = tpu.vector_load %swap3A_1499[%swap3A_1500] {strides = array<i32>} : memref<128xf32, #tpu.memory_space<vmem>>, vector<16xf32>,
      %swap3A_1502 = vector.shape_cast %swap3A_1501 : vector<16xf32> to vector<16xf32>
      %swap3A_1503 = vector.shape_cast %gather3A_1444 : vector<16xf32> to vector<16xf32>
      tpu.vector_store %swap3A_1499[%swap3A_1500], %swap3A_1503 {strides = array<i32>} : memref<128xf32, #tpu.memory_space<vmem>>, vector<16xf32>,
      %broadcast_in_dim3A_1504 = arith.constant 1 : i32
      %broadcast_in_dim3A_1505 = vector.broadcast %broadcast_in_dim3A_1504 : i32 to vector<16xi32>
      %lt3A_1506 = arith.constant 0 : i32
      %lt3A_1507 = vector.broadcast %lt3A_1506 : i32 to vector<16xi32>
      %lt3A_1508 = arith.cmpi slt, %broadcast_in_dim3A_1505, %lt3A_1507 : vector<16xi32>
      %add3A_1509 = arith.constant 16 : i32
      %add3A_1510 = vector.broadcast %add3A_1509 : i32 to vector<16xi32>
      %add3A_1511 = arith.addi %broadcast_in_dim3A_1505, %add3A_1510 : vector<16xi32>
      %select_n3A_1512 = arith.select %lt3A_1508, %add3A_1511, %broadcast_in_dim3A_1505 : vector<16xi1>, vector<16xi32>
      %broadcast_in_dim3A_1513 = vector.shape_cast %select_n3A_1512 : vector<16xi32> to vector<16x1xi32>
      %gather3A_1514 = vector.shape_cast %broadcast_in_dim3A_1513 : vector<16x1xi32> to vector<16xi32>
      %gather3A_1515 = tpu.dynamic_gather %add3A_1436[%gather3A_1514] in [0] : vector<16xf32>, vector<16xi32> -> vector<16xf32>
      %mul3A_1516 = arith.constant 16 : i32
      %mul3A_1517 = arith.muli %scan3A_1428, %mul3A_1516 : i32
      %add3A_1518 = arith.constant 1 : i32
      %add3A_1519 = arith.addi %mul3A_1517, %add3A_1518 : i32
      %swap3A_1520 = arith.constant 0 : i32
      %swap3A_1521 = tpu.memref_slice %arg7[%add3A_1519, %swap3A_1520] : memref<400x128xf32, #tpu.memory_space<vmem>> -> memref<1x128xf32, #tpu.memory_space<vmem>>
      %swap3A_1522 = tpu.memref_squeeze %swap3A_1521 : memref<1x128xf32, #tpu.memory_space<vmem>> -> memref<128xf32, #tpu.memory_space<vmem>>
      %swap3A_1523 = arith.constant 0 : index
      %swap3A_1524 = tpu.vector_load %swap3A_1522[%swap3A_1523] {strides = array<i32>} : memref<128xf32, #tpu.memory_space<vmem>>, vector<16xf32>,
      %swap3A_1525 = vector.shape_cast %swap3A_1524 : vector<16xf32> to vector<16xf32>
      %swap3A_1526 = vector.shape_cast %gather3A_1515 : vector<16xf32> to vector<16xf32>
      tpu.vector_store %swap3A_1522[%swap3A_1523], %swap3A_1526 {strides = array<i32>} : memref<128xf32, #tpu.memory_space<vmem>>, vector<16xf32>,
      %swap3A_1527 = arith.constant 0 : i32
      %swap3A_1528 = tpu.memref_slice %arg7[%add3A_1519, %swap3A_1527] : memref<400x128xf32, #tpu.memory_space<vmem>> -> memref<1x128xf32, #tpu.memory_space<vmem>>
      %swap3A_1529 = tpu.memref_squeeze %swap3A_1528 : memref<1x128xf32, #tpu.memory_space<vmem>> -> memref<128xf32, #tpu.memory_space<vmem>>
      %swap3A_1530 = arith.constant 16 : index
      %swap3A_1531 = tpu.vector_load %swap3A_1529[%swap3A_1530] {strides = array<i32>} : memref<128xf32, #tpu.memory_space<vmem>>, vector<16xf32>,
      %swap3A_1532 = vector.shape_cast %swap3A_1531 : vector<16xf32> to vector<16xf32>
      %swap3A_1533 = vector.shape_cast %gather3A_1515 : vector<16xf32> to vector<16xf32>
      tpu.vector_store %swap3A_1529[%swap3A_1530], %swap3A_1533 {strides = array<i32>} : memref<128xf32, #tpu.memory_space<vmem>>, vector<16xf32>,
      %swap3A_1534 = arith.constant 0 : i32
      %swap3A_1535 = tpu.memref_slice %arg7[%add3A_1519, %swap3A_1534] : memref<400x128xf32, #tpu.memory_space<vmem>> -> memref<1x128xf32, #tpu.memory_space<vmem>>
      %swap3A_1536 = tpu.memref_squeeze %swap3A_1535 : memref<1x128xf32, #tpu.memory_space<vmem>> -> memref<128xf32, #tpu.memory_space<vmem>>
      %swap3A_1537 = arith.constant 32 : index
      %swap3A_1538 = tpu.vector_load %swap3A_1536[%swap3A_1537] {strides = array<i32>} : memref<128xf32, #tpu.memory_space<vmem>>, vector<16xf32>,
      %swap3A_1539 = vector.shape_cast %swap3A_1538 : vector<16xf32> to vector<16xf32>
      %swap3A_1540 = vector.shape_cast %gather3A_1515 : vector<16xf32> to vector<16xf32>
      tpu.vector_store %swap3A_1536[%swap3A_1537], %swap3A_1540 {strides = array<i32>} : memref<128xf32, #tpu.memory_space<vmem>>, vector<16xf32>,
      %swap3A_1541 = arith.constant 0 : i32
      %swap3A_1542 = tpu.memref_slice %arg7[%add3A_1519, %swap3A_1541] : memref<400x128xf32, #tpu.memory_space<vmem>> -> memref<1x128xf32, #tpu.memory_space<vmem>>
      %swap3A_1543 = tpu.memref_squeeze %swap3A_1542 : memref<1x128xf32, #tpu.memory_space<vmem>> -> memref<128xf32, #tpu.memory_space<vmem>>
      %swap3A_1544 = arith.constant 48 : index
      %swap3A_1545 = tpu.vector_load %swap3A_1543[%swap3A_1544] {strides = array<i32>} : memref<128xf32, #tpu.memory_space<vmem>>, vector<16xf32>,
      %swap3A_1546 = vector.shape_cast %swap3A_1545 : vector<16xf32> to vector<16xf32>
      %swap3A_1547 = vector.shape_cast %gather3A_1515 : vector<16xf32> to vector<16xf32>
      tpu.vector_store %swap3A_1543[%swap3A_1544], %swap3A_1547 {strides = array<i32>} : memref<128xf32, #tpu.memory_space<vmem>>, vector<16xf32>,
      %swap3A_1548 = arith.constant 0 : i32
      %swap3A_1549 = tpu.memref_slice %arg7[%add3A_1519, %swap3A_1548] : memref<400x128xf32, #tpu.memory_space<vmem>> -> memref<1x128xf32, #tpu.memory_space<vmem>>
      %swap3A_1550 = tpu.memref_squeeze %swap3A_1549 : memref<1x128xf32, #tpu.memory_space<vmem>> -> memref<128xf32, #tpu.memory_space<vmem>>
      %swap3A_1551 = arith.constant 64 : index
      %swap3A_1552 = tpu.vector_load %swap3A_1550[%swap3A_1551] {strides = array<i32>} : memref<128xf32, #tpu.memory_space<vmem>>, vector<16xf32>,
      %swap3A_1553 = vector.shape_cast %swap3A_1552 : vector<16xf32> to vector<16xf32>
      %swap3A_1554 = vector.shape_cast %gather3A_1515 : vector<16xf32> to vector<16xf32>
      tpu.vector_store %swap3A_1550[%swap3A_1551], %swap3A_1554 {strides = array<i32>} : memref<128xf32, #tpu.memory_space<vmem>>, vector<16xf32>,
      %swap3A_1555 = arith.constant 0 : i32
      %swap3A_1556 = tpu.memref_slice %arg7[%add3A_1519, %swap3A_1555] : memref<400x128xf32, #tpu.memory_space<vmem>> -> memref<1x128xf32, #tpu.memory_space<vmem>>
      %swap3A_1557 = tpu.memref_squeeze %swap3A_1556 : memref<1x128xf32, #tpu.memory_space<vmem>> -> memref<128xf32, #tpu.memory_space<vmem>>
      %swap3A_1558 = arith.constant 80 : index
      %swap3A_1559 = tpu.vector_load %swap3A_1557[%swap3A_1558] {strides = array<i32>} : memref<128xf32, #tpu.memory_space<vmem>>, vector<16xf32>,
      %swap3A_1560 = vector.shape_cast %swap3A_1559 : vector<16xf32> to vector<16xf32>
      %swap3A_1561 = vector.shape_cast %gather3A_1515 : vector<16xf32> to vector<16xf32>
      tpu.vector_store %swap3A_1557[%swap3A_1558], %swap3A_1561 {strides = array<i32>} : memref<128xf32, #tpu.memory_space<vmem>>, vector<16xf32>,
      %swap3A_1562 = arith.constant 0 : i32
      %swap3A_1563 = tpu.memref_slice %arg7[%add3A_1519, %swap3A_1562] : memref<400x128xf32, #tpu.memory_space<vmem>> -> memref<1x128xf32, #tpu.memory_space<vmem>>
      %swap3A_1564 = tpu.memref_squeeze %swap3A_1563 : memref<1x128xf32, #tpu.memory_space<vmem>> -> memref<128xf32, #tpu.memory_space<vmem>>
      %swap3A_1565 = arith.constant 96 : index
      %swap3A_1566 = tpu.vector_load %swap3A_1564[%swap3A_1565] {strides = array<i32>} : memref<128xf32, #tpu.memory_space<vmem>>, vector<16xf32>,
      %swap3A_1567 = vector.shape_cast %swap3A_1566 : vector<16xf32> to vector<16xf32>
      %swap3A_1568 = vector.shape_cast %gather3A_1515 : vector<16xf32> to vector<16xf32>
      tpu.vector_store %swap3A_1564[%swap3A_1565], %swap3A_1568 {strides = array<i32>} : memref<128xf32, #tpu.memory_space<vmem>>, vector<16xf32>,
      %swap3A_1569 = arith.constant 0 : i32
      %swap3A_1570 = tpu.memref_slice %arg7[%add3A_1519, %swap3A_1569] : memref<400x128xf32, #tpu.memory_space<vmem>> -> memref<1x128xf32, #tpu.memory_space<vmem>>
      %swap3A_1571 = tpu.memref_squeeze %swap3A_1570 : memref<1x128xf32, #tpu.memory_space<vmem>> -> memref<128xf32, #tpu.memory_space<vmem>>
      %swap3A_1572 = arith.constant 112 : index
      %swap3A_1573 = tpu.vector_load %swap3A_1571[%swap3A_1572] {strides = array<i32>} : memref<128xf32, #tpu.memory_space<vmem>>, vector<16xf32>,
      %swap3A_1574 = vector.shape_cast %swap3A_1573 : vector<16xf32> to vector<16xf32>
      %swap3A_1575 = vector.shape_cast %gather3A_1515 : vector<16xf32> to vector<16xf32>
      tpu.vector_store %swap3A_1571[%swap3A_1572], %swap3A_1575 {strides = array<i32>} : memref<128xf32, #tpu.memory_space<vmem>>, vector<16xf32>,
      %broadcast_in_dim3A_1576 = arith.constant 2 : i32
      %broadcast_in_dim3A_1577 = vector.broadcast %broadcast_in_dim3A_1576 : i32 to vector<16xi32>
      %lt3A_1578 = arith.constant 0 : i32
      %lt3A_1579 = vector.broadcast %lt3A_1578 : i32 to vector<16xi32>
      %lt3A_1580 = arith.cmpi slt, %broadcast_in_dim3A_1577, %lt3A_1579 : vector<16xi32>
      %add3A_1581 = arith.constant 16 : i32
      %add3A_1582 = vector.broadcast %add3A_1581 : i32 to vector<16xi32>
      %add3A_1583 = arith.addi %broadcast_in_dim3A_1577, %add3A_1582 : vector<16xi32>
      %select_n3A_1584 = arith.select %lt3A_1580, %add3A_1583, %broadcast_in_dim3A_1577 : vector<16xi1>, vector<16xi32>
      %broadcast_in_dim3A_1585 = vector.shape_cast %select_n3A_1584 : vector<16xi32> to vector<16x1xi32>
      %gather3A_1586 = vector.shape_cast %broadcast_in_dim3A_1585 : vector<16x1xi32> to vector<16xi32>
      %gather3A_1587 = tpu.dynamic_gather %add3A_1436[%gather3A_1586] in [0] : vector<16xf32>, vector<16xi32> -> vector<16xf32>
      %mul3A_1588 = arith.constant 16 : i32
      %mul3A_1589 = arith.muli %scan3A_1428, %mul3A_1588 : i32
      %add3A_1590 = arith.constant 2 : i32
      %add3A_1591 = arith.addi %mul3A_1589, %add3A_1590 : i32
      %swap3A_1592 = arith.constant 0 : i32
      %swap3A_1593 = tpu.memref_slice %arg7[%add3A_1591, %swap3A_1592] : memref<400x128xf32, #tpu.memory_space<vmem>> -> memref<1x128xf32, #tpu.memory_space<vmem>>
      %swap3A_1594 = tpu.memref_squeeze %swap3A_1593 : memref<1x128xf32, #tpu.memory_space<vmem>> -> memref<128xf32, #tpu.memory_space<vmem>>
      %swap3A_1595 = arith.constant 0 : index
      %swap3A_1596 = tpu.vector_load %swap3A_1594[%swap3A_1595] {strides = array<i32>} : memref<128xf32, #tpu.memory_space<vmem>>, vector<16xf32>,
      %swap3A_1597 = vector.shape_cast %swap3A_1596 : vector<16xf32> to vector<16xf32>
      %swap3A_1598 = vector.shape_cast %gather3A_1587 : vector<16xf32> to vector<16xf32>
      tpu.vector_store %swap3A_1594[%swap3A_1595], %swap3A_1598 {strides = array<i32>} : memref<128xf32, #tpu.memory_space<vmem>>, vector<16xf32>,
      %swap3A_1599 = arith.constant 0 : i32
      %swap3A_1600 = tpu.memref_slice %arg7[%add3A_1591, %swap3A_1599] : memref<400x128xf32, #tpu.memory_space<vmem>> -> memref<1x128xf32, #tpu.memory_space<vmem>>
      %swap3A_1601 = tpu.memref_squeeze %swap3A_1600 : memref<1x128xf32, #tpu.memory_space<vmem>> -> memref<128xf32, #tpu.memory_space<vmem>>
      %swap3A_1602 = arith.constant 16 : index
      %swap3A_1603 = tpu.vector_load %swap3A_1601[%swap3A_1602] {strides = array<i32>} : memref<128xf32, #tpu.memory_space<vmem>>, vector<16xf32>,
      %swap3A_1604 = vector.shape_cast %swap3A_1603 : vector<16xf32> to vector<16xf32>
      %swap3A_1605 = vector.shape_cast %gather3A_1587 : vector<16xf32> to vector<16xf32>
      tpu.vector_store %swap3A_1601[%swap3A_1602], %swap3A_1605 {strides = array<i32>} : memref<128xf32, #tpu.memory_space<vmem>>, vector<16xf32>,
      %swap3A_1606 = arith.constant 0 : i32
      %swap3A_1607 = tpu.memref_slice %arg7[%add3A_1591, %swap3A_1606] : memref<400x128xf32, #tpu.memory_space<vmem>> -> memref<1x128xf32, #tpu.memory_space<vmem>>
      %swap3A_1608 = tpu.memref_squeeze %swap3A_1607 : memref<1x128xf32, #tpu.memory_space<vmem>> -> memref<128xf32, #tpu.memory_space<vmem>>
      %swap3A_1609 = arith.constant 32 : index
      %swap3A_1610 = tpu.vector_load %swap3A_1608[%swap3A_1609] {strides = array<i32>} : memref<128xf32, #tpu.memory_space<vmem>>, vector<16xf32>,
      %swap3A_1611 = vector.shape_cast %swap3A_1610 : vector<16xf32> to vector<16xf32>
      %swap3A_1612 = vector.shape_cast %gather3A_1587 : vector<16xf32> to vector<16xf32>
      tpu.vector_store %swap3A_1608[%swap3A_1609], %swap3A_1612 {strides = array<i32>} : memref<128xf32, #tpu.memory_space<vmem>>, vector<16xf32>,
      %swap3A_1613 = arith.constant 0 : i32
      %swap3A_1614 = tpu.memref_slice %arg7[%add3A_1591, %swap3A_1613] : memref<400x128xf32, #tpu.memory_space<vmem>> -> memref<1x128xf32, #tpu.memory_space<vmem>>
      %swap3A_1615 = tpu.memref_squeeze %swap3A_1614 : memref<1x128xf32, #tpu.memory_space<vmem>> -> memref<128xf32, #tpu.memory_space<vmem>>
      %swap3A_1616 = arith.constant 48 : index
      %swap3A_1617 = tpu.vector_load %swap3A_1615[%swap3A_1616] {strides = array<i32>} : memref<128xf32, #tpu.memory_space<vmem>>, vector<16xf32>,
      %swap3A_1618 = vector.shape_cast %swap3A_1617 : vector<16xf32> to vector<16xf32>
      %swap3A_1619 = vector.shape_cast %gather3A_1587 : vector<16xf32> to vector<16xf32>
      tpu.vector_store %swap3A_1615[%swap3A_1616], %swap3A_1619 {strides = array<i32>} : memref<128xf32, #tpu.memory_space<vmem>>, vector<16xf32>,
      %swap3A_1620 = arith.constant 0 : i32
      %swap3A_1621 = tpu.memref_slice %arg7[%add3A_1591, %swap3A_1620] : memref<400x128xf32, #tpu.memory_space<vmem>> -> memref<1x128xf32, #tpu.memory_space<vmem>>
      %swap3A_1622 = tpu.memref_squeeze %swap3A_1621 : memref<1x128xf32, #tpu.memory_space<vmem>> -> memref<128xf32, #tpu.memory_space<vmem>>
      %swap3A_1623 = arith.constant 64 : index
      %swap3A_1624 = tpu.vector_load %swap3A_1622[%swap3A_1623] {strides = array<i32>} : memref<128xf32, #tpu.memory_space<vmem>>, vector<16xf32>,
      %swap3A_1625 = vector.shape_cast %swap3A_1624 : vector<16xf32> to vector<16xf32>
      %swap3A_1626 = vector.shape_cast %gather3A_1587 : vector<16xf32> to vector<16xf32>
      tpu.vector_store %swap3A_1622[%swap3A_1623], %swap3A_1626 {strides = array<i32>} : memref<128xf32, #tpu.memory_space<vmem>>, vector<16xf32>,
      %swap3A_1627 = arith.constant 0 : i32
      %swap3A_1628 = tpu.memref_slice %arg7[%add3A_1591, %swap3A_1627] : memref<400x128xf32, #tpu.memory_space<vmem>> -> memref<1x128xf32, #tpu.memory_space<vmem>>
      %swap3A_1629 = tpu.memref_squeeze %swap3A_1628 : memref<1x128xf32, #tpu.memory_space<vmem>> -> memref<128xf32, #tpu.memory_space<vmem>>
      %swap3A_1630 = arith.constant 80 : index
      %swap3A_1631 = tpu.vector_load %swap3A_1629[%swap3A_1630] {strides = array<i32>} : memref<128xf32, #tpu.memory_space<vmem>>, vector<16xf32>,
      %swap3A_1632 = vector.shape_cast %swap3A_1631 : vector<16xf32> to vector<16xf32>
      %swap3A_1633 = vector.shape_cast %gather3A_1587 : vector<16xf32> to vector<16xf32>
      tpu.vector_store %swap3A_1629[%swap3A_1630], %swap3A_1633 {strides = array<i32>} : memref<128xf32, #tpu.memory_space<vmem>>, vector<16xf32>,
      %swap3A_1634 = arith.constant 0 : i32
      %swap3A_1635 = tpu.memref_slice %arg7[%add3A_1591, %swap3A_1634] : memref<400x128xf32, #tpu.memory_space<vmem>> -> memref<1x128xf32, #tpu.memory_space<vmem>>
      %swap3A_1636 = tpu.memref_squeeze %swap3A_1635 : memref<1x128xf32, #tpu.memory_space<vmem>> -> memref<128xf32, #tpu.memory_space<vmem>>
      %swap3A_1637 = arith.constant 96 : index
      %swap3A_1638 = tpu.vector_load %swap3A_1636[%swap3A_1637] {strides = array<i32>} : memref<128xf32, #tpu.memory_space<vmem>>, vector<16xf32>,
      %swap3A_1639 = vector.shape_cast %swap3A_1638 : vector<16xf32> to vector<16xf32>
      %swap3A_1640 = vector.shape_cast %gather3A_1587 : vector<16xf32> to vector<16xf32>
      tpu.vector_store %swap3A_1636[%swap3A_1637], %swap3A_1640 {strides = array<i32>} : memref<128xf32, #tpu.memory_space<vmem>>, vector<16xf32>,
      %swap3A_1641 = arith.constant 0 : i32
      %swap3A_1642 = tpu.memref_slice %arg7[%add3A_1591, %swap3A_1641] : memref<400x128xf32, #tpu.memory_space<vmem>> -> memref<1x128xf32, #tpu.memory_space<vmem>>
      %swap3A_1643 = tpu.memref_squeeze %swap3A_1642 : memref<1x128xf32, #tpu.memory_space<vmem>> -> memref<128xf32, #tpu.memory_space<vmem>>
      %swap3A_1644 = arith.constant 112 : index
      %swap3A_1645 = tpu.vector_load %swap3A_1643[%swap3A_1644] {strides = array<i32>} : memref<128xf32, #tpu.memory_space<vmem>>, vector<16xf32>,
      %swap3A_1646 = vector.shape_cast %swap3A_1645 : vector<16xf32> to vector<16xf32>
      %swap3A_1647 = vector.shape_cast %gather3A_1587 : vector<16xf32> to vector<16xf32>
      tpu.vector_store %swap3A_1643[%swap3A_1644], %swap3A_1647 {strides = array<i32>} : memref<128xf32, #tpu.memory_space<vmem>>, vector<16xf32>,
      %broadcast_in_dim3A_1648 = arith.constant 3 : i32
      %broadcast_in_dim3A_1649 = vector.broadcast %broadcast_in_dim3A_1648 : i32 to vector<16xi32>
      %lt3A_1650 = arith.constant 0 : i32
      %lt3A_1651 = vector.broadcast %lt3A_1650 : i32 to vector<16xi32>
      %lt3A_1652 = arith.cmpi slt, %broadcast_in_dim3A_1649, %lt3A_1651 : vector<16xi32>
      %add3A_1653 = arith.constant 16 : i32
      %add3A_1654 = vector.broadcast %add3A_1653 : i32 to vector<16xi32>
      %add3A_1655 = arith.addi %broadcast_in_dim3A_1649, %add3A_1654 : vector<16xi32>
      %select_n3A_1656 = arith.select %lt3A_1652, %add3A_1655, %broadcast_in_dim3A_1649 : vector<16xi1>, vector<16xi32>
      %broadcast_in_dim3A_1657 = vector.shape_cast %select_n3A_1656 : vector<16xi32> to vector<16x1xi32>
      %gather3A_1658 = vector.shape_cast %broadcast_in_dim3A_1657 : vector<16x1xi32> to vector<16xi32>
      %gather3A_1659 = tpu.dynamic_gather %add3A_1436[%gather3A_1658] in [0] : vector<16xf32>, vector<16xi32> -> vector<16xf32>
      %mul3A_1660 = arith.constant 16 : i32
      %mul3A_1661 = arith.muli %scan3A_1428, %mul3A_1660 : i32
      %add3A_1662 = arith.constant 3 : i32
      %add3A_1663 = arith.addi %mul3A_1661, %add3A_1662 : i32
      %swap3A_1664 = arith.constant 0 : i32
      %swap3A_1665 = tpu.memref_slice %arg7[%add3A_1663, %swap3A_1664] : memref<400x128xf32, #tpu.memory_space<vmem>> -> memref<1x128xf32, #tpu.memory_space<vmem>>
      %swap3A_1666 = tpu.memref_squeeze %swap3A_1665 : memref<1x128xf32, #tpu.memory_space<vmem>> -> memref<128xf32, #tpu.memory_space<vmem>>
      %swap3A_1667 = arith.constant 0 : index
      %swap3A_1668 = tpu.vector_load %swap3A_1666[%swap3A_1667] {strides = array<i32>} : memref<128xf32, #tpu.memory_space<vmem>>, vector<16xf32>,
      %swap3A_1669 = vector.shape_cast %swap3A_1668 : vector<16xf32> to vector<16xf32>
      %swap3A_1670 = vector.shape_cast %gather3A_1659 : vector<16xf32> to vector<16xf32>
      tpu.vector_store %swap3A_1666[%swap3A_1667], %swap3A_1670 {strides = array<i32>} : memref<128xf32, #tpu.memory_space<vmem>>, vector<16xf32>,
      %swap3A_1671 = arith.constant 0 : i32
      %swap3A_1672 = tpu.memref_slice %arg7[%add3A_1663, %swap3A_1671] : memref<400x128xf32, #tpu.memory_space<vmem>> -> memref<1x128xf32, #tpu.memory_space<vmem>>
      %swap3A_1673 = tpu.memref_squeeze %swap3A_1672 : memref<1x128xf32, #tpu.memory_space<vmem>> -> memref<128xf32, #tpu.memory_space<vmem>>
      %swap3A_1674 = arith.constant 16 : index
      %swap3A_1675 = tpu.vector_load %swap3A_1673[%swap3A_1674] {strides = array<i32>} : memref<128xf32, #tpu.memory_space<vmem>>, vector<16xf32>,
      %swap3A_1676 = vector.shape_cast %swap3A_1675 : vector<16xf32> to vector<16xf32>
      %swap3A_1677 = vector.shape_cast %gather3A_1659 : vector<16xf32> to vector<16xf32>
      tpu.vector_store %swap3A_1673[%swap3A_1674], %swap3A_1677 {strides = array<i32>} : memref<128xf32, #tpu.memory_space<vmem>>, vector<16xf32>,
      %swap3A_1678 = arith.constant 0 : i32
      %swap3A_1679 = tpu.memref_slice %arg7[%add3A_1663, %swap3A_1678] : memref<400x128xf32, #tpu.memory_space<vmem>> -> memref<1x128xf32, #tpu.memory_space<vmem>>
      %swap3A_1680 = tpu.memref_squeeze %swap3A_1679 : memref<1x128xf32, #tpu.memory_space<vmem>> -> memref<128xf32, #tpu.memory_space<vmem>>
      %swap3A_1681 = arith.constant 32 : index
      %swap3A_1682 = tpu.vector_load %swap3A_1680[%swap3A_1681] {strides = array<i32>} : memref<128xf32, #tpu.memory_space<vmem>>, vector<16xf32>,
      %swap3A_1683 = vector.shape_cast %swap3A_1682 : vector<16xf32> to vector<16xf32>
      %swap3A_1684 = vector.shape_cast %gather3A_1659 : vector<16xf32> to vector<16xf32>
      tpu.vector_store %swap3A_1680[%swap3A_1681], %swap3A_1684 {strides = array<i32>} : memref<128xf32, #tpu.memory_space<vmem>>, vector<16xf32>,
      %swap3A_1685 = arith.constant 0 : i32
      %swap3A_1686 = tpu.memref_slice %arg7[%add3A_1663, %swap3A_1685] : memref<400x128xf32, #tpu.memory_space<vmem>> -> memref<1x128xf32, #tpu.memory_space<vmem>>
      %swap3A_1687 = tpu.memref_squeeze %swap3A_1686 : memref<1x128xf32, #tpu.memory_space<vmem>> -> memref<128xf32, #tpu.memory_space<vmem>>
      %swap3A_1688 = arith.constant 48 : index
      %swap3A_1689 = tpu.vector_load %swap3A_1687[%swap3A_1688] {strides = array<i32>} : memref<128xf32, #tpu.memory_space<vmem>>, vector<16xf32>,
      %swap3A_1690 = vector.shape_cast %swap3A_1689 : vector<16xf32> to vector<16xf32>
      %swap3A_1691 = vector.shape_cast %gather3A_1659 : vector<16xf32> to vector<16xf32>
      tpu.vector_store %swap3A_1687[%swap3A_1688], %swap3A_1691 {strides = array<i32>} : memref<128xf32, #tpu.memory_space<vmem>>, vector<16xf32>,
      %swap3A_1692 = arith.constant 0 : i32
      %swap3A_1693 = tpu.memref_slice %arg7[%add3A_1663, %swap3A_1692] : memref<400x128xf32, #tpu.memory_space<vmem>> -> memref<1x128xf32, #tpu.memory_space<vmem>>
      %swap3A_1694 = tpu.memref_squeeze %swap3A_1693 : memref<1x128xf32, #tpu.memory_space<vmem>> -> memref<128xf32, #tpu.memory_space<vmem>>
      %swap3A_1695 = arith.constant 64 : index
      %swap3A_1696 = tpu.vector_load %swap3A_1694[%swap3A_1695] {strides = array<i32>} : memref<128xf32, #tpu.memory_space<vmem>>, vector<16xf32>,
      %swap3A_1697 = vector.shape_cast %swap3A_1696 : vector<16xf32> to vector<16xf32>
      %swap3A_1698 = vector.shape_cast %gather3A_1659 : vector<16xf32> to vector<16xf32>
      tpu.vector_store %swap3A_1694[%swap3A_1695], %swap3A_1698 {strides = array<i32>} : memref<128xf32, #tpu.memory_space<vmem>>, vector<16xf32>,
      %swap3A_1699 = arith.constant 0 : i32
      %swap3A_1700 = tpu.memref_slice %arg7[%add3A_1663, %swap3A_1699] : memref<400x128xf32, #tpu.memory_space<vmem>> -> memref<1x128xf32, #tpu.memory_space<vmem>>
      %swap3A_1701 = tpu.memref_squeeze %swap3A_1700 : memref<1x128xf32, #tpu.memory_space<vmem>> -> memref<128xf32, #tpu.memory_space<vmem>>
      %swap3A_1702 = arith.constant 80 : index
      %swap3A_1703 = tpu.vector_load %swap3A_1701[%swap3A_1702] {strides = array<i32>} : memref<128xf32, #tpu.memory_space<vmem>>, vector<16xf32>,
      %swap3A_1704 = vector.shape_cast %swap3A_1703 : vector<16xf32> to vector<16xf32>
      %swap3A_1705 = vector.shape_cast %gather3A_1659 : vector<16xf32> to vector<16xf32>
      tpu.vector_store %swap3A_1701[%swap3A_1702], %swap3A_1705 {strides = array<i32>} : memref<128xf32, #tpu.memory_space<vmem>>, vector<16xf32>,
      %swap3A_1706 = arith.constant 0 : i32
      %swap3A_1707 = tpu.memref_slice %arg7[%add3A_1663, %swap3A_1706] : memref<400x128xf32, #tpu.memory_space<vmem>> -> memref<1x128xf32, #tpu.memory_space<vmem>>
      %swap3A_1708 = tpu.memref_squeeze %swap3A_1707 : memref<1x128xf32, #tpu.memory_space<vmem>> -> memref<128xf32, #tpu.memory_space<vmem>>
      %swap3A_1709 = arith.constant 96 : index
      %swap3A_1710 = tpu.vector_load %swap3A_1708[%swap3A_1709] {strides = array<i32>} : memref<128xf32, #tpu.memory_space<vmem>>, vector<16xf32>,
      %swap3A_1711 = vector.shape_cast %swap3A_1710 : vector<16xf32> to vector<16xf32>
      %swap3A_1712 = vector.shape_cast %gather3A_1659 : vector<16xf32> to vector<16xf32>
      tpu.vector_store %swap3A_1708[%swap3A_1709], %swap3A_1712 {strides = array<i32>} : memref<128xf32, #tpu.memory_space<vmem>>, vector<16xf32>,
      %swap3A_1713 = arith.constant 0 : i32
      %swap3A_1714 = tpu.memref_slice %arg7[%add3A_1663, %swap3A_1713] : memref<400x128xf32, #tpu.memory_space<vmem>> -> memref<1x128xf32, #tpu.memory_space<vmem>>
      %swap3A_1715 = tpu.memref_squeeze %swap3A_1714 : memref<1x128xf32, #tpu.memory_space<vmem>> -> memref<128xf32, #tpu.memory_space<vmem>>
      %swap3A_1716 = arith.constant 112 : index
      %swap3A_1717 = tpu.vector_load %swap3A_1715[%swap3A_1716] {strides = array<i32>} : memref<128xf32, #tpu.memory_space<vmem>>, vector<16xf32>,
      %swap3A_1718 = vector.shape_cast %swap3A_1717 : vector<16xf32> to vector<16xf32>
      %swap3A_1719 = vector.shape_cast %gather3A_1659 : vector<16xf32> to vector<16xf32>
      tpu.vector_store %swap3A_1715[%swap3A_1716], %swap3A_1719 {strides = array<i32>} : memref<128xf32, #tpu.memory_space<vmem>>, vector<16xf32>,
      %broadcast_in_dim3A_1720 = arith.constant 4 : i32
      %broadcast_in_dim3A_1721 = vector.broadcast %broadcast_in_dim3A_1720 : i32 to vector<16xi32>
      %lt3A_1722 = arith.constant 0 : i32
      %lt3A_1723 = vector.broadcast %lt3A_1722 : i32 to vector<16xi32>
      %lt3A_1724 = arith.cmpi slt, %broadcast_in_dim3A_1721, %lt3A_1723 : vector<16xi32>
      %add3A_1725 = arith.constant 16 : i32
      %add3A_1726 = vector.broadcast %add3A_1725 : i32 to vector<16xi32>
      %add3A_1727 = arith.addi %broadcast_in_dim3A_1721, %add3A_1726 : vector<16xi32>
      %select_n3A_1728 = arith.select %lt3A_1724, %add3A_1727, %broadcast_in_dim3A_1721 : vector<16xi1>, vector<16xi32>
      %broadcast_in_dim3A_1729 = vector.shape_cast %select_n3A_1728 : vector<16xi32> to vector<16x1xi32>
      %gather3A_1730 = vector.shape_cast %broadcast_in_dim3A_1729 : vector<16x1xi32> to vector<16xi32>
      %gather3A_1731 = tpu.dynamic_gather %add3A_1436[%gather3A_1730] in [0] : vector<16xf32>, vector<16xi32> -> vector<16xf32>
      %mul3A_1732 = arith.constant 16 : i32
      %mul3A_1733 = arith.muli %scan3A_1428, %mul3A_1732 : i32
      %add3A_1734 = arith.constant 4 : i32
      %add3A_1735 = arith.addi %mul3A_1733, %add3A_1734 : i32
      %swap3A_1736 = arith.constant 0 : i32
      %swap3A_1737 = tpu.memref_slice %arg7[%add3A_1735, %swap3A_1736] : memref<400x128xf32, #tpu.memory_space<vmem>> -> memref<1x128xf32, #tpu.memory_space<vmem>>
      %swap3A_1738 = tpu.memref_squeeze %swap3A_1737 : memref<1x128xf32, #tpu.memory_space<vmem>> -> memref<128xf32, #tpu.memory_space<vmem>>
      %swap3A_1739 = arith.constant 0 : index
      %swap3A_1740 = tpu.vector_load %swap3A_1738[%swap3A_1739] {strides = array<i32>} : memref<128xf32, #tpu.memory_space<vmem>>, vector<16xf32>,
      %swap3A_1741 = vector.shape_cast %swap3A_1740 : vector<16xf32> to vector<16xf32>
      %swap3A_1742 = vector.shape_cast %gather3A_1731 : vector<16xf32> to vector<16xf32>
      tpu.vector_store %swap3A_1738[%swap3A_1739], %swap3A_1742 {strides = array<i32>} : memref<128xf32, #tpu.memory_space<vmem>>, vector<16xf32>,
      %swap3A_1743 = arith.constant 0 : i32
      %swap3A_1744 = tpu.memref_slice %arg7[%add3A_1735, %swap3A_1743] : memref<400x128xf32, #tpu.memory_space<vmem>> -> memref<1x128xf32, #tpu.memory_space<vmem>>
      %swap3A_1745 = tpu.memref_squeeze %swap3A_1744 : memref<1x128xf32, #tpu.memory_space<vmem>> -> memref<128xf32, #tpu.memory_space<vmem>>
      %swap3A_1746 = arith.constant 16 : index
      %swap3A_1747 = tpu.vector_load %swap3A_1745[%swap3A_1746] {strides = array<i32>} : memref<128xf32, #tpu.memory_space<vmem>>, vector<16xf32>,
      %swap3A_1748 = vector.shape_cast %swap3A_1747 : vector<16xf32> to vector<16xf32>
      %swap3A_1749 = vector.shape_cast %gather3A_1731 : vector<16xf32> to vector<16xf32>
      tpu.vector_store %swap3A_1745[%swap3A_1746], %swap3A_1749 {strides = array<i32>} : memref<128xf32, #tpu.memory_space<vmem>>, vector<16xf32>,
      %swap3A_1750 = arith.constant 0 : i32
      %swap3A_1751 = tpu.memref_slice %arg7[%add3A_1735, %swap3A_1750] : memref<400x128xf32, #tpu.memory_space<vmem>> -> memref<1x128xf32, #tpu.memory_space<vmem>>
      %swap3A_1752 = tpu.memref_squeeze %swap3A_1751 : memref<1x128xf32, #tpu.memory_space<vmem>> -> memref<128xf32, #tpu.memory_space<vmem>>
      %swap3A_1753 = arith.constant 32 : index
      %swap3A_1754 = tpu.vector_load %swap3A_1752[%swap3A_1753] {strides = array<i32>} : memref<128xf32, #tpu.memory_space<vmem>>, vector<16xf32>,
      %swap3A_1755 = vector.shape_cast %swap3A_1754 : vector<16xf32> to vector<16xf32>
      %swap3A_1756 = vector.shape_cast %gather3A_1731 : vector<16xf32> to vector<16xf32>
      tpu.vector_store %swap3A_1752[%swap3A_1753], %swap3A_1756 {strides = array<i32>} : memref<128xf32, #tpu.memory_space<vmem>>, vector<16xf32>,
      %swap3A_1757 = arith.constant 0 : i32
      %swap3A_1758 = tpu.memref_slice %arg7[%add3A_1735, %swap3A_1757] : memref<400x128xf32, #tpu.memory_space<vmem>> -> memref<1x128xf32, #tpu.memory_space<vmem>>
      %swap3A_1759 = tpu.memref_squeeze %swap3A_1758 : memref<1x128xf32, #tpu.memory_space<vmem>> -> memref<128xf32, #tpu.memory_space<vmem>>
      %swap3A_1760 = arith.constant 48 : index
      %swap3A_1761 = tpu.vector_load %swap3A_1759[%swap3A_1760] {strides = array<i32>} : memref<128xf32, #tpu.memory_space<vmem>>, vector<16xf32>,
      %swap3A_1762 = vector.shape_cast %swap3A_1761 : vector<16xf32> to vector<16xf32>
      %swap3A_1763 = vector.shape_cast %gather3A_1731 : vector<16xf32> to vector<16xf32>
      tpu.vector_store %swap3A_1759[%swap3A_1760], %swap3A_1763 {strides = array<i32>} : memref<128xf32, #tpu.memory_space<vmem>>, vector<16xf32>,
      %swap3A_1764 = arith.constant 0 : i32
      %swap3A_1765 = tpu.memref_slice %arg7[%add3A_1735, %swap3A_1764] : memref<400x128xf32, #tpu.memory_space<vmem>> -> memref<1x128xf32, #tpu.memory_space<vmem>>
      %swap3A_1766 = tpu.memref_squeeze %swap3A_1765 : memref<1x128xf32, #tpu.memory_space<vmem>> -> memref<128xf32, #tpu.memory_space<vmem>>
      %swap3A_1767 = arith.constant 64 : index
      %swap3A_1768 = tpu.vector_load %swap3A_1766[%swap3A_1767] {strides = array<i32>} : memref<128xf32, #tpu.memory_space<vmem>>, vector<16xf32>,
      %swap3A_1769 = vector.shape_cast %swap3A_1768 : vector<16xf32> to vector<16xf32>
      %swap3A_1770 = vector.shape_cast %gather3A_1731 : vector<16xf32> to vector<16xf32>
      tpu.vector_store %swap3A_1766[%swap3A_1767], %swap3A_1770 {strides = array<i32>} : memref<128xf32, #tpu.memory_space<vmem>>, vector<16xf32>,
      %swap3A_1771 = arith.constant 0 : i32
      %swap3A_1772 = tpu.memref_slice %arg7[%add3A_1735, %swap3A_1771] : memref<400x128xf32, #tpu.memory_space<vmem>> -> memref<1x128xf32, #tpu.memory_space<vmem>>
      %swap3A_1773 = tpu.memref_squeeze %swap3A_1772 : memref<1x128xf32, #tpu.memory_space<vmem>> -> memref<128xf32, #tpu.memory_space<vmem>>
      %swap3A_1774 = arith.constant 80 : index
      %swap3A_1775 = tpu.vector_load %swap3A_1773[%swap3A_1774] {strides = array<i32>} : memref<128xf32, #tpu.memory_space<vmem>>, vector<16xf32>,
      %swap3A_1776 = vector.shape_cast %swap3A_1775 : vector<16xf32> to vector<16xf32>
      %swap3A_1777 = vector.shape_cast %gather3A_1731 : vector<16xf32> to vector<16xf32>
      tpu.vector_store %swap3A_1773[%swap3A_1774], %swap3A_1777 {strides = array<i32>} : memref<128xf32, #tpu.memory_space<vmem>>, vector<16xf32>,
      %swap3A_1778 = arith.constant 0 : i32
      %swap3A_1779 = tpu.memref_slice %arg7[%add3A_1735, %swap3A_1778] : memref<400x128xf32, #tpu.memory_space<vmem>> -> memref<1x128xf32, #tpu.memory_space<vmem>>
      %swap3A_1780 = tpu.memref_squeeze %swap3A_1779 : memref<1x128xf32, #tpu.memory_space<vmem>> -> memref<128xf32, #tpu.memory_space<vmem>>
      %swap3A_1781 = arith.constant 96 : index
      %swap3A_1782 = tpu.vector_load %swap3A_1780[%swap3A_1781] {strides = array<i32>} : memref<128xf32, #tpu.memory_space<vmem>>, vector<16xf32>,
      %swap3A_1783 = vector.shape_cast %swap3A_1782 : vector<16xf32> to vector<16xf32>
      %swap3A_1784 = vector.shape_cast %gather3A_1731 : vector<16xf32> to vector<16xf32>
      tpu.vector_store %swap3A_1780[%swap3A_1781], %swap3A_1784 {strides = array<i32>} : memref<128xf32, #tpu.memory_space<vmem>>, vector<16xf32>,
      %swap3A_1785 = arith.constant 0 : i32
      %swap3A_1786 = tpu.memref_slice %arg7[%add3A_1735, %swap3A_1785] : memref<400x128xf32, #tpu.memory_space<vmem>> -> memref<1x128xf32, #tpu.memory_space<vmem>>
      %swap3A_1787 = tpu.memref_squeeze %swap3A_1786 : memref<1x128xf32, #tpu.memory_space<vmem>> -> memref<128xf32, #tpu.memory_space<vmem>>
      %swap3A_1788 = arith.constant 112 : index
      %swap3A_1789 = tpu.vector_load %swap3A_1787[%swap3A_1788] {strides = array<i32>} : memref<128xf32, #tpu.memory_space<vmem>>, vector<16xf32>,
      %swap3A_1790 = vector.shape_cast %swap3A_1789 : vector<16xf32> to vector<16xf32>
      %swap3A_1791 = vector.shape_cast %gather3A_1731 : vector<16xf32> to vector<16xf32>
      tpu.vector_store %swap3A_1787[%swap3A_1788], %swap3A_1791 {strides = array<i32>} : memref<128xf32, #tpu.memory_space<vmem>>, vector<16xf32>,
      %broadcast_in_dim3A_1792 = arith.constant 5 : i32
      %broadcast_in_dim3A_1793 = vector.broadcast %broadcast_in_dim3A_1792 : i32 to vector<16xi32>
      %lt3A_1794 = arith.constant 0 : i32
      %lt3A_1795 = vector.broadcast %lt3A_1794 : i32 to vector<16xi32>
      %lt3A_1796 = arith.cmpi slt, %broadcast_in_dim3A_1793, %lt3A_1795 : vector<16xi32>
      %add3A_1797 = arith.constant 16 : i32
      %add3A_1798 = vector.broadcast %add3A_1797 : i32 to vector<16xi32>
      %add3A_1799 = arith.addi %broadcast_in_dim3A_1793, %add3A_1798 : vector<16xi32>
      %select_n3A_1800 = arith.select %lt3A_1796, %add3A_1799, %broadcast_in_dim3A_1793 : vector<16xi1>, vector<16xi32>
      %broadcast_in_dim3A_1801 = vector.shape_cast %select_n3A_1800 : vector<16xi32> to vector<16x1xi32>
      %gather3A_1802 = vector.shape_cast %broadcast_in_dim3A_1801 : vector<16x1xi32> to vector<16xi32>
      %gather3A_1803 = tpu.dynamic_gather %add3A_1436[%gather3A_1802] in [0] : vector<16xf32>, vector<16xi32> -> vector<16xf32>
      %mul3A_1804 = arith.constant 16 : i32
      %mul3A_1805 = arith.muli %scan3A_1428, %mul3A_1804 : i32
      %add3A_1806 = arith.constant 5 : i32
      %add3A_1807 = arith.addi %mul3A_1805, %add3A_1806 : i32
      %swap3A_1808 = arith.constant 0 : i32
      %swap3A_1809 = tpu.memref_slice %arg7[%add3A_1807, %swap3A_1808] : memref<400x128xf32, #tpu.memory_space<vmem>> -> memref<1x128xf32, #tpu.memory_space<vmem>>
      %swap3A_1810 = tpu.memref_squeeze %swap3A_1809 : memref<1x128xf32, #tpu.memory_space<vmem>> -> memref<128xf32, #tpu.memory_space<vmem>>
      %swap3A_1811 = arith.constant 0 : index
      %swap3A_1812 = tpu.vector_load %swap3A_1810[%swap3A_1811] {strides = array<i32>} : memref<128xf32, #tpu.memory_space<vmem>>, vector<16xf32>,
      %swap3A_1813 = vector.shape_cast %swap3A_1812 : vector<16xf32> to vector<16xf32>
      %swap3A_1814 = vector.shape_cast %gather3A_1803 : vector<16xf32> to vector<16xf32>
      tpu.vector_store %swap3A_1810[%swap3A_1811], %swap3A_1814 {strides = array<i32>} : memref<128xf32, #tpu.memory_space<vmem>>, vector<16xf32>,
      %swap3A_1815 = arith.constant 0 : i32
      %swap3A_1816 = tpu.memref_slice %arg7[%add3A_1807, %swap3A_1815] : memref<400x128xf32, #tpu.memory_space<vmem>> -> memref<1x128xf32, #tpu.memory_space<vmem>>
      %swap3A_1817 = tpu.memref_squeeze %swap3A_1816 : memref<1x128xf32, #tpu.memory_space<vmem>> -> memref<128xf32, #tpu.memory_space<vmem>>
      %swap3A_1818 = arith.constant 16 : index
      %swap3A_1819 = tpu.vector_load %swap3A_1817[%swap3A_1818] {strides = array<i32>} : memref<128xf32, #tpu.memory_space<vmem>>, vector<16xf32>,
      %swap3A_1820 = vector.shape_cast %swap3A_1819 : vector<16xf32> to vector<16xf32>
      %swap3A_1821 = vector.shape_cast %gather3A_1803 : vector<16xf32> to vector<16xf32>
      tpu.vector_store %swap3A_1817[%swap3A_1818], %swap3A_1821 {strides = array<i32>} : memref<128xf32, #tpu.memory_space<vmem>>, vector<16xf32>,
      %swap3A_1822 = arith.constant 0 : i32
      %swap3A_1823 = tpu.memref_slice %arg7[%add3A_1807, %swap3A_1822] : memref<400x128xf32, #tpu.memory_space<vmem>> -> memref<1x128xf32, #tpu.memory_space<vmem>>
      %swap3A_1824 = tpu.memref_squeeze %swap3A_1823 : memref<1x128xf32, #tpu.memory_space<vmem>> -> memref<128xf32, #tpu.memory_space<vmem>>
      %swap3A_1825 = arith.constant 32 : index
      %swap3A_1826 = tpu.vector_load %swap3A_1824[%swap3A_1825] {strides = array<i32>} : memref<128xf32, #tpu.memory_space<vmem>>, vector<16xf32>,
      %swap3A_1827 = vector.shape_cast %swap3A_1826 : vector<16xf32> to vector<16xf32>
      %swap3A_1828 = vector.shape_cast %gather3A_1803 : vector<16xf32> to vector<16xf32>
      tpu.vector_store %swap3A_1824[%swap3A_1825], %swap3A_1828 {strides = array<i32>} : memref<128xf32, #tpu.memory_space<vmem>>, vector<16xf32>,
      %swap3A_1829 = arith.constant 0 : i32
      %swap3A_1830 = tpu.memref_slice %arg7[%add3A_1807, %swap3A_1829] : memref<400x128xf32, #tpu.memory_space<vmem>> -> memref<1x128xf32, #tpu.memory_space<vmem>>
      %swap3A_1831 = tpu.memref_squeeze %swap3A_1830 : memref<1x128xf32, #tpu.memory_space<vmem>> -> memref<128xf32, #tpu.memory_space<vmem>>
      %swap3A_1832 = arith.constant 48 : index
      %swap3A_1833 = tpu.vector_load %swap3A_1831[%swap3A_1832] {strides = array<i32>} : memref<128xf32, #tpu.memory_space<vmem>>, vector<16xf32>,
      %swap3A_1834 = vector.shape_cast %swap3A_1833 : vector<16xf32> to vector<16xf32>
      %swap3A_1835 = vector.shape_cast %gather3A_1803 : vector<16xf32> to vector<16xf32>
      tpu.vector_store %swap3A_1831[%swap3A_1832], %swap3A_1835 {strides = array<i32>} : memref<128xf32, #tpu.memory_space<vmem>>, vector<16xf32>,
      %swap3A_1836 = arith.constant 0 : i32
      %swap3A_1837 = tpu.memref_slice %arg7[%add3A_1807, %swap3A_1836] : memref<400x128xf32, #tpu.memory_space<vmem>> -> memref<1x128xf32, #tpu.memory_space<vmem>>
      %swap3A_1838 = tpu.memref_squeeze %swap3A_1837 : memref<1x128xf32, #tpu.memory_space<vmem>> -> memref<128xf32, #tpu.memory_space<vmem>>
      %swap3A_1839 = arith.constant 64 : index
      %swap3A_1840 = tpu.vector_load %swap3A_1838[%swap3A_1839] {strides = array<i32>} : memref<128xf32, #tpu.memory_space<vmem>>, vector<16xf32>,
      %swap3A_1841 = vector.shape_cast %swap3A_1840 : vector<16xf32> to vector<16xf32>
      %swap3A_1842 = vector.shape_cast %gather3A_1803 : vector<16xf32> to vector<16xf32>
      tpu.vector_store %swap3A_1838[%swap3A_1839], %swap3A_1842 {strides = array<i32>} : memref<128xf32, #tpu.memory_space<vmem>>, vector<16xf32>,
      %swap3A_1843 = arith.constant 0 : i32
      %swap3A_1844 = tpu.memref_slice %arg7[%add3A_1807, %swap3A_1843] : memref<400x128xf32, #tpu.memory_space<vmem>> -> memref<1x128xf32, #tpu.memory_space<vmem>>
      %swap3A_1845 = tpu.memref_squeeze %swap3A_1844 : memref<1x128xf32, #tpu.memory_space<vmem>> -> memref<128xf32, #tpu.memory_space<vmem>>
      %swap3A_1846 = arith.constant 80 : index
      %swap3A_1847 = tpu.vector_load %swap3A_1845[%swap3A_1846] {strides = array<i32>} : memref<128xf32, #tpu.memory_space<vmem>>, vector<16xf32>,
      %swap3A_1848 = vector.shape_cast %swap3A_1847 : vector<16xf32> to vector<16xf32>
      %swap3A_1849 = vector.shape_cast %gather3A_1803 : vector<16xf32> to vector<16xf32>
      tpu.vector_store %swap3A_1845[%swap3A_1846], %swap3A_1849 {strides = array<i32>} : memref<128xf32, #tpu.memory_space<vmem>>, vector<16xf32>,
      %swap3A_1850 = arith.constant 0 : i32
      %swap3A_1851 = tpu.memref_slice %arg7[%add3A_1807, %swap3A_1850] : memref<400x128xf32, #tpu.memory_space<vmem>> -> memref<1x128xf32, #tpu.memory_space<vmem>>
      %swap3A_1852 = tpu.memref_squeeze %swap3A_1851 : memref<1x128xf32, #tpu.memory_space<vmem>> -> memref<128xf32, #tpu.memory_space<vmem>>
      %swap3A_1853 = arith.constant 96 : index
      %swap3A_1854 = tpu.vector_load %swap3A_1852[%swap3A_1853] {strides = array<i32>} : memref<128xf32, #tpu.memory_space<vmem>>, vector<16xf32>,
      %swap3A_1855 = vector.shape_cast %swap3A_1854 : vector<16xf32> to vector<16xf32>
      %swap3A_1856 = vector.shape_cast %gather3A_1803 : vector<16xf32> to vector<16xf32>
      tpu.vector_store %swap3A_1852[%swap3A_1853], %swap3A_1856 {strides = array<i32>} : memref<128xf32, #tpu.memory_space<vmem>>, vector<16xf32>,
      %swap3A_1857 = arith.constant 0 : i32
      %swap3A_1858 = tpu.memref_slice %arg7[%add3A_1807, %swap3A_1857] : memref<400x128xf32, #tpu.memory_space<vmem>> -> memref<1x128xf32, #tpu.memory_space<vmem>>
      %swap3A_1859 = tpu.memref_squeeze %swap3A_1858 : memref<1x128xf32, #tpu.memory_space<vmem>> -> memref<128xf32, #tpu.memory_space<vmem>>
      %swap3A_1860 = arith.constant 112 : index
      %swap3A_1861 = tpu.vector_load %swap3A_1859[%swap3A_1860] {strides = array<i32>} : memref<128xf32, #tpu.memory_space<vmem>>, vector<16xf32>,
      %swap3A_1862 = vector.shape_cast %swap3A_1861 : vector<16xf32> to vector<16xf32>
      %swap3A_1863 = vector.shape_cast %gather3A_1803 : vector<16xf32> to vector<16xf32>
      tpu.vector_store %swap3A_1859[%swap3A_1860], %swap3A_1863 {strides = array<i32>} : memref<128xf32, #tpu.memory_space<vmem>>, vector<16xf32>,
      %broadcast_in_dim3A_1864 = arith.constant 6 : i32
      %broadcast_in_dim3A_1865 = vector.broadcast %broadcast_in_dim3A_1864 : i32 to vector<16xi32>
      %lt3A_1866 = arith.constant 0 : i32
      %lt3A_1867 = vector.broadcast %lt3A_1866 : i32 to vector<16xi32>
      %lt3A_1868 = arith.cmpi slt, %broadcast_in_dim3A_1865, %lt3A_1867 : vector<16xi32>
      %add3A_1869 = arith.constant 16 : i32
      %add3A_1870 = vector.broadcast %add3A_1869 : i32 to vector<16xi32>
      %add3A_1871 = arith.addi %broadcast_in_dim3A_1865, %add3A_1870 : vector<16xi32>
      %select_n3A_1872 = arith.select %lt3A_1868, %add3A_1871, %broadcast_in_dim3A_1865 : vector<16xi1>, vector<16xi32>
      %broadcast_in_dim3A_1873 = vector.shape_cast %select_n3A_1872 : vector<16xi32> to vector<16x1xi32>
      %gather3A_1874 = vector.shape_cast %broadcast_in_dim3A_1873 : vector<16x1xi32> to vector<16xi32>
      %gather3A_1875 = tpu.dynamic_gather %add3A_1436[%gather3A_1874] in [0] : vector<16xf32>, vector<16xi32> -> vector<16xf32>
      %mul3A_1876 = arith.constant 16 : i32
      %mul3A_1877 = arith.muli %scan3A_1428, %mul3A_1876 : i32
      %add3A_1878 = arith.constant 6 : i32
      %add3A_1879 = arith.addi %mul3A_1877, %add3A_1878 : i32
      %swap3A_1880 = arith.constant 0 : i32
      %swap3A_1881 = tpu.memref_slice %arg7[%add3A_1879, %swap3A_1880] : memref<400x128xf32, #tpu.memory_space<vmem>> -> memref<1x128xf32, #tpu.memory_space<vmem>>
      %swap3A_1882 = tpu.memref_squeeze %swap3A_1881 : memref<1x128xf32, #tpu.memory_space<vmem>> -> memref<128xf32, #tpu.memory_space<vmem>>
      %swap3A_1883 = arith.constant 0 : index
      %swap3A_1884 = tpu.vector_load %swap3A_1882[%swap3A_1883] {strides = array<i32>} : memref<128xf32, #tpu.memory_space<vmem>>, vector<16xf32>,
      %swap3A_1885 = vector.shape_cast %swap3A_1884 : vector<16xf32> to vector<16xf32>
      %swap3A_1886 = vector.shape_cast %gather3A_1875 : vector<16xf32> to vector<16xf32>
      tpu.vector_store %swap3A_1882[%swap3A_1883], %swap3A_1886 {strides = array<i32>} : memref<128xf32, #tpu.memory_space<vmem>>, vector<16xf32>,
      %swap3A_1887 = arith.constant 0 : i32
      %swap3A_1888 = tpu.memref_slice %arg7[%add3A_1879, %swap3A_1887] : memref<400x128xf32, #tpu.memory_space<vmem>> -> memref<1x128xf32, #tpu.memory_space<vmem>>
      %swap3A_1889 = tpu.memref_squeeze %swap3A_1888 : memref<1x128xf32, #tpu.memory_space<vmem>> -> memref<128xf32, #tpu.memory_space<vmem>>
      %swap3A_1890 = arith.constant 16 : index
      %swap3A_1891 = tpu.vector_load %swap3A_1889[%swap3A_1890] {strides = array<i32>} : memref<128xf32, #tpu.memory_space<vmem>>, vector<16xf32>,
      %swap3A_1892 = vector.shape_cast %swap3A_1891 : vector<16xf32> to vector<16xf32>
      %swap3A_1893 = vector.shape_cast %gather3A_1875 : vector<16xf32> to vector<16xf32>
      tpu.vector_store %swap3A_1889[%swap3A_1890], %swap3A_1893 {strides = array<i32>} : memref<128xf32, #tpu.memory_space<vmem>>, vector<16xf32>,
      %swap3A_1894 = arith.constant 0 : i32
      %swap3A_1895 = tpu.memref_slice %arg7[%add3A_1879, %swap3A_1894] : memref<400x128xf32, #tpu.memory_space<vmem>> -> memref<1x128xf32, #tpu.memory_space<vmem>>
      %swap3A_1896 = tpu.memref_squeeze %swap3A_1895 : memref<1x128xf32, #tpu.memory_space<vmem>> -> memref<128xf32, #tpu.memory_space<vmem>>
      %swap3A_1897 = arith.constant 32 : index
      %swap3A_1898 = tpu.vector_load %swap3A_1896[%swap3A_1897] {strides = array<i32>} : memref<128xf32, #tpu.memory_space<vmem>>, vector<16xf32>,
      %swap3A_1899 = vector.shape_cast %swap3A_1898 : vector<16xf32> to vector<16xf32>
      %swap3A_1900 = vector.shape_cast %gather3A_1875 : vector<16xf32> to vector<16xf32>
      tpu.vector_store %swap3A_1896[%swap3A_1897], %swap3A_1900 {strides = array<i32>} : memref<128xf32, #tpu.memory_space<vmem>>, vector<16xf32>,
      %swap3A_1901 = arith.constant 0 : i32
      %swap3A_1902 = tpu.memref_slice %arg7[%add3A_1879, %swap3A_1901] : memref<400x128xf32, #tpu.memory_space<vmem>> -> memref<1x128xf32, #tpu.memory_space<vmem>>
      %swap3A_1903 = tpu.memref_squeeze %swap3A_1902 : memref<1x128xf32, #tpu.memory_space<vmem>> -> memref<128xf32, #tpu.memory_space<vmem>>
      %swap3A_1904 = arith.constant 48 : index
      %swap3A_1905 = tpu.vector_load %swap3A_1903[%swap3A_1904] {strides = array<i32>} : memref<128xf32, #tpu.memory_space<vmem>>, vector<16xf32>,
      %swap3A_1906 = vector.shape_cast %swap3A_1905 : vector<16xf32> to vector<16xf32>
      %swap3A_1907 = vector.shape_cast %gather3A_1875 : vector<16xf32> to vector<16xf32>
      tpu.vector_store %swap3A_1903[%swap3A_1904], %swap3A_1907 {strides = array<i32>} : memref<128xf32, #tpu.memory_space<vmem>>, vector<16xf32>,
      %swap3A_1908 = arith.constant 0 : i32
      %swap3A_1909 = tpu.memref_slice %arg7[%add3A_1879, %swap3A_1908] : memref<400x128xf32, #tpu.memory_space<vmem>> -> memref<1x128xf32, #tpu.memory_space<vmem>>
      %swap3A_1910 = tpu.memref_squeeze %swap3A_1909 : memref<1x128xf32, #tpu.memory_space<vmem>> -> memref<128xf32, #tpu.memory_space<vmem>>
      %swap3A_1911 = arith.constant 64 : index
      %swap3A_1912 = tpu.vector_load %swap3A_1910[%swap3A_1911] {strides = array<i32>} : memref<128xf32, #tpu.memory_space<vmem>>, vector<16xf32>,
      %swap3A_1913 = vector.shape_cast %swap3A_1912 : vector<16xf32> to vector<16xf32>
      %swap3A_1914 = vector.shape_cast %gather3A_1875 : vector<16xf32> to vector<16xf32>
      tpu.vector_store %swap3A_1910[%swap3A_1911], %swap3A_1914 {strides = array<i32>} : memref<128xf32, #tpu.memory_space<vmem>>, vector<16xf32>,
      %swap3A_1915 = arith.constant 0 : i32
      %swap3A_1916 = tpu.memref_slice %arg7[%add3A_1879, %swap3A_1915] : memref<400x128xf32, #tpu.memory_space<vmem>> -> memref<1x128xf32, #tpu.memory_space<vmem>>
      %swap3A_1917 = tpu.memref_squeeze %swap3A_1916 : memref<1x128xf32, #tpu.memory_space<vmem>> -> memref<128xf32, #tpu.memory_space<vmem>>
      %swap3A_1918 = arith.constant 80 : index
      %swap3A_1919 = tpu.vector_load %swap3A_1917[%swap3A_1918] {strides = array<i32>} : memref<128xf32, #tpu.memory_space<vmem>>, vector<16xf32>,
      %swap3A_1920 = vector.shape_cast %swap3A_1919 : vector<16xf32> to vector<16xf32>
      %swap3A_1921 = vector.shape_cast %gather3A_1875 : vector<16xf32> to vector<16xf32>
      tpu.vector_store %swap3A_1917[%swap3A_1918], %swap3A_1921 {strides = array<i32>} : memref<128xf32, #tpu.memory_space<vmem>>, vector<16xf32>,
      %swap3A_1922 = arith.constant 0 : i32
      %swap3A_1923 = tpu.memref_slice %arg7[%add3A_1879, %swap3A_1922] : memref<400x128xf32, #tpu.memory_space<vmem>> -> memref<1x128xf32, #tpu.memory_space<vmem>>
      %swap3A_1924 = tpu.memref_squeeze %swap3A_1923 : memref<1x128xf32, #tpu.memory_space<vmem>> -> memref<128xf32, #tpu.memory_space<vmem>>
      %swap3A_1925 = arith.constant 96 : index
      %swap3A_1926 = tpu.vector_load %swap3A_1924[%swap3A_1925] {strides = array<i32>} : memref<128xf32, #tpu.memory_space<vmem>>, vector<16xf32>,
      %swap3A_1927 = vector.shape_cast %swap3A_1926 : vector<16xf32> to vector<16xf32>
      %swap3A_1928 = vector.shape_cast %gather3A_1875 : vector<16xf32> to vector<16xf32>
      tpu.vector_store %swap3A_1924[%swap3A_1925], %swap3A_1928 {strides = array<i32>} : memref<128xf32, #tpu.memory_space<vmem>>, vector<16xf32>,
      %swap3A_1929 = arith.constant 0 : i32
      %swap3A_1930 = tpu.memref_slice %arg7[%add3A_1879, %swap3A_1929] : memref<400x128xf32, #tpu.memory_space<vmem>> -> memref<1x128xf32, #tpu.memory_space<vmem>>
      %swap3A_1931 = tpu.memref_squeeze %swap3A_1930 : memref<1x128xf32, #tpu.memory_space<vmem>> -> memref<128xf32, #tpu.memory_space<vmem>>
      %swap3A_1932 = arith.constant 112 : index
      %swap3A_1933 = tpu.vector_load %swap3A_1931[%swap3A_1932] {strides = array<i32>} : memref<128xf32, #tpu.memory_space<vmem>>, vector<16xf32>,
      %swap3A_1934 = vector.shape_cast %swap3A_1933 : vector<16xf32> to vector<16xf32>
      %swap3A_1935 = vector.shape_cast %gather3A_1875 : vector<16xf32> to vector<16xf32>
      tpu.vector_store %swap3A_1931[%swap3A_1932], %swap3A_1935 {strides = array<i32>} : memref<128xf32, #tpu.memory_space<vmem>>, vector<16xf32>,
      %broadcast_in_dim3A_1936 = arith.constant 7 : i32
      %broadcast_in_dim3A_1937 = vector.broadcast %broadcast_in_dim3A_1936 : i32 to vector<16xi32>
      %lt3A_1938 = arith.constant 0 : i32
      %lt3A_1939 = vector.broadcast %lt3A_1938 : i32 to vector<16xi32>
      %lt3A_1940 = arith.cmpi slt, %broadcast_in_dim3A_1937, %lt3A_1939 : vector<16xi32>
      %add3A_1941 = arith.constant 16 : i32
      %add3A_1942 = vector.broadcast %add3A_1941 : i32 to vector<16xi32>
      %add3A_1943 = arith.addi %broadcast_in_dim3A_1937, %add3A_1942 : vector<16xi32>
      %select_n3A_1944 = arith.select %lt3A_1940, %add3A_1943, %broadcast_in_dim3A_1937 : vector<16xi1>, vector<16xi32>
      %broadcast_in_dim3A_1945 = vector.shape_cast %select_n3A_1944 : vector<16xi32> to vector<16x1xi32>
      %gather3A_1946 = vector.shape_cast %broadcast_in_dim3A_1945 : vector<16x1xi32> to vector<16xi32>
      %gather3A_1947 = tpu.dynamic_gather %add3A_1436[%gather3A_1946] in [0] : vector<16xf32>, vector<16xi32> -> vector<16xf32>
      %mul3A_1948 = arith.constant 16 : i32
      %mul3A_1949 = arith.muli %scan3A_1428, %mul3A_1948 : i32
      %add3A_1950 = arith.constant 7 : i32
      %add3A_1951 = arith.addi %mul3A_1949, %add3A_1950 : i32
      %swap3A_1952 = arith.constant 0 : i32
      %swap3A_1953 = tpu.memref_slice %arg7[%add3A_1951, %swap3A_1952] : memref<400x128xf32, #tpu.memory_space<vmem>> -> memref<1x128xf32, #tpu.memory_space<vmem>>
      %swap3A_1954 = tpu.memref_squeeze %swap3A_1953 : memref<1x128xf32, #tpu.memory_space<vmem>> -> memref<128xf32, #tpu.memory_space<vmem>>
      %swap3A_1955 = arith.constant 0 : index
      %swap3A_1956 = tpu.vector_load %swap3A_1954[%swap3A_1955] {strides = array<i32>} : memref<128xf32, #tpu.memory_space<vmem>>, vector<16xf32>,
      %swap3A_1957 = vector.shape_cast %swap3A_1956 : vector<16xf32> to vector<16xf32>
      %swap3A_1958 = vector.shape_cast %gather3A_1947 : vector<16xf32> to vector<16xf32>
      tpu.vector_store %swap3A_1954[%swap3A_1955], %swap3A_1958 {strides = array<i32>} : memref<128xf32, #tpu.memory_space<vmem>>, vector<16xf32>,
      %swap3A_1959 = arith.constant 0 : i32
      %swap3A_1960 = tpu.memref_slice %arg7[%add3A_1951, %swap3A_1959] : memref<400x128xf32, #tpu.memory_space<vmem>> -> memref<1x128xf32, #tpu.memory_space<vmem>>
      %swap3A_1961 = tpu.memref_squeeze %swap3A_1960 : memref<1x128xf32, #tpu.memory_space<vmem>> -> memref<128xf32, #tpu.memory_space<vmem>>
      %swap3A_1962 = arith.constant 16 : index
      %swap3A_1963 = tpu.vector_load %swap3A_1961[%swap3A_1962] {strides = array<i32>} : memref<128xf32, #tpu.memory_space<vmem>>, vector<16xf32>,
      %swap3A_1964 = vector.shape_cast %swap3A_1963 : vector<16xf32> to vector<16xf32>
      %swap3A_1965 = vector.shape_cast %gather3A_1947 : vector<16xf32> to vector<16xf32>
      tpu.vector_store %swap3A_1961[%swap3A_1962], %swap3A_1965 {strides = array<i32>} : memref<128xf32, #tpu.memory_space<vmem>>, vector<16xf32>,
      %swap3A_1966 = arith.constant 0 : i32
      %swap3A_1967 = tpu.memref_slice %arg7[%add3A_1951, %swap3A_1966] : memref<400x128xf32, #tpu.memory_space<vmem>> -> memref<1x128xf32, #tpu.memory_space<vmem>>
      %swap3A_1968 = tpu.memref_squeeze %swap3A_1967 : memref<1x128xf32, #tpu.memory_space<vmem>> -> memref<128xf32, #tpu.memory_space<vmem>>
      %swap3A_1969 = arith.constant 32 : index
      %swap3A_1970 = tpu.vector_load %swap3A_1968[%swap3A_1969] {strides = array<i32>} : memref<128xf32, #tpu.memory_space<vmem>>, vector<16xf32>,
      %swap3A_1971 = vector.shape_cast %swap3A_1970 : vector<16xf32> to vector<16xf32>
      %swap3A_1972 = vector.shape_cast %gather3A_1947 : vector<16xf32> to vector<16xf32>
      tpu.vector_store %swap3A_1968[%swap3A_1969], %swap3A_1972 {strides = array<i32>} : memref<128xf32, #tpu.memory_space<vmem>>, vector<16xf32>,
      %swap3A_1973 = arith.constant 0 : i32
      %swap3A_1974 = tpu.memref_slice %arg7[%add3A_1951, %swap3A_1973] : memref<400x128xf32, #tpu.memory_space<vmem>> -> memref<1x128xf32, #tpu.memory_space<vmem>>
      %swap3A_1975 = tpu.memref_squeeze %swap3A_1974 : memref<1x128xf32, #tpu.memory_space<vmem>> -> memref<128xf32, #tpu.memory_space<vmem>>
      %swap3A_1976 = arith.constant 48 : index
      %swap3A_1977 = tpu.vector_load %swap3A_1975[%swap3A_1976] {strides = array<i32>} : memref<128xf32, #tpu.memory_space<vmem>>, vector<16xf32>,
      %swap3A_1978 = vector.shape_cast %swap3A_1977 : vector<16xf32> to vector<16xf32>
      %swap3A_1979 = vector.shape_cast %gather3A_1947 : vector<16xf32> to vector<16xf32>
      tpu.vector_store %swap3A_1975[%swap3A_1976], %swap3A_1979 {strides = array<i32>} : memref<128xf32, #tpu.memory_space<vmem>>, vector<16xf32>,
      %swap3A_1980 = arith.constant 0 : i32
      %swap3A_1981 = tpu.memref_slice %arg7[%add3A_1951, %swap3A_1980] : memref<400x128xf32, #tpu.memory_space<vmem>> -> memref<1x128xf32, #tpu.memory_space<vmem>>
      %swap3A_1982 = tpu.memref_squeeze %swap3A_1981 : memref<1x128xf32, #tpu.memory_space<vmem>> -> memref<128xf32, #tpu.memory_space<vmem>>
      %swap3A_1983 = arith.constant 64 : index
      %swap3A_1984 = tpu.vector_load %swap3A_1982[%swap3A_1983] {strides = array<i32>} : memref<128xf32, #tpu.memory_space<vmem>>, vector<16xf32>,
      %swap3A_1985 = vector.shape_cast %swap3A_1984 : vector<16xf32> to vector<16xf32>
      %swap3A_1986 = vector.shape_cast %gather3A_1947 : vector<16xf32> to vector<16xf32>
      tpu.vector_store %swap3A_1982[%swap3A_1983], %swap3A_1986 {strides = array<i32>} : memref<128xf32, #tpu.memory_space<vmem>>, vector<16xf32>,
      %swap3A_1987 = arith.constant 0 : i32
      %swap3A_1988 = tpu.memref_slice %arg7[%add3A_1951, %swap3A_1987] : memref<400x128xf32, #tpu.memory_space<vmem>> -> memref<1x128xf32, #tpu.memory_space<vmem>>
      %swap3A_1989 = tpu.memref_squeeze %swap3A_1988 : memref<1x128xf32, #tpu.memory_space<vmem>> -> memref<128xf32, #tpu.memory_space<vmem>>
      %swap3A_1990 = arith.constant 80 : index
      %swap3A_1991 = tpu.vector_load %swap3A_1989[%swap3A_1990] {strides = array<i32>} : memref<128xf32, #tpu.memory_space<vmem>>, vector<16xf32>,
      %swap3A_1992 = vector.shape_cast %swap3A_1991 : vector<16xf32> to vector<16xf32>
      %swap3A_1993 = vector.shape_cast %gather3A_1947 : vector<16xf32> to vector<16xf32>
      tpu.vector_store %swap3A_1989[%swap3A_1990], %swap3A_1993 {strides = array<i32>} : memref<128xf32, #tpu.memory_space<vmem>>, vector<16xf32>,
      %swap3A_1994 = arith.constant 0 : i32
      %swap3A_1995 = tpu.memref_slice %arg7[%add3A_1951, %swap3A_1994] : memref<400x128xf32, #tpu.memory_space<vmem>> -> memref<1x128xf32, #tpu.memory_space<vmem>>
      %swap3A_1996 = tpu.memref_squeeze %swap3A_1995 : memref<1x128xf32, #tpu.memory_space<vmem>> -> memref<128xf32, #tpu.memory_space<vmem>>
      %swap3A_1997 = arith.constant 96 : index
      %swap3A_1998 = tpu.vector_load %swap3A_1996[%swap3A_1997] {strides = array<i32>} : memref<128xf32, #tpu.memory_space<vmem>>, vector<16xf32>,
      %swap3A_1999 = vector.shape_cast %swap3A_1998 : vector<16xf32> to vector<16xf32>
      %swap3A_2000 = vector.shape_cast %gather3A_1947 : vector<16xf32> to vector<16xf32>
      tpu.vector_store %swap3A_1996[%swap3A_1997], %swap3A_2000 {strides = array<i32>} : memref<128xf32, #tpu.memory_space<vmem>>, vector<16xf32>,
      %swap3A_2001 = arith.constant 0 : i32
      %swap3A_2002 = tpu.memref_slice %arg7[%add3A_1951, %swap3A_2001] : memref<400x128xf32, #tpu.memory_space<vmem>> -> memref<1x128xf32, #tpu.memory_space<vmem>>
      %swap3A_2003 = tpu.memref_squeeze %swap3A_2002 : memref<1x128xf32, #tpu.memory_space<vmem>> -> memref<128xf32, #tpu.memory_space<vmem>>
      %swap3A_2004 = arith.constant 112 : index
      %swap3A_2005 = tpu.vector_load %swap3A_2003[%swap3A_2004] {strides = array<i32>} : memref<128xf32, #tpu.memory_space<vmem>>, vector<16xf32>,
      %swap3A_2006 = vector.shape_cast %swap3A_2005 : vector<16xf32> to vector<16xf32>
      %swap3A_2007 = vector.shape_cast %gather3A_1947 : vector<16xf32> to vector<16xf32>
      tpu.vector_store %swap3A_2003[%swap3A_2004], %swap3A_2007 {strides = array<i32>} : memref<128xf32, #tpu.memory_space<vmem>>, vector<16xf32>,
      %broadcast_in_dim3A_2008 = arith.constant 8 : i32
      %broadcast_in_dim3A_2009 = vector.broadcast %broadcast_in_dim3A_2008 : i32 to vector<16xi32>
      %lt3A_2010 = arith.constant 0 : i32
      %lt3A_2011 = vector.broadcast %lt3A_2010 : i32 to vector<16xi32>
      %lt3A_2012 = arith.cmpi slt, %broadcast_in_dim3A_2009, %lt3A_2011 : vector<16xi32>
      %add3A_2013 = arith.constant 16 : i32
      %add3A_2014 = vector.broadcast %add3A_2013 : i32 to vector<16xi32>
      %add3A_2015 = arith.addi %broadcast_in_dim3A_2009, %add3A_2014 : vector<16xi32>
      %select_n3A_2016 = arith.select %lt3A_2012, %add3A_2015, %broadcast_in_dim3A_2009 : vector<16xi1>, vector<16xi32>
      %broadcast_in_dim3A_2017 = vector.shape_cast %select_n3A_2016 : vector<16xi32> to vector<16x1xi32>
      %gather3A_2018 = vector.shape_cast %broadcast_in_dim3A_2017 : vector<16x1xi32> to vector<16xi32>
      %gather3A_2019 = tpu.dynamic_gather %add3A_1436[%gather3A_2018] in [0] : vector<16xf32>, vector<16xi32> -> vector<16xf32>
      %mul3A_2020 = arith.constant 16 : i32
      %mul3A_2021 = arith.muli %scan3A_1428, %mul3A_2020 : i32
      %add3A_2022 = arith.constant 8 : i32
      %add3A_2023 = arith.addi %mul3A_2021, %add3A_2022 : i32
      %swap3A_2024 = arith.constant 0 : i32
      %swap3A_2025 = tpu.memref_slice %arg7[%add3A_2023, %swap3A_2024] : memref<400x128xf32, #tpu.memory_space<vmem>> -> memref<1x128xf32, #tpu.memory_space<vmem>>
      %swap3A_2026 = tpu.memref_squeeze %swap3A_2025 : memref<1x128xf32, #tpu.memory_space<vmem>> -> memref<128xf32, #tpu.memory_space<vmem>>
      %swap3A_2027 = arith.constant 0 : index
      %swap3A_2028 = tpu.vector_load %swap3A_2026[%swap3A_2027] {strides = array<i32>} : memref<128xf32, #tpu.memory_space<vmem>>, vector<16xf32>,
      %swap3A_2029 = vector.shape_cast %swap3A_2028 : vector<16xf32> to vector<16xf32>
      %swap3A_2030 = vector.shape_cast %gather3A_2019 : vector<16xf32> to vector<16xf32>
      tpu.vector_store %swap3A_2026[%swap3A_2027], %swap3A_2030 {strides = array<i32>} : memref<128xf32, #tpu.memory_space<vmem>>, vector<16xf32>,
      %swap3A_2031 = arith.constant 0 : i32
      %swap3A_2032 = tpu.memref_slice %arg7[%add3A_2023, %swap3A_2031] : memref<400x128xf32, #tpu.memory_space<vmem>> -> memref<1x128xf32, #tpu.memory_space<vmem>>
      %swap3A_2033 = tpu.memref_squeeze %swap3A_2032 : memref<1x128xf32, #tpu.memory_space<vmem>> -> memref<128xf32, #tpu.memory_space<vmem>>
      %swap3A_2034 = arith.constant 16 : index
      %swap3A_2035 = tpu.vector_load %swap3A_2033[%swap3A_2034] {strides = array<i32>} : memref<128xf32, #tpu.memory_space<vmem>>, vector<16xf32>,
      %swap3A_2036 = vector.shape_cast %swap3A_2035 : vector<16xf32> to vector<16xf32>
      %swap3A_2037 = vector.shape_cast %gather3A_2019 : vector<16xf32> to vector<16xf32>
      tpu.vector_store %swap3A_2033[%swap3A_2034], %swap3A_2037 {strides = array<i32>} : memref<128xf32, #tpu.memory_space<vmem>>, vector<16xf32>,
      %swap3A_2038 = arith.constant 0 : i32
      %swap3A_2039 = tpu.memref_slice %arg7[%add3A_2023, %swap3A_2038] : memref<400x128xf32, #tpu.memory_space<vmem>> -> memref<1x128xf32, #tpu.memory_space<vmem>>
      %swap3A_2040 = tpu.memref_squeeze %swap3A_2039 : memref<1x128xf32, #tpu.memory_space<vmem>> -> memref<128xf32, #tpu.memory_space<vmem>>
      %swap3A_2041 = arith.constant 32 : index
      %swap3A_2042 = tpu.vector_load %swap3A_2040[%swap3A_2041] {strides = array<i32>} : memref<128xf32, #tpu.memory_space<vmem>>, vector<16xf32>,
      %swap3A_2043 = vector.shape_cast %swap3A_2042 : vector<16xf32> to vector<16xf32>
      %swap3A_2044 = vector.shape_cast %gather3A_2019 : vector<16xf32> to vector<16xf32>
      tpu.vector_store %swap3A_2040[%swap3A_2041], %swap3A_2044 {strides = array<i32>} : memref<128xf32, #tpu.memory_space<vmem>>, vector<16xf32>,
      %swap3A_2045 = arith.constant 0 : i32
      %swap3A_2046 = tpu.memref_slice %arg7[%add3A_2023, %swap3A_2045] : memref<400x128xf32, #tpu.memory_space<vmem>> -> memref<1x128xf32, #tpu.memory_space<vmem>>
      %swap3A_2047 = tpu.memref_squeeze %swap3A_2046 : memref<1x128xf32, #tpu.memory_space<vmem>> -> memref<128xf32, #tpu.memory_space<vmem>>
      %swap3A_2048 = arith.constant 48 : index
      %swap3A_2049 = tpu.vector_load %swap3A_2047[%swap3A_2048] {strides = array<i32>} : memref<128xf32, #tpu.memory_space<vmem>>, vector<16xf32>,
      %swap3A_2050 = vector.shape_cast %swap3A_2049 : vector<16xf32> to vector<16xf32>
      %swap3A_2051 = vector.shape_cast %gather3A_2019 : vector<16xf32> to vector<16xf32>
      tpu.vector_store %swap3A_2047[%swap3A_2048], %swap3A_2051 {strides = array<i32>} : memref<128xf32, #tpu.memory_space<vmem>>, vector<16xf32>,
      %swap3A_2052 = arith.constant 0 : i32
      %swap3A_2053 = tpu.memref_slice %arg7[%add3A_2023, %swap3A_2052] : memref<400x128xf32, #tpu.memory_space<vmem>> -> memref<1x128xf32, #tpu.memory_space<vmem>>
      %swap3A_2054 = tpu.memref_squeeze %swap3A_2053 : memref<1x128xf32, #tpu.memory_space<vmem>> -> memref<128xf32, #tpu.memory_space<vmem>>
      %swap3A_2055 = arith.constant 64 : index
      %swap3A_2056 = tpu.vector_load %swap3A_2054[%swap3A_2055] {strides = array<i32>} : memref<128xf32, #tpu.memory_space<vmem>>, vector<16xf32>,
      %swap3A_2057 = vector.shape_cast %swap3A_2056 : vector<16xf32> to vector<16xf32>
      %swap3A_2058 = vector.shape_cast %gather3A_2019 : vector<16xf32> to vector<16xf32>
      tpu.vector_store %swap3A_2054[%swap3A_2055], %swap3A_2058 {strides = array<i32>} : memref<128xf32, #tpu.memory_space<vmem>>, vector<16xf32>,
      %swap3A_2059 = arith.constant 0 : i32
      %swap3A_2060 = tpu.memref_slice %arg7[%add3A_2023, %swap3A_2059] : memref<400x128xf32, #tpu.memory_space<vmem>> -> memref<1x128xf32, #tpu.memory_space<vmem>>
      %swap3A_2061 = tpu.memref_squeeze %swap3A_2060 : memref<1x128xf32, #tpu.memory_space<vmem>> -> memref<128xf32, #tpu.memory_space<vmem>>
      %swap3A_2062 = arith.constant 80 : index
      %swap3A_2063 = tpu.vector_load %swap3A_2061[%swap3A_2062] {strides = array<i32>} : memref<128xf32, #tpu.memory_space<vmem>>, vector<16xf32>,
      %swap3A_2064 = vector.shape_cast %swap3A_2063 : vector<16xf32> to vector<16xf32>
      %swap3A_2065 = vector.shape_cast %gather3A_2019 : vector<16xf32> to vector<16xf32>
      tpu.vector_store %swap3A_2061[%swap3A_2062], %swap3A_2065 {strides = array<i32>} : memref<128xf32, #tpu.memory_space<vmem>>, vector<16xf32>,
      %swap3A_2066 = arith.constant 0 : i32
      %swap3A_2067 = tpu.memref_slice %arg7[%add3A_2023, %swap3A_2066] : memref<400x128xf32, #tpu.memory_space<vmem>> -> memref<1x128xf32, #tpu.memory_space<vmem>>
      %swap3A_2068 = tpu.memref_squeeze %swap3A_2067 : memref<1x128xf32, #tpu.memory_space<vmem>> -> memref<128xf32, #tpu.memory_space<vmem>>
      %swap3A_2069 = arith.constant 96 : index
      %swap3A_2070 = tpu.vector_load %swap3A_2068[%swap3A_2069] {strides = array<i32>} : memref<128xf32, #tpu.memory_space<vmem>>, vector<16xf32>,
      %swap3A_2071 = vector.shape_cast %swap3A_2070 : vector<16xf32> to vector<16xf32>
      %swap3A_2072 = vector.shape_cast %gather3A_2019 : vector<16xf32> to vector<16xf32>
      tpu.vector_store %swap3A_2068[%swap3A_2069], %swap3A_2072 {strides = array<i32>} : memref<128xf32, #tpu.memory_space<vmem>>, vector<16xf32>,
      %swap3A_2073 = arith.constant 0 : i32
      %swap3A_2074 = tpu.memref_slice %arg7[%add3A_2023, %swap3A_2073] : memref<400x128xf32, #tpu.memory_space<vmem>> -> memref<1x128xf32, #tpu.memory_space<vmem>>
      %swap3A_2075 = tpu.memref_squeeze %swap3A_2074 : memref<1x128xf32, #tpu.memory_space<vmem>> -> memref<128xf32, #tpu.memory_space<vmem>>
      %swap3A_2076 = arith.constant 112 : index
      %swap3A_2077 = tpu.vector_load %swap3A_2075[%swap3A_2076] {strides = array<i32>} : memref<128xf32, #tpu.memory_space<vmem>>, vector<16xf32>,
      %swap3A_2078 = vector.shape_cast %swap3A_2077 : vector<16xf32> to vector<16xf32>
      %swap3A_2079 = vector.shape_cast %gather3A_2019 : vector<16xf32> to vector<16xf32>
      tpu.vector_store %swap3A_2075[%swap3A_2076], %swap3A_2079 {strides = array<i32>} : memref<128xf32, #tpu.memory_space<vmem>>, vector<16xf32>,
      %broadcast_in_dim3A_2080 = arith.constant 9 : i32
      %broadcast_in_dim3A_2081 = vector.broadcast %broadcast_in_dim3A_2080 : i32 to vector<16xi32>
      %lt3A_2082 = arith.constant 0 : i32
      %lt3A_2083 = vector.broadcast %lt3A_2082 : i32 to vector<16xi32>
      %lt3A_2084 = arith.cmpi slt, %broadcast_in_dim3A_2081, %lt3A_2083 : vector<16xi32>
      %add3A_2085 = arith.constant 16 : i32
      %add3A_2086 = vector.broadcast %add3A_2085 : i32 to vector<16xi32>
      %add3A_2087 = arith.addi %broadcast_in_dim3A_2081, %add3A_2086 : vector<16xi32>
      %select_n3A_2088 = arith.select %lt3A_2084, %add3A_2087, %broadcast_in_dim3A_2081 : vector<16xi1>, vector<16xi32>
      %broadcast_in_dim3A_2089 = vector.shape_cast %select_n3A_2088 : vector<16xi32> to vector<16x1xi32>
      %gather3A_2090 = vector.shape_cast %broadcast_in_dim3A_2089 : vector<16x1xi32> to vector<16xi32>
      %gather3A_2091 = tpu.dynamic_gather %add3A_1436[%gather3A_2090] in [0] : vector<16xf32>, vector<16xi32> -> vector<16xf32>
      %mul3A_2092 = arith.constant 16 : i32
      %mul3A_2093 = arith.muli %scan3A_1428, %mul3A_2092 : i32
      %add3A_2094 = arith.constant 9 : i32
      %add3A_2095 = arith.addi %mul3A_2093, %add3A_2094 : i32
      %swap3A_2096 = arith.constant 0 : i32
      %swap3A_2097 = tpu.memref_slice %arg7[%add3A_2095, %swap3A_2096] : memref<400x128xf32, #tpu.memory_space<vmem>> -> memref<1x128xf32, #tpu.memory_space<vmem>>
      %swap3A_2098 = tpu.memref_squeeze %swap3A_2097 : memref<1x128xf32, #tpu.memory_space<vmem>> -> memref<128xf32, #tpu.memory_space<vmem>>
      %swap3A_2099 = arith.constant 0 : index
      %swap3A_2100 = tpu.vector_load %swap3A_2098[%swap3A_2099] {strides = array<i32>} : memref<128xf32, #tpu.memory_space<vmem>>, vector<16xf32>,
      %swap3A_2101 = vector.shape_cast %swap3A_2100 : vector<16xf32> to vector<16xf32>
      %swap3A_2102 = vector.shape_cast %gather3A_2091 : vector<16xf32> to vector<16xf32>
      tpu.vector_store %swap3A_2098[%swap3A_2099], %swap3A_2102 {strides = array<i32>} : memref<128xf32, #tpu.memory_space<vmem>>, vector<16xf32>,
      %swap3A_2103 = arith.constant 0 : i32
      %swap3A_2104 = tpu.memref_slice %arg7[%add3A_2095, %swap3A_2103] : memref<400x128xf32, #tpu.memory_space<vmem>> -> memref<1x128xf32, #tpu.memory_space<vmem>>
      %swap3A_2105 = tpu.memref_squeeze %swap3A_2104 : memref<1x128xf32, #tpu.memory_space<vmem>> -> memref<128xf32, #tpu.memory_space<vmem>>
      %swap3A_2106 = arith.constant 16 : index
      %swap3A_2107 = tpu.vector_load %swap3A_2105[%swap3A_2106] {strides = array<i32>} : memref<128xf32, #tpu.memory_space<vmem>>, vector<16xf32>,
      %swap3A_2108 = vector.shape_cast %swap3A_2107 : vector<16xf32> to vector<16xf32>
      %swap3A_2109 = vector.shape_cast %gather3A_2091 : vector<16xf32> to vector<16xf32>
      tpu.vector_store %swap3A_2105[%swap3A_2106], %swap3A_2109 {strides = array<i32>} : memref<128xf32, #tpu.memory_space<vmem>>, vector<16xf32>,
      %swap3A_2110 = arith.constant 0 : i32
      %swap3A_2111 = tpu.memref_slice %arg7[%add3A_2095, %swap3A_2110] : memref<400x128xf32, #tpu.memory_space<vmem>> -> memref<1x128xf32, #tpu.memory_space<vmem>>
      %swap3A_2112 = tpu.memref_squeeze %swap3A_2111 : memref<1x128xf32, #tpu.memory_space<vmem>> -> memref<128xf32, #tpu.memory_space<vmem>>
      %swap3A_2113 = arith.constant 32 : index
      %swap3A_2114 = tpu.vector_load %swap3A_2112[%swap3A_2113] {strides = array<i32>} : memref<128xf32, #tpu.memory_space<vmem>>, vector<16xf32>,
      %swap3A_2115 = vector.shape_cast %swap3A_2114 : vector<16xf32> to vector<16xf32>
      %swap3A_2116 = vector.shape_cast %gather3A_2091 : vector<16xf32> to vector<16xf32>
      tpu.vector_store %swap3A_2112[%swap3A_2113], %swap3A_2116 {strides = array<i32>} : memref<128xf32, #tpu.memory_space<vmem>>, vector<16xf32>,
      %swap3A_2117 = arith.constant 0 : i32
      %swap3A_2118 = tpu.memref_slice %arg7[%add3A_2095, %swap3A_2117] : memref<400x128xf32, #tpu.memory_space<vmem>> -> memref<1x128xf32, #tpu.memory_space<vmem>>
      %swap3A_2119 = tpu.memref_squeeze %swap3A_2118 : memref<1x128xf32, #tpu.memory_space<vmem>> -> memref<128xf32, #tpu.memory_space<vmem>>
      %swap3A_2120 = arith.constant 48 : index
      %swap3A_2121 = tpu.vector_load %swap3A_2119[%swap3A_2120] {strides = array<i32>} : memref<128xf32, #tpu.memory_space<vmem>>, vector<16xf32>,
      %swap3A_2122 = vector.shape_cast %swap3A_2121 : vector<16xf32> to vector<16xf32>
      %swap3A_2123 = vector.shape_cast %gather3A_2091 : vector<16xf32> to vector<16xf32>
      tpu.vector_store %swap3A_2119[%swap3A_2120], %swap3A_2123 {strides = array<i32>} : memref<128xf32, #tpu.memory_space<vmem>>, vector<16xf32>,
      %swap3A_2124 = arith.constant 0 : i32
      %swap3A_2125 = tpu.memref_slice %arg7[%add3A_2095, %swap3A_2124] : memref<400x128xf32, #tpu.memory_space<vmem>> -> memref<1x128xf32, #tpu.memory_space<vmem>>
      %swap3A_2126 = tpu.memref_squeeze %swap3A_2125 : memref<1x128xf32, #tpu.memory_space<vmem>> -> memref<128xf32, #tpu.memory_space<vmem>>
      %swap3A_2127 = arith.constant 64 : index
      %swap3A_2128 = tpu.vector_load %swap3A_2126[%swap3A_2127] {strides = array<i32>} : memref<128xf32, #tpu.memory_space<vmem>>, vector<16xf32>,
      %swap3A_2129 = vector.shape_cast %swap3A_2128 : vector<16xf32> to vector<16xf32>
      %swap3A_2130 = vector.shape_cast %gather3A_2091 : vector<16xf32> to vector<16xf32>
      tpu.vector_store %swap3A_2126[%swap3A_2127], %swap3A_2130 {strides = array<i32>} : memref<128xf32, #tpu.memory_space<vmem>>, vector<16xf32>,
      %swap3A_2131 = arith.constant 0 : i32
      %swap3A_2132 = tpu.memref_slice %arg7[%add3A_2095, %swap3A_2131] : memref<400x128xf32, #tpu.memory_space<vmem>> -> memref<1x128xf32, #tpu.memory_space<vmem>>
      %swap3A_2133 = tpu.memref_squeeze %swap3A_2132 : memref<1x128xf32, #tpu.memory_space<vmem>> -> memref<128xf32, #tpu.memory_space<vmem>>
      %swap3A_2134 = arith.constant 80 : index
      %swap3A_2135 = tpu.vector_load %swap3A_2133[%swap3A_2134] {strides = array<i32>} : memref<128xf32, #tpu.memory_space<vmem>>, vector<16xf32>,
      %swap3A_2136 = vector.shape_cast %swap3A_2135 : vector<16xf32> to vector<16xf32>
      %swap3A_2137 = vector.shape_cast %gather3A_2091 : vector<16xf32> to vector<16xf32>
      tpu.vector_store %swap3A_2133[%swap3A_2134], %swap3A_2137 {strides = array<i32>} : memref<128xf32, #tpu.memory_space<vmem>>, vector<16xf32>,
      %swap3A_2138 = arith.constant 0 : i32
      %swap3A_2139 = tpu.memref_slice %arg7[%add3A_2095, %swap3A_2138] : memref<400x128xf32, #tpu.memory_space<vmem>> -> memref<1x128xf32, #tpu.memory_space<vmem>>
      %swap3A_2140 = tpu.memref_squeeze %swap3A_2139 : memref<1x128xf32, #tpu.memory_space<vmem>> -> memref<128xf32, #tpu.memory_space<vmem>>
      %swap3A_2141 = arith.constant 96 : index
      %swap3A_2142 = tpu.vector_load %swap3A_2140[%swap3A_2141] {strides = array<i32>} : memref<128xf32, #tpu.memory_space<vmem>>, vector<16xf32>,
      %swap3A_2143 = vector.shape_cast %swap3A_2142 : vector<16xf32> to vector<16xf32>
      %swap3A_2144 = vector.shape_cast %gather3A_2091 : vector<16xf32> to vector<16xf32>
      tpu.vector_store %swap3A_2140[%swap3A_2141], %swap3A_2144 {strides = array<i32>} : memref<128xf32, #tpu.memory_space<vmem>>, vector<16xf32>,
      %swap3A_2145 = arith.constant 0 : i32
      %swap3A_2146 = tpu.memref_slice %arg7[%add3A_2095, %swap3A_2145] : memref<400x128xf32, #tpu.memory_space<vmem>> -> memref<1x128xf32, #tpu.memory_space<vmem>>
      %swap3A_2147 = tpu.memref_squeeze %swap3A_2146 : memref<1x128xf32, #tpu.memory_space<vmem>> -> memref<128xf32, #tpu.memory_space<vmem>>
      %swap3A_2148 = arith.constant 112 : index
      %swap3A_2149 = tpu.vector_load %swap3A_2147[%swap3A_2148] {strides = array<i32>} : memref<128xf32, #tpu.memory_space<vmem>>, vector<16xf32>,
      %swap3A_2150 = vector.shape_cast %swap3A_2149 : vector<16xf32> to vector<16xf32>
      %swap3A_2151 = vector.shape_cast %gather3A_2091 : vector<16xf32> to vector<16xf32>
      tpu.vector_store %swap3A_2147[%swap3A_2148], %swap3A_2151 {strides = array<i32>} : memref<128xf32, #tpu.memory_space<vmem>>, vector<16xf32>,
      %broadcast_in_dim3A_2152 = arith.constant 10 : i32
      %broadcast_in_dim3A_2153 = vector.broadcast %broadcast_in_dim3A_2152 : i32 to vector<16xi32>
      %lt3A_2154 = arith.constant 0 : i32
      %lt3A_2155 = vector.broadcast %lt3A_2154 : i32 to vector<16xi32>
      %lt3A_2156 = arith.cmpi slt, %broadcast_in_dim3A_2153, %lt3A_2155 : vector<16xi32>
      %add3A_2157 = arith.constant 16 : i32
      %add3A_2158 = vector.broadcast %add3A_2157 : i32 to vector<16xi32>
      %add3A_2159 = arith.addi %broadcast_in_dim3A_2153, %add3A_2158 : vector<16xi32>
      %select_n3A_2160 = arith.select %lt3A_2156, %add3A_2159, %broadcast_in_dim3A_2153 : vector<16xi1>, vector<16xi32>
      %broadcast_in_dim3A_2161 = vector.shape_cast %select_n3A_2160 : vector<16xi32> to vector<16x1xi32>
      %gather3A_2162 = vector.shape_cast %broadcast_in_dim3A_2161 : vector<16x1xi32> to vector<16xi32>
      %gather3A_2163 = tpu.dynamic_gather %add3A_1436[%gather3A_2162] in [0] : vector<16xf32>, vector<16xi32> -> vector<16xf32>
      %mul3A_2164 = arith.constant 16 : i32
      %mul3A_2165 = arith.muli %scan3A_1428, %mul3A_2164 : i32
      %add3A_2166 = arith.constant 10 : i32
      %add3A_2167 = arith.addi %mul3A_2165, %add3A_2166 : i32
      %swap3A_2168 = arith.constant 0 : i32
      %swap3A_2169 = tpu.memref_slice %arg7[%add3A_2167, %swap3A_2168] : memref<400x128xf32, #tpu.memory_space<vmem>> -> memref<1x128xf32, #tpu.memory_space<vmem>>
      %swap3A_2170 = tpu.memref_squeeze %swap3A_2169 : memref<1x128xf32, #tpu.memory_space<vmem>> -> memref<128xf32, #tpu.memory_space<vmem>>
      %swap3A_2171 = arith.constant 0 : index
      %swap3A_2172 = tpu.vector_load %swap3A_2170[%swap3A_2171] {strides = array<i32>} : memref<128xf32, #tpu.memory_space<vmem>>, vector<16xf32>,
      %swap3A_2173 = vector.shape_cast %swap3A_2172 : vector<16xf32> to vector<16xf32>
      %swap3A_2174 = vector.shape_cast %gather3A_2163 : vector<16xf32> to vector<16xf32>
      tpu.vector_store %swap3A_2170[%swap3A_2171], %swap3A_2174 {strides = array<i32>} : memref<128xf32, #tpu.memory_space<vmem>>, vector<16xf32>,
      %swap3A_2175 = arith.constant 0 : i32
      %swap3A_2176 = tpu.memref_slice %arg7[%add3A_2167, %swap3A_2175] : memref<400x128xf32, #tpu.memory_space<vmem>> -> memref<1x128xf32, #tpu.memory_space<vmem>>
      %swap3A_2177 = tpu.memref_squeeze %swap3A_2176 : memref<1x128xf32, #tpu.memory_space<vmem>> -> memref<128xf32, #tpu.memory_space<vmem>>
      %swap3A_2178 = arith.constant 16 : index
      %swap3A_2179 = tpu.vector_load %swap3A_2177[%swap3A_2178] {strides = array<i32>} : memref<128xf32, #tpu.memory_space<vmem>>, vector<16xf32>,
      %swap3A_2180 = vector.shape_cast %swap3A_2179 : vector<16xf32> to vector<16xf32>
      %swap3A_2181 = vector.shape_cast %gather3A_2163 : vector<16xf32> to vector<16xf32>
      tpu.vector_store %swap3A_2177[%swap3A_2178], %swap3A_2181 {strides = array<i32>} : memref<128xf32, #tpu.memory_space<vmem>>, vector<16xf32>,
      %swap3A_2182 = arith.constant 0 : i32
      %swap3A_2183 = tpu.memref_slice %arg7[%add3A_2167, %swap3A_2182] : memref<400x128xf32, #tpu.memory_space<vmem>> -> memref<1x128xf32, #tpu.memory_space<vmem>>
      %swap3A_2184 = tpu.memref_squeeze %swap3A_2183 : memref<1x128xf32, #tpu.memory_space<vmem>> -> memref<128xf32, #tpu.memory_space<vmem>>
      %swap3A_2185 = arith.constant 32 : index
      %swap3A_2186 = tpu.vector_load %swap3A_2184[%swap3A_2185] {strides = array<i32>} : memref<128xf32, #tpu.memory_space<vmem>>, vector<16xf32>,
      %swap3A_2187 = vector.shape_cast %swap3A_2186 : vector<16xf32> to vector<16xf32>
      %swap3A_2188 = vector.shape_cast %gather3A_2163 : vector<16xf32> to vector<16xf32>
      tpu.vector_store %swap3A_2184[%swap3A_2185], %swap3A_2188 {strides = array<i32>} : memref<128xf32, #tpu.memory_space<vmem>>, vector<16xf32>,
      %swap3A_2189 = arith.constant 0 : i32
      %swap3A_2190 = tpu.memref_slice %arg7[%add3A_2167, %swap3A_2189] : memref<400x128xf32, #tpu.memory_space<vmem>> -> memref<1x128xf32, #tpu.memory_space<vmem>>
      %swap3A_2191 = tpu.memref_squeeze %swap3A_2190 : memref<1x128xf32, #tpu.memory_space<vmem>> -> memref<128xf32, #tpu.memory_space<vmem>>
      %swap3A_2192 = arith.constant 48 : index
      %swap3A_2193 = tpu.vector_load %swap3A_2191[%swap3A_2192] {strides = array<i32>} : memref<128xf32, #tpu.memory_space<vmem>>, vector<16xf32>,
      %swap3A_2194 = vector.shape_cast %swap3A_2193 : vector<16xf32> to vector<16xf32>
      %swap3A_2195 = vector.shape_cast %gather3A_2163 : vector<16xf32> to vector<16xf32>
      tpu.vector_store %swap3A_2191[%swap3A_2192], %swap3A_2195 {strides = array<i32>} : memref<128xf32, #tpu.memory_space<vmem>>, vector<16xf32>,
      %swap3A_2196 = arith.constant 0 : i32
      %swap3A_2197 = tpu.memref_slice %arg7[%add3A_2167, %swap3A_2196] : memref<400x128xf32, #tpu.memory_space<vmem>> -> memref<1x128xf32, #tpu.memory_space<vmem>>
      %swap3A_2198 = tpu.memref_squeeze %swap3A_2197 : memref<1x128xf32, #tpu.memory_space<vmem>> -> memref<128xf32, #tpu.memory_space<vmem>>
      %swap3A_2199 = arith.constant 64 : index
      %swap3A_2200 = tpu.vector_load %swap3A_2198[%swap3A_2199] {strides = array<i32>} : memref<128xf32, #tpu.memory_space<vmem>>, vector<16xf32>,
      %swap3A_2201 = vector.shape_cast %swap3A_2200 : vector<16xf32> to vector<16xf32>
      %swap3A_2202 = vector.shape_cast %gather3A_2163 : vector<16xf32> to vector<16xf32>
      tpu.vector_store %swap3A_2198[%swap3A_2199], %swap3A_2202 {strides = array<i32>} : memref<128xf32, #tpu.memory_space<vmem>>, vector<16xf32>,
      %swap3A_2203 = arith.constant 0 : i32
      %swap3A_2204 = tpu.memref_slice %arg7[%add3A_2167, %swap3A_2203] : memref<400x128xf32, #tpu.memory_space<vmem>> -> memref<1x128xf32, #tpu.memory_space<vmem>>
      %swap3A_2205 = tpu.memref_squeeze %swap3A_2204 : memref<1x128xf32, #tpu.memory_space<vmem>> -> memref<128xf32, #tpu.memory_space<vmem>>
      %swap3A_2206 = arith.constant 80 : index
      %swap3A_2207 = tpu.vector_load %swap3A_2205[%swap3A_2206] {strides = array<i32>} : memref<128xf32, #tpu.memory_space<vmem>>, vector<16xf32>,
      %swap3A_2208 = vector.shape_cast %swap3A_2207 : vector<16xf32> to vector<16xf32>
      %swap3A_2209 = vector.shape_cast %gather3A_2163 : vector<16xf32> to vector<16xf32>
      tpu.vector_store %swap3A_2205[%swap3A_2206], %swap3A_2209 {strides = array<i32>} : memref<128xf32, #tpu.memory_space<vmem>>, vector<16xf32>,
      %swap3A_2210 = arith.constant 0 : i32
      %swap3A_2211 = tpu.memref_slice %arg7[%add3A_2167, %swap3A_2210] : memref<400x128xf32, #tpu.memory_space<vmem>> -> memref<1x128xf32, #tpu.memory_space<vmem>>
      %swap3A_2212 = tpu.memref_squeeze %swap3A_2211 : memref<1x128xf32, #tpu.memory_space<vmem>> -> memref<128xf32, #tpu.memory_space<vmem>>
      %swap3A_2213 = arith.constant 96 : index
      %swap3A_2214 = tpu.vector_load %swap3A_2212[%swap3A_2213] {strides = array<i32>} : memref<128xf32, #tpu.memory_space<vmem>>, vector<16xf32>,
      %swap3A_2215 = vector.shape_cast %swap3A_2214 : vector<16xf32> to vector<16xf32>
      %swap3A_2216 = vector.shape_cast %gather3A_2163 : vector<16xf32> to vector<16xf32>
      tpu.vector_store %swap3A_2212[%swap3A_2213], %swap3A_2216 {strides = array<i32>} : memref<128xf32, #tpu.memory_space<vmem>>, vector<16xf32>,
      %swap3A_2217 = arith.constant 0 : i32
      %swap3A_2218 = tpu.memref_slice %arg7[%add3A_2167, %swap3A_2217] : memref<400x128xf32, #tpu.memory_space<vmem>> -> memref<1x128xf32, #tpu.memory_space<vmem>>
      %swap3A_2219 = tpu.memref_squeeze %swap3A_2218 : memref<1x128xf32, #tpu.memory_space<vmem>> -> memref<128xf32, #tpu.memory_space<vmem>>
      %swap3A_2220 = arith.constant 112 : index
      %swap3A_2221 = tpu.vector_load %swap3A_2219[%swap3A_2220] {strides = array<i32>} : memref<128xf32, #tpu.memory_space<vmem>>, vector<16xf32>,
      %swap3A_2222 = vector.shape_cast %swap3A_2221 : vector<16xf32> to vector<16xf32>
      %swap3A_2223 = vector.shape_cast %gather3A_2163 : vector<16xf32> to vector<16xf32>
      tpu.vector_store %swap3A_2219[%swap3A_2220], %swap3A_2223 {strides = array<i32>} : memref<128xf32, #tpu.memory_space<vmem>>, vector<16xf32>,
      %broadcast_in_dim3A_2224 = arith.constant 11 : i32
      %broadcast_in_dim3A_2225 = vector.broadcast %broadcast_in_dim3A_2224 : i32 to vector<16xi32>
      %lt3A_2226 = arith.constant 0 : i32
      %lt3A_2227 = vector.broadcast %lt3A_2226 : i32 to vector<16xi32>
      %lt3A_2228 = arith.cmpi slt, %broadcast_in_dim3A_2225, %lt3A_2227 : vector<16xi32>
      %add3A_2229 = arith.constant 16 : i32
      %add3A_2230 = vector.broadcast %add3A_2229 : i32 to vector<16xi32>
      %add3A_2231 = arith.addi %broadcast_in_dim3A_2225, %add3A_2230 : vector<16xi32>
      %select_n3A_2232 = arith.select %lt3A_2228, %add3A_2231, %broadcast_in_dim3A_2225 : vector<16xi1>, vector<16xi32>
      %broadcast_in_dim3A_2233 = vector.shape_cast %select_n3A_2232 : vector<16xi32> to vector<16x1xi32>
      %gather3A_2234 = vector.shape_cast %broadcast_in_dim3A_2233 : vector<16x1xi32> to vector<16xi32>
      %gather3A_2235 = tpu.dynamic_gather %add3A_1436[%gather3A_2234] in [0] : vector<16xf32>, vector<16xi32> -> vector<16xf32>
      %mul3A_2236 = arith.constant 16 : i32
      %mul3A_2237 = arith.muli %scan3A_1428, %mul3A_2236 : i32
      %add3A_2238 = arith.constant 11 : i32
      %add3A_2239 = arith.addi %mul3A_2237, %add3A_2238 : i32
      %swap3A_2240 = arith.constant 0 : i32
      %swap3A_2241 = tpu.memref_slice %arg7[%add3A_2239, %swap3A_2240] : memref<400x128xf32, #tpu.memory_space<vmem>> -> memref<1x128xf32, #tpu.memory_space<vmem>>
      %swap3A_2242 = tpu.memref_squeeze %swap3A_2241 : memref<1x128xf32, #tpu.memory_space<vmem>> -> memref<128xf32, #tpu.memory_space<vmem>>
      %swap3A_2243 = arith.constant 0 : index
      %swap3A_2244 = tpu.vector_load %swap3A_2242[%swap3A_2243] {strides = array<i32>} : memref<128xf32, #tpu.memory_space<vmem>>, vector<16xf32>,
      %swap3A_2245 = vector.shape_cast %swap3A_2244 : vector<16xf32> to vector<16xf32>
      %swap3A_2246 = vector.shape_cast %gather3A_2235 : vector<16xf32> to vector<16xf32>
      tpu.vector_store %swap3A_2242[%swap3A_2243], %swap3A_2246 {strides = array<i32>} : memref<128xf32, #tpu.memory_space<vmem>>, vector<16xf32>,
      %swap3A_2247 = arith.constant 0 : i32
      %swap3A_2248 = tpu.memref_slice %arg7[%add3A_2239, %swap3A_2247] : memref<400x128xf32, #tpu.memory_space<vmem>> -> memref<1x128xf32, #tpu.memory_space<vmem>>
      %swap3A_2249 = tpu.memref_squeeze %swap3A_2248 : memref<1x128xf32, #tpu.memory_space<vmem>> -> memref<128xf32, #tpu.memory_space<vmem>>
      %swap3A_2250 = arith.constant 16 : index
      %swap3A_2251 = tpu.vector_load %swap3A_2249[%swap3A_2250] {strides = array<i32>} : memref<128xf32, #tpu.memory_space<vmem>>, vector<16xf32>,
      %swap3A_2252 = vector.shape_cast %swap3A_2251 : vector<16xf32> to vector<16xf32>
      %swap3A_2253 = vector.shape_cast %gather3A_2235 : vector<16xf32> to vector<16xf32>
      tpu.vector_store %swap3A_2249[%swap3A_2250], %swap3A_2253 {strides = array<i32>} : memref<128xf32, #tpu.memory_space<vmem>>, vector<16xf32>,
      %swap3A_2254 = arith.constant 0 : i32
      %swap3A_2255 = tpu.memref_slice %arg7[%add3A_2239, %swap3A_2254] : memref<400x128xf32, #tpu.memory_space<vmem>> -> memref<1x128xf32, #tpu.memory_space<vmem>>
      %swap3A_2256 = tpu.memref_squeeze %swap3A_2255 : memref<1x128xf32, #tpu.memory_space<vmem>> -> memref<128xf32, #tpu.memory_space<vmem>>
      %swap3A_2257 = arith.constant 32 : index
      %swap3A_2258 = tpu.vector_load %swap3A_2256[%swap3A_2257] {strides = array<i32>} : memref<128xf32, #tpu.memory_space<vmem>>, vector<16xf32>,
      %swap3A_2259 = vector.shape_cast %swap3A_2258 : vector<16xf32> to vector<16xf32>
      %swap3A_2260 = vector.shape_cast %gather3A_2235 : vector<16xf32> to vector<16xf32>
      tpu.vector_store %swap3A_2256[%swap3A_2257], %swap3A_2260 {strides = array<i32>} : memref<128xf32, #tpu.memory_space<vmem>>, vector<16xf32>,
      %swap3A_2261 = arith.constant 0 : i32
      %swap3A_2262 = tpu.memref_slice %arg7[%add3A_2239, %swap3A_2261] : memref<400x128xf32, #tpu.memory_space<vmem>> -> memref<1x128xf32, #tpu.memory_space<vmem>>
      %swap3A_2263 = tpu.memref_squeeze %swap3A_2262 : memref<1x128xf32, #tpu.memory_space<vmem>> -> memref<128xf32, #tpu.memory_space<vmem>>
      %swap3A_2264 = arith.constant 48 : index
      %swap3A_2265 = tpu.vector_load %swap3A_2263[%swap3A_2264] {strides = array<i32>} : memref<128xf32, #tpu.memory_space<vmem>>, vector<16xf32>,
      %swap3A_2266 = vector.shape_cast %swap3A_2265 : vector<16xf32> to vector<16xf32>
      %swap3A_2267 = vector.shape_cast %gather3A_2235 : vector<16xf32> to vector<16xf32>
      tpu.vector_store %swap3A_2263[%swap3A_2264], %swap3A_2267 {strides = array<i32>} : memref<128xf32, #tpu.memory_space<vmem>>, vector<16xf32>,
      %swap3A_2268 = arith.constant 0 : i32
      %swap3A_2269 = tpu.memref_slice %arg7[%add3A_2239, %swap3A_2268] : memref<400x128xf32, #tpu.memory_space<vmem>> -> memref<1x128xf32, #tpu.memory_space<vmem>>
      %swap3A_2270 = tpu.memref_squeeze %swap3A_2269 : memref<1x128xf32, #tpu.memory_space<vmem>> -> memref<128xf32, #tpu.memory_space<vmem>>
      %swap3A_2271 = arith.constant 64 : index
      %swap3A_2272 = tpu.vector_load %swap3A_2270[%swap3A_2271] {strides = array<i32>} : memref<128xf32, #tpu.memory_space<vmem>>, vector<16xf32>,
      %swap3A_2273 = vector.shape_cast %swap3A_2272 : vector<16xf32> to vector<16xf32>
      %swap3A_2274 = vector.shape_cast %gather3A_2235 : vector<16xf32> to vector<16xf32>
      tpu.vector_store %swap3A_2270[%swap3A_2271], %swap3A_2274 {strides = array<i32>} : memref<128xf32, #tpu.memory_space<vmem>>, vector<16xf32>,
      %swap3A_2275 = arith.constant 0 : i32
      %swap3A_2276 = tpu.memref_slice %arg7[%add3A_2239, %swap3A_2275] : memref<400x128xf32, #tpu.memory_space<vmem>> -> memref<1x128xf32, #tpu.memory_space<vmem>>
      %swap3A_2277 = tpu.memref_squeeze %swap3A_2276 : memref<1x128xf32, #tpu.memory_space<vmem>> -> memref<128xf32, #tpu.memory_space<vmem>>
      %swap3A_2278 = arith.constant 80 : index
      %swap3A_2279 = tpu.vector_load %swap3A_2277[%swap3A_2278] {strides = array<i32>} : memref<128xf32, #tpu.memory_space<vmem>>, vector<16xf32>,
      %swap3A_2280 = vector.shape_cast %swap3A_2279 : vector<16xf32> to vector<16xf32>
      %swap3A_2281 = vector.shape_cast %gather3A_2235 : vector<16xf32> to vector<16xf32>
      tpu.vector_store %swap3A_2277[%swap3A_2278], %swap3A_2281 {strides = array<i32>} : memref<128xf32, #tpu.memory_space<vmem>>, vector<16xf32>,
      %swap3A_2282 = arith.constant 0 : i32
      %swap3A_2283 = tpu.memref_slice %arg7[%add3A_2239, %swap3A_2282] : memref<400x128xf32, #tpu.memory_space<vmem>> -> memref<1x128xf32, #tpu.memory_space<vmem>>
      %swap3A_2284 = tpu.memref_squeeze %swap3A_2283 : memref<1x128xf32, #tpu.memory_space<vmem>> -> memref<128xf32, #tpu.memory_space<vmem>>
      %swap3A_2285 = arith.constant 96 : index
      %swap3A_2286 = tpu.vector_load %swap3A_2284[%swap3A_2285] {strides = array<i32>} : memref<128xf32, #tpu.memory_space<vmem>>, vector<16xf32>,
      %swap3A_2287 = vector.shape_cast %swap3A_2286 : vector<16xf32> to vector<16xf32>
      %swap3A_2288 = vector.shape_cast %gather3A_2235 : vector<16xf32> to vector<16xf32>
      tpu.vector_store %swap3A_2284[%swap3A_2285], %swap3A_2288 {strides = array<i32>} : memref<128xf32, #tpu.memory_space<vmem>>, vector<16xf32>,
      %swap3A_2289 = arith.constant 0 : i32
      %swap3A_2290 = tpu.memref_slice %arg7[%add3A_2239, %swap3A_2289] : memref<400x128xf32, #tpu.memory_space<vmem>> -> memref<1x128xf32, #tpu.memory_space<vmem>>
      %swap3A_2291 = tpu.memref_squeeze %swap3A_2290 : memref<1x128xf32, #tpu.memory_space<vmem>> -> memref<128xf32, #tpu.memory_space<vmem>>
      %swap3A_2292 = arith.constant 112 : index
      %swap3A_2293 = tpu.vector_load %swap3A_2291[%swap3A_2292] {strides = array<i32>} : memref<128xf32, #tpu.memory_space<vmem>>, vector<16xf32>,
      %swap3A_2294 = vector.shape_cast %swap3A_2293 : vector<16xf32> to vector<16xf32>
      %swap3A_2295 = vector.shape_cast %gather3A_2235 : vector<16xf32> to vector<16xf32>
      tpu.vector_store %swap3A_2291[%swap3A_2292], %swap3A_2295 {strides = array<i32>} : memref<128xf32, #tpu.memory_space<vmem>>, vector<16xf32>,
      %broadcast_in_dim3A_2296 = arith.constant 12 : i32
      %broadcast_in_dim3A_2297 = vector.broadcast %broadcast_in_dim3A_2296 : i32 to vector<16xi32>
      %lt3A_2298 = arith.constant 0 : i32
      %lt3A_2299 = vector.broadcast %lt3A_2298 : i32 to vector<16xi32>
      %lt3A_2300 = arith.cmpi slt, %broadcast_in_dim3A_2297, %lt3A_2299 : vector<16xi32>
      %add3A_2301 = arith.constant 16 : i32
      %add3A_2302 = vector.broadcast %add3A_2301 : i32 to vector<16xi32>
      %add3A_2303 = arith.addi %broadcast_in_dim3A_2297, %add3A_2302 : vector<16xi32>
      %select_n3A_2304 = arith.select %lt3A_2300, %add3A_2303, %broadcast_in_dim3A_2297 : vector<16xi1>, vector<16xi32>
      %broadcast_in_dim3A_2305 = vector.shape_cast %select_n3A_2304 : vector<16xi32> to vector<16x1xi32>
      %gather3A_2306 = vector.shape_cast %broadcast_in_dim3A_2305 : vector<16x1xi32> to vector<16xi32>
      %gather3A_2307 = tpu.dynamic_gather %add3A_1436[%gather3A_2306] in [0] : vector<16xf32>, vector<16xi32> -> vector<16xf32>
      %mul3A_2308 = arith.constant 16 : i32
      %mul3A_2309 = arith.muli %scan3A_1428, %mul3A_2308 : i32
      %add3A_2310 = arith.constant 12 : i32
      %add3A_2311 = arith.addi %mul3A_2309, %add3A_2310 : i32
      %swap3A_2312 = arith.constant 0 : i32
      %swap3A_2313 = tpu.memref_slice %arg7[%add3A_2311, %swap3A_2312] : memref<400x128xf32, #tpu.memory_space<vmem>> -> memref<1x128xf32, #tpu.memory_space<vmem>>
      %swap3A_2314 = tpu.memref_squeeze %swap3A_2313 : memref<1x128xf32, #tpu.memory_space<vmem>> -> memref<128xf32, #tpu.memory_space<vmem>>
      %swap3A_2315 = arith.constant 0 : index
      %swap3A_2316 = tpu.vector_load %swap3A_2314[%swap3A_2315] {strides = array<i32>} : memref<128xf32, #tpu.memory_space<vmem>>, vector<16xf32>,
      %swap3A_2317 = vector.shape_cast %swap3A_2316 : vector<16xf32> to vector<16xf32>
      %swap3A_2318 = vector.shape_cast %gather3A_2307 : vector<16xf32> to vector<16xf32>
      tpu.vector_store %swap3A_2314[%swap3A_2315], %swap3A_2318 {strides = array<i32>} : memref<128xf32, #tpu.memory_space<vmem>>, vector<16xf32>,
      %swap3A_2319 = arith.constant 0 : i32
      %swap3A_2320 = tpu.memref_slice %arg7[%add3A_2311, %swap3A_2319] : memref<400x128xf32, #tpu.memory_space<vmem>> -> memref<1x128xf32, #tpu.memory_space<vmem>>
      %swap3A_2321 = tpu.memref_squeeze %swap3A_2320 : memref<1x128xf32, #tpu.memory_space<vmem>> -> memref<128xf32, #tpu.memory_space<vmem>>
      %swap3A_2322 = arith.constant 16 : index
      %swap3A_2323 = tpu.vector_load %swap3A_2321[%swap3A_2322] {strides = array<i32>} : memref<128xf32, #tpu.memory_space<vmem>>, vector<16xf32>,
      %swap3A_2324 = vector.shape_cast %swap3A_2323 : vector<16xf32> to vector<16xf32>
      %swap3A_2325 = vector.shape_cast %gather3A_2307 : vector<16xf32> to vector<16xf32>
      tpu.vector_store %swap3A_2321[%swap3A_2322], %swap3A_2325 {strides = array<i32>} : memref<128xf32, #tpu.memory_space<vmem>>, vector<16xf32>,
      %swap3A_2326 = arith.constant 0 : i32
      %swap3A_2327 = tpu.memref_slice %arg7[%add3A_2311, %swap3A_2326] : memref<400x128xf32, #tpu.memory_space<vmem>> -> memref<1x128xf32, #tpu.memory_space<vmem>>
      %swap3A_2328 = tpu.memref_squeeze %swap3A_2327 : memref<1x128xf32, #tpu.memory_space<vmem>> -> memref<128xf32, #tpu.memory_space<vmem>>
      %swap3A_2329 = arith.constant 32 : index
      %swap3A_2330 = tpu.vector_load %swap3A_2328[%swap3A_2329] {strides = array<i32>} : memref<128xf32, #tpu.memory_space<vmem>>, vector<16xf32>,
      %swap3A_2331 = vector.shape_cast %swap3A_2330 : vector<16xf32> to vector<16xf32>
      %swap3A_2332 = vector.shape_cast %gather3A_2307 : vector<16xf32> to vector<16xf32>
      tpu.vector_store %swap3A_2328[%swap3A_2329], %swap3A_2332 {strides = array<i32>} : memref<128xf32, #tpu.memory_space<vmem>>, vector<16xf32>,
      %swap3A_2333 = arith.constant 0 : i32
      %swap3A_2334 = tpu.memref_slice %arg7[%add3A_2311, %swap3A_2333] : memref<400x128xf32, #tpu.memory_space<vmem>> -> memref<1x128xf32, #tpu.memory_space<vmem>>
      %swap3A_2335 = tpu.memref_squeeze %swap3A_2334 : memref<1x128xf32, #tpu.memory_space<vmem>> -> memref<128xf32, #tpu.memory_space<vmem>>
      %swap3A_2336 = arith.constant 48 : index
      %swap3A_2337 = tpu.vector_load %swap3A_2335[%swap3A_2336] {strides = array<i32>} : memref<128xf32, #tpu.memory_space<vmem>>, vector<16xf32>,
      %swap3A_2338 = vector.shape_cast %swap3A_2337 : vector<16xf32> to vector<16xf32>
      %swap3A_2339 = vector.shape_cast %gather3A_2307 : vector<16xf32> to vector<16xf32>
      tpu.vector_store %swap3A_2335[%swap3A_2336], %swap3A_2339 {strides = array<i32>} : memref<128xf32, #tpu.memory_space<vmem>>, vector<16xf32>,
      %swap3A_2340 = arith.constant 0 : i32
      %swap3A_2341 = tpu.memref_slice %arg7[%add3A_2311, %swap3A_2340] : memref<400x128xf32, #tpu.memory_space<vmem>> -> memref<1x128xf32, #tpu.memory_space<vmem>>
      %swap3A_2342 = tpu.memref_squeeze %swap3A_2341 : memref<1x128xf32, #tpu.memory_space<vmem>> -> memref<128xf32, #tpu.memory_space<vmem>>
      %swap3A_2343 = arith.constant 64 : index
      %swap3A_2344 = tpu.vector_load %swap3A_2342[%swap3A_2343] {strides = array<i32>} : memref<128xf32, #tpu.memory_space<vmem>>, vector<16xf32>,
      %swap3A_2345 = vector.shape_cast %swap3A_2344 : vector<16xf32> to vector<16xf32>
      %swap3A_2346 = vector.shape_cast %gather3A_2307 : vector<16xf32> to vector<16xf32>
      tpu.vector_store %swap3A_2342[%swap3A_2343], %swap3A_2346 {strides = array<i32>} : memref<128xf32, #tpu.memory_space<vmem>>, vector<16xf32>,
      %swap3A_2347 = arith.constant 0 : i32
      %swap3A_2348 = tpu.memref_slice %arg7[%add3A_2311, %swap3A_2347] : memref<400x128xf32, #tpu.memory_space<vmem>> -> memref<1x128xf32, #tpu.memory_space<vmem>>
      %swap3A_2349 = tpu.memref_squeeze %swap3A_2348 : memref<1x128xf32, #tpu.memory_space<vmem>> -> memref<128xf32, #tpu.memory_space<vmem>>
      %swap3A_2350 = arith.constant 80 : index
      %swap3A_2351 = tpu.vector_load %swap3A_2349[%swap3A_2350] {strides = array<i32>} : memref<128xf32, #tpu.memory_space<vmem>>, vector<16xf32>,
      %swap3A_2352 = vector.shape_cast %swap3A_2351 : vector<16xf32> to vector<16xf32>
      %swap3A_2353 = vector.shape_cast %gather3A_2307 : vector<16xf32> to vector<16xf32>
      tpu.vector_store %swap3A_2349[%swap3A_2350], %swap3A_2353 {strides = array<i32>} : memref<128xf32, #tpu.memory_space<vmem>>, vector<16xf32>,
      %swap3A_2354 = arith.constant 0 : i32
      %swap3A_2355 = tpu.memref_slice %arg7[%add3A_2311, %swap3A_2354] : memref<400x128xf32, #tpu.memory_space<vmem>> -> memref<1x128xf32, #tpu.memory_space<vmem>>
      %swap3A_2356 = tpu.memref_squeeze %swap3A_2355 : memref<1x128xf32, #tpu.memory_space<vmem>> -> memref<128xf32, #tpu.memory_space<vmem>>
      %swap3A_2357 = arith.constant 96 : index
      %swap3A_2358 = tpu.vector_load %swap3A_2356[%swap3A_2357] {strides = array<i32>} : memref<128xf32, #tpu.memory_space<vmem>>, vector<16xf32>,
      %swap3A_2359 = vector.shape_cast %swap3A_2358 : vector<16xf32> to vector<16xf32>
      %swap3A_2360 = vector.shape_cast %gather3A_2307 : vector<16xf32> to vector<16xf32>
      tpu.vector_store %swap3A_2356[%swap3A_2357], %swap3A_2360 {strides = array<i32>} : memref<128xf32, #tpu.memory_space<vmem>>, vector<16xf32>,
      %swap3A_2361 = arith.constant 0 : i32
      %swap3A_2362 = tpu.memref_slice %arg7[%add3A_2311, %swap3A_2361] : memref<400x128xf32, #tpu.memory_space<vmem>> -> memref<1x128xf32, #tpu.memory_space<vmem>>
      %swap3A_2363 = tpu.memref_squeeze %swap3A_2362 : memref<1x128xf32, #tpu.memory_space<vmem>> -> memref<128xf32, #tpu.memory_space<vmem>>
      %swap3A_2364 = arith.constant 112 : index
      %swap3A_2365 = tpu.vector_load %swap3A_2363[%swap3A_2364] {strides = array<i32>} : memref<128xf32, #tpu.memory_space<vmem>>, vector<16xf32>,
      %swap3A_2366 = vector.shape_cast %swap3A_2365 : vector<16xf32> to vector<16xf32>
      %swap3A_2367 = vector.shape_cast %gather3A_2307 : vector<16xf32> to vector<16xf32>
      tpu.vector_store %swap3A_2363[%swap3A_2364], %swap3A_2367 {strides = array<i32>} : memref<128xf32, #tpu.memory_space<vmem>>, vector<16xf32>,
      %broadcast_in_dim3A_2368 = arith.constant 13 : i32
      %broadcast_in_dim3A_2369 = vector.broadcast %broadcast_in_dim3A_2368 : i32 to vector<16xi32>
      %lt3A_2370 = arith.constant 0 : i32
      %lt3A_2371 = vector.broadcast %lt3A_2370 : i32 to vector<16xi32>
      %lt3A_2372 = arith.cmpi slt, %broadcast_in_dim3A_2369, %lt3A_2371 : vector<16xi32>
      %add3A_2373 = arith.constant 16 : i32
      %add3A_2374 = vector.broadcast %add3A_2373 : i32 to vector<16xi32>
      %add3A_2375 = arith.addi %broadcast_in_dim3A_2369, %add3A_2374 : vector<16xi32>
      %select_n3A_2376 = arith.select %lt3A_2372, %add3A_2375, %broadcast_in_dim3A_2369 : vector<16xi1>, vector<16xi32>
      %broadcast_in_dim3A_2377 = vector.shape_cast %select_n3A_2376 : vector<16xi32> to vector<16x1xi32>
      %gather3A_2378 = vector.shape_cast %broadcast_in_dim3A_2377 : vector<16x1xi32> to vector<16xi32>
      %gather3A_2379 = tpu.dynamic_gather %add3A_1436[%gather3A_2378] in [0] : vector<16xf32>, vector<16xi32> -> vector<16xf32>
      %mul3A_2380 = arith.constant 16 : i32
      %mul3A_2381 = arith.muli %scan3A_1428, %mul3A_2380 : i32
      %add3A_2382 = arith.constant 13 : i32
      %add3A_2383 = arith.addi %mul3A_2381, %add3A_2382 : i32
      %swap3A_2384 = arith.constant 0 : i32
      %swap3A_2385 = tpu.memref_slice %arg7[%add3A_2383, %swap3A_2384] : memref<400x128xf32, #tpu.memory_space<vmem>> -> memref<1x128xf32, #tpu.memory_space<vmem>>
      %swap3A_2386 = tpu.memref_squeeze %swap3A_2385 : memref<1x128xf32, #tpu.memory_space<vmem>> -> memref<128xf32, #tpu.memory_space<vmem>>
      %swap3A_2387 = arith.constant 0 : index
      %swap3A_2388 = tpu.vector_load %swap3A_2386[%swap3A_2387] {strides = array<i32>} : memref<128xf32, #tpu.memory_space<vmem>>, vector<16xf32>,
      %swap3A_2389 = vector.shape_cast %swap3A_2388 : vector<16xf32> to vector<16xf32>
      %swap3A_2390 = vector.shape_cast %gather3A_2379 : vector<16xf32> to vector<16xf32>
      tpu.vector_store %swap3A_2386[%swap3A_2387], %swap3A_2390 {strides = array<i32>} : memref<128xf32, #tpu.memory_space<vmem>>, vector<16xf32>,
      %swap3A_2391 = arith.constant 0 : i32
      %swap3A_2392 = tpu.memref_slice %arg7[%add3A_2383, %swap3A_2391] : memref<400x128xf32, #tpu.memory_space<vmem>> -> memref<1x128xf32, #tpu.memory_space<vmem>>
      %swap3A_2393 = tpu.memref_squeeze %swap3A_2392 : memref<1x128xf32, #tpu.memory_space<vmem>> -> memref<128xf32, #tpu.memory_space<vmem>>
      %swap3A_2394 = arith.constant 16 : index
      %swap3A_2395 = tpu.vector_load %swap3A_2393[%swap3A_2394] {strides = array<i32>} : memref<128xf32, #tpu.memory_space<vmem>>, vector<16xf32>,
      %swap3A_2396 = vector.shape_cast %swap3A_2395 : vector<16xf32> to vector<16xf32>
      %swap3A_2397 = vector.shape_cast %gather3A_2379 : vector<16xf32> to vector<16xf32>
      tpu.vector_store %swap3A_2393[%swap3A_2394], %swap3A_2397 {strides = array<i32>} : memref<128xf32, #tpu.memory_space<vmem>>, vector<16xf32>,
      %swap3A_2398 = arith.constant 0 : i32
      %swap3A_2399 = tpu.memref_slice %arg7[%add3A_2383, %swap3A_2398] : memref<400x128xf32, #tpu.memory_space<vmem>> -> memref<1x128xf32, #tpu.memory_space<vmem>>
      %swap3A_2400 = tpu.memref_squeeze %swap3A_2399 : memref<1x128xf32, #tpu.memory_space<vmem>> -> memref<128xf32, #tpu.memory_space<vmem>>
      %swap3A_2401 = arith.constant 32 : index
      %swap3A_2402 = tpu.vector_load %swap3A_2400[%swap3A_2401] {strides = array<i32>} : memref<128xf32, #tpu.memory_space<vmem>>, vector<16xf32>,
      %swap3A_2403 = vector.shape_cast %swap3A_2402 : vector<16xf32> to vector<16xf32>
      %swap3A_2404 = vector.shape_cast %gather3A_2379 : vector<16xf32> to vector<16xf32>
      tpu.vector_store %swap3A_2400[%swap3A_2401], %swap3A_2404 {strides = array<i32>} : memref<128xf32, #tpu.memory_space<vmem>>, vector<16xf32>,
      %swap3A_2405 = arith.constant 0 : i32
      %swap3A_2406 = tpu.memref_slice %arg7[%add3A_2383, %swap3A_2405] : memref<400x128xf32, #tpu.memory_space<vmem>> -> memref<1x128xf32, #tpu.memory_space<vmem>>
      %swap3A_2407 = tpu.memref_squeeze %swap3A_2406 : memref<1x128xf32, #tpu.memory_space<vmem>> -> memref<128xf32, #tpu.memory_space<vmem>>
      %swap3A_2408 = arith.constant 48 : index
      %swap3A_2409 = tpu.vector_load %swap3A_2407[%swap3A_2408] {strides = array<i32>} : memref<128xf32, #tpu.memory_space<vmem>>, vector<16xf32>,
      %swap3A_2410 = vector.shape_cast %swap3A_2409 : vector<16xf32> to vector<16xf32>
      %swap3A_2411 = vector.shape_cast %gather3A_2379 : vector<16xf32> to vector<16xf32>
      tpu.vector_store %swap3A_2407[%swap3A_2408], %swap3A_2411 {strides = array<i32>} : memref<128xf32, #tpu.memory_space<vmem>>, vector<16xf32>,
      %swap3A_2412 = arith.constant 0 : i32
      %swap3A_2413 = tpu.memref_slice %arg7[%add3A_2383, %swap3A_2412] : memref<400x128xf32, #tpu.memory_space<vmem>> -> memref<1x128xf32, #tpu.memory_space<vmem>>
      %swap3A_2414 = tpu.memref_squeeze %swap3A_2413 : memref<1x128xf32, #tpu.memory_space<vmem>> -> memref<128xf32, #tpu.memory_space<vmem>>
      %swap3A_2415 = arith.constant 64 : index
      %swap3A_2416 = tpu.vector_load %swap3A_2414[%swap3A_2415] {strides = array<i32>} : memref<128xf32, #tpu.memory_space<vmem>>, vector<16xf32>,
      %swap3A_2417 = vector.shape_cast %swap3A_2416 : vector<16xf32> to vector<16xf32>
      %swap3A_2418 = vector.shape_cast %gather3A_2379 : vector<16xf32> to vector<16xf32>
      tpu.vector_store %swap3A_2414[%swap3A_2415], %swap3A_2418 {strides = array<i32>} : memref<128xf32, #tpu.memory_space<vmem>>, vector<16xf32>,
      %swap3A_2419 = arith.constant 0 : i32
      %swap3A_2420 = tpu.memref_slice %arg7[%add3A_2383, %swap3A_2419] : memref<400x128xf32, #tpu.memory_space<vmem>> -> memref<1x128xf32, #tpu.memory_space<vmem>>
      %swap3A_2421 = tpu.memref_squeeze %swap3A_2420 : memref<1x128xf32, #tpu.memory_space<vmem>> -> memref<128xf32, #tpu.memory_space<vmem>>
      %swap3A_2422 = arith.constant 80 : index
      %swap3A_2423 = tpu.vector_load %swap3A_2421[%swap3A_2422] {strides = array<i32>} : memref<128xf32, #tpu.memory_space<vmem>>, vector<16xf32>,
      %swap3A_2424 = vector.shape_cast %swap3A_2423 : vector<16xf32> to vector<16xf32>
      %swap3A_2425 = vector.shape_cast %gather3A_2379 : vector<16xf32> to vector<16xf32>
      tpu.vector_store %swap3A_2421[%swap3A_2422], %swap3A_2425 {strides = array<i32>} : memref<128xf32, #tpu.memory_space<vmem>>, vector<16xf32>,
      %swap3A_2426 = arith.constant 0 : i32
      %swap3A_2427 = tpu.memref_slice %arg7[%add3A_2383, %swap3A_2426] : memref<400x128xf32, #tpu.memory_space<vmem>> -> memref<1x128xf32, #tpu.memory_space<vmem>>
      %swap3A_2428 = tpu.memref_squeeze %swap3A_2427 : memref<1x128xf32, #tpu.memory_space<vmem>> -> memref<128xf32, #tpu.memory_space<vmem>>
      %swap3A_2429 = arith.constant 96 : index
      %swap3A_2430 = tpu.vector_load %swap3A_2428[%swap3A_2429] {strides = array<i32>} : memref<128xf32, #tpu.memory_space<vmem>>, vector<16xf32>,
      %swap3A_2431 = vector.shape_cast %swap3A_2430 : vector<16xf32> to vector<16xf32>
      %swap3A_2432 = vector.shape_cast %gather3A_2379 : vector<16xf32> to vector<16xf32>
      tpu.vector_store %swap3A_2428[%swap3A_2429], %swap3A_2432 {strides = array<i32>} : memref<128xf32, #tpu.memory_space<vmem>>, vector<16xf32>,
      %swap3A_2433 = arith.constant 0 : i32
      %swap3A_2434 = tpu.memref_slice %arg7[%add3A_2383, %swap3A_2433] : memref<400x128xf32, #tpu.memory_space<vmem>> -> memref<1x128xf32, #tpu.memory_space<vmem>>
      %swap3A_2435 = tpu.memref_squeeze %swap3A_2434 : memref<1x128xf32, #tpu.memory_space<vmem>> -> memref<128xf32, #tpu.memory_space<vmem>>
      %swap3A_2436 = arith.constant 112 : index
      %swap3A_2437 = tpu.vector_load %swap3A_2435[%swap3A_2436] {strides = array<i32>} : memref<128xf32, #tpu.memory_space<vmem>>, vector<16xf32>,
      %swap3A_2438 = vector.shape_cast %swap3A_2437 : vector<16xf32> to vector<16xf32>
      %swap3A_2439 = vector.shape_cast %gather3A_2379 : vector<16xf32> to vector<16xf32>
      tpu.vector_store %swap3A_2435[%swap3A_2436], %swap3A_2439 {strides = array<i32>} : memref<128xf32, #tpu.memory_space<vmem>>, vector<16xf32>,
      %broadcast_in_dim3A_2440 = arith.constant 14 : i32
      %broadcast_in_dim3A_2441 = vector.broadcast %broadcast_in_dim3A_2440 : i32 to vector<16xi32>
      %lt3A_2442 = arith.constant 0 : i32
      %lt3A_2443 = vector.broadcast %lt3A_2442 : i32 to vector<16xi32>
      %lt3A_2444 = arith.cmpi slt, %broadcast_in_dim3A_2441, %lt3A_2443 : vector<16xi32>
      %add3A_2445 = arith.constant 16 : i32
      %add3A_2446 = vector.broadcast %add3A_2445 : i32 to vector<16xi32>
      %add3A_2447 = arith.addi %broadcast_in_dim3A_2441, %add3A_2446 : vector<16xi32>
      %select_n3A_2448 = arith.select %lt3A_2444, %add3A_2447, %broadcast_in_dim3A_2441 : vector<16xi1>, vector<16xi32>
      %broadcast_in_dim3A_2449 = vector.shape_cast %select_n3A_2448 : vector<16xi32> to vector<16x1xi32>
      %gather3A_2450 = vector.shape_cast %broadcast_in_dim3A_2449 : vector<16x1xi32> to vector<16xi32>
      %gather3A_2451 = tpu.dynamic_gather %add3A_1436[%gather3A_2450] in [0] : vector<16xf32>, vector<16xi32> -> vector<16xf32>
      %mul3A_2452 = arith.constant 16 : i32
      %mul3A_2453 = arith.muli %scan3A_1428, %mul3A_2452 : i32
      %add3A_2454 = arith.constant 14 : i32
      %add3A_2455 = arith.addi %mul3A_2453, %add3A_2454 : i32
      %swap3A_2456 = arith.constant 0 : i32
      %swap3A_2457 = tpu.memref_slice %arg7[%add3A_2455, %swap3A_2456] : memref<400x128xf32, #tpu.memory_space<vmem>> -> memref<1x128xf32, #tpu.memory_space<vmem>>
      %swap3A_2458 = tpu.memref_squeeze %swap3A_2457 : memref<1x128xf32, #tpu.memory_space<vmem>> -> memref<128xf32, #tpu.memory_space<vmem>>
      %swap3A_2459 = arith.constant 0 : index
      %swap3A_2460 = tpu.vector_load %swap3A_2458[%swap3A_2459] {strides = array<i32>} : memref<128xf32, #tpu.memory_space<vmem>>, vector<16xf32>,
      %swap3A_2461 = vector.shape_cast %swap3A_2460 : vector<16xf32> to vector<16xf32>
      %swap3A_2462 = vector.shape_cast %gather3A_2451 : vector<16xf32> to vector<16xf32>
      tpu.vector_store %swap3A_2458[%swap3A_2459], %swap3A_2462 {strides = array<i32>} : memref<128xf32, #tpu.memory_space<vmem>>, vector<16xf32>,
      %swap3A_2463 = arith.constant 0 : i32
      %swap3A_2464 = tpu.memref_slice %arg7[%add3A_2455, %swap3A_2463] : memref<400x128xf32, #tpu.memory_space<vmem>> -> memref<1x128xf32, #tpu.memory_space<vmem>>
      %swap3A_2465 = tpu.memref_squeeze %swap3A_2464 : memref<1x128xf32, #tpu.memory_space<vmem>> -> memref<128xf32, #tpu.memory_space<vmem>>
      %swap3A_2466 = arith.constant 16 : index
      %swap3A_2467 = tpu.vector_load %swap3A_2465[%swap3A_2466] {strides = array<i32>} : memref<128xf32, #tpu.memory_space<vmem>>, vector<16xf32>,
      %swap3A_2468 = vector.shape_cast %swap3A_2467 : vector<16xf32> to vector<16xf32>
      %swap3A_2469 = vector.shape_cast %gather3A_2451 : vector<16xf32> to vector<16xf32>
      tpu.vector_store %swap3A_2465[%swap3A_2466], %swap3A_2469 {strides = array<i32>} : memref<128xf32, #tpu.memory_space<vmem>>, vector<16xf32>,
      %swap3A_2470 = arith.constant 0 : i32
      %swap3A_2471 = tpu.memref_slice %arg7[%add3A_2455, %swap3A_2470] : memref<400x128xf32, #tpu.memory_space<vmem>> -> memref<1x128xf32, #tpu.memory_space<vmem>>
      %swap3A_2472 = tpu.memref_squeeze %swap3A_2471 : memref<1x128xf32, #tpu.memory_space<vmem>> -> memref<128xf32, #tpu.memory_space<vmem>>
      %swap3A_2473 = arith.constant 32 : index
      %swap3A_2474 = tpu.vector_load %swap3A_2472[%swap3A_2473] {strides = array<i32>} : memref<128xf32, #tpu.memory_space<vmem>>, vector<16xf32>,
      %swap3A_2475 = vector.shape_cast %swap3A_2474 : vector<16xf32> to vector<16xf32>
      %swap3A_2476 = vector.shape_cast %gather3A_2451 : vector<16xf32> to vector<16xf32>
      tpu.vector_store %swap3A_2472[%swap3A_2473], %swap3A_2476 {strides = array<i32>} : memref<128xf32, #tpu.memory_space<vmem>>, vector<16xf32>,
      %swap3A_2477 = arith.constant 0 : i32
      %swap3A_2478 = tpu.memref_slice %arg7[%add3A_2455, %swap3A_2477] : memref<400x128xf32, #tpu.memory_space<vmem>> -> memref<1x128xf32, #tpu.memory_space<vmem>>
      %swap3A_2479 = tpu.memref_squeeze %swap3A_2478 : memref<1x128xf32, #tpu.memory_space<vmem>> -> memref<128xf32, #tpu.memory_space<vmem>>
      %swap3A_2480 = arith.constant 48 : index
      %swap3A_2481 = tpu.vector_load %swap3A_2479[%swap3A_2480] {strides = array<i32>} : memref<128xf32, #tpu.memory_space<vmem>>, vector<16xf32>,
      %swap3A_2482 = vector.shape_cast %swap3A_2481 : vector<16xf32> to vector<16xf32>
      %swap3A_2483 = vector.shape_cast %gather3A_2451 : vector<16xf32> to vector<16xf32>
      tpu.vector_store %swap3A_2479[%swap3A_2480], %swap3A_2483 {strides = array<i32>} : memref<128xf32, #tpu.memory_space<vmem>>, vector<16xf32>,
      %swap3A_2484 = arith.constant 0 : i32
      %swap3A_2485 = tpu.memref_slice %arg7[%add3A_2455, %swap3A_2484] : memref<400x128xf32, #tpu.memory_space<vmem>> -> memref<1x128xf32, #tpu.memory_space<vmem>>
      %swap3A_2486 = tpu.memref_squeeze %swap3A_2485 : memref<1x128xf32, #tpu.memory_space<vmem>> -> memref<128xf32, #tpu.memory_space<vmem>>
      %swap3A_2487 = arith.constant 64 : index
      %swap3A_2488 = tpu.vector_load %swap3A_2486[%swap3A_2487] {strides = array<i32>} : memref<128xf32, #tpu.memory_space<vmem>>, vector<16xf32>,
      %swap3A_2489 = vector.shape_cast %swap3A_2488 : vector<16xf32> to vector<16xf32>
      %swap3A_2490 = vector.shape_cast %gather3A_2451 : vector<16xf32> to vector<16xf32>
      tpu.vector_store %swap3A_2486[%swap3A_2487], %swap3A_2490 {strides = array<i32>} : memref<128xf32, #tpu.memory_space<vmem>>, vector<16xf32>,
      %swap3A_2491 = arith.constant 0 : i32
      %swap3A_2492 = tpu.memref_slice %arg7[%add3A_2455, %swap3A_2491] : memref<400x128xf32, #tpu.memory_space<vmem>> -> memref<1x128xf32, #tpu.memory_space<vmem>>
      %swap3A_2493 = tpu.memref_squeeze %swap3A_2492 : memref<1x128xf32, #tpu.memory_space<vmem>> -> memref<128xf32, #tpu.memory_space<vmem>>
      %swap3A_2494 = arith.constant 80 : index
      %swap3A_2495 = tpu.vector_load %swap3A_2493[%swap3A_2494] {strides = array<i32>} : memref<128xf32, #tpu.memory_space<vmem>>, vector<16xf32>,
      %swap3A_2496 = vector.shape_cast %swap3A_2495 : vector<16xf32> to vector<16xf32>
      %swap3A_2497 = vector.shape_cast %gather3A_2451 : vector<16xf32> to vector<16xf32>
      tpu.vector_store %swap3A_2493[%swap3A_2494], %swap3A_2497 {strides = array<i32>} : memref<128xf32, #tpu.memory_space<vmem>>, vector<16xf32>,
      %swap3A_2498 = arith.constant 0 : i32
      %swap3A_2499 = tpu.memref_slice %arg7[%add3A_2455, %swap3A_2498] : memref<400x128xf32, #tpu.memory_space<vmem>> -> memref<1x128xf32, #tpu.memory_space<vmem>>
      %swap3A_2500 = tpu.memref_squeeze %swap3A_2499 : memref<1x128xf32, #tpu.memory_space<vmem>> -> memref<128xf32, #tpu.memory_space<vmem>>
      %swap3A_2501 = arith.constant 96 : index
      %swap3A_2502 = tpu.vector_load %swap3A_2500[%swap3A_2501] {strides = array<i32>} : memref<128xf32, #tpu.memory_space<vmem>>, vector<16xf32>,
      %swap3A_2503 = vector.shape_cast %swap3A_2502 : vector<16xf32> to vector<16xf32>
      %swap3A_2504 = vector.shape_cast %gather3A_2451 : vector<16xf32> to vector<16xf32>
      tpu.vector_store %swap3A_2500[%swap3A_2501], %swap3A_2504 {strides = array<i32>} : memref<128xf32, #tpu.memory_space<vmem>>, vector<16xf32>,
      %swap3A_2505 = arith.constant 0 : i32
      %swap3A_2506 = tpu.memref_slice %arg7[%add3A_2455, %swap3A_2505] : memref<400x128xf32, #tpu.memory_space<vmem>> -> memref<1x128xf32, #tpu.memory_space<vmem>>
      %swap3A_2507 = tpu.memref_squeeze %swap3A_2506 : memref<1x128xf32, #tpu.memory_space<vmem>> -> memref<128xf32, #tpu.memory_space<vmem>>
      %swap3A_2508 = arith.constant 112 : index
      %swap3A_2509 = tpu.vector_load %swap3A_2507[%swap3A_2508] {strides = array<i32>} : memref<128xf32, #tpu.memory_space<vmem>>, vector<16xf32>,
      %swap3A_2510 = vector.shape_cast %swap3A_2509 : vector<16xf32> to vector<16xf32>
      %swap3A_2511 = vector.shape_cast %gather3A_2451 : vector<16xf32> to vector<16xf32>
      tpu.vector_store %swap3A_2507[%swap3A_2508], %swap3A_2511 {strides = array<i32>} : memref<128xf32, #tpu.memory_space<vmem>>, vector<16xf32>,
      %broadcast_in_dim3A_2512 = arith.constant 15 : i32
      %broadcast_in_dim3A_2513 = vector.broadcast %broadcast_in_dim3A_2512 : i32 to vector<16xi32>
      %lt3A_2514 = arith.constant 0 : i32
      %lt3A_2515 = vector.broadcast %lt3A_2514 : i32 to vector<16xi32>
      %lt3A_2516 = arith.cmpi slt, %broadcast_in_dim3A_2513, %lt3A_2515 : vector<16xi32>
      %add3A_2517 = arith.constant 16 : i32
      %add3A_2518 = vector.broadcast %add3A_2517 : i32 to vector<16xi32>
      %add3A_2519 = arith.addi %broadcast_in_dim3A_2513, %add3A_2518 : vector<16xi32>
      %select_n3A_2520 = arith.select %lt3A_2516, %add3A_2519, %broadcast_in_dim3A_2513 : vector<16xi1>, vector<16xi32>
      %broadcast_in_dim3A_2521 = vector.shape_cast %select_n3A_2520 : vector<16xi32> to vector<16x1xi32>
      %gather3A_2522 = vector.shape_cast %broadcast_in_dim3A_2521 : vector<16x1xi32> to vector<16xi32>
      %gather3A_2523 = tpu.dynamic_gather %add3A_1436[%gather3A_2522] in [0] : vector<16xf32>, vector<16xi32> -> vector<16xf32>
      %mul3A_2524 = arith.constant 16 : i32
      %mul3A_2525 = arith.muli %scan3A_1428, %mul3A_2524 : i32
      %add3A_2526 = arith.constant 15 : i32
      %add3A_2527 = arith.addi %mul3A_2525, %add3A_2526 : i32
      %swap3A_2528 = arith.constant 0 : i32
      %swap3A_2529 = tpu.memref_slice %arg7[%add3A_2527, %swap3A_2528] : memref<400x128xf32, #tpu.memory_space<vmem>> -> memref<1x128xf32, #tpu.memory_space<vmem>>
      %swap3A_2530 = tpu.memref_squeeze %swap3A_2529 : memref<1x128xf32, #tpu.memory_space<vmem>> -> memref<128xf32, #tpu.memory_space<vmem>>
      %swap3A_2531 = arith.constant 0 : index
      %swap3A_2532 = tpu.vector_load %swap3A_2530[%swap3A_2531] {strides = array<i32>} : memref<128xf32, #tpu.memory_space<vmem>>, vector<16xf32>,
      %swap3A_2533 = vector.shape_cast %swap3A_2532 : vector<16xf32> to vector<16xf32>
      %swap3A_2534 = vector.shape_cast %gather3A_2523 : vector<16xf32> to vector<16xf32>
      tpu.vector_store %swap3A_2530[%swap3A_2531], %swap3A_2534 {strides = array<i32>} : memref<128xf32, #tpu.memory_space<vmem>>, vector<16xf32>,
      %swap3A_2535 = arith.constant 0 : i32
      %swap3A_2536 = tpu.memref_slice %arg7[%add3A_2527, %swap3A_2535] : memref<400x128xf32, #tpu.memory_space<vmem>> -> memref<1x128xf32, #tpu.memory_space<vmem>>
      %swap3A_2537 = tpu.memref_squeeze %swap3A_2536 : memref<1x128xf32, #tpu.memory_space<vmem>> -> memref<128xf32, #tpu.memory_space<vmem>>
      %swap3A_2538 = arith.constant 16 : index
      %swap3A_2539 = tpu.vector_load %swap3A_2537[%swap3A_2538] {strides = array<i32>} : memref<128xf32, #tpu.memory_space<vmem>>, vector<16xf32>,
      %swap3A_2540 = vector.shape_cast %swap3A_2539 : vector<16xf32> to vector<16xf32>
      %swap3A_2541 = vector.shape_cast %gather3A_2523 : vector<16xf32> to vector<16xf32>
      tpu.vector_store %swap3A_2537[%swap3A_2538], %swap3A_2541 {strides = array<i32>} : memref<128xf32, #tpu.memory_space<vmem>>, vector<16xf32>,
      %swap3A_2542 = arith.constant 0 : i32
      %swap3A_2543 = tpu.memref_slice %arg7[%add3A_2527, %swap3A_2542] : memref<400x128xf32, #tpu.memory_space<vmem>> -> memref<1x128xf32, #tpu.memory_space<vmem>>
      %swap3A_2544 = tpu.memref_squeeze %swap3A_2543 : memref<1x128xf32, #tpu.memory_space<vmem>> -> memref<128xf32, #tpu.memory_space<vmem>>
      %swap3A_2545 = arith.constant 32 : index
      %swap3A_2546 = tpu.vector_load %swap3A_2544[%swap3A_2545] {strides = array<i32>} : memref<128xf32, #tpu.memory_space<vmem>>, vector<16xf32>,
      %swap3A_2547 = vector.shape_cast %swap3A_2546 : vector<16xf32> to vector<16xf32>
      %swap3A_2548 = vector.shape_cast %gather3A_2523 : vector<16xf32> to vector<16xf32>
      tpu.vector_store %swap3A_2544[%swap3A_2545], %swap3A_2548 {strides = array<i32>} : memref<128xf32, #tpu.memory_space<vmem>>, vector<16xf32>,
      %swap3A_2549 = arith.constant 0 : i32
      %swap3A_2550 = tpu.memref_slice %arg7[%add3A_2527, %swap3A_2549] : memref<400x128xf32, #tpu.memory_space<vmem>> -> memref<1x128xf32, #tpu.memory_space<vmem>>
      %swap3A_2551 = tpu.memref_squeeze %swap3A_2550 : memref<1x128xf32, #tpu.memory_space<vmem>> -> memref<128xf32, #tpu.memory_space<vmem>>
      %swap3A_2552 = arith.constant 48 : index
      %swap3A_2553 = tpu.vector_load %swap3A_2551[%swap3A_2552] {strides = array<i32>} : memref<128xf32, #tpu.memory_space<vmem>>, vector<16xf32>,
      %swap3A_2554 = vector.shape_cast %swap3A_2553 : vector<16xf32> to vector<16xf32>
      %swap3A_2555 = vector.shape_cast %gather3A_2523 : vector<16xf32> to vector<16xf32>
      tpu.vector_store %swap3A_2551[%swap3A_2552], %swap3A_2555 {strides = array<i32>} : memref<128xf32, #tpu.memory_space<vmem>>, vector<16xf32>,
      %swap3A_2556 = arith.constant 0 : i32
      %swap3A_2557 = tpu.memref_slice %arg7[%add3A_2527, %swap3A_2556] : memref<400x128xf32, #tpu.memory_space<vmem>> -> memref<1x128xf32, #tpu.memory_space<vmem>>
      %swap3A_2558 = tpu.memref_squeeze %swap3A_2557 : memref<1x128xf32, #tpu.memory_space<vmem>> -> memref<128xf32, #tpu.memory_space<vmem>>
      %swap3A_2559 = arith.constant 64 : index
      %swap3A_2560 = tpu.vector_load %swap3A_2558[%swap3A_2559] {strides = array<i32>} : memref<128xf32, #tpu.memory_space<vmem>>, vector<16xf32>,
      %swap3A_2561 = vector.shape_cast %swap3A_2560 : vector<16xf32> to vector<16xf32>
      %swap3A_2562 = vector.shape_cast %gather3A_2523 : vector<16xf32> to vector<16xf32>
      tpu.vector_store %swap3A_2558[%swap3A_2559], %swap3A_2562 {strides = array<i32>} : memref<128xf32, #tpu.memory_space<vmem>>, vector<16xf32>,
      %swap3A_2563 = arith.constant 0 : i32
      %swap3A_2564 = tpu.memref_slice %arg7[%add3A_2527, %swap3A_2563] : memref<400x128xf32, #tpu.memory_space<vmem>> -> memref<1x128xf32, #tpu.memory_space<vmem>>
      %swap3A_2565 = tpu.memref_squeeze %swap3A_2564 : memref<1x128xf32, #tpu.memory_space<vmem>> -> memref<128xf32, #tpu.memory_space<vmem>>
      %swap3A_2566 = arith.constant 80 : index
      %swap3A_2567 = tpu.vector_load %swap3A_2565[%swap3A_2566] {strides = array<i32>} : memref<128xf32, #tpu.memory_space<vmem>>, vector<16xf32>,
      %swap3A_2568 = vector.shape_cast %swap3A_2567 : vector<16xf32> to vector<16xf32>
      %swap3A_2569 = vector.shape_cast %gather3A_2523 : vector<16xf32> to vector<16xf32>
      tpu.vector_store %swap3A_2565[%swap3A_2566], %swap3A_2569 {strides = array<i32>} : memref<128xf32, #tpu.memory_space<vmem>>, vector<16xf32>,
      %swap3A_2570 = arith.constant 0 : i32
      %swap3A_2571 = tpu.memref_slice %arg7[%add3A_2527, %swap3A_2570] : memref<400x128xf32, #tpu.memory_space<vmem>> -> memref<1x128xf32, #tpu.memory_space<vmem>>
      %swap3A_2572 = tpu.memref_squeeze %swap3A_2571 : memref<1x128xf32, #tpu.memory_space<vmem>> -> memref<128xf32, #tpu.memory_space<vmem>>
      %swap3A_2573 = arith.constant 96 : index
      %swap3A_2574 = tpu.vector_load %swap3A_2572[%swap3A_2573] {strides = array<i32>} : memref<128xf32, #tpu.memory_space<vmem>>, vector<16xf32>,
      %swap3A_2575 = vector.shape_cast %swap3A_2574 : vector<16xf32> to vector<16xf32>
      %swap3A_2576 = vector.shape_cast %gather3A_2523 : vector<16xf32> to vector<16xf32>
      tpu.vector_store %swap3A_2572[%swap3A_2573], %swap3A_2576 {strides = array<i32>} : memref<128xf32, #tpu.memory_space<vmem>>, vector<16xf32>,
      %swap3A_2577 = arith.constant 0 : i32
      %swap3A_2578 = tpu.memref_slice %arg7[%add3A_2527, %swap3A_2577] : memref<400x128xf32, #tpu.memory_space<vmem>> -> memref<1x128xf32, #tpu.memory_space<vmem>>
      %swap3A_2579 = tpu.memref_squeeze %swap3A_2578 : memref<1x128xf32, #tpu.memory_space<vmem>> -> memref<128xf32, #tpu.memory_space<vmem>>
      %swap3A_2580 = arith.constant 112 : index
      %swap3A_2581 = tpu.vector_load %swap3A_2579[%swap3A_2580] {strides = array<i32>} : memref<128xf32, #tpu.memory_space<vmem>>, vector<16xf32>,
      %swap3A_2582 = vector.shape_cast %swap3A_2581 : vector<16xf32> to vector<16xf32>
      %swap3A_2583 = vector.shape_cast %gather3A_2523 : vector<16xf32> to vector<16xf32>
      tpu.vector_store %swap3A_2579[%swap3A_2580], %swap3A_2583 {strides = array<i32>} : memref<128xf32, #tpu.memory_space<vmem>>, vector<16xf32>,
    }
    %scan3A_13 = arith.constant 12 : i32
    %add3A_14 = arith.constant 0 : i32
    %add3A_15 = arith.addi %mul3A_2, %add3A_14 : i32
    %dma_start3A_16 = arith.constant 0 : i32
    %dma_start3A_17 = arith.constant 0 : i32
    %dma_start3A_18 = tpu.memref_slice %arg7[%dma_start3A_16, %dma_start3A_17] : memref<400x128xf32, #tpu.memory_space<vmem>> -> memref<192x128xf32, #tpu.memory_space<vmem>>
    %dma_start3A_19 = arith.constant 0 : i32
    %dma_start3A_20 = tpu.memref_slice %arg4[%add3A_15, %dma_start3A_19] : memref<12800x4096xf32, #tpu.memory_space<hbm>> -> memref<192x128xf32, #tpu.memory_space<hbm>>
    %dma_start3A_21 = arith.constant 0 : i32
    %dma_start3A_22 = tpu.memref_slice %arg4[%add3A_15, %dma_start3A_21] : memref<12800x4096xf32, #tpu.memory_space<hbm>> -> memref<192x128xf32, #tpu.memory_space<hbm>>
    %dma_start3A_23 = arith.constant 0 : i32
    %dma_start3A_24 = arith.constant 0 : i32
    %dma_start3A_25 = tpu.memref_slice %arg7[%dma_start3A_23, %dma_start3A_24] : memref<400x128xf32, #tpu.memory_space<vmem>> -> memref<192x128xf32, #tpu.memory_space<vmem>>
    tpu.enqueue_dma source(%dma_start3A_25 : memref<192x128xf32, #tpu.memory_space<vmem>>) target(%dma_start3A_22 : memref<192x128xf32, #tpu.memory_space<hbm>>) target_semaphore(%arg8 : memref<!tpu.dma_semaphore, #tpu.memory_space<semaphore_mem>>)
    %add3A_26 = arith.constant 0 : i32
    %add3A_27 = arith.addi %mul3A_2, %add3A_26 : i32
    %dma_start3A_28 = arith.constant 0 : i32
    %dma_start3A_29 = arith.constant 0 : i32
    %dma_start3A_30 = tpu.memref_slice %arg7[%dma_start3A_28, %dma_start3A_29] : memref<400x128xf32, #tpu.memory_space<vmem>> -> memref<192x128xf32, #tpu.memory_space<vmem>>
    %dma_start3A_31 = arith.constant 128 : i32
    %dma_start3A_32 = tpu.memref_slice %arg4[%add3A_27, %dma_start3A_31] : memref<12800x4096xf32, #tpu.memory_space<hbm>> -> memref<192x128xf32, #tpu.memory_space<hbm>>
    %dma_start3A_33 = arith.constant 128 : i32
    %dma_start3A_34 = tpu.memref_slice %arg4[%add3A_27, %dma_start3A_33] : memref<12800x4096xf32, #tpu.memory_space<hbm>> -> memref<192x128xf32, #tpu.memory_space<hbm>>
    %dma_start3A_35 = arith.constant 0 : i32
    %dma_start3A_36 = arith.constant 0 : i32
    %dma_start3A_37 = tpu.memref_slice %arg7[%dma_start3A_35, %dma_start3A_36] : memref<400x128xf32, #tpu.memory_space<vmem>> -> memref<192x128xf32, #tpu.memory_space<vmem>>
    tpu.enqueue_dma source(%dma_start3A_37 : memref<192x128xf32, #tpu.memory_space<vmem>>) target(%dma_start3A_34 : memref<192x128xf32, #tpu.memory_space<hbm>>) target_semaphore(%arg8 : memref<!tpu.dma_semaphore, #tpu.memory_space<semaphore_mem>>)
    %add3A_38 = arith.constant 0 : i32
    %add3A_39 = arith.addi %mul3A_2, %add3A_38 : i32
    %dma_start3A_40 = arith.constant 0 : i32
    %dma_start3A_41 = arith.constant 0 : i32
    %dma_start3A_42 = tpu.memref_slice %arg7[%dma_start3A_40, %dma_start3A_41] : memref<400x128xf32, #tpu.memory_space<vmem>> -> memref<192x128xf32, #tpu.memory_space<vmem>>
    %dma_start3A_43 = arith.constant 256 : i32
    %dma_start3A_44 = tpu.memref_slice %arg4[%add3A_39, %dma_start3A_43] : memref<12800x4096xf32, #tpu.memory_space<hbm>> -> memref<192x128xf32, #tpu.memory_space<hbm>>
    %dma_start3A_45 = arith.constant 256 : i32
    %dma_start3A_46 = tpu.memref_slice %arg4[%add3A_39, %dma_start3A_45] : memref<12800x4096xf32, #tpu.memory_space<hbm>> -> memref<192x128xf32, #tpu.memory_space<hbm>>
    %dma_start3A_47 = arith.constant 0 : i32
    %dma_start3A_48 = arith.constant 0 : i32
    %dma_start3A_49 = tpu.memref_slice %arg7[%dma_start3A_47, %dma_start3A_48] : memref<400x128xf32, #tpu.memory_space<vmem>> -> memref<192x128xf32, #tpu.memory_space<vmem>>
    tpu.enqueue_dma source(%dma_start3A_49 : memref<192x128xf32, #tpu.memory_space<vmem>>) target(%dma_start3A_46 : memref<192x128xf32, #tpu.memory_space<hbm>>) target_semaphore(%arg8 : memref<!tpu.dma_semaphore, #tpu.memory_space<semaphore_mem>>)
    %add3A_50 = arith.constant 0 : i32
    %add3A_51 = arith.addi %mul3A_2, %add3A_50 : i32
    %dma_start3A_52 = arith.constant 0 : i32
    %dma_start3A_53 = arith.constant 0 : i32
    %dma_start3A_54 = tpu.memref_slice %arg7[%dma_start3A_52, %dma_start3A_53] : memref<400x128xf32, #tpu.memory_space<vmem>> -> memref<192x128xf32, #tpu.memory_space<vmem>>
    %dma_start3A_55 = arith.constant 384 : i32
    %dma_start3A_56 = tpu.memref_slice %arg4[%add3A_51, %dma_start3A_55] : memref<12800x4096xf32, #tpu.memory_space<hbm>> -> memref<192x128xf32, #tpu.memory_space<hbm>>
    %dma_start3A_57 = arith.constant 384 : i32
    %dma_start3A_58 = tpu.memref_slice %arg4[%add3A_51, %dma_start3A_57] : memref<12800x4096xf32, #tpu.memory_space<hbm>> -> memref<192x128xf32, #tpu.memory_space<hbm>>
    %dma_start3A_59 = arith.constant 0 : i32
    %dma_start3A_60 = arith.constant 0 : i32
    %dma_start3A_61 = tpu.memref_slice %arg7[%dma_start3A_59, %dma_start3A_60] : memref<400x128xf32, #tpu.memory_space<vmem>> -> memref<192x128xf32, #tpu.memory_space<vmem>>
    tpu.enqueue_dma source(%dma_start3A_61 : memref<192x128xf32, #tpu.memory_space<vmem>>) target(%dma_start3A_58 : memref<192x128xf32, #tpu.memory_space<hbm>>) target_semaphore(%arg8 : memref<!tpu.dma_semaphore, #tpu.memory_space<semaphore_mem>>)
    %add3A_62 = arith.constant 0 : i32
    %add3A_63 = arith.addi %mul3A_2, %add3A_62 : i32
    %dma_start3A_64 = arith.constant 0 : i32
    %dma_start3A_65 = arith.constant 0 : i32
    %dma_start3A_66 = tpu.memref_slice %arg7[%dma_start3A_64, %dma_start3A_65] : memref<400x128xf32, #tpu.memory_space<vmem>> -> memref<192x128xf32, #tpu.memory_space<vmem>>
    %dma_start3A_67 = arith.constant 512 : i32
    %dma_start3A_68 = tpu.memref_slice %arg4[%add3A_63, %dma_start3A_67] : memref<12800x4096xf32, #tpu.memory_space<hbm>> -> memref<192x128xf32, #tpu.memory_space<hbm>>
    %dma_start3A_69 = arith.constant 512 : i32
    %dma_start3A_70 = tpu.memref_slice %arg4[%add3A_63, %dma_start3A_69] : memref<12800x4096xf32, #tpu.memory_space<hbm>> -> memref<192x128xf32, #tpu.memory_space<hbm>>
    %dma_start3A_71 = arith.constant 0 : i32
    %dma_start3A_72 = arith.constant 0 : i32
    %dma_start3A_73 = tpu.memref_slice %arg7[%dma_start3A_71, %dma_start3A_72] : memref<400x128xf32, #tpu.memory_space<vmem>> -> memref<192x128xf32, #tpu.memory_space<vmem>>
    tpu.enqueue_dma source(%dma_start3A_73 : memref<192x128xf32, #tpu.memory_space<vmem>>) target(%dma_start3A_70 : memref<192x128xf32, #tpu.memory_space<hbm>>) target_semaphore(%arg8 : memref<!tpu.dma_semaphore, #tpu.memory_space<semaphore_mem>>)
    %add3A_74 = arith.constant 0 : i32
    %add3A_75 = arith.addi %mul3A_2, %add3A_74 : i32
    %dma_start3A_76 = arith.constant 0 : i32
    %dma_start3A_77 = arith.constant 0 : i32
    %dma_start3A_78 = tpu.memref_slice %arg7[%dma_start3A_76, %dma_start3A_77] : memref<400x128xf32, #tpu.memory_space<vmem>> -> memref<192x128xf32, #tpu.memory_space<vmem>>
    %dma_start3A_79 = arith.constant 640 : i32
    %dma_start3A_80 = tpu.memref_slice %arg4[%add3A_75, %dma_start3A_79] : memref<12800x4096xf32, #tpu.memory_space<hbm>> -> memref<192x128xf32, #tpu.memory_space<hbm>>
    %dma_start3A_81 = arith.constant 640 : i32
    %dma_start3A_82 = tpu.memref_slice %arg4[%add3A_75, %dma_start3A_81] : memref<12800x4096xf32, #tpu.memory_space<hbm>> -> memref<192x128xf32, #tpu.memory_space<hbm>>
    %dma_start3A_83 = arith.constant 0 : i32
    %dma_start3A_84 = arith.constant 0 : i32
    %dma_start3A_85 = tpu.memref_slice %arg7[%dma_start3A_83, %dma_start3A_84] : memref<400x128xf32, #tpu.memory_space<vmem>> -> memref<192x128xf32, #tpu.memory_space<vmem>>
    tpu.enqueue_dma source(%dma_start3A_85 : memref<192x128xf32, #tpu.memory_space<vmem>>) target(%dma_start3A_82 : memref<192x128xf32, #tpu.memory_space<hbm>>) target_semaphore(%arg8 : memref<!tpu.dma_semaphore, #tpu.memory_space<semaphore_mem>>)
    %add3A_86 = arith.constant 0 : i32
    %add3A_87 = arith.addi %mul3A_2, %add3A_86 : i32
    %dma_start3A_88 = arith.constant 0 : i32
    %dma_start3A_89 = arith.constant 0 : i32
    %dma_start3A_90 = tpu.memref_slice %arg7[%dma_start3A_88, %dma_start3A_89] : memref<400x128xf32, #tpu.memory_space<vmem>> -> memref<192x128xf32, #tpu.memory_space<vmem>>
    %dma_start3A_91 = arith.constant 768 : i32
    %dma_start3A_92 = tpu.memref_slice %arg4[%add3A_87, %dma_start3A_91] : memref<12800x4096xf32, #tpu.memory_space<hbm>> -> memref<192x128xf32, #tpu.memory_space<hbm>>
    %dma_start3A_93 = arith.constant 768 : i32
    %dma_start3A_94 = tpu.memref_slice %arg4[%add3A_87, %dma_start3A_93] : memref<12800x4096xf32, #tpu.memory_space<hbm>> -> memref<192x128xf32, #tpu.memory_space<hbm>>
    %dma_start3A_95 = arith.constant 0 : i32
    %dma_start3A_96 = arith.constant 0 : i32
    %dma_start3A_97 = tpu.memref_slice %arg7[%dma_start3A_95, %dma_start3A_96] : memref<400x128xf32, #tpu.memory_space<vmem>> -> memref<192x128xf32, #tpu.memory_space<vmem>>
    tpu.enqueue_dma source(%dma_start3A_97 : memref<192x128xf32, #tpu.memory_space<vmem>>) target(%dma_start3A_94 : memref<192x128xf32, #tpu.memory_space<hbm>>) target_semaphore(%arg8 : memref<!tpu.dma_semaphore, #tpu.memory_space<semaphore_mem>>)
    %add3A_98 = arith.constant 0 : i32
    %add3A_99 = arith.addi %mul3A_2, %add3A_98 : i32
    %dma_start3A_100 = arith.constant 0 : i32
    %dma_start3A_101 = arith.constant 0 : i32
    %dma_start3A_102 = tpu.memref_slice %arg7[%dma_start3A_100, %dma_start3A_101] : memref<400x128xf32, #tpu.memory_space<vmem>> -> memref<192x128xf32, #tpu.memory_space<vmem>>
    %dma_start3A_103 = arith.constant 896 : i32
    %dma_start3A_104 = tpu.memref_slice %arg4[%add3A_99, %dma_start3A_103] : memref<12800x4096xf32, #tpu.memory_space<hbm>> -> memref<192x128xf32, #tpu.memory_space<hbm>>
    %dma_start3A_105 = arith.constant 896 : i32
    %dma_start3A_106 = tpu.memref_slice %arg4[%add3A_99, %dma_start3A_105] : memref<12800x4096xf32, #tpu.memory_space<hbm>> -> memref<192x128xf32, #tpu.memory_space<hbm>>
    %dma_start3A_107 = arith.constant 0 : i32
    %dma_start3A_108 = arith.constant 0 : i32
    %dma_start3A_109 = tpu.memref_slice %arg7[%dma_start3A_107, %dma_start3A_108] : memref<400x128xf32, #tpu.memory_space<vmem>> -> memref<192x128xf32, #tpu.memory_space<vmem>>
    tpu.enqueue_dma source(%dma_start3A_109 : memref<192x128xf32, #tpu.memory_space<vmem>>) target(%dma_start3A_106 : memref<192x128xf32, #tpu.memory_space<hbm>>) target_semaphore(%arg8 : memref<!tpu.dma_semaphore, #tpu.memory_space<semaphore_mem>>)
    %add3A_110 = arith.constant 0 : i32
    %add3A_111 = arith.addi %mul3A_2, %add3A_110 : i32
    %dma_start3A_112 = arith.constant 0 : i32
    %dma_start3A_113 = arith.constant 0 : i32
    %dma_start3A_114 = tpu.memref_slice %arg7[%dma_start3A_112, %dma_start3A_113] : memref<400x128xf32, #tpu.memory_space<vmem>> -> memref<192x128xf32, #tpu.memory_space<vmem>>
    %dma_start3A_115 = arith.constant 1024 : i32
    %dma_start3A_116 = tpu.memref_slice %arg4[%add3A_111, %dma_start3A_115] : memref<12800x4096xf32, #tpu.memory_space<hbm>> -> memref<192x128xf32, #tpu.memory_space<hbm>>
    %dma_start3A_117 = arith.constant 1024 : i32
    %dma_start3A_118 = tpu.memref_slice %arg4[%add3A_111, %dma_start3A_117] : memref<12800x4096xf32, #tpu.memory_space<hbm>> -> memref<192x128xf32, #tpu.memory_space<hbm>>
    %dma_start3A_119 = arith.constant 0 : i32
    %dma_start3A_120 = arith.constant 0 : i32
    %dma_start3A_121 = tpu.memref_slice %arg7[%dma_start3A_119, %dma_start3A_120] : memref<400x128xf32, #tpu.memory_space<vmem>> -> memref<192x128xf32, #tpu.memory_space<vmem>>
    tpu.enqueue_dma source(%dma_start3A_121 : memref<192x128xf32, #tpu.memory_space<vmem>>) target(%dma_start3A_118 : memref<192x128xf32, #tpu.memory_space<hbm>>) target_semaphore(%arg8 : memref<!tpu.dma_semaphore, #tpu.memory_space<semaphore_mem>>)
    %add3A_122 = arith.constant 0 : i32
    %add3A_123 = arith.addi %mul3A_2, %add3A_122 : i32
    %dma_start3A_124 = arith.constant 0 : i32
    %dma_start3A_125 = arith.constant 0 : i32
    %dma_start3A_126 = tpu.memref_slice %arg7[%dma_start3A_124, %dma_start3A_125] : memref<400x128xf32, #tpu.memory_space<vmem>> -> memref<192x128xf32, #tpu.memory_space<vmem>>
    %dma_start3A_127 = arith.constant 1152 : i32
    %dma_start3A_128 = tpu.memref_slice %arg4[%add3A_123, %dma_start3A_127] : memref<12800x4096xf32, #tpu.memory_space<hbm>> -> memref<192x128xf32, #tpu.memory_space<hbm>>
    %dma_start3A_129 = arith.constant 1152 : i32
    %dma_start3A_130 = tpu.memref_slice %arg4[%add3A_123, %dma_start3A_129] : memref<12800x4096xf32, #tpu.memory_space<hbm>> -> memref<192x128xf32, #tpu.memory_space<hbm>>
    %dma_start3A_131 = arith.constant 0 : i32
    %dma_start3A_132 = arith.constant 0 : i32
    %dma_start3A_133 = tpu.memref_slice %arg7[%dma_start3A_131, %dma_start3A_132] : memref<400x128xf32, #tpu.memory_space<vmem>> -> memref<192x128xf32, #tpu.memory_space<vmem>>
    tpu.enqueue_dma source(%dma_start3A_133 : memref<192x128xf32, #tpu.memory_space<vmem>>) target(%dma_start3A_130 : memref<192x128xf32, #tpu.memory_space<hbm>>) target_semaphore(%arg8 : memref<!tpu.dma_semaphore, #tpu.memory_space<semaphore_mem>>)
    %add3A_134 = arith.constant 0 : i32
    %add3A_135 = arith.addi %mul3A_2, %add3A_134 : i32
    %dma_start3A_136 = arith.constant 0 : i32
    %dma_start3A_137 = arith.constant 0 : i32
    %dma_start3A_138 = tpu.memref_slice %arg7[%dma_start3A_136, %dma_start3A_137] : memref<400x128xf32, #tpu.memory_space<vmem>> -> memref<192x128xf32, #tpu.memory_space<vmem>>
    %dma_start3A_139 = arith.constant 1280 : i32
    %dma_start3A_140 = tpu.memref_slice %arg4[%add3A_135, %dma_start3A_139] : memref<12800x4096xf32, #tpu.memory_space<hbm>> -> memref<192x128xf32, #tpu.memory_space<hbm>>
    %dma_start3A_141 = arith.constant 1280 : i32
    %dma_start3A_142 = tpu.memref_slice %arg4[%add3A_135, %dma_start3A_141] : memref<12800x4096xf32, #tpu.memory_space<hbm>> -> memref<192x128xf32, #tpu.memory_space<hbm>>
    %dma_start3A_143 = arith.constant 0 : i32
    %dma_start3A_144 = arith.constant 0 : i32
    %dma_start3A_145 = tpu.memref_slice %arg7[%dma_start3A_143, %dma_start3A_144] : memref<400x128xf32, #tpu.memory_space<vmem>> -> memref<192x128xf32, #tpu.memory_space<vmem>>
    tpu.enqueue_dma source(%dma_start3A_145 : memref<192x128xf32, #tpu.memory_space<vmem>>) target(%dma_start3A_142 : memref<192x128xf32, #tpu.memory_space<hbm>>) target_semaphore(%arg8 : memref<!tpu.dma_semaphore, #tpu.memory_space<semaphore_mem>>)
    %add3A_146 = arith.constant 0 : i32
    %add3A_147 = arith.addi %mul3A_2, %add3A_146 : i32
    %dma_start3A_148 = arith.constant 0 : i32
    %dma_start3A_149 = arith.constant 0 : i32
    %dma_start3A_150 = tpu.memref_slice %arg7[%dma_start3A_148, %dma_start3A_149] : memref<400x128xf32, #tpu.memory_space<vmem>> -> memref<192x128xf32, #tpu.memory_space<vmem>>
    %dma_start3A_151 = arith.constant 1408 : i32
    %dma_start3A_152 = tpu.memref_slice %arg4[%add3A_147, %dma_start3A_151] : memref<12800x4096xf32, #tpu.memory_space<hbm>> -> memref<192x128xf32, #tpu.memory_space<hbm>>
    %dma_start3A_153 = arith.constant 1408 : i32
    %dma_start3A_154 = tpu.memref_slice %arg4[%add3A_147, %dma_start3A_153] : memref<12800x4096xf32, #tpu.memory_space<hbm>> -> memref<192x128xf32, #tpu.memory_space<hbm>>
    %dma_start3A_155 = arith.constant 0 : i32
    %dma_start3A_156 = arith.constant 0 : i32
    %dma_start3A_157 = tpu.memref_slice %arg7[%dma_start3A_155, %dma_start3A_156] : memref<400x128xf32, #tpu.memory_space<vmem>> -> memref<192x128xf32, #tpu.memory_space<vmem>>
    tpu.enqueue_dma source(%dma_start3A_157 : memref<192x128xf32, #tpu.memory_space<vmem>>) target(%dma_start3A_154 : memref<192x128xf32, #tpu.memory_space<hbm>>) target_semaphore(%arg8 : memref<!tpu.dma_semaphore, #tpu.memory_space<semaphore_mem>>)
    %add3A_158 = arith.constant 0 : i32
    %add3A_159 = arith.addi %mul3A_2, %add3A_158 : i32
    %dma_start3A_160 = arith.constant 0 : i32
    %dma_start3A_161 = arith.constant 0 : i32
    %dma_start3A_162 = tpu.memref_slice %arg7[%dma_start3A_160, %dma_start3A_161] : memref<400x128xf32, #tpu.memory_space<vmem>> -> memref<192x128xf32, #tpu.memory_space<vmem>>
    %dma_start3A_163 = arith.constant 1536 : i32
    %dma_start3A_164 = tpu.memref_slice %arg4[%add3A_159, %dma_start3A_163] : memref<12800x4096xf32, #tpu.memory_space<hbm>> -> memref<192x128xf32, #tpu.memory_space<hbm>>
    %dma_start3A_165 = arith.constant 1536 : i32
    %dma_start3A_166 = tpu.memref_slice %arg4[%add3A_159, %dma_start3A_165] : memref<12800x4096xf32, #tpu.memory_space<hbm>> -> memref<192x128xf32, #tpu.memory_space<hbm>>
    %dma_start3A_167 = arith.constant 0 : i32
    %dma_start3A_168 = arith.constant 0 : i32
    %dma_start3A_169 = tpu.memref_slice %arg7[%dma_start3A_167, %dma_start3A_168] : memref<400x128xf32, #tpu.memory_space<vmem>> -> memref<192x128xf32, #tpu.memory_space<vmem>>
    tpu.enqueue_dma source(%dma_start3A_169 : memref<192x128xf32, #tpu.memory_space<vmem>>) target(%dma_start3A_166 : memref<192x128xf32, #tpu.memory_space<hbm>>) target_semaphore(%arg8 : memref<!tpu.dma_semaphore, #tpu.memory_space<semaphore_mem>>)
    %add3A_170 = arith.constant 0 : i32
    %add3A_171 = arith.addi %mul3A_2, %add3A_170 : i32
    %dma_start3A_172 = arith.constant 0 : i32
    %dma_start3A_173 = arith.constant 0 : i32
    %dma_start3A_174 = tpu.memref_slice %arg7[%dma_start3A_172, %dma_start3A_173] : memref<400x128xf32, #tpu.memory_space<vmem>> -> memref<192x128xf32, #tpu.memory_space<vmem>>
    %dma_start3A_175 = arith.constant 1664 : i32
    %dma_start3A_176 = tpu.memref_slice %arg4[%add3A_171, %dma_start3A_175] : memref<12800x4096xf32, #tpu.memory_space<hbm>> -> memref<192x128xf32, #tpu.memory_space<hbm>>
    %dma_start3A_177 = arith.constant 1664 : i32
    %dma_start3A_178 = tpu.memref_slice %arg4[%add3A_171, %dma_start3A_177] : memref<12800x4096xf32, #tpu.memory_space<hbm>> -> memref<192x128xf32, #tpu.memory_space<hbm>>
    %dma_start3A_179 = arith.constant 0 : i32
    %dma_start3A_180 = arith.constant 0 : i32
    %dma_start3A_181 = tpu.memref_slice %arg7[%dma_start3A_179, %dma_start3A_180] : memref<400x128xf32, #tpu.memory_space<vmem>> -> memref<192x128xf32, #tpu.memory_space<vmem>>
    tpu.enqueue_dma source(%dma_start3A_181 : memref<192x128xf32, #tpu.memory_space<vmem>>) target(%dma_start3A_178 : memref<192x128xf32, #tpu.memory_space<hbm>>) target_semaphore(%arg8 : memref<!tpu.dma_semaphore, #tpu.memory_space<semaphore_mem>>)
    %add3A_182 = arith.constant 0 : i32
    %add3A_183 = arith.addi %mul3A_2, %add3A_182 : i32
    %dma_start3A_184 = arith.constant 0 : i32
    %dma_start3A_185 = arith.constant 0 : i32
    %dma_start3A_186 = tpu.memref_slice %arg7[%dma_start3A_184, %dma_start3A_185] : memref<400x128xf32, #tpu.memory_space<vmem>> -> memref<192x128xf32, #tpu.memory_space<vmem>>
    %dma_start3A_187 = arith.constant 1792 : i32
    %dma_start3A_188 = tpu.memref_slice %arg4[%add3A_183, %dma_start3A_187] : memref<12800x4096xf32, #tpu.memory_space<hbm>> -> memref<192x128xf32, #tpu.memory_space<hbm>>
    %dma_start3A_189 = arith.constant 1792 : i32
    %dma_start3A_190 = tpu.memref_slice %arg4[%add3A_183, %dma_start3A_189] : memref<12800x4096xf32, #tpu.memory_space<hbm>> -> memref<192x128xf32, #tpu.memory_space<hbm>>
    %dma_start3A_191 = arith.constant 0 : i32
    %dma_start3A_192 = arith.constant 0 : i32
    %dma_start3A_193 = tpu.memref_slice %arg7[%dma_start3A_191, %dma_start3A_192] : memref<400x128xf32, #tpu.memory_space<vmem>> -> memref<192x128xf32, #tpu.memory_space<vmem>>
    tpu.enqueue_dma source(%dma_start3A_193 : memref<192x128xf32, #tpu.memory_space<vmem>>) target(%dma_start3A_190 : memref<192x128xf32, #tpu.memory_space<hbm>>) target_semaphore(%arg8 : memref<!tpu.dma_semaphore, #tpu.memory_space<semaphore_mem>>)
    %add3A_194 = arith.constant 0 : i32
    %add3A_195 = arith.addi %mul3A_2, %add3A_194 : i32
    %dma_start3A_196 = arith.constant 0 : i32
    %dma_start3A_197 = arith.constant 0 : i32
    %dma_start3A_198 = tpu.memref_slice %arg7[%dma_start3A_196, %dma_start3A_197] : memref<400x128xf32, #tpu.memory_space<vmem>> -> memref<192x128xf32, #tpu.memory_space<vmem>>
    %dma_start3A_199 = arith.constant 1920 : i32
    %dma_start3A_200 = tpu.memref_slice %arg4[%add3A_195, %dma_start3A_199] : memref<12800x4096xf32, #tpu.memory_space<hbm>> -> memref<192x128xf32, #tpu.memory_space<hbm>>
    %dma_start3A_201 = arith.constant 1920 : i32
    %dma_start3A_202 = tpu.memref_slice %arg4[%add3A_195, %dma_start3A_201] : memref<12800x4096xf32, #tpu.memory_space<hbm>> -> memref<192x128xf32, #tpu.memory_space<hbm>>
    %dma_start3A_203 = arith.constant 0 : i32
    %dma_start3A_204 = arith.constant 0 : i32
    %dma_start3A_205 = tpu.memref_slice %arg7[%dma_start3A_203, %dma_start3A_204] : memref<400x128xf32, #tpu.memory_space<vmem>> -> memref<192x128xf32, #tpu.memory_space<vmem>>
    tpu.enqueue_dma source(%dma_start3A_205 : memref<192x128xf32, #tpu.memory_space<vmem>>) target(%dma_start3A_202 : memref<192x128xf32, #tpu.memory_space<hbm>>) target_semaphore(%arg8 : memref<!tpu.dma_semaphore, #tpu.memory_space<semaphore_mem>>)
    %add3A_206 = arith.constant 0 : i32
    %add3A_207 = arith.addi %mul3A_2, %add3A_206 : i32
    %dma_start3A_208 = arith.constant 0 : i32
    %dma_start3A_209 = arith.constant 0 : i32
    %dma_start3A_210 = tpu.memref_slice %arg7[%dma_start3A_208, %dma_start3A_209] : memref<400x128xf32, #tpu.memory_space<vmem>> -> memref<192x128xf32, #tpu.memory_space<vmem>>
    %dma_start3A_211 = arith.constant 2048 : i32
    %dma_start3A_212 = tpu.memref_slice %arg4[%add3A_207, %dma_start3A_211] : memref<12800x4096xf32, #tpu.memory_space<hbm>> -> memref<192x128xf32, #tpu.memory_space<hbm>>
    %dma_start3A_213 = arith.constant 2048 : i32
    %dma_start3A_214 = tpu.memref_slice %arg4[%add3A_207, %dma_start3A_213] : memref<12800x4096xf32, #tpu.memory_space<hbm>> -> memref<192x128xf32, #tpu.memory_space<hbm>>
    %dma_start3A_215 = arith.constant 0 : i32
    %dma_start3A_216 = arith.constant 0 : i32
    %dma_start3A_217 = tpu.memref_slice %arg7[%dma_start3A_215, %dma_start3A_216] : memref<400x128xf32, #tpu.memory_space<vmem>> -> memref<192x128xf32, #tpu.memory_space<vmem>>
    tpu.enqueue_dma source(%dma_start3A_217 : memref<192x128xf32, #tpu.memory_space<vmem>>) target(%dma_start3A_214 : memref<192x128xf32, #tpu.memory_space<hbm>>) target_semaphore(%arg8 : memref<!tpu.dma_semaphore, #tpu.memory_space<semaphore_mem>>)
    %add3A_218 = arith.constant 0 : i32
    %add3A_219 = arith.addi %mul3A_2, %add3A_218 : i32
    %dma_start3A_220 = arith.constant 0 : i32
    %dma_start3A_221 = arith.constant 0 : i32
    %dma_start3A_222 = tpu.memref_slice %arg7[%dma_start3A_220, %dma_start3A_221] : memref<400x128xf32, #tpu.memory_space<vmem>> -> memref<192x128xf32, #tpu.memory_space<vmem>>
    %dma_start3A_223 = arith.constant 2176 : i32
    %dma_start3A_224 = tpu.memref_slice %arg4[%add3A_219, %dma_start3A_223] : memref<12800x4096xf32, #tpu.memory_space<hbm>> -> memref<192x128xf32, #tpu.memory_space<hbm>>
    %dma_start3A_225 = arith.constant 2176 : i32
    %dma_start3A_226 = tpu.memref_slice %arg4[%add3A_219, %dma_start3A_225] : memref<12800x4096xf32, #tpu.memory_space<hbm>> -> memref<192x128xf32, #tpu.memory_space<hbm>>
    %dma_start3A_227 = arith.constant 0 : i32
    %dma_start3A_228 = arith.constant 0 : i32
    %dma_start3A_229 = tpu.memref_slice %arg7[%dma_start3A_227, %dma_start3A_228] : memref<400x128xf32, #tpu.memory_space<vmem>> -> memref<192x128xf32, #tpu.memory_space<vmem>>
    tpu.enqueue_dma source(%dma_start3A_229 : memref<192x128xf32, #tpu.memory_space<vmem>>) target(%dma_start3A_226 : memref<192x128xf32, #tpu.memory_space<hbm>>) target_semaphore(%arg8 : memref<!tpu.dma_semaphore, #tpu.memory_space<semaphore_mem>>)
    %add3A_230 = arith.constant 0 : i32
    %add3A_231 = arith.addi %mul3A_2, %add3A_230 : i32
    %dma_start3A_232 = arith.constant 0 : i32
    %dma_start3A_233 = arith.constant 0 : i32
    %dma_start3A_234 = tpu.memref_slice %arg7[%dma_start3A_232, %dma_start3A_233] : memref<400x128xf32, #tpu.memory_space<vmem>> -> memref<192x128xf32, #tpu.memory_space<vmem>>
    %dma_start3A_235 = arith.constant 2304 : i32
    %dma_start3A_236 = tpu.memref_slice %arg4[%add3A_231, %dma_start3A_235] : memref<12800x4096xf32, #tpu.memory_space<hbm>> -> memref<192x128xf32, #tpu.memory_space<hbm>>
    %dma_start3A_237 = arith.constant 2304 : i32
    %dma_start3A_238 = tpu.memref_slice %arg4[%add3A_231, %dma_start3A_237] : memref<12800x4096xf32, #tpu.memory_space<hbm>> -> memref<192x128xf32, #tpu.memory_space<hbm>>
    %dma_start3A_239 = arith.constant 0 : i32
    %dma_start3A_240 = arith.constant 0 : i32
    %dma_start3A_241 = tpu.memref_slice %arg7[%dma_start3A_239, %dma_start3A_240] : memref<400x128xf32, #tpu.memory_space<vmem>> -> memref<192x128xf32, #tpu.memory_space<vmem>>
    tpu.enqueue_dma source(%dma_start3A_241 : memref<192x128xf32, #tpu.memory_space<vmem>>) target(%dma_start3A_238 : memref<192x128xf32, #tpu.memory_space<hbm>>) target_semaphore(%arg8 : memref<!tpu.dma_semaphore, #tpu.memory_space<semaphore_mem>>)
    %add3A_242 = arith.constant 0 : i32
    %add3A_243 = arith.addi %mul3A_2, %add3A_242 : i32
    %dma_start3A_244 = arith.constant 0 : i32
    %dma_start3A_245 = arith.constant 0 : i32
    %dma_start3A_246 = tpu.memref_slice %arg7[%dma_start3A_244, %dma_start3A_245] : memref<400x128xf32, #tpu.memory_space<vmem>> -> memref<192x128xf32, #tpu.memory_space<vmem>>
    %dma_start3A_247 = arith.constant 2432 : i32
    %dma_start3A_248 = tpu.memref_slice %arg4[%add3A_243, %dma_start3A_247] : memref<12800x4096xf32, #tpu.memory_space<hbm>> -> memref<192x128xf32, #tpu.memory_space<hbm>>
    %dma_start3A_249 = arith.constant 2432 : i32
    %dma_start3A_250 = tpu.memref_slice %arg4[%add3A_243, %dma_start3A_249] : memref<12800x4096xf32, #tpu.memory_space<hbm>> -> memref<192x128xf32, #tpu.memory_space<hbm>>
    %dma_start3A_251 = arith.constant 0 : i32
    %dma_start3A_252 = arith.constant 0 : i32
    %dma_start3A_253 = tpu.memref_slice %arg7[%dma_start3A_251, %dma_start3A_252] : memref<400x128xf32, #tpu.memory_space<vmem>> -> memref<192x128xf32, #tpu.memory_space<vmem>>
    tpu.enqueue_dma source(%dma_start3A_253 : memref<192x128xf32, #tpu.memory_space<vmem>>) target(%dma_start3A_250 : memref<192x128xf32, #tpu.memory_space<hbm>>) target_semaphore(%arg8 : memref<!tpu.dma_semaphore, #tpu.memory_space<semaphore_mem>>)
    %add3A_254 = arith.constant 0 : i32
    %add3A_255 = arith.addi %mul3A_2, %add3A_254 : i32
    %dma_start3A_256 = arith.constant 0 : i32
    %dma_start3A_257 = arith.constant 0 : i32
    %dma_start3A_258 = tpu.memref_slice %arg7[%dma_start3A_256, %dma_start3A_257] : memref<400x128xf32, #tpu.memory_space<vmem>> -> memref<192x128xf32, #tpu.memory_space<vmem>>
    %dma_start3A_259 = arith.constant 2560 : i32
    %dma_start3A_260 = tpu.memref_slice %arg4[%add3A_255, %dma_start3A_259] : memref<12800x4096xf32, #tpu.memory_space<hbm>> -> memref<192x128xf32, #tpu.memory_space<hbm>>
    %dma_start3A_261 = arith.constant 2560 : i32
    %dma_start3A_262 = tpu.memref_slice %arg4[%add3A_255, %dma_start3A_261] : memref<12800x4096xf32, #tpu.memory_space<hbm>> -> memref<192x128xf32, #tpu.memory_space<hbm>>
    %dma_start3A_263 = arith.constant 0 : i32
    %dma_start3A_264 = arith.constant 0 : i32
    %dma_start3A_265 = tpu.memref_slice %arg7[%dma_start3A_263, %dma_start3A_264] : memref<400x128xf32, #tpu.memory_space<vmem>> -> memref<192x128xf32, #tpu.memory_space<vmem>>
    tpu.enqueue_dma source(%dma_start3A_265 : memref<192x128xf32, #tpu.memory_space<vmem>>) target(%dma_start3A_262 : memref<192x128xf32, #tpu.memory_space<hbm>>) target_semaphore(%arg8 : memref<!tpu.dma_semaphore, #tpu.memory_space<semaphore_mem>>)
    %add3A_266 = arith.constant 0 : i32
    %add3A_267 = arith.addi %mul3A_2, %add3A_266 : i32
    %dma_start3A_268 = arith.constant 0 : i32
    %dma_start3A_269 = arith.constant 0 : i32
    %dma_start3A_270 = tpu.memref_slice %arg7[%dma_start3A_268, %dma_start3A_269] : memref<400x128xf32, #tpu.memory_space<vmem>> -> memref<192x128xf32, #tpu.memory_space<vmem>>
    %dma_start3A_271 = arith.constant 2688 : i32
    %dma_start3A_272 = tpu.memref_slice %arg4[%add3A_267, %dma_start3A_271] : memref<12800x4096xf32, #tpu.memory_space<hbm>> -> memref<192x128xf32, #tpu.memory_space<hbm>>
    %dma_start3A_273 = arith.constant 2688 : i32
    %dma_start3A_274 = tpu.memref_slice %arg4[%add3A_267, %dma_start3A_273] : memref<12800x4096xf32, #tpu.memory_space<hbm>> -> memref<192x128xf32, #tpu.memory_space<hbm>>
    %dma_start3A_275 = arith.constant 0 : i32
    %dma_start3A_276 = arith.constant 0 : i32
    %dma_start3A_277 = tpu.memref_slice %arg7[%dma_start3A_275, %dma_start3A_276] : memref<400x128xf32, #tpu.memory_space<vmem>> -> memref<192x128xf32, #tpu.memory_space<vmem>>
    tpu.enqueue_dma source(%dma_start3A_277 : memref<192x128xf32, #tpu.memory_space<vmem>>) target(%dma_start3A_274 : memref<192x128xf32, #tpu.memory_space<hbm>>) target_semaphore(%arg8 : memref<!tpu.dma_semaphore, #tpu.memory_space<semaphore_mem>>)
    %add3A_278 = arith.constant 0 : i32
    %add3A_279 = arith.addi %mul3A_2, %add3A_278 : i32
    %dma_start3A_280 = arith.constant 0 : i32
    %dma_start3A_281 = arith.constant 0 : i32
    %dma_start3A_282 = tpu.memref_slice %arg7[%dma_start3A_280, %dma_start3A_281] : memref<400x128xf32, #tpu.memory_space<vmem>> -> memref<192x128xf32, #tpu.memory_space<vmem>>
    %dma_start3A_283 = arith.constant 2816 : i32
    %dma_start3A_284 = tpu.memref_slice %arg4[%add3A_279, %dma_start3A_283] : memref<12800x4096xf32, #tpu.memory_space<hbm>> -> memref<192x128xf32, #tpu.memory_space<hbm>>
    %dma_start3A_285 = arith.constant 2816 : i32
    %dma_start3A_286 = tpu.memref_slice %arg4[%add3A_279, %dma_start3A_285] : memref<12800x4096xf32, #tpu.memory_space<hbm>> -> memref<192x128xf32, #tpu.memory_space<hbm>>
    %dma_start3A_287 = arith.constant 0 : i32
    %dma_start3A_288 = arith.constant 0 : i32
    %dma_start3A_289 = tpu.memref_slice %arg7[%dma_start3A_287, %dma_start3A_288] : memref<400x128xf32, #tpu.memory_space<vmem>> -> memref<192x128xf32, #tpu.memory_space<vmem>>
    tpu.enqueue_dma source(%dma_start3A_289 : memref<192x128xf32, #tpu.memory_space<vmem>>) target(%dma_start3A_286 : memref<192x128xf32, #tpu.memory_space<hbm>>) target_semaphore(%arg8 : memref<!tpu.dma_semaphore, #tpu.memory_space<semaphore_mem>>)
    %add3A_290 = arith.constant 0 : i32
    %add3A_291 = arith.addi %mul3A_2, %add3A_290 : i32
    %dma_start3A_292 = arith.constant 0 : i32
    %dma_start3A_293 = arith.constant 0 : i32
    %dma_start3A_294 = tpu.memref_slice %arg7[%dma_start3A_292, %dma_start3A_293] : memref<400x128xf32, #tpu.memory_space<vmem>> -> memref<192x128xf32, #tpu.memory_space<vmem>>
    %dma_start3A_295 = arith.constant 2944 : i32
    %dma_start3A_296 = tpu.memref_slice %arg4[%add3A_291, %dma_start3A_295] : memref<12800x4096xf32, #tpu.memory_space<hbm>> -> memref<192x128xf32, #tpu.memory_space<hbm>>
    %dma_start3A_297 = arith.constant 2944 : i32
    %dma_start3A_298 = tpu.memref_slice %arg4[%add3A_291, %dma_start3A_297] : memref<12800x4096xf32, #tpu.memory_space<hbm>> -> memref<192x128xf32, #tpu.memory_space<hbm>>
    %dma_start3A_299 = arith.constant 0 : i32
    %dma_start3A_300 = arith.constant 0 : i32
    %dma_start3A_301 = tpu.memref_slice %arg7[%dma_start3A_299, %dma_start3A_300] : memref<400x128xf32, #tpu.memory_space<vmem>> -> memref<192x128xf32, #tpu.memory_space<vmem>>
    tpu.enqueue_dma source(%dma_start3A_301 : memref<192x128xf32, #tpu.memory_space<vmem>>) target(%dma_start3A_298 : memref<192x128xf32, #tpu.memory_space<hbm>>) target_semaphore(%arg8 : memref<!tpu.dma_semaphore, #tpu.memory_space<semaphore_mem>>)
    %add3A_302 = arith.constant 0 : i32
    %add3A_303 = arith.addi %mul3A_2, %add3A_302 : i32
    %dma_start3A_304 = arith.constant 0 : i32
    %dma_start3A_305 = arith.constant 0 : i32
    %dma_start3A_306 = tpu.memref_slice %arg7[%dma_start3A_304, %dma_start3A_305] : memref<400x128xf32, #tpu.memory_space<vmem>> -> memref<192x128xf32, #tpu.memory_space<vmem>>
    %dma_start3A_307 = arith.constant 3072 : i32
    %dma_start3A_308 = tpu.memref_slice %arg4[%add3A_303, %dma_start3A_307] : memref<12800x4096xf32, #tpu.memory_space<hbm>> -> memref<192x128xf32, #tpu.memory_space<hbm>>
    %dma_start3A_309 = arith.constant 3072 : i32
    %dma_start3A_310 = tpu.memref_slice %arg4[%add3A_303, %dma_start3A_309] : memref<12800x4096xf32, #tpu.memory_space<hbm>> -> memref<192x128xf32, #tpu.memory_space<hbm>>
    %dma_start3A_311 = arith.constant 0 : i32
    %dma_start3A_312 = arith.constant 0 : i32
    %dma_start3A_313 = tpu.memref_slice %arg7[%dma_start3A_311, %dma_start3A_312] : memref<400x128xf32, #tpu.memory_space<vmem>> -> memref<192x128xf32, #tpu.memory_space<vmem>>
    tpu.enqueue_dma source(%dma_start3A_313 : memref<192x128xf32, #tpu.memory_space<vmem>>) target(%dma_start3A_310 : memref<192x128xf32, #tpu.memory_space<hbm>>) target_semaphore(%arg8 : memref<!tpu.dma_semaphore, #tpu.memory_space<semaphore_mem>>)
    %add3A_314 = arith.constant 0 : i32
    %add3A_315 = arith.addi %mul3A_2, %add3A_314 : i32
    %dma_start3A_316 = arith.constant 0 : i32
    %dma_start3A_317 = arith.constant 0 : i32
    %dma_start3A_318 = tpu.memref_slice %arg7[%dma_start3A_316, %dma_start3A_317] : memref<400x128xf32, #tpu.memory_space<vmem>> -> memref<192x128xf32, #tpu.memory_space<vmem>>
    %dma_start3A_319 = arith.constant 3200 : i32
    %dma_start3A_320 = tpu.memref_slice %arg4[%add3A_315, %dma_start3A_319] : memref<12800x4096xf32, #tpu.memory_space<hbm>> -> memref<192x128xf32, #tpu.memory_space<hbm>>
    %dma_start3A_321 = arith.constant 3200 : i32
    %dma_start3A_322 = tpu.memref_slice %arg4[%add3A_315, %dma_start3A_321] : memref<12800x4096xf32, #tpu.memory_space<hbm>> -> memref<192x128xf32, #tpu.memory_space<hbm>>
    %dma_start3A_323 = arith.constant 0 : i32
    %dma_start3A_324 = arith.constant 0 : i32
    %dma_start3A_325 = tpu.memref_slice %arg7[%dma_start3A_323, %dma_start3A_324] : memref<400x128xf32, #tpu.memory_space<vmem>> -> memref<192x128xf32, #tpu.memory_space<vmem>>
    tpu.enqueue_dma source(%dma_start3A_325 : memref<192x128xf32, #tpu.memory_space<vmem>>) target(%dma_start3A_322 : memref<192x128xf32, #tpu.memory_space<hbm>>) target_semaphore(%arg8 : memref<!tpu.dma_semaphore, #tpu.memory_space<semaphore_mem>>)
    %add3A_326 = arith.constant 0 : i32
    %add3A_327 = arith.addi %mul3A_2, %add3A_326 : i32
    %dma_start3A_328 = arith.constant 0 : i32
    %dma_start3A_329 = arith.constant 0 : i32
    %dma_start3A_330 = tpu.memref_slice %arg7[%dma_start3A_328, %dma_start3A_329] : memref<400x128xf32, #tpu.memory_space<vmem>> -> memref<192x128xf32, #tpu.memory_space<vmem>>
    %dma_start3A_331 = arith.constant 3328 : i32
    %dma_start3A_332 = tpu.memref_slice %arg4[%add3A_327, %dma_start3A_331] : memref<12800x4096xf32, #tpu.memory_space<hbm>> -> memref<192x128xf32, #tpu.memory_space<hbm>>
    %dma_start3A_333 = arith.constant 3328 : i32
    %dma_start3A_334 = tpu.memref_slice %arg4[%add3A_327, %dma_start3A_333] : memref<12800x4096xf32, #tpu.memory_space<hbm>> -> memref<192x128xf32, #tpu.memory_space<hbm>>
    %dma_start3A_335 = arith.constant 0 : i32
    %dma_start3A_336 = arith.constant 0 : i32
    %dma_start3A_337 = tpu.memref_slice %arg7[%dma_start3A_335, %dma_start3A_336] : memref<400x128xf32, #tpu.memory_space<vmem>> -> memref<192x128xf32, #tpu.memory_space<vmem>>
    tpu.enqueue_dma source(%dma_start3A_337 : memref<192x128xf32, #tpu.memory_space<vmem>>) target(%dma_start3A_334 : memref<192x128xf32, #tpu.memory_space<hbm>>) target_semaphore(%arg8 : memref<!tpu.dma_semaphore, #tpu.memory_space<semaphore_mem>>)
    %add3A_338 = arith.constant 0 : i32
    %add3A_339 = arith.addi %mul3A_2, %add3A_338 : i32
    %dma_start3A_340 = arith.constant 0 : i32
    %dma_start3A_341 = arith.constant 0 : i32
    %dma_start3A_342 = tpu.memref_slice %arg7[%dma_start3A_340, %dma_start3A_341] : memref<400x128xf32, #tpu.memory_space<vmem>> -> memref<192x128xf32, #tpu.memory_space<vmem>>
    %dma_start3A_343 = arith.constant 3456 : i32
    %dma_start3A_344 = tpu.memref_slice %arg4[%add3A_339, %dma_start3A_343] : memref<12800x4096xf32, #tpu.memory_space<hbm>> -> memref<192x128xf32, #tpu.memory_space<hbm>>
    %dma_start3A_345 = arith.constant 3456 : i32
    %dma_start3A_346 = tpu.memref_slice %arg4[%add3A_339, %dma_start3A_345] : memref<12800x4096xf32, #tpu.memory_space<hbm>> -> memref<192x128xf32, #tpu.memory_space<hbm>>
    %dma_start3A_347 = arith.constant 0 : i32
    %dma_start3A_348 = arith.constant 0 : i32
    %dma_start3A_349 = tpu.memref_slice %arg7[%dma_start3A_347, %dma_start3A_348] : memref<400x128xf32, #tpu.memory_space<vmem>> -> memref<192x128xf32, #tpu.memory_space<vmem>>
    tpu.enqueue_dma source(%dma_start3A_349 : memref<192x128xf32, #tpu.memory_space<vmem>>) target(%dma_start3A_346 : memref<192x128xf32, #tpu.memory_space<hbm>>) target_semaphore(%arg8 : memref<!tpu.dma_semaphore, #tpu.memory_space<semaphore_mem>>)
    %add3A_350 = arith.constant 0 : i32
    %add3A_351 = arith.addi %mul3A_2, %add3A_350 : i32
    %dma_start3A_352 = arith.constant 0 : i32
    %dma_start3A_353 = arith.constant 0 : i32
    %dma_start3A_354 = tpu.memref_slice %arg7[%dma_start3A_352, %dma_start3A_353] : memref<400x128xf32, #tpu.memory_space<vmem>> -> memref<192x128xf32, #tpu.memory_space<vmem>>
    %dma_start3A_355 = arith.constant 3584 : i32
    %dma_start3A_356 = tpu.memref_slice %arg4[%add3A_351, %dma_start3A_355] : memref<12800x4096xf32, #tpu.memory_space<hbm>> -> memref<192x128xf32, #tpu.memory_space<hbm>>
    %dma_start3A_357 = arith.constant 3584 : i32
    %dma_start3A_358 = tpu.memref_slice %arg4[%add3A_351, %dma_start3A_357] : memref<12800x4096xf32, #tpu.memory_space<hbm>> -> memref<192x128xf32, #tpu.memory_space<hbm>>
    %dma_start3A_359 = arith.constant 0 : i32
    %dma_start3A_360 = arith.constant 0 : i32
    %dma_start3A_361 = tpu.memref_slice %arg7[%dma_start3A_359, %dma_start3A_360] : memref<400x128xf32, #tpu.memory_space<vmem>> -> memref<192x128xf32, #tpu.memory_space<vmem>>
    tpu.enqueue_dma source(%dma_start3A_361 : memref<192x128xf32, #tpu.memory_space<vmem>>) target(%dma_start3A_358 : memref<192x128xf32, #tpu.memory_space<hbm>>) target_semaphore(%arg8 : memref<!tpu.dma_semaphore, #tpu.memory_space<semaphore_mem>>)
    %add3A_362 = arith.constant 0 : i32
    %add3A_363 = arith.addi %mul3A_2, %add3A_362 : i32
    %dma_start3A_364 = arith.constant 0 : i32
    %dma_start3A_365 = arith.constant 0 : i32
    %dma_start3A_366 = tpu.memref_slice %arg7[%dma_start3A_364, %dma_start3A_365] : memref<400x128xf32, #tpu.memory_space<vmem>> -> memref<192x128xf32, #tpu.memory_space<vmem>>
    %dma_start3A_367 = arith.constant 3712 : i32
    %dma_start3A_368 = tpu.memref_slice %arg4[%add3A_363, %dma_start3A_367] : memref<12800x4096xf32, #tpu.memory_space<hbm>> -> memref<192x128xf32, #tpu.memory_space<hbm>>
    %dma_start3A_369 = arith.constant 3712 : i32
    %dma_start3A_370 = tpu.memref_slice %arg4[%add3A_363, %dma_start3A_369] : memref<12800x4096xf32, #tpu.memory_space<hbm>> -> memref<192x128xf32, #tpu.memory_space<hbm>>
    %dma_start3A_371 = arith.constant 0 : i32
    %dma_start3A_372 = arith.constant 0 : i32
    %dma_start3A_373 = tpu.memref_slice %arg7[%dma_start3A_371, %dma_start3A_372] : memref<400x128xf32, #tpu.memory_space<vmem>> -> memref<192x128xf32, #tpu.memory_space<vmem>>
    tpu.enqueue_dma source(%dma_start3A_373 : memref<192x128xf32, #tpu.memory_space<vmem>>) target(%dma_start3A_370 : memref<192x128xf32, #tpu.memory_space<hbm>>) target_semaphore(%arg8 : memref<!tpu.dma_semaphore, #tpu.memory_space<semaphore_mem>>)
    %add3A_374 = arith.constant 0 : i32
    %add3A_375 = arith.addi %mul3A_2, %add3A_374 : i32
    %dma_start3A_376 = arith.constant 0 : i32
    %dma_start3A_377 = arith.constant 0 : i32
    %dma_start3A_378 = tpu.memref_slice %arg7[%dma_start3A_376, %dma_start3A_377] : memref<400x128xf32, #tpu.memory_space<vmem>> -> memref<192x128xf32, #tpu.memory_space<vmem>>
    %dma_start3A_379 = arith.constant 3840 : i32
    %dma_start3A_380 = tpu.memref_slice %arg4[%add3A_375, %dma_start3A_379] : memref<12800x4096xf32, #tpu.memory_space<hbm>> -> memref<192x128xf32, #tpu.memory_space<hbm>>
    %dma_start3A_381 = arith.constant 3840 : i32
    %dma_start3A_382 = tpu.memref_slice %arg4[%add3A_375, %dma_start3A_381] : memref<12800x4096xf32, #tpu.memory_space<hbm>> -> memref<192x128xf32, #tpu.memory_space<hbm>>
    %dma_start3A_383 = arith.constant 0 : i32
    %dma_start3A_384 = arith.constant 0 : i32
    %dma_start3A_385 = tpu.memref_slice %arg7[%dma_start3A_383, %dma_start3A_384] : memref<400x128xf32, #tpu.memory_space<vmem>> -> memref<192x128xf32, #tpu.memory_space<vmem>>
    tpu.enqueue_dma source(%dma_start3A_385 : memref<192x128xf32, #tpu.memory_space<vmem>>) target(%dma_start3A_382 : memref<192x128xf32, #tpu.memory_space<hbm>>) target_semaphore(%arg8 : memref<!tpu.dma_semaphore, #tpu.memory_space<semaphore_mem>>)
    %add3A_386 = arith.constant 0 : i32
    %add3A_387 = arith.addi %mul3A_2, %add3A_386 : i32
    %dma_start3A_388 = arith.constant 0 : i32
    %dma_start3A_389 = arith.constant 0 : i32
    %dma_start3A_390 = tpu.memref_slice %arg7[%dma_start3A_388, %dma_start3A_389] : memref<400x128xf32, #tpu.memory_space<vmem>> -> memref<192x128xf32, #tpu.memory_space<vmem>>
    %dma_start3A_391 = arith.constant 3968 : i32
    %dma_start3A_392 = tpu.memref_slice %arg4[%add3A_387, %dma_start3A_391] : memref<12800x4096xf32, #tpu.memory_space<hbm>> -> memref<192x128xf32, #tpu.memory_space<hbm>>
    %dma_start3A_393 = arith.constant 3968 : i32
    %dma_start3A_394 = tpu.memref_slice %arg4[%add3A_387, %dma_start3A_393] : memref<12800x4096xf32, #tpu.memory_space<hbm>> -> memref<192x128xf32, #tpu.memory_space<hbm>>
    %dma_start3A_395 = arith.constant 0 : i32
    %dma_start3A_396 = arith.constant 0 : i32
    %dma_start3A_397 = tpu.memref_slice %arg7[%dma_start3A_395, %dma_start3A_396] : memref<400x128xf32, #tpu.memory_space<vmem>> -> memref<192x128xf32, #tpu.memory_space<vmem>>
    tpu.enqueue_dma source(%dma_start3A_397 : memref<192x128xf32, #tpu.memory_space<vmem>>) target(%dma_start3A_394 : memref<192x128xf32, #tpu.memory_space<hbm>>) target_semaphore(%arg8 : memref<!tpu.dma_semaphore, #tpu.memory_space<semaphore_mem>>)
    %scan3A_398 = arith.constant 0 : i32
    %scan3A_399 = arith.constant 12 : i32
    %scan3A_400 = arith.constant 13 : i32
    %scan3A_401 = arith.addi %scan3A_399, %scan3A_400 : i32
    %scan3A_402 = arith.constant 1 : i32
    scf.for %scan3A_1428 = %scan3A_399 to %scan3A_401 step %scan3A_402  : i32 {
      %mul3A_1429 = arith.constant 16 : i32
      %mul3A_1430 = arith.muli %scan3A_1428, %mul3A_1429 : i32
      %multiple_of3A = tpu.assume_multiple %mul3A_1430, 16 : i32
      %get3A = arith.index_cast %multiple_of3A : i32 to index
      %get3A_1431 = tpu.vector_load %arg5[%get3A] {strides = array<i32>} : memref<400xf32, #tpu.memory_space<vmem>>, vector<16xf32>,
      %get3A_1432 = vector.shape_cast %get3A_1431 : vector<16xf32> to vector<16xf32>
      %get3A_1433 = arith.index_cast %multiple_of3A : i32 to index
      %get3A_1434 = tpu.vector_load %arg6[%get3A_1433] {strides = array<i32>} : memref<400xf32, #tpu.memory_space<vmem>>, vector<16xf32>,
      %get3A_1435 = vector.shape_cast %get3A_1434 : vector<16xf32> to vector<16xf32>
      %add3A_1436 = arith.addf %get3A_1432, %get3A_1435 : vector<16xf32>
      %broadcast_in_dim3A = arith.constant 0 : i32
      %broadcast_in_dim3A_1437 = vector.broadcast %broadcast_in_dim3A : i32 to vector<16xi32>
      %lt3A = arith.constant 0 : i32
      %lt3A_1438 = vector.broadcast %lt3A : i32 to vector<16xi32>
      %lt3A_1439 = arith.cmpi slt, %broadcast_in_dim3A_1437, %lt3A_1438 : vector<16xi32>
      %add3A_1440 = arith.constant 16 : i32
      %add3A_1441 = vector.broadcast %add3A_1440 : i32 to vector<16xi32>
      %add3A_1442 = arith.addi %broadcast_in_dim3A_1437, %add3A_1441 : vector<16xi32>
      %select_n3A = arith.select %lt3A_1439, %add3A_1442, %broadcast_in_dim3A_1437 : vector<16xi1>, vector<16xi32>
      %broadcast_in_dim3A_1443 = vector.shape_cast %select_n3A : vector<16xi32> to vector<16x1xi32>
      %gather3A = vector.shape_cast %broadcast_in_dim3A_1443 : vector<16x1xi32> to vector<16xi32>
      %gather3A_1444 = tpu.dynamic_gather %add3A_1436[%gather3A] in [0] : vector<16xf32>, vector<16xi32> -> vector<16xf32>
      %mul3A_1445 = arith.constant 16 : i32
      %mul3A_1446 = arith.muli %scan3A_1428, %mul3A_1445 : i32
      %add3A_1447 = arith.constant 0 : i32
      %add3A_1448 = arith.addi %mul3A_1446, %add3A_1447 : i32
      %swap3A = arith.constant 0 : i32
      %swap3A_1449 = tpu.memref_slice %arg7[%add3A_1448, %swap3A] : memref<400x128xf32, #tpu.memory_space<vmem>> -> memref<1x128xf32, #tpu.memory_space<vmem>>
      %swap3A_1450 = tpu.memref_squeeze %swap3A_1449 : memref<1x128xf32, #tpu.memory_space<vmem>> -> memref<128xf32, #tpu.memory_space<vmem>>
      %swap3A_1451 = arith.constant 0 : index
      %swap3A_1452 = tpu.vector_load %swap3A_1450[%swap3A_1451] {strides = array<i32>} : memref<128xf32, #tpu.memory_space<vmem>>, vector<16xf32>,
      %swap3A_1453 = vector.shape_cast %swap3A_1452 : vector<16xf32> to vector<16xf32>
      %swap3A_1454 = vector.shape_cast %gather3A_1444 : vector<16xf32> to vector<16xf32>
      tpu.vector_store %swap3A_1450[%swap3A_1451], %swap3A_1454 {strides = array<i32>} : memref<128xf32, #tpu.memory_space<vmem>>, vector<16xf32>,
      %swap3A_1455 = arith.constant 0 : i32
      %swap3A_1456 = tpu.memref_slice %arg7[%add3A_1448, %swap3A_1455] : memref<400x128xf32, #tpu.memory_space<vmem>> -> memref<1x128xf32, #tpu.memory_space<vmem>>
      %swap3A_1457 = tpu.memref_squeeze %swap3A_1456 : memref<1x128xf32, #tpu.memory_space<vmem>> -> memref<128xf32, #tpu.memory_space<vmem>>
      %swap3A_1458 = arith.constant 16 : index
      %swap3A_1459 = tpu.vector_load %swap3A_1457[%swap3A_1458] {strides = array<i32>} : memref<128xf32, #tpu.memory_space<vmem>>, vector<16xf32>,
      %swap3A_1460 = vector.shape_cast %swap3A_1459 : vector<16xf32> to vector<16xf32>
      %swap3A_1461 = vector.shape_cast %gather3A_1444 : vector<16xf32> to vector<16xf32>
      tpu.vector_store %swap3A_1457[%swap3A_1458], %swap3A_1461 {strides = array<i32>} : memref<128xf32, #tpu.memory_space<vmem>>, vector<16xf32>,
      %swap3A_1462 = arith.constant 0 : i32
      %swap3A_1463 = tpu.memref_slice %arg7[%add3A_1448, %swap3A_1462] : memref<400x128xf32, #tpu.memory_space<vmem>> -> memref<1x128xf32, #tpu.memory_space<vmem>>
      %swap3A_1464 = tpu.memref_squeeze %swap3A_1463 : memref<1x128xf32, #tpu.memory_space<vmem>> -> memref<128xf32, #tpu.memory_space<vmem>>
      %swap3A_1465 = arith.constant 32 : index
      %swap3A_1466 = tpu.vector_load %swap3A_1464[%swap3A_1465] {strides = array<i32>} : memref<128xf32, #tpu.memory_space<vmem>>, vector<16xf32>,
      %swap3A_1467 = vector.shape_cast %swap3A_1466 : vector<16xf32> to vector<16xf32>
      %swap3A_1468 = vector.shape_cast %gather3A_1444 : vector<16xf32> to vector<16xf32>
      tpu.vector_store %swap3A_1464[%swap3A_1465], %swap3A_1468 {strides = array<i32>} : memref<128xf32, #tpu.memory_space<vmem>>, vector<16xf32>,
      %swap3A_1469 = arith.constant 0 : i32
      %swap3A_1470 = tpu.memref_slice %arg7[%add3A_1448, %swap3A_1469] : memref<400x128xf32, #tpu.memory_space<vmem>> -> memref<1x128xf32, #tpu.memory_space<vmem>>
      %swap3A_1471 = tpu.memref_squeeze %swap3A_1470 : memref<1x128xf32, #tpu.memory_space<vmem>> -> memref<128xf32, #tpu.memory_space<vmem>>
      %swap3A_1472 = arith.constant 48 : index
      %swap3A_1473 = tpu.vector_load %swap3A_1471[%swap3A_1472] {strides = array<i32>} : memref<128xf32, #tpu.memory_space<vmem>>, vector<16xf32>,
      %swap3A_1474 = vector.shape_cast %swap3A_1473 : vector<16xf32> to vector<16xf32>
      %swap3A_1475 = vector.shape_cast %gather3A_1444 : vector<16xf32> to vector<16xf32>
      tpu.vector_store %swap3A_1471[%swap3A_1472], %swap3A_1475 {strides = array<i32>} : memref<128xf32, #tpu.memory_space<vmem>>, vector<16xf32>,
      %swap3A_1476 = arith.constant 0 : i32
      %swap3A_1477 = tpu.memref_slice %arg7[%add3A_1448, %swap3A_1476] : memref<400x128xf32, #tpu.memory_space<vmem>> -> memref<1x128xf32, #tpu.memory_space<vmem>>
      %swap3A_1478 = tpu.memref_squeeze %swap3A_1477 : memref<1x128xf32, #tpu.memory_space<vmem>> -> memref<128xf32, #tpu.memory_space<vmem>>
      %swap3A_1479 = arith.constant 64 : index
      %swap3A_1480 = tpu.vector_load %swap3A_1478[%swap3A_1479] {strides = array<i32>} : memref<128xf32, #tpu.memory_space<vmem>>, vector<16xf32>,
      %swap3A_1481 = vector.shape_cast %swap3A_1480 : vector<16xf32> to vector<16xf32>
      %swap3A_1482 = vector.shape_cast %gather3A_1444 : vector<16xf32> to vector<16xf32>
      tpu.vector_store %swap3A_1478[%swap3A_1479], %swap3A_1482 {strides = array<i32>} : memref<128xf32, #tpu.memory_space<vmem>>, vector<16xf32>,
      %swap3A_1483 = arith.constant 0 : i32
      %swap3A_1484 = tpu.memref_slice %arg7[%add3A_1448, %swap3A_1483] : memref<400x128xf32, #tpu.memory_space<vmem>> -> memref<1x128xf32, #tpu.memory_space<vmem>>
      %swap3A_1485 = tpu.memref_squeeze %swap3A_1484 : memref<1x128xf32, #tpu.memory_space<vmem>> -> memref<128xf32, #tpu.memory_space<vmem>>
      %swap3A_1486 = arith.constant 80 : index
      %swap3A_1487 = tpu.vector_load %swap3A_1485[%swap3A_1486] {strides = array<i32>} : memref<128xf32, #tpu.memory_space<vmem>>, vector<16xf32>,
      %swap3A_1488 = vector.shape_cast %swap3A_1487 : vector<16xf32> to vector<16xf32>
      %swap3A_1489 = vector.shape_cast %gather3A_1444 : vector<16xf32> to vector<16xf32>
      tpu.vector_store %swap3A_1485[%swap3A_1486], %swap3A_1489 {strides = array<i32>} : memref<128xf32, #tpu.memory_space<vmem>>, vector<16xf32>,
      %swap3A_1490 = arith.constant 0 : i32
      %swap3A_1491 = tpu.memref_slice %arg7[%add3A_1448, %swap3A_1490] : memref<400x128xf32, #tpu.memory_space<vmem>> -> memref<1x128xf32, #tpu.memory_space<vmem>>
      %swap3A_1492 = tpu.memref_squeeze %swap3A_1491 : memref<1x128xf32, #tpu.memory_space<vmem>> -> memref<128xf32, #tpu.memory_space<vmem>>
      %swap3A_1493 = arith.constant 96 : index
      %swap3A_1494 = tpu.vector_load %swap3A_1492[%swap3A_1493] {strides = array<i32>} : memref<128xf32, #tpu.memory_space<vmem>>, vector<16xf32>,
      %swap3A_1495 = vector.shape_cast %swap3A_1494 : vector<16xf32> to vector<16xf32>
      %swap3A_1496 = vector.shape_cast %gather3A_1444 : vector<16xf32> to vector<16xf32>
      tpu.vector_store %swap3A_1492[%swap3A_1493], %swap3A_1496 {strides = array<i32>} : memref<128xf32, #tpu.memory_space<vmem>>, vector<16xf32>,
      %swap3A_1497 = arith.constant 0 : i32
      %swap3A_1498 = tpu.memref_slice %arg7[%add3A_1448, %swap3A_1497] : memref<400x128xf32, #tpu.memory_space<vmem>> -> memref<1x128xf32, #tpu.memory_space<vmem>>
      %swap3A_1499 = tpu.memref_squeeze %swap3A_1498 : memref<1x128xf32, #tpu.memory_space<vmem>> -> memref<128xf32, #tpu.memory_space<vmem>>
      %swap3A_1500 = arith.constant 112 : index
      %swap3A_1501 = tpu.vector_load %swap3A_1499[%swap3A_1500] {strides = array<i32>} : memref<128xf32, #tpu.memory_space<vmem>>, vector<16xf32>,
      %swap3A_1502 = vector.shape_cast %swap3A_1501 : vector<16xf32> to vector<16xf32>
      %swap3A_1503 = vector.shape_cast %gather3A_1444 : vector<16xf32> to vector<16xf32>
      tpu.vector_store %swap3A_1499[%swap3A_1500], %swap3A_1503 {strides = array<i32>} : memref<128xf32, #tpu.memory_space<vmem>>, vector<16xf32>,
      %broadcast_in_dim3A_1504 = arith.constant 1 : i32
      %broadcast_in_dim3A_1505 = vector.broadcast %broadcast_in_dim3A_1504 : i32 to vector<16xi32>
      %lt3A_1506 = arith.constant 0 : i32
      %lt3A_1507 = vector.broadcast %lt3A_1506 : i32 to vector<16xi32>
      %lt3A_1508 = arith.cmpi slt, %broadcast_in_dim3A_1505, %lt3A_1507 : vector<16xi32>
      %add3A_1509 = arith.constant 16 : i32
      %add3A_1510 = vector.broadcast %add3A_1509 : i32 to vector<16xi32>
      %add3A_1511 = arith.addi %broadcast_in_dim3A_1505, %add3A_1510 : vector<16xi32>
      %select_n3A_1512 = arith.select %lt3A_1508, %add3A_1511, %broadcast_in_dim3A_1505 : vector<16xi1>, vector<16xi32>
      %broadcast_in_dim3A_1513 = vector.shape_cast %select_n3A_1512 : vector<16xi32> to vector<16x1xi32>
      %gather3A_1514 = vector.shape_cast %broadcast_in_dim3A_1513 : vector<16x1xi32> to vector<16xi32>
      %gather3A_1515 = tpu.dynamic_gather %add3A_1436[%gather3A_1514] in [0] : vector<16xf32>, vector<16xi32> -> vector<16xf32>
      %mul3A_1516 = arith.constant 16 : i32
      %mul3A_1517 = arith.muli %scan3A_1428, %mul3A_1516 : i32
      %add3A_1518 = arith.constant 1 : i32
      %add3A_1519 = arith.addi %mul3A_1517, %add3A_1518 : i32
      %swap3A_1520 = arith.constant 0 : i32
      %swap3A_1521 = tpu.memref_slice %arg7[%add3A_1519, %swap3A_1520] : memref<400x128xf32, #tpu.memory_space<vmem>> -> memref<1x128xf32, #tpu.memory_space<vmem>>
      %swap3A_1522 = tpu.memref_squeeze %swap3A_1521 : memref<1x128xf32, #tpu.memory_space<vmem>> -> memref<128xf32, #tpu.memory_space<vmem>>
      %swap3A_1523 = arith.constant 0 : index
      %swap3A_1524 = tpu.vector_load %swap3A_1522[%swap3A_1523] {strides = array<i32>} : memref<128xf32, #tpu.memory_space<vmem>>, vector<16xf32>,
      %swap3A_1525 = vector.shape_cast %swap3A_1524 : vector<16xf32> to vector<16xf32>
      %swap3A_1526 = vector.shape_cast %gather3A_1515 : vector<16xf32> to vector<16xf32>
      tpu.vector_store %swap3A_1522[%swap3A_1523], %swap3A_1526 {strides = array<i32>} : memref<128xf32, #tpu.memory_space<vmem>>, vector<16xf32>,
      %swap3A_1527 = arith.constant 0 : i32
      %swap3A_1528 = tpu.memref_slice %arg7[%add3A_1519, %swap3A_1527] : memref<400x128xf32, #tpu.memory_space<vmem>> -> memref<1x128xf32, #tpu.memory_space<vmem>>
      %swap3A_1529 = tpu.memref_squeeze %swap3A_1528 : memref<1x128xf32, #tpu.memory_space<vmem>> -> memref<128xf32, #tpu.memory_space<vmem>>
      %swap3A_1530 = arith.constant 16 : index
      %swap3A_1531 = tpu.vector_load %swap3A_1529[%swap3A_1530] {strides = array<i32>} : memref<128xf32, #tpu.memory_space<vmem>>, vector<16xf32>,
      %swap3A_1532 = vector.shape_cast %swap3A_1531 : vector<16xf32> to vector<16xf32>
      %swap3A_1533 = vector.shape_cast %gather3A_1515 : vector<16xf32> to vector<16xf32>
      tpu.vector_store %swap3A_1529[%swap3A_1530], %swap3A_1533 {strides = array<i32>} : memref<128xf32, #tpu.memory_space<vmem>>, vector<16xf32>,
      %swap3A_1534 = arith.constant 0 : i32
      %swap3A_1535 = tpu.memref_slice %arg7[%add3A_1519, %swap3A_1534] : memref<400x128xf32, #tpu.memory_space<vmem>> -> memref<1x128xf32, #tpu.memory_space<vmem>>
      %swap3A_1536 = tpu.memref_squeeze %swap3A_1535 : memref<1x128xf32, #tpu.memory_space<vmem>> -> memref<128xf32, #tpu.memory_space<vmem>>
      %swap3A_1537 = arith.constant 32 : index
      %swap3A_1538 = tpu.vector_load %swap3A_1536[%swap3A_1537] {strides = array<i32>} : memref<128xf32, #tpu.memory_space<vmem>>, vector<16xf32>,
      %swap3A_1539 = vector.shape_cast %swap3A_1538 : vector<16xf32> to vector<16xf32>
      %swap3A_1540 = vector.shape_cast %gather3A_1515 : vector<16xf32> to vector<16xf32>
      tpu.vector_store %swap3A_1536[%swap3A_1537], %swap3A_1540 {strides = array<i32>} : memref<128xf32, #tpu.memory_space<vmem>>, vector<16xf32>,
      %swap3A_1541 = arith.constant 0 : i32
      %swap3A_1542 = tpu.memref_slice %arg7[%add3A_1519, %swap3A_1541] : memref<400x128xf32, #tpu.memory_space<vmem>> -> memref<1x128xf32, #tpu.memory_space<vmem>>
      %swap3A_1543 = tpu.memref_squeeze %swap3A_1542 : memref<1x128xf32, #tpu.memory_space<vmem>> -> memref<128xf32, #tpu.memory_space<vmem>>
      %swap3A_1544 = arith.constant 48 : index
      %swap3A_1545 = tpu.vector_load %swap3A_1543[%swap3A_1544] {strides = array<i32>} : memref<128xf32, #tpu.memory_space<vmem>>, vector<16xf32>,
      %swap3A_1546 = vector.shape_cast %swap3A_1545 : vector<16xf32> to vector<16xf32>
      %swap3A_1547 = vector.shape_cast %gather3A_1515 : vector<16xf32> to vector<16xf32>
      tpu.vector_store %swap3A_1543[%swap3A_1544], %swap3A_1547 {strides = array<i32>} : memref<128xf32, #tpu.memory_space<vmem>>, vector<16xf32>,
      %swap3A_1548 = arith.constant 0 : i32
      %swap3A_1549 = tpu.memref_slice %arg7[%add3A_1519, %swap3A_1548] : memref<400x128xf32, #tpu.memory_space<vmem>> -> memref<1x128xf32, #tpu.memory_space<vmem>>
      %swap3A_1550 = tpu.memref_squeeze %swap3A_1549 : memref<1x128xf32, #tpu.memory_space<vmem>> -> memref<128xf32, #tpu.memory_space<vmem>>
      %swap3A_1551 = arith.constant 64 : index
      %swap3A_1552 = tpu.vector_load %swap3A_1550[%swap3A_1551] {strides = array<i32>} : memref<128xf32, #tpu.memory_space<vmem>>, vector<16xf32>,
      %swap3A_1553 = vector.shape_cast %swap3A_1552 : vector<16xf32> to vector<16xf32>
      %swap3A_1554 = vector.shape_cast %gather3A_1515 : vector<16xf32> to vector<16xf32>
      tpu.vector_store %swap3A_1550[%swap3A_1551], %swap3A_1554 {strides = array<i32>} : memref<128xf32, #tpu.memory_space<vmem>>, vector<16xf32>,
      %swap3A_1555 = arith.constant 0 : i32
      %swap3A_1556 = tpu.memref_slice %arg7[%add3A_1519, %swap3A_1555] : memref<400x128xf32, #tpu.memory_space<vmem>> -> memref<1x128xf32, #tpu.memory_space<vmem>>
      %swap3A_1557 = tpu.memref_squeeze %swap3A_1556 : memref<1x128xf32, #tpu.memory_space<vmem>> -> memref<128xf32, #tpu.memory_space<vmem>>
      %swap3A_1558 = arith.constant 80 : index
      %swap3A_1559 = tpu.vector_load %swap3A_1557[%swap3A_1558] {strides = array<i32>} : memref<128xf32, #tpu.memory_space<vmem>>, vector<16xf32>,
      %swap3A_1560 = vector.shape_cast %swap3A_1559 : vector<16xf32> to vector<16xf32>
      %swap3A_1561 = vector.shape_cast %gather3A_1515 : vector<16xf32> to vector<16xf32>
      tpu.vector_store %swap3A_1557[%swap3A_1558], %swap3A_1561 {strides = array<i32>} : memref<128xf32, #tpu.memory_space<vmem>>, vector<16xf32>,
      %swap3A_1562 = arith.constant 0 : i32
      %swap3A_1563 = tpu.memref_slice %arg7[%add3A_1519, %swap3A_1562] : memref<400x128xf32, #tpu.memory_space<vmem>> -> memref<1x128xf32, #tpu.memory_space<vmem>>
      %swap3A_1564 = tpu.memref_squeeze %swap3A_1563 : memref<1x128xf32, #tpu.memory_space<vmem>> -> memref<128xf32, #tpu.memory_space<vmem>>
      %swap3A_1565 = arith.constant 96 : index
      %swap3A_1566 = tpu.vector_load %swap3A_1564[%swap3A_1565] {strides = array<i32>} : memref<128xf32, #tpu.memory_space<vmem>>, vector<16xf32>,
      %swap3A_1567 = vector.shape_cast %swap3A_1566 : vector<16xf32> to vector<16xf32>
      %swap3A_1568 = vector.shape_cast %gather3A_1515 : vector<16xf32> to vector<16xf32>
      tpu.vector_store %swap3A_1564[%swap3A_1565], %swap3A_1568 {strides = array<i32>} : memref<128xf32, #tpu.memory_space<vmem>>, vector<16xf32>,
      %swap3A_1569 = arith.constant 0 : i32
      %swap3A_1570 = tpu.memref_slice %arg7[%add3A_1519, %swap3A_1569] : memref<400x128xf32, #tpu.memory_space<vmem>> -> memref<1x128xf32, #tpu.memory_space<vmem>>
      %swap3A_1571 = tpu.memref_squeeze %swap3A_1570 : memref<1x128xf32, #tpu.memory_space<vmem>> -> memref<128xf32, #tpu.memory_space<vmem>>
      %swap3A_1572 = arith.constant 112 : index
      %swap3A_1573 = tpu.vector_load %swap3A_1571[%swap3A_1572] {strides = array<i32>} : memref<128xf32, #tpu.memory_space<vmem>>, vector<16xf32>,
      %swap3A_1574 = vector.shape_cast %swap3A_1573 : vector<16xf32> to vector<16xf32>
      %swap3A_1575 = vector.shape_cast %gather3A_1515 : vector<16xf32> to vector<16xf32>
      tpu.vector_store %swap3A_1571[%swap3A_1572], %swap3A_1575 {strides = array<i32>} : memref<128xf32, #tpu.memory_space<vmem>>, vector<16xf32>,
      %broadcast_in_dim3A_1576 = arith.constant 2 : i32
      %broadcast_in_dim3A_1577 = vector.broadcast %broadcast_in_dim3A_1576 : i32 to vector<16xi32>
      %lt3A_1578 = arith.constant 0 : i32
      %lt3A_1579 = vector.broadcast %lt3A_1578 : i32 to vector<16xi32>
      %lt3A_1580 = arith.cmpi slt, %broadcast_in_dim3A_1577, %lt3A_1579 : vector<16xi32>
      %add3A_1581 = arith.constant 16 : i32
      %add3A_1582 = vector.broadcast %add3A_1581 : i32 to vector<16xi32>
      %add3A_1583 = arith.addi %broadcast_in_dim3A_1577, %add3A_1582 : vector<16xi32>
      %select_n3A_1584 = arith.select %lt3A_1580, %add3A_1583, %broadcast_in_dim3A_1577 : vector<16xi1>, vector<16xi32>
      %broadcast_in_dim3A_1585 = vector.shape_cast %select_n3A_1584 : vector<16xi32> to vector<16x1xi32>
      %gather3A_1586 = vector.shape_cast %broadcast_in_dim3A_1585 : vector<16x1xi32> to vector<16xi32>
      %gather3A_1587 = tpu.dynamic_gather %add3A_1436[%gather3A_1586] in [0] : vector<16xf32>, vector<16xi32> -> vector<16xf32>
      %mul3A_1588 = arith.constant 16 : i32
      %mul3A_1589 = arith.muli %scan3A_1428, %mul3A_1588 : i32
      %add3A_1590 = arith.constant 2 : i32
      %add3A_1591 = arith.addi %mul3A_1589, %add3A_1590 : i32
      %swap3A_1592 = arith.constant 0 : i32
      %swap3A_1593 = tpu.memref_slice %arg7[%add3A_1591, %swap3A_1592] : memref<400x128xf32, #tpu.memory_space<vmem>> -> memref<1x128xf32, #tpu.memory_space<vmem>>
      %swap3A_1594 = tpu.memref_squeeze %swap3A_1593 : memref<1x128xf32, #tpu.memory_space<vmem>> -> memref<128xf32, #tpu.memory_space<vmem>>
      %swap3A_1595 = arith.constant 0 : index
      %swap3A_1596 = tpu.vector_load %swap3A_1594[%swap3A_1595] {strides = array<i32>} : memref<128xf32, #tpu.memory_space<vmem>>, vector<16xf32>,
      %swap3A_1597 = vector.shape_cast %swap3A_1596 : vector<16xf32> to vector<16xf32>
      %swap3A_1598 = vector.shape_cast %gather3A_1587 : vector<16xf32> to vector<16xf32>
      tpu.vector_store %swap3A_1594[%swap3A_1595], %swap3A_1598 {strides = array<i32>} : memref<128xf32, #tpu.memory_space<vmem>>, vector<16xf32>,
      %swap3A_1599 = arith.constant 0 : i32
      %swap3A_1600 = tpu.memref_slice %arg7[%add3A_1591, %swap3A_1599] : memref<400x128xf32, #tpu.memory_space<vmem>> -> memref<1x128xf32, #tpu.memory_space<vmem>>
      %swap3A_1601 = tpu.memref_squeeze %swap3A_1600 : memref<1x128xf32, #tpu.memory_space<vmem>> -> memref<128xf32, #tpu.memory_space<vmem>>
      %swap3A_1602 = arith.constant 16 : index
      %swap3A_1603 = tpu.vector_load %swap3A_1601[%swap3A_1602] {strides = array<i32>} : memref<128xf32, #tpu.memory_space<vmem>>, vector<16xf32>,
      %swap3A_1604 = vector.shape_cast %swap3A_1603 : vector<16xf32> to vector<16xf32>
      %swap3A_1605 = vector.shape_cast %gather3A_1587 : vector<16xf32> to vector<16xf32>
      tpu.vector_store %swap3A_1601[%swap3A_1602], %swap3A_1605 {strides = array<i32>} : memref<128xf32, #tpu.memory_space<vmem>>, vector<16xf32>,
      %swap3A_1606 = arith.constant 0 : i32
      %swap3A_1607 = tpu.memref_slice %arg7[%add3A_1591, %swap3A_1606] : memref<400x128xf32, #tpu.memory_space<vmem>> -> memref<1x128xf32, #tpu.memory_space<vmem>>
      %swap3A_1608 = tpu.memref_squeeze %swap3A_1607 : memref<1x128xf32, #tpu.memory_space<vmem>> -> memref<128xf32, #tpu.memory_space<vmem>>
      %swap3A_1609 = arith.constant 32 : index
      %swap3A_1610 = tpu.vector_load %swap3A_1608[%swap3A_1609] {strides = array<i32>} : memref<128xf32, #tpu.memory_space<vmem>>, vector<16xf32>,
      %swap3A_1611 = vector.shape_cast %swap3A_1610 : vector<16xf32> to vector<16xf32>
      %swap3A_1612 = vector.shape_cast %gather3A_1587 : vector<16xf32> to vector<16xf32>
      tpu.vector_store %swap3A_1608[%swap3A_1609], %swap3A_1612 {strides = array<i32>} : memref<128xf32, #tpu.memory_space<vmem>>, vector<16xf32>,
      %swap3A_1613 = arith.constant 0 : i32
      %swap3A_1614 = tpu.memref_slice %arg7[%add3A_1591, %swap3A_1613] : memref<400x128xf32, #tpu.memory_space<vmem>> -> memref<1x128xf32, #tpu.memory_space<vmem>>
      %swap3A_1615 = tpu.memref_squeeze %swap3A_1614 : memref<1x128xf32, #tpu.memory_space<vmem>> -> memref<128xf32, #tpu.memory_space<vmem>>
      %swap3A_1616 = arith.constant 48 : index
      %swap3A_1617 = tpu.vector_load %swap3A_1615[%swap3A_1616] {strides = array<i32>} : memref<128xf32, #tpu.memory_space<vmem>>, vector<16xf32>,
      %swap3A_1618 = vector.shape_cast %swap3A_1617 : vector<16xf32> to vector<16xf32>
      %swap3A_1619 = vector.shape_cast %gather3A_1587 : vector<16xf32> to vector<16xf32>
      tpu.vector_store %swap3A_1615[%swap3A_1616], %swap3A_1619 {strides = array<i32>} : memref<128xf32, #tpu.memory_space<vmem>>, vector<16xf32>,
      %swap3A_1620 = arith.constant 0 : i32
      %swap3A_1621 = tpu.memref_slice %arg7[%add3A_1591, %swap3A_1620] : memref<400x128xf32, #tpu.memory_space<vmem>> -> memref<1x128xf32, #tpu.memory_space<vmem>>
      %swap3A_1622 = tpu.memref_squeeze %swap3A_1621 : memref<1x128xf32, #tpu.memory_space<vmem>> -> memref<128xf32, #tpu.memory_space<vmem>>
      %swap3A_1623 = arith.constant 64 : index
      %swap3A_1624 = tpu.vector_load %swap3A_1622[%swap3A_1623] {strides = array<i32>} : memref<128xf32, #tpu.memory_space<vmem>>, vector<16xf32>,
      %swap3A_1625 = vector.shape_cast %swap3A_1624 : vector<16xf32> to vector<16xf32>
      %swap3A_1626 = vector.shape_cast %gather3A_1587 : vector<16xf32> to vector<16xf32>
      tpu.vector_store %swap3A_1622[%swap3A_1623], %swap3A_1626 {strides = array<i32>} : memref<128xf32, #tpu.memory_space<vmem>>, vector<16xf32>,
      %swap3A_1627 = arith.constant 0 : i32
      %swap3A_1628 = tpu.memref_slice %arg7[%add3A_1591, %swap3A_1627] : memref<400x128xf32, #tpu.memory_space<vmem>> -> memref<1x128xf32, #tpu.memory_space<vmem>>
      %swap3A_1629 = tpu.memref_squeeze %swap3A_1628 : memref<1x128xf32, #tpu.memory_space<vmem>> -> memref<128xf32, #tpu.memory_space<vmem>>
      %swap3A_1630 = arith.constant 80 : index
      %swap3A_1631 = tpu.vector_load %swap3A_1629[%swap3A_1630] {strides = array<i32>} : memref<128xf32, #tpu.memory_space<vmem>>, vector<16xf32>,
      %swap3A_1632 = vector.shape_cast %swap3A_1631 : vector<16xf32> to vector<16xf32>
      %swap3A_1633 = vector.shape_cast %gather3A_1587 : vector<16xf32> to vector<16xf32>
      tpu.vector_store %swap3A_1629[%swap3A_1630], %swap3A_1633 {strides = array<i32>} : memref<128xf32, #tpu.memory_space<vmem>>, vector<16xf32>,
      %swap3A_1634 = arith.constant 0 : i32
      %swap3A_1635 = tpu.memref_slice %arg7[%add3A_1591, %swap3A_1634] : memref<400x128xf32, #tpu.memory_space<vmem>> -> memref<1x128xf32, #tpu.memory_space<vmem>>
      %swap3A_1636 = tpu.memref_squeeze %swap3A_1635 : memref<1x128xf32, #tpu.memory_space<vmem>> -> memref<128xf32, #tpu.memory_space<vmem>>
      %swap3A_1637 = arith.constant 96 : index
      %swap3A_1638 = tpu.vector_load %swap3A_1636[%swap3A_1637] {strides = array<i32>} : memref<128xf32, #tpu.memory_space<vmem>>, vector<16xf32>,
      %swap3A_1639 = vector.shape_cast %swap3A_1638 : vector<16xf32> to vector<16xf32>
      %swap3A_1640 = vector.shape_cast %gather3A_1587 : vector<16xf32> to vector<16xf32>
      tpu.vector_store %swap3A_1636[%swap3A_1637], %swap3A_1640 {strides = array<i32>} : memref<128xf32, #tpu.memory_space<vmem>>, vector<16xf32>,
      %swap3A_1641 = arith.constant 0 : i32
      %swap3A_1642 = tpu.memref_slice %arg7[%add3A_1591, %swap3A_1641] : memref<400x128xf32, #tpu.memory_space<vmem>> -> memref<1x128xf32, #tpu.memory_space<vmem>>
      %swap3A_1643 = tpu.memref_squeeze %swap3A_1642 : memref<1x128xf32, #tpu.memory_space<vmem>> -> memref<128xf32, #tpu.memory_space<vmem>>
      %swap3A_1644 = arith.constant 112 : index
      %swap3A_1645 = tpu.vector_load %swap3A_1643[%swap3A_1644] {strides = array<i32>} : memref<128xf32, #tpu.memory_space<vmem>>, vector<16xf32>,
      %swap3A_1646 = vector.shape_cast %swap3A_1645 : vector<16xf32> to vector<16xf32>
      %swap3A_1647 = vector.shape_cast %gather3A_1587 : vector<16xf32> to vector<16xf32>
      tpu.vector_store %swap3A_1643[%swap3A_1644], %swap3A_1647 {strides = array<i32>} : memref<128xf32, #tpu.memory_space<vmem>>, vector<16xf32>,
      %broadcast_in_dim3A_1648 = arith.constant 3 : i32
      %broadcast_in_dim3A_1649 = vector.broadcast %broadcast_in_dim3A_1648 : i32 to vector<16xi32>
      %lt3A_1650 = arith.constant 0 : i32
      %lt3A_1651 = vector.broadcast %lt3A_1650 : i32 to vector<16xi32>
      %lt3A_1652 = arith.cmpi slt, %broadcast_in_dim3A_1649, %lt3A_1651 : vector<16xi32>
      %add3A_1653 = arith.constant 16 : i32
      %add3A_1654 = vector.broadcast %add3A_1653 : i32 to vector<16xi32>
      %add3A_1655 = arith.addi %broadcast_in_dim3A_1649, %add3A_1654 : vector<16xi32>
      %select_n3A_1656 = arith.select %lt3A_1652, %add3A_1655, %broadcast_in_dim3A_1649 : vector<16xi1>, vector<16xi32>
      %broadcast_in_dim3A_1657 = vector.shape_cast %select_n3A_1656 : vector<16xi32> to vector<16x1xi32>
      %gather3A_1658 = vector.shape_cast %broadcast_in_dim3A_1657 : vector<16x1xi32> to vector<16xi32>
      %gather3A_1659 = tpu.dynamic_gather %add3A_1436[%gather3A_1658] in [0] : vector<16xf32>, vector<16xi32> -> vector<16xf32>
      %mul3A_1660 = arith.constant 16 : i32
      %mul3A_1661 = arith.muli %scan3A_1428, %mul3A_1660 : i32
      %add3A_1662 = arith.constant 3 : i32
      %add3A_1663 = arith.addi %mul3A_1661, %add3A_1662 : i32
      %swap3A_1664 = arith.constant 0 : i32
      %swap3A_1665 = tpu.memref_slice %arg7[%add3A_1663, %swap3A_1664] : memref<400x128xf32, #tpu.memory_space<vmem>> -> memref<1x128xf32, #tpu.memory_space<vmem>>
      %swap3A_1666 = tpu.memref_squeeze %swap3A_1665 : memref<1x128xf32, #tpu.memory_space<vmem>> -> memref<128xf32, #tpu.memory_space<vmem>>
      %swap3A_1667 = arith.constant 0 : index
      %swap3A_1668 = tpu.vector_load %swap3A_1666[%swap3A_1667] {strides = array<i32>} : memref<128xf32, #tpu.memory_space<vmem>>, vector<16xf32>,
      %swap3A_1669 = vector.shape_cast %swap3A_1668 : vector<16xf32> to vector<16xf32>
      %swap3A_1670 = vector.shape_cast %gather3A_1659 : vector<16xf32> to vector<16xf32>
      tpu.vector_store %swap3A_1666[%swap3A_1667], %swap3A_1670 {strides = array<i32>} : memref<128xf32, #tpu.memory_space<vmem>>, vector<16xf32>,
      %swap3A_1671 = arith.constant 0 : i32
      %swap3A_1672 = tpu.memref_slice %arg7[%add3A_1663, %swap3A_1671] : memref<400x128xf32, #tpu.memory_space<vmem>> -> memref<1x128xf32, #tpu.memory_space<vmem>>
      %swap3A_1673 = tpu.memref_squeeze %swap3A_1672 : memref<1x128xf32, #tpu.memory_space<vmem>> -> memref<128xf32, #tpu.memory_space<vmem>>
      %swap3A_1674 = arith.constant 16 : index
      %swap3A_1675 = tpu.vector_load %swap3A_1673[%swap3A_1674] {strides = array<i32>} : memref<128xf32, #tpu.memory_space<vmem>>, vector<16xf32>,
      %swap3A_1676 = vector.shape_cast %swap3A_1675 : vector<16xf32> to vector<16xf32>
      %swap3A_1677 = vector.shape_cast %gather3A_1659 : vector<16xf32> to vector<16xf32>
      tpu.vector_store %swap3A_1673[%swap3A_1674], %swap3A_1677 {strides = array<i32>} : memref<128xf32, #tpu.memory_space<vmem>>, vector<16xf32>,
      %swap3A_1678 = arith.constant 0 : i32
      %swap3A_1679 = tpu.memref_slice %arg7[%add3A_1663, %swap3A_1678] : memref<400x128xf32, #tpu.memory_space<vmem>> -> memref<1x128xf32, #tpu.memory_space<vmem>>
      %swap3A_1680 = tpu.memref_squeeze %swap3A_1679 : memref<1x128xf32, #tpu.memory_space<vmem>> -> memref<128xf32, #tpu.memory_space<vmem>>
      %swap3A_1681 = arith.constant 32 : index
      %swap3A_1682 = tpu.vector_load %swap3A_1680[%swap3A_1681] {strides = array<i32>} : memref<128xf32, #tpu.memory_space<vmem>>, vector<16xf32>,
      %swap3A_1683 = vector.shape_cast %swap3A_1682 : vector<16xf32> to vector<16xf32>
      %swap3A_1684 = vector.shape_cast %gather3A_1659 : vector<16xf32> to vector<16xf32>
      tpu.vector_store %swap3A_1680[%swap3A_1681], %swap3A_1684 {strides = array<i32>} : memref<128xf32, #tpu.memory_space<vmem>>, vector<16xf32>,
      %swap3A_1685 = arith.constant 0 : i32
      %swap3A_1686 = tpu.memref_slice %arg7[%add3A_1663, %swap3A_1685] : memref<400x128xf32, #tpu.memory_space<vmem>> -> memref<1x128xf32, #tpu.memory_space<vmem>>
      %swap3A_1687 = tpu.memref_squeeze %swap3A_1686 : memref<1x128xf32, #tpu.memory_space<vmem>> -> memref<128xf32, #tpu.memory_space<vmem>>
      %swap3A_1688 = arith.constant 48 : index
      %swap3A_1689 = tpu.vector_load %swap3A_1687[%swap3A_1688] {strides = array<i32>} : memref<128xf32, #tpu.memory_space<vmem>>, vector<16xf32>,
      %swap3A_1690 = vector.shape_cast %swap3A_1689 : vector<16xf32> to vector<16xf32>
      %swap3A_1691 = vector.shape_cast %gather3A_1659 : vector<16xf32> to vector<16xf32>
      tpu.vector_store %swap3A_1687[%swap3A_1688], %swap3A_1691 {strides = array<i32>} : memref<128xf32, #tpu.memory_space<vmem>>, vector<16xf32>,
      %swap3A_1692 = arith.constant 0 : i32
      %swap3A_1693 = tpu.memref_slice %arg7[%add3A_1663, %swap3A_1692] : memref<400x128xf32, #tpu.memory_space<vmem>> -> memref<1x128xf32, #tpu.memory_space<vmem>>
      %swap3A_1694 = tpu.memref_squeeze %swap3A_1693 : memref<1x128xf32, #tpu.memory_space<vmem>> -> memref<128xf32, #tpu.memory_space<vmem>>
      %swap3A_1695 = arith.constant 64 : index
      %swap3A_1696 = tpu.vector_load %swap3A_1694[%swap3A_1695] {strides = array<i32>} : memref<128xf32, #tpu.memory_space<vmem>>, vector<16xf32>,
      %swap3A_1697 = vector.shape_cast %swap3A_1696 : vector<16xf32> to vector<16xf32>
      %swap3A_1698 = vector.shape_cast %gather3A_1659 : vector<16xf32> to vector<16xf32>
      tpu.vector_store %swap3A_1694[%swap3A_1695], %swap3A_1698 {strides = array<i32>} : memref<128xf32, #tpu.memory_space<vmem>>, vector<16xf32>,
      %swap3A_1699 = arith.constant 0 : i32
      %swap3A_1700 = tpu.memref_slice %arg7[%add3A_1663, %swap3A_1699] : memref<400x128xf32, #tpu.memory_space<vmem>> -> memref<1x128xf32, #tpu.memory_space<vmem>>
      %swap3A_1701 = tpu.memref_squeeze %swap3A_1700 : memref<1x128xf32, #tpu.memory_space<vmem>> -> memref<128xf32, #tpu.memory_space<vmem>>
      %swap3A_1702 = arith.constant 80 : index
      %swap3A_1703 = tpu.vector_load %swap3A_1701[%swap3A_1702] {strides = array<i32>} : memref<128xf32, #tpu.memory_space<vmem>>, vector<16xf32>,
      %swap3A_1704 = vector.shape_cast %swap3A_1703 : vector<16xf32> to vector<16xf32>
      %swap3A_1705 = vector.shape_cast %gather3A_1659 : vector<16xf32> to vector<16xf32>
      tpu.vector_store %swap3A_1701[%swap3A_1702], %swap3A_1705 {strides = array<i32>} : memref<128xf32, #tpu.memory_space<vmem>>, vector<16xf32>,
      %swap3A_1706 = arith.constant 0 : i32
      %swap3A_1707 = tpu.memref_slice %arg7[%add3A_1663, %swap3A_1706] : memref<400x128xf32, #tpu.memory_space<vmem>> -> memref<1x128xf32, #tpu.memory_space<vmem>>
      %swap3A_1708 = tpu.memref_squeeze %swap3A_1707 : memref<1x128xf32, #tpu.memory_space<vmem>> -> memref<128xf32, #tpu.memory_space<vmem>>
      %swap3A_1709 = arith.constant 96 : index
      %swap3A_1710 = tpu.vector_load %swap3A_1708[%swap3A_1709] {strides = array<i32>} : memref<128xf32, #tpu.memory_space<vmem>>, vector<16xf32>,
      %swap3A_1711 = vector.shape_cast %swap3A_1710 : vector<16xf32> to vector<16xf32>
      %swap3A_1712 = vector.shape_cast %gather3A_1659 : vector<16xf32> to vector<16xf32>
      tpu.vector_store %swap3A_1708[%swap3A_1709], %swap3A_1712 {strides = array<i32>} : memref<128xf32, #tpu.memory_space<vmem>>, vector<16xf32>,
      %swap3A_1713 = arith.constant 0 : i32
      %swap3A_1714 = tpu.memref_slice %arg7[%add3A_1663, %swap3A_1713] : memref<400x128xf32, #tpu.memory_space<vmem>> -> memref<1x128xf32, #tpu.memory_space<vmem>>
      %swap3A_1715 = tpu.memref_squeeze %swap3A_1714 : memref<1x128xf32, #tpu.memory_space<vmem>> -> memref<128xf32, #tpu.memory_space<vmem>>
      %swap3A_1716 = arith.constant 112 : index
      %swap3A_1717 = tpu.vector_load %swap3A_1715[%swap3A_1716] {strides = array<i32>} : memref<128xf32, #tpu.memory_space<vmem>>, vector<16xf32>,
      %swap3A_1718 = vector.shape_cast %swap3A_1717 : vector<16xf32> to vector<16xf32>
      %swap3A_1719 = vector.shape_cast %gather3A_1659 : vector<16xf32> to vector<16xf32>
      tpu.vector_store %swap3A_1715[%swap3A_1716], %swap3A_1719 {strides = array<i32>} : memref<128xf32, #tpu.memory_space<vmem>>, vector<16xf32>,
      %broadcast_in_dim3A_1720 = arith.constant 4 : i32
      %broadcast_in_dim3A_1721 = vector.broadcast %broadcast_in_dim3A_1720 : i32 to vector<16xi32>
      %lt3A_1722 = arith.constant 0 : i32
      %lt3A_1723 = vector.broadcast %lt3A_1722 : i32 to vector<16xi32>
      %lt3A_1724 = arith.cmpi slt, %broadcast_in_dim3A_1721, %lt3A_1723 : vector<16xi32>
      %add3A_1725 = arith.constant 16 : i32
      %add3A_1726 = vector.broadcast %add3A_1725 : i32 to vector<16xi32>
      %add3A_1727 = arith.addi %broadcast_in_dim3A_1721, %add3A_1726 : vector<16xi32>
      %select_n3A_1728 = arith.select %lt3A_1724, %add3A_1727, %broadcast_in_dim3A_1721 : vector<16xi1>, vector<16xi32>
      %broadcast_in_dim3A_1729 = vector.shape_cast %select_n3A_1728 : vector<16xi32> to vector<16x1xi32>
      %gather3A_1730 = vector.shape_cast %broadcast_in_dim3A_1729 : vector<16x1xi32> to vector<16xi32>
      %gather3A_1731 = tpu.dynamic_gather %add3A_1436[%gather3A_1730] in [0] : vector<16xf32>, vector<16xi32> -> vector<16xf32>
      %mul3A_1732 = arith.constant 16 : i32
      %mul3A_1733 = arith.muli %scan3A_1428, %mul3A_1732 : i32
      %add3A_1734 = arith.constant 4 : i32
      %add3A_1735 = arith.addi %mul3A_1733, %add3A_1734 : i32
      %swap3A_1736 = arith.constant 0 : i32
      %swap3A_1737 = tpu.memref_slice %arg7[%add3A_1735, %swap3A_1736] : memref<400x128xf32, #tpu.memory_space<vmem>> -> memref<1x128xf32, #tpu.memory_space<vmem>>
      %swap3A_1738 = tpu.memref_squeeze %swap3A_1737 : memref<1x128xf32, #tpu.memory_space<vmem>> -> memref<128xf32, #tpu.memory_space<vmem>>
      %swap3A_1739 = arith.constant 0 : index
      %swap3A_1740 = tpu.vector_load %swap3A_1738[%swap3A_1739] {strides = array<i32>} : memref<128xf32, #tpu.memory_space<vmem>>, vector<16xf32>,
      %swap3A_1741 = vector.shape_cast %swap3A_1740 : vector<16xf32> to vector<16xf32>
      %swap3A_1742 = vector.shape_cast %gather3A_1731 : vector<16xf32> to vector<16xf32>
      tpu.vector_store %swap3A_1738[%swap3A_1739], %swap3A_1742 {strides = array<i32>} : memref<128xf32, #tpu.memory_space<vmem>>, vector<16xf32>,
      %swap3A_1743 = arith.constant 0 : i32
      %swap3A_1744 = tpu.memref_slice %arg7[%add3A_1735, %swap3A_1743] : memref<400x128xf32, #tpu.memory_space<vmem>> -> memref<1x128xf32, #tpu.memory_space<vmem>>
      %swap3A_1745 = tpu.memref_squeeze %swap3A_1744 : memref<1x128xf32, #tpu.memory_space<vmem>> -> memref<128xf32, #tpu.memory_space<vmem>>
      %swap3A_1746 = arith.constant 16 : index
      %swap3A_1747 = tpu.vector_load %swap3A_1745[%swap3A_1746] {strides = array<i32>} : memref<128xf32, #tpu.memory_space<vmem>>, vector<16xf32>,
      %swap3A_1748 = vector.shape_cast %swap3A_1747 : vector<16xf32> to vector<16xf32>
      %swap3A_1749 = vector.shape_cast %gather3A_1731 : vector<16xf32> to vector<16xf32>
      tpu.vector_store %swap3A_1745[%swap3A_1746], %swap3A_1749 {strides = array<i32>} : memref<128xf32, #tpu.memory_space<vmem>>, vector<16xf32>,
      %swap3A_1750 = arith.constant 0 : i32
      %swap3A_1751 = tpu.memref_slice %arg7[%add3A_1735, %swap3A_1750] : memref<400x128xf32, #tpu.memory_space<vmem>> -> memref<1x128xf32, #tpu.memory_space<vmem>>
      %swap3A_1752 = tpu.memref_squeeze %swap3A_1751 : memref<1x128xf32, #tpu.memory_space<vmem>> -> memref<128xf32, #tpu.memory_space<vmem>>
      %swap3A_1753 = arith.constant 32 : index
      %swap3A_1754 = tpu.vector_load %swap3A_1752[%swap3A_1753] {strides = array<i32>} : memref<128xf32, #tpu.memory_space<vmem>>, vector<16xf32>,
      %swap3A_1755 = vector.shape_cast %swap3A_1754 : vector<16xf32> to vector<16xf32>
      %swap3A_1756 = vector.shape_cast %gather3A_1731 : vector<16xf32> to vector<16xf32>
      tpu.vector_store %swap3A_1752[%swap3A_1753], %swap3A_1756 {strides = array<i32>} : memref<128xf32, #tpu.memory_space<vmem>>, vector<16xf32>,
      %swap3A_1757 = arith.constant 0 : i32
      %swap3A_1758 = tpu.memref_slice %arg7[%add3A_1735, %swap3A_1757] : memref<400x128xf32, #tpu.memory_space<vmem>> -> memref<1x128xf32, #tpu.memory_space<vmem>>
      %swap3A_1759 = tpu.memref_squeeze %swap3A_1758 : memref<1x128xf32, #tpu.memory_space<vmem>> -> memref<128xf32, #tpu.memory_space<vmem>>
      %swap3A_1760 = arith.constant 48 : index
      %swap3A_1761 = tpu.vector_load %swap3A_1759[%swap3A_1760] {strides = array<i32>} : memref<128xf32, #tpu.memory_space<vmem>>, vector<16xf32>,
      %swap3A_1762 = vector.shape_cast %swap3A_1761 : vector<16xf32> to vector<16xf32>
      %swap3A_1763 = vector.shape_cast %gather3A_1731 : vector<16xf32> to vector<16xf32>
      tpu.vector_store %swap3A_1759[%swap3A_1760], %swap3A_1763 {strides = array<i32>} : memref<128xf32, #tpu.memory_space<vmem>>, vector<16xf32>,
      %swap3A_1764 = arith.constant 0 : i32
      %swap3A_1765 = tpu.memref_slice %arg7[%add3A_1735, %swap3A_1764] : memref<400x128xf32, #tpu.memory_space<vmem>> -> memref<1x128xf32, #tpu.memory_space<vmem>>
      %swap3A_1766 = tpu.memref_squeeze %swap3A_1765 : memref<1x128xf32, #tpu.memory_space<vmem>> -> memref<128xf32, #tpu.memory_space<vmem>>
      %swap3A_1767 = arith.constant 64 : index
      %swap3A_1768 = tpu.vector_load %swap3A_1766[%swap3A_1767] {strides = array<i32>} : memref<128xf32, #tpu.memory_space<vmem>>, vector<16xf32>,
      %swap3A_1769 = vector.shape_cast %swap3A_1768 : vector<16xf32> to vector<16xf32>
      %swap3A_1770 = vector.shape_cast %gather3A_1731 : vector<16xf32> to vector<16xf32>
      tpu.vector_store %swap3A_1766[%swap3A_1767], %swap3A_1770 {strides = array<i32>} : memref<128xf32, #tpu.memory_space<vmem>>, vector<16xf32>,
      %swap3A_1771 = arith.constant 0 : i32
      %swap3A_1772 = tpu.memref_slice %arg7[%add3A_1735, %swap3A_1771] : memref<400x128xf32, #tpu.memory_space<vmem>> -> memref<1x128xf32, #tpu.memory_space<vmem>>
      %swap3A_1773 = tpu.memref_squeeze %swap3A_1772 : memref<1x128xf32, #tpu.memory_space<vmem>> -> memref<128xf32, #tpu.memory_space<vmem>>
      %swap3A_1774 = arith.constant 80 : index
      %swap3A_1775 = tpu.vector_load %swap3A_1773[%swap3A_1774] {strides = array<i32>} : memref<128xf32, #tpu.memory_space<vmem>>, vector<16xf32>,
      %swap3A_1776 = vector.shape_cast %swap3A_1775 : vector<16xf32> to vector<16xf32>
      %swap3A_1777 = vector.shape_cast %gather3A_1731 : vector<16xf32> to vector<16xf32>
      tpu.vector_store %swap3A_1773[%swap3A_1774], %swap3A_1777 {strides = array<i32>} : memref<128xf32, #tpu.memory_space<vmem>>, vector<16xf32>,
      %swap3A_1778 = arith.constant 0 : i32
      %swap3A_1779 = tpu.memref_slice %arg7[%add3A_1735, %swap3A_1778] : memref<400x128xf32, #tpu.memory_space<vmem>> -> memref<1x128xf32, #tpu.memory_space<vmem>>
      %swap3A_1780 = tpu.memref_squeeze %swap3A_1779 : memref<1x128xf32, #tpu.memory_space<vmem>> -> memref<128xf32, #tpu.memory_space<vmem>>
      %swap3A_1781 = arith.constant 96 : index
      %swap3A_1782 = tpu.vector_load %swap3A_1780[%swap3A_1781] {strides = array<i32>} : memref<128xf32, #tpu.memory_space<vmem>>, vector<16xf32>,
      %swap3A_1783 = vector.shape_cast %swap3A_1782 : vector<16xf32> to vector<16xf32>
      %swap3A_1784 = vector.shape_cast %gather3A_1731 : vector<16xf32> to vector<16xf32>
      tpu.vector_store %swap3A_1780[%swap3A_1781], %swap3A_1784 {strides = array<i32>} : memref<128xf32, #tpu.memory_space<vmem>>, vector<16xf32>,
      %swap3A_1785 = arith.constant 0 : i32
      %swap3A_1786 = tpu.memref_slice %arg7[%add3A_1735, %swap3A_1785] : memref<400x128xf32, #tpu.memory_space<vmem>> -> memref<1x128xf32, #tpu.memory_space<vmem>>
      %swap3A_1787 = tpu.memref_squeeze %swap3A_1786 : memref<1x128xf32, #tpu.memory_space<vmem>> -> memref<128xf32, #tpu.memory_space<vmem>>
      %swap3A_1788 = arith.constant 112 : index
      %swap3A_1789 = tpu.vector_load %swap3A_1787[%swap3A_1788] {strides = array<i32>} : memref<128xf32, #tpu.memory_space<vmem>>, vector<16xf32>,
      %swap3A_1790 = vector.shape_cast %swap3A_1789 : vector<16xf32> to vector<16xf32>
      %swap3A_1791 = vector.shape_cast %gather3A_1731 : vector<16xf32> to vector<16xf32>
      tpu.vector_store %swap3A_1787[%swap3A_1788], %swap3A_1791 {strides = array<i32>} : memref<128xf32, #tpu.memory_space<vmem>>, vector<16xf32>,
      %broadcast_in_dim3A_1792 = arith.constant 5 : i32
      %broadcast_in_dim3A_1793 = vector.broadcast %broadcast_in_dim3A_1792 : i32 to vector<16xi32>
      %lt3A_1794 = arith.constant 0 : i32
      %lt3A_1795 = vector.broadcast %lt3A_1794 : i32 to vector<16xi32>
      %lt3A_1796 = arith.cmpi slt, %broadcast_in_dim3A_1793, %lt3A_1795 : vector<16xi32>
      %add3A_1797 = arith.constant 16 : i32
      %add3A_1798 = vector.broadcast %add3A_1797 : i32 to vector<16xi32>
      %add3A_1799 = arith.addi %broadcast_in_dim3A_1793, %add3A_1798 : vector<16xi32>
      %select_n3A_1800 = arith.select %lt3A_1796, %add3A_1799, %broadcast_in_dim3A_1793 : vector<16xi1>, vector<16xi32>
      %broadcast_in_dim3A_1801 = vector.shape_cast %select_n3A_1800 : vector<16xi32> to vector<16x1xi32>
      %gather3A_1802 = vector.shape_cast %broadcast_in_dim3A_1801 : vector<16x1xi32> to vector<16xi32>
      %gather3A_1803 = tpu.dynamic_gather %add3A_1436[%gather3A_1802] in [0] : vector<16xf32>, vector<16xi32> -> vector<16xf32>
      %mul3A_1804 = arith.constant 16 : i32
      %mul3A_1805 = arith.muli %scan3A_1428, %mul3A_1804 : i32
      %add3A_1806 = arith.constant 5 : i32
      %add3A_1807 = arith.addi %mul3A_1805, %add3A_1806 : i32
      %swap3A_1808 = arith.constant 0 : i32
      %swap3A_1809 = tpu.memref_slice %arg7[%add3A_1807, %swap3A_1808] : memref<400x128xf32, #tpu.memory_space<vmem>> -> memref<1x128xf32, #tpu.memory_space<vmem>>
      %swap3A_1810 = tpu.memref_squeeze %swap3A_1809 : memref<1x128xf32, #tpu.memory_space<vmem>> -> memref<128xf32, #tpu.memory_space<vmem>>
      %swap3A_1811 = arith.constant 0 : index
      %swap3A_1812 = tpu.vector_load %swap3A_1810[%swap3A_1811] {strides = array<i32>} : memref<128xf32, #tpu.memory_space<vmem>>, vector<16xf32>,
      %swap3A_1813 = vector.shape_cast %swap3A_1812 : vector<16xf32> to vector<16xf32>
      %swap3A_1814 = vector.shape_cast %gather3A_1803 : vector<16xf32> to vector<16xf32>
      tpu.vector_store %swap3A_1810[%swap3A_1811], %swap3A_1814 {strides = array<i32>} : memref<128xf32, #tpu.memory_space<vmem>>, vector<16xf32>,
      %swap3A_1815 = arith.constant 0 : i32
      %swap3A_1816 = tpu.memref_slice %arg7[%add3A_1807, %swap3A_1815] : memref<400x128xf32, #tpu.memory_space<vmem>> -> memref<1x128xf32, #tpu.memory_space<vmem>>
      %swap3A_1817 = tpu.memref_squeeze %swap3A_1816 : memref<1x128xf32, #tpu.memory_space<vmem>> -> memref<128xf32, #tpu.memory_space<vmem>>
      %swap3A_1818 = arith.constant 16 : index
      %swap3A_1819 = tpu.vector_load %swap3A_1817[%swap3A_1818] {strides = array<i32>} : memref<128xf32, #tpu.memory_space<vmem>>, vector<16xf32>,
      %swap3A_1820 = vector.shape_cast %swap3A_1819 : vector<16xf32> to vector<16xf32>
      %swap3A_1821 = vector.shape_cast %gather3A_1803 : vector<16xf32> to vector<16xf32>
      tpu.vector_store %swap3A_1817[%swap3A_1818], %swap3A_1821 {strides = array<i32>} : memref<128xf32, #tpu.memory_space<vmem>>, vector<16xf32>,
      %swap3A_1822 = arith.constant 0 : i32
      %swap3A_1823 = tpu.memref_slice %arg7[%add3A_1807, %swap3A_1822] : memref<400x128xf32, #tpu.memory_space<vmem>> -> memref<1x128xf32, #tpu.memory_space<vmem>>
      %swap3A_1824 = tpu.memref_squeeze %swap3A_1823 : memref<1x128xf32, #tpu.memory_space<vmem>> -> memref<128xf32, #tpu.memory_space<vmem>>
      %swap3A_1825 = arith.constant 32 : index
      %swap3A_1826 = tpu.vector_load %swap3A_1824[%swap3A_1825] {strides = array<i32>} : memref<128xf32, #tpu.memory_space<vmem>>, vector<16xf32>,
      %swap3A_1827 = vector.shape_cast %swap3A_1826 : vector<16xf32> to vector<16xf32>
      %swap3A_1828 = vector.shape_cast %gather3A_1803 : vector<16xf32> to vector<16xf32>
      tpu.vector_store %swap3A_1824[%swap3A_1825], %swap3A_1828 {strides = array<i32>} : memref<128xf32, #tpu.memory_space<vmem>>, vector<16xf32>,
      %swap3A_1829 = arith.constant 0 : i32
      %swap3A_1830 = tpu.memref_slice %arg7[%add3A_1807, %swap3A_1829] : memref<400x128xf32, #tpu.memory_space<vmem>> -> memref<1x128xf32, #tpu.memory_space<vmem>>
      %swap3A_1831 = tpu.memref_squeeze %swap3A_1830 : memref<1x128xf32, #tpu.memory_space<vmem>> -> memref<128xf32, #tpu.memory_space<vmem>>
      %swap3A_1832 = arith.constant 48 : index
      %swap3A_1833 = tpu.vector_load %swap3A_1831[%swap3A_1832] {strides = array<i32>} : memref<128xf32, #tpu.memory_space<vmem>>, vector<16xf32>,
      %swap3A_1834 = vector.shape_cast %swap3A_1833 : vector<16xf32> to vector<16xf32>
      %swap3A_1835 = vector.shape_cast %gather3A_1803 : vector<16xf32> to vector<16xf32>
      tpu.vector_store %swap3A_1831[%swap3A_1832], %swap3A_1835 {strides = array<i32>} : memref<128xf32, #tpu.memory_space<vmem>>, vector<16xf32>,
      %swap3A_1836 = arith.constant 0 : i32
      %swap3A_1837 = tpu.memref_slice %arg7[%add3A_1807, %swap3A_1836] : memref<400x128xf32, #tpu.memory_space<vmem>> -> memref<1x128xf32, #tpu.memory_space<vmem>>
      %swap3A_1838 = tpu.memref_squeeze %swap3A_1837 : memref<1x128xf32, #tpu.memory_space<vmem>> -> memref<128xf32, #tpu.memory_space<vmem>>
      %swap3A_1839 = arith.constant 64 : index
      %swap3A_1840 = tpu.vector_load %swap3A_1838[%swap3A_1839] {strides = array<i32>} : memref<128xf32, #tpu.memory_space<vmem>>, vector<16xf32>,
      %swap3A_1841 = vector.shape_cast %swap3A_1840 : vector<16xf32> to vector<16xf32>
      %swap3A_1842 = vector.shape_cast %gather3A_1803 : vector<16xf32> to vector<16xf32>
      tpu.vector_store %swap3A_1838[%swap3A_1839], %swap3A_1842 {strides = array<i32>} : memref<128xf32, #tpu.memory_space<vmem>>, vector<16xf32>,
      %swap3A_1843 = arith.constant 0 : i32
      %swap3A_1844 = tpu.memref_slice %arg7[%add3A_1807, %swap3A_1843] : memref<400x128xf32, #tpu.memory_space<vmem>> -> memref<1x128xf32, #tpu.memory_space<vmem>>
      %swap3A_1845 = tpu.memref_squeeze %swap3A_1844 : memref<1x128xf32, #tpu.memory_space<vmem>> -> memref<128xf32, #tpu.memory_space<vmem>>
      %swap3A_1846 = arith.constant 80 : index
      %swap3A_1847 = tpu.vector_load %swap3A_1845[%swap3A_1846] {strides = array<i32>} : memref<128xf32, #tpu.memory_space<vmem>>, vector<16xf32>,
      %swap3A_1848 = vector.shape_cast %swap3A_1847 : vector<16xf32> to vector<16xf32>
      %swap3A_1849 = vector.shape_cast %gather3A_1803 : vector<16xf32> to vector<16xf32>
      tpu.vector_store %swap3A_1845[%swap3A_1846], %swap3A_1849 {strides = array<i32>} : memref<128xf32, #tpu.memory_space<vmem>>, vector<16xf32>,
      %swap3A_1850 = arith.constant 0 : i32
      %swap3A_1851 = tpu.memref_slice %arg7[%add3A_1807, %swap3A_1850] : memref<400x128xf32, #tpu.memory_space<vmem>> -> memref<1x128xf32, #tpu.memory_space<vmem>>
      %swap3A_1852 = tpu.memref_squeeze %swap3A_1851 : memref<1x128xf32, #tpu.memory_space<vmem>> -> memref<128xf32, #tpu.memory_space<vmem>>
      %swap3A_1853 = arith.constant 96 : index
      %swap3A_1854 = tpu.vector_load %swap3A_1852[%swap3A_1853] {strides = array<i32>} : memref<128xf32, #tpu.memory_space<vmem>>, vector<16xf32>,
      %swap3A_1855 = vector.shape_cast %swap3A_1854 : vector<16xf32> to vector<16xf32>
      %swap3A_1856 = vector.shape_cast %gather3A_1803 : vector<16xf32> to vector<16xf32>
      tpu.vector_store %swap3A_1852[%swap3A_1853], %swap3A_1856 {strides = array<i32>} : memref<128xf32, #tpu.memory_space<vmem>>, vector<16xf32>,
      %swap3A_1857 = arith.constant 0 : i32
      %swap3A_1858 = tpu.memref_slice %arg7[%add3A_1807, %swap3A_1857] : memref<400x128xf32, #tpu.memory_space<vmem>> -> memref<1x128xf32, #tpu.memory_space<vmem>>
      %swap3A_1859 = tpu.memref_squeeze %swap3A_1858 : memref<1x128xf32, #tpu.memory_space<vmem>> -> memref<128xf32, #tpu.memory_space<vmem>>
      %swap3A_1860 = arith.constant 112 : index
      %swap3A_1861 = tpu.vector_load %swap3A_1859[%swap3A_1860] {strides = array<i32>} : memref<128xf32, #tpu.memory_space<vmem>>, vector<16xf32>,
      %swap3A_1862 = vector.shape_cast %swap3A_1861 : vector<16xf32> to vector<16xf32>
      %swap3A_1863 = vector.shape_cast %gather3A_1803 : vector<16xf32> to vector<16xf32>
      tpu.vector_store %swap3A_1859[%swap3A_1860], %swap3A_1863 {strides = array<i32>} : memref<128xf32, #tpu.memory_space<vmem>>, vector<16xf32>,
      %broadcast_in_dim3A_1864 = arith.constant 6 : i32
      %broadcast_in_dim3A_1865 = vector.broadcast %broadcast_in_dim3A_1864 : i32 to vector<16xi32>
      %lt3A_1866 = arith.constant 0 : i32
      %lt3A_1867 = vector.broadcast %lt3A_1866 : i32 to vector<16xi32>
      %lt3A_1868 = arith.cmpi slt, %broadcast_in_dim3A_1865, %lt3A_1867 : vector<16xi32>
      %add3A_1869 = arith.constant 16 : i32
      %add3A_1870 = vector.broadcast %add3A_1869 : i32 to vector<16xi32>
      %add3A_1871 = arith.addi %broadcast_in_dim3A_1865, %add3A_1870 : vector<16xi32>
      %select_n3A_1872 = arith.select %lt3A_1868, %add3A_1871, %broadcast_in_dim3A_1865 : vector<16xi1>, vector<16xi32>
      %broadcast_in_dim3A_1873 = vector.shape_cast %select_n3A_1872 : vector<16xi32> to vector<16x1xi32>
      %gather3A_1874 = vector.shape_cast %broadcast_in_dim3A_1873 : vector<16x1xi32> to vector<16xi32>
      %gather3A_1875 = tpu.dynamic_gather %add3A_1436[%gather3A_1874] in [0] : vector<16xf32>, vector<16xi32> -> vector<16xf32>
      %mul3A_1876 = arith.constant 16 : i32
      %mul3A_1877 = arith.muli %scan3A_1428, %mul3A_1876 : i32
      %add3A_1878 = arith.constant 6 : i32
      %add3A_1879 = arith.addi %mul3A_1877, %add3A_1878 : i32
      %swap3A_1880 = arith.constant 0 : i32
      %swap3A_1881 = tpu.memref_slice %arg7[%add3A_1879, %swap3A_1880] : memref<400x128xf32, #tpu.memory_space<vmem>> -> memref<1x128xf32, #tpu.memory_space<vmem>>
      %swap3A_1882 = tpu.memref_squeeze %swap3A_1881 : memref<1x128xf32, #tpu.memory_space<vmem>> -> memref<128xf32, #tpu.memory_space<vmem>>
      %swap3A_1883 = arith.constant 0 : index
      %swap3A_1884 = tpu.vector_load %swap3A_1882[%swap3A_1883] {strides = array<i32>} : memref<128xf32, #tpu.memory_space<vmem>>, vector<16xf32>,
      %swap3A_1885 = vector.shape_cast %swap3A_1884 : vector<16xf32> to vector<16xf32>
      %swap3A_1886 = vector.shape_cast %gather3A_1875 : vector<16xf32> to vector<16xf32>
      tpu.vector_store %swap3A_1882[%swap3A_1883], %swap3A_1886 {strides = array<i32>} : memref<128xf32, #tpu.memory_space<vmem>>, vector<16xf32>,
      %swap3A_1887 = arith.constant 0 : i32
      %swap3A_1888 = tpu.memref_slice %arg7[%add3A_1879, %swap3A_1887] : memref<400x128xf32, #tpu.memory_space<vmem>> -> memref<1x128xf32, #tpu.memory_space<vmem>>
      %swap3A_1889 = tpu.memref_squeeze %swap3A_1888 : memref<1x128xf32, #tpu.memory_space<vmem>> -> memref<128xf32, #tpu.memory_space<vmem>>
      %swap3A_1890 = arith.constant 16 : index
      %swap3A_1891 = tpu.vector_load %swap3A_1889[%swap3A_1890] {strides = array<i32>} : memref<128xf32, #tpu.memory_space<vmem>>, vector<16xf32>,
      %swap3A_1892 = vector.shape_cast %swap3A_1891 : vector<16xf32> to vector<16xf32>
      %swap3A_1893 = vector.shape_cast %gather3A_1875 : vector<16xf32> to vector<16xf32>
      tpu.vector_store %swap3A_1889[%swap3A_1890], %swap3A_1893 {strides = array<i32>} : memref<128xf32, #tpu.memory_space<vmem>>, vector<16xf32>,
      %swap3A_1894 = arith.constant 0 : i32
      %swap3A_1895 = tpu.memref_slice %arg7[%add3A_1879, %swap3A_1894] : memref<400x128xf32, #tpu.memory_space<vmem>> -> memref<1x128xf32, #tpu.memory_space<vmem>>
      %swap3A_1896 = tpu.memref_squeeze %swap3A_1895 : memref<1x128xf32, #tpu.memory_space<vmem>> -> memref<128xf32, #tpu.memory_space<vmem>>
      %swap3A_1897 = arith.constant 32 : index
      %swap3A_1898 = tpu.vector_load %swap3A_1896[%swap3A_1897] {strides = array<i32>} : memref<128xf32, #tpu.memory_space<vmem>>, vector<16xf32>,
      %swap3A_1899 = vector.shape_cast %swap3A_1898 : vector<16xf32> to vector<16xf32>
      %swap3A_1900 = vector.shape_cast %gather3A_1875 : vector<16xf32> to vector<16xf32>
      tpu.vector_store %swap3A_1896[%swap3A_1897], %swap3A_1900 {strides = array<i32>} : memref<128xf32, #tpu.memory_space<vmem>>, vector<16xf32>,
      %swap3A_1901 = arith.constant 0 : i32
      %swap3A_1902 = tpu.memref_slice %arg7[%add3A_1879, %swap3A_1901] : memref<400x128xf32, #tpu.memory_space<vmem>> -> memref<1x128xf32, #tpu.memory_space<vmem>>
      %swap3A_1903 = tpu.memref_squeeze %swap3A_1902 : memref<1x128xf32, #tpu.memory_space<vmem>> -> memref<128xf32, #tpu.memory_space<vmem>>
      %swap3A_1904 = arith.constant 48 : index
      %swap3A_1905 = tpu.vector_load %swap3A_1903[%swap3A_1904] {strides = array<i32>} : memref<128xf32, #tpu.memory_space<vmem>>, vector<16xf32>,
      %swap3A_1906 = vector.shape_cast %swap3A_1905 : vector<16xf32> to vector<16xf32>
      %swap3A_1907 = vector.shape_cast %gather3A_1875 : vector<16xf32> to vector<16xf32>
      tpu.vector_store %swap3A_1903[%swap3A_1904], %swap3A_1907 {strides = array<i32>} : memref<128xf32, #tpu.memory_space<vmem>>, vector<16xf32>,
      %swap3A_1908 = arith.constant 0 : i32
      %swap3A_1909 = tpu.memref_slice %arg7[%add3A_1879, %swap3A_1908] : memref<400x128xf32, #tpu.memory_space<vmem>> -> memref<1x128xf32, #tpu.memory_space<vmem>>
      %swap3A_1910 = tpu.memref_squeeze %swap3A_1909 : memref<1x128xf32, #tpu.memory_space<vmem>> -> memref<128xf32, #tpu.memory_space<vmem>>
      %swap3A_1911 = arith.constant 64 : index
      %swap3A_1912 = tpu.vector_load %swap3A_1910[%swap3A_1911] {strides = array<i32>} : memref<128xf32, #tpu.memory_space<vmem>>, vector<16xf32>,
      %swap3A_1913 = vector.shape_cast %swap3A_1912 : vector<16xf32> to vector<16xf32>
      %swap3A_1914 = vector.shape_cast %gather3A_1875 : vector<16xf32> to vector<16xf32>
      tpu.vector_store %swap3A_1910[%swap3A_1911], %swap3A_1914 {strides = array<i32>} : memref<128xf32, #tpu.memory_space<vmem>>, vector<16xf32>,
      %swap3A_1915 = arith.constant 0 : i32
      %swap3A_1916 = tpu.memref_slice %arg7[%add3A_1879, %swap3A_1915] : memref<400x128xf32, #tpu.memory_space<vmem>> -> memref<1x128xf32, #tpu.memory_space<vmem>>
      %swap3A_1917 = tpu.memref_squeeze %swap3A_1916 : memref<1x128xf32, #tpu.memory_space<vmem>> -> memref<128xf32, #tpu.memory_space<vmem>>
      %swap3A_1918 = arith.constant 80 : index
      %swap3A_1919 = tpu.vector_load %swap3A_1917[%swap3A_1918] {strides = array<i32>} : memref<128xf32, #tpu.memory_space<vmem>>, vector<16xf32>,
      %swap3A_1920 = vector.shape_cast %swap3A_1919 : vector<16xf32> to vector<16xf32>
      %swap3A_1921 = vector.shape_cast %gather3A_1875 : vector<16xf32> to vector<16xf32>
      tpu.vector_store %swap3A_1917[%swap3A_1918], %swap3A_1921 {strides = array<i32>} : memref<128xf32, #tpu.memory_space<vmem>>, vector<16xf32>,
      %swap3A_1922 = arith.constant 0 : i32
      %swap3A_1923 = tpu.memref_slice %arg7[%add3A_1879, %swap3A_1922] : memref<400x128xf32, #tpu.memory_space<vmem>> -> memref<1x128xf32, #tpu.memory_space<vmem>>
      %swap3A_1924 = tpu.memref_squeeze %swap3A_1923 : memref<1x128xf32, #tpu.memory_space<vmem>> -> memref<128xf32, #tpu.memory_space<vmem>>
      %swap3A_1925 = arith.constant 96 : index
      %swap3A_1926 = tpu.vector_load %swap3A_1924[%swap3A_1925] {strides = array<i32>} : memref<128xf32, #tpu.memory_space<vmem>>, vector<16xf32>,
      %swap3A_1927 = vector.shape_cast %swap3A_1926 : vector<16xf32> to vector<16xf32>
      %swap3A_1928 = vector.shape_cast %gather3A_1875 : vector<16xf32> to vector<16xf32>
      tpu.vector_store %swap3A_1924[%swap3A_1925], %swap3A_1928 {strides = array<i32>} : memref<128xf32, #tpu.memory_space<vmem>>, vector<16xf32>,
      %swap3A_1929 = arith.constant 0 : i32
      %swap3A_1930 = tpu.memref_slice %arg7[%add3A_1879, %swap3A_1929] : memref<400x128xf32, #tpu.memory_space<vmem>> -> memref<1x128xf32, #tpu.memory_space<vmem>>
      %swap3A_1931 = tpu.memref_squeeze %swap3A_1930 : memref<1x128xf32, #tpu.memory_space<vmem>> -> memref<128xf32, #tpu.memory_space<vmem>>
      %swap3A_1932 = arith.constant 112 : index
      %swap3A_1933 = tpu.vector_load %swap3A_1931[%swap3A_1932] {strides = array<i32>} : memref<128xf32, #tpu.memory_space<vmem>>, vector<16xf32>,
      %swap3A_1934 = vector.shape_cast %swap3A_1933 : vector<16xf32> to vector<16xf32>
      %swap3A_1935 = vector.shape_cast %gather3A_1875 : vector<16xf32> to vector<16xf32>
      tpu.vector_store %swap3A_1931[%swap3A_1932], %swap3A_1935 {strides = array<i32>} : memref<128xf32, #tpu.memory_space<vmem>>, vector<16xf32>,
      %broadcast_in_dim3A_1936 = arith.constant 7 : i32
      %broadcast_in_dim3A_1937 = vector.broadcast %broadcast_in_dim3A_1936 : i32 to vector<16xi32>
      %lt3A_1938 = arith.constant 0 : i32
      %lt3A_1939 = vector.broadcast %lt3A_1938 : i32 to vector<16xi32>
      %lt3A_1940 = arith.cmpi slt, %broadcast_in_dim3A_1937, %lt3A_1939 : vector<16xi32>
      %add3A_1941 = arith.constant 16 : i32
      %add3A_1942 = vector.broadcast %add3A_1941 : i32 to vector<16xi32>
      %add3A_1943 = arith.addi %broadcast_in_dim3A_1937, %add3A_1942 : vector<16xi32>
      %select_n3A_1944 = arith.select %lt3A_1940, %add3A_1943, %broadcast_in_dim3A_1937 : vector<16xi1>, vector<16xi32>
      %broadcast_in_dim3A_1945 = vector.shape_cast %select_n3A_1944 : vector<16xi32> to vector<16x1xi32>
      %gather3A_1946 = vector.shape_cast %broadcast_in_dim3A_1945 : vector<16x1xi32> to vector<16xi32>
      %gather3A_1947 = tpu.dynamic_gather %add3A_1436[%gather3A_1946] in [0] : vector<16xf32>, vector<16xi32> -> vector<16xf32>
      %mul3A_1948 = arith.constant 16 : i32
      %mul3A_1949 = arith.muli %scan3A_1428, %mul3A_1948 : i32
      %add3A_1950 = arith.constant 7 : i32
      %add3A_1951 = arith.addi %mul3A_1949, %add3A_1950 : i32
      %swap3A_1952 = arith.constant 0 : i32
      %swap3A_1953 = tpu.memref_slice %arg7[%add3A_1951, %swap3A_1952] : memref<400x128xf32, #tpu.memory_space<vmem>> -> memref<1x128xf32, #tpu.memory_space<vmem>>
      %swap3A_1954 = tpu.memref_squeeze %swap3A_1953 : memref<1x128xf32, #tpu.memory_space<vmem>> -> memref<128xf32, #tpu.memory_space<vmem>>
      %swap3A_1955 = arith.constant 0 : index
      %swap3A_1956 = tpu.vector_load %swap3A_1954[%swap3A_1955] {strides = array<i32>} : memref<128xf32, #tpu.memory_space<vmem>>, vector<16xf32>,
      %swap3A_1957 = vector.shape_cast %swap3A_1956 : vector<16xf32> to vector<16xf32>
      %swap3A_1958 = vector.shape_cast %gather3A_1947 : vector<16xf32> to vector<16xf32>
      tpu.vector_store %swap3A_1954[%swap3A_1955], %swap3A_1958 {strides = array<i32>} : memref<128xf32, #tpu.memory_space<vmem>>, vector<16xf32>,
      %swap3A_1959 = arith.constant 0 : i32
      %swap3A_1960 = tpu.memref_slice %arg7[%add3A_1951, %swap3A_1959] : memref<400x128xf32, #tpu.memory_space<vmem>> -> memref<1x128xf32, #tpu.memory_space<vmem>>
      %swap3A_1961 = tpu.memref_squeeze %swap3A_1960 : memref<1x128xf32, #tpu.memory_space<vmem>> -> memref<128xf32, #tpu.memory_space<vmem>>
      %swap3A_1962 = arith.constant 16 : index
      %swap3A_1963 = tpu.vector_load %swap3A_1961[%swap3A_1962] {strides = array<i32>} : memref<128xf32, #tpu.memory_space<vmem>>, vector<16xf32>,
      %swap3A_1964 = vector.shape_cast %swap3A_1963 : vector<16xf32> to vector<16xf32>
      %swap3A_1965 = vector.shape_cast %gather3A_1947 : vector<16xf32> to vector<16xf32>
      tpu.vector_store %swap3A_1961[%swap3A_1962], %swap3A_1965 {strides = array<i32>} : memref<128xf32, #tpu.memory_space<vmem>>, vector<16xf32>,
      %swap3A_1966 = arith.constant 0 : i32
      %swap3A_1967 = tpu.memref_slice %arg7[%add3A_1951, %swap3A_1966] : memref<400x128xf32, #tpu.memory_space<vmem>> -> memref<1x128xf32, #tpu.memory_space<vmem>>
      %swap3A_1968 = tpu.memref_squeeze %swap3A_1967 : memref<1x128xf32, #tpu.memory_space<vmem>> -> memref<128xf32, #tpu.memory_space<vmem>>
      %swap3A_1969 = arith.constant 32 : index
      %swap3A_1970 = tpu.vector_load %swap3A_1968[%swap3A_1969] {strides = array<i32>} : memref<128xf32, #tpu.memory_space<vmem>>, vector<16xf32>,
      %swap3A_1971 = vector.shape_cast %swap3A_1970 : vector<16xf32> to vector<16xf32>
      %swap3A_1972 = vector.shape_cast %gather3A_1947 : vector<16xf32> to vector<16xf32>
      tpu.vector_store %swap3A_1968[%swap3A_1969], %swap3A_1972 {strides = array<i32>} : memref<128xf32, #tpu.memory_space<vmem>>, vector<16xf32>,
      %swap3A_1973 = arith.constant 0 : i32
      %swap3A_1974 = tpu.memref_slice %arg7[%add3A_1951, %swap3A_1973] : memref<400x128xf32, #tpu.memory_space<vmem>> -> memref<1x128xf32, #tpu.memory_space<vmem>>
      %swap3A_1975 = tpu.memref_squeeze %swap3A_1974 : memref<1x128xf32, #tpu.memory_space<vmem>> -> memref<128xf32, #tpu.memory_space<vmem>>
      %swap3A_1976 = arith.constant 48 : index
      %swap3A_1977 = tpu.vector_load %swap3A_1975[%swap3A_1976] {strides = array<i32>} : memref<128xf32, #tpu.memory_space<vmem>>, vector<16xf32>,
      %swap3A_1978 = vector.shape_cast %swap3A_1977 : vector<16xf32> to vector<16xf32>
      %swap3A_1979 = vector.shape_cast %gather3A_1947 : vector<16xf32> to vector<16xf32>
      tpu.vector_store %swap3A_1975[%swap3A_1976], %swap3A_1979 {strides = array<i32>} : memref<128xf32, #tpu.memory_space<vmem>>, vector<16xf32>,
      %swap3A_1980 = arith.constant 0 : i32
      %swap3A_1981 = tpu.memref_slice %arg7[%add3A_1951, %swap3A_1980] : memref<400x128xf32, #tpu.memory_space<vmem>> -> memref<1x128xf32, #tpu.memory_space<vmem>>
      %swap3A_1982 = tpu.memref_squeeze %swap3A_1981 : memref<1x128xf32, #tpu.memory_space<vmem>> -> memref<128xf32, #tpu.memory_space<vmem>>
      %swap3A_1983 = arith.constant 64 : index
      %swap3A_1984 = tpu.vector_load %swap3A_1982[%swap3A_1983] {strides = array<i32>} : memref<128xf32, #tpu.memory_space<vmem>>, vector<16xf32>,
      %swap3A_1985 = vector.shape_cast %swap3A_1984 : vector<16xf32> to vector<16xf32>
      %swap3A_1986 = vector.shape_cast %gather3A_1947 : vector<16xf32> to vector<16xf32>
      tpu.vector_store %swap3A_1982[%swap3A_1983], %swap3A_1986 {strides = array<i32>} : memref<128xf32, #tpu.memory_space<vmem>>, vector<16xf32>,
      %swap3A_1987 = arith.constant 0 : i32
      %swap3A_1988 = tpu.memref_slice %arg7[%add3A_1951, %swap3A_1987] : memref<400x128xf32, #tpu.memory_space<vmem>> -> memref<1x128xf32, #tpu.memory_space<vmem>>
      %swap3A_1989 = tpu.memref_squeeze %swap3A_1988 : memref<1x128xf32, #tpu.memory_space<vmem>> -> memref<128xf32, #tpu.memory_space<vmem>>
      %swap3A_1990 = arith.constant 80 : index
      %swap3A_1991 = tpu.vector_load %swap3A_1989[%swap3A_1990] {strides = array<i32>} : memref<128xf32, #tpu.memory_space<vmem>>, vector<16xf32>,
      %swap3A_1992 = vector.shape_cast %swap3A_1991 : vector<16xf32> to vector<16xf32>
      %swap3A_1993 = vector.shape_cast %gather3A_1947 : vector<16xf32> to vector<16xf32>
      tpu.vector_store %swap3A_1989[%swap3A_1990], %swap3A_1993 {strides = array<i32>} : memref<128xf32, #tpu.memory_space<vmem>>, vector<16xf32>,
      %swap3A_1994 = arith.constant 0 : i32
      %swap3A_1995 = tpu.memref_slice %arg7[%add3A_1951, %swap3A_1994] : memref<400x128xf32, #tpu.memory_space<vmem>> -> memref<1x128xf32, #tpu.memory_space<vmem>>
      %swap3A_1996 = tpu.memref_squeeze %swap3A_1995 : memref<1x128xf32, #tpu.memory_space<vmem>> -> memref<128xf32, #tpu.memory_space<vmem>>
      %swap3A_1997 = arith.constant 96 : index
      %swap3A_1998 = tpu.vector_load %swap3A_1996[%swap3A_1997] {strides = array<i32>} : memref<128xf32, #tpu.memory_space<vmem>>, vector<16xf32>,
      %swap3A_1999 = vector.shape_cast %swap3A_1998 : vector<16xf32> to vector<16xf32>
      %swap3A_2000 = vector.shape_cast %gather3A_1947 : vector<16xf32> to vector<16xf32>
      tpu.vector_store %swap3A_1996[%swap3A_1997], %swap3A_2000 {strides = array<i32>} : memref<128xf32, #tpu.memory_space<vmem>>, vector<16xf32>,
      %swap3A_2001 = arith.constant 0 : i32
      %swap3A_2002 = tpu.memref_slice %arg7[%add3A_1951, %swap3A_2001] : memref<400x128xf32, #tpu.memory_space<vmem>> -> memref<1x128xf32, #tpu.memory_space<vmem>>
      %swap3A_2003 = tpu.memref_squeeze %swap3A_2002 : memref<1x128xf32, #tpu.memory_space<vmem>> -> memref<128xf32, #tpu.memory_space<vmem>>
      %swap3A_2004 = arith.constant 112 : index
      %swap3A_2005 = tpu.vector_load %swap3A_2003[%swap3A_2004] {strides = array<i32>} : memref<128xf32, #tpu.memory_space<vmem>>, vector<16xf32>,
      %swap3A_2006 = vector.shape_cast %swap3A_2005 : vector<16xf32> to vector<16xf32>
      %swap3A_2007 = vector.shape_cast %gather3A_1947 : vector<16xf32> to vector<16xf32>
      tpu.vector_store %swap3A_2003[%swap3A_2004], %swap3A_2007 {strides = array<i32>} : memref<128xf32, #tpu.memory_space<vmem>>, vector<16xf32>,
      %broadcast_in_dim3A_2008 = arith.constant 8 : i32
      %broadcast_in_dim3A_2009 = vector.broadcast %broadcast_in_dim3A_2008 : i32 to vector<16xi32>
      %lt3A_2010 = arith.constant 0 : i32
      %lt3A_2011 = vector.broadcast %lt3A_2010 : i32 to vector<16xi32>
      %lt3A_2012 = arith.cmpi slt, %broadcast_in_dim3A_2009, %lt3A_2011 : vector<16xi32>
      %add3A_2013 = arith.constant 16 : i32
      %add3A_2014 = vector.broadcast %add3A_2013 : i32 to vector<16xi32>
      %add3A_2015 = arith.addi %broadcast_in_dim3A_2009, %add3A_2014 : vector<16xi32>
      %select_n3A_2016 = arith.select %lt3A_2012, %add3A_2015, %broadcast_in_dim3A_2009 : vector<16xi1>, vector<16xi32>
      %broadcast_in_dim3A_2017 = vector.shape_cast %select_n3A_2016 : vector<16xi32> to vector<16x1xi32>
      %gather3A_2018 = vector.shape_cast %broadcast_in_dim3A_2017 : vector<16x1xi32> to vector<16xi32>
      %gather3A_2019 = tpu.dynamic_gather %add3A_1436[%gather3A_2018] in [0] : vector<16xf32>, vector<16xi32> -> vector<16xf32>
      %mul3A_2020 = arith.constant 16 : i32
      %mul3A_2021 = arith.muli %scan3A_1428, %mul3A_2020 : i32
      %add3A_2022 = arith.constant 8 : i32
      %add3A_2023 = arith.addi %mul3A_2021, %add3A_2022 : i32
      %swap3A_2024 = arith.constant 0 : i32
      %swap3A_2025 = tpu.memref_slice %arg7[%add3A_2023, %swap3A_2024] : memref<400x128xf32, #tpu.memory_space<vmem>> -> memref<1x128xf32, #tpu.memory_space<vmem>>
      %swap3A_2026 = tpu.memref_squeeze %swap3A_2025 : memref<1x128xf32, #tpu.memory_space<vmem>> -> memref<128xf32, #tpu.memory_space<vmem>>
      %swap3A_2027 = arith.constant 0 : index
      %swap3A_2028 = tpu.vector_load %swap3A_2026[%swap3A_2027] {strides = array<i32>} : memref<128xf32, #tpu.memory_space<vmem>>, vector<16xf32>,
      %swap3A_2029 = vector.shape_cast %swap3A_2028 : vector<16xf32> to vector<16xf32>
      %swap3A_2030 = vector.shape_cast %gather3A_2019 : vector<16xf32> to vector<16xf32>
      tpu.vector_store %swap3A_2026[%swap3A_2027], %swap3A_2030 {strides = array<i32>} : memref<128xf32, #tpu.memory_space<vmem>>, vector<16xf32>,
      %swap3A_2031 = arith.constant 0 : i32
      %swap3A_2032 = tpu.memref_slice %arg7[%add3A_2023, %swap3A_2031] : memref<400x128xf32, #tpu.memory_space<vmem>> -> memref<1x128xf32, #tpu.memory_space<vmem>>
      %swap3A_2033 = tpu.memref_squeeze %swap3A_2032 : memref<1x128xf32, #tpu.memory_space<vmem>> -> memref<128xf32, #tpu.memory_space<vmem>>
      %swap3A_2034 = arith.constant 16 : index
      %swap3A_2035 = tpu.vector_load %swap3A_2033[%swap3A_2034] {strides = array<i32>} : memref<128xf32, #tpu.memory_space<vmem>>, vector<16xf32>,
      %swap3A_2036 = vector.shape_cast %swap3A_2035 : vector<16xf32> to vector<16xf32>
      %swap3A_2037 = vector.shape_cast %gather3A_2019 : vector<16xf32> to vector<16xf32>
      tpu.vector_store %swap3A_2033[%swap3A_2034], %swap3A_2037 {strides = array<i32>} : memref<128xf32, #tpu.memory_space<vmem>>, vector<16xf32>,
      %swap3A_2038 = arith.constant 0 : i32
      %swap3A_2039 = tpu.memref_slice %arg7[%add3A_2023, %swap3A_2038] : memref<400x128xf32, #tpu.memory_space<vmem>> -> memref<1x128xf32, #tpu.memory_space<vmem>>
      %swap3A_2040 = tpu.memref_squeeze %swap3A_2039 : memref<1x128xf32, #tpu.memory_space<vmem>> -> memref<128xf32, #tpu.memory_space<vmem>>
      %swap3A_2041 = arith.constant 32 : index
      %swap3A_2042 = tpu.vector_load %swap3A_2040[%swap3A_2041] {strides = array<i32>} : memref<128xf32, #tpu.memory_space<vmem>>, vector<16xf32>,
      %swap3A_2043 = vector.shape_cast %swap3A_2042 : vector<16xf32> to vector<16xf32>
      %swap3A_2044 = vector.shape_cast %gather3A_2019 : vector<16xf32> to vector<16xf32>
      tpu.vector_store %swap3A_2040[%swap3A_2041], %swap3A_2044 {strides = array<i32>} : memref<128xf32, #tpu.memory_space<vmem>>, vector<16xf32>,
      %swap3A_2045 = arith.constant 0 : i32
      %swap3A_2046 = tpu.memref_slice %arg7[%add3A_2023, %swap3A_2045] : memref<400x128xf32, #tpu.memory_space<vmem>> -> memref<1x128xf32, #tpu.memory_space<vmem>>
      %swap3A_2047 = tpu.memref_squeeze %swap3A_2046 : memref<1x128xf32, #tpu.memory_space<vmem>> -> memref<128xf32, #tpu.memory_space<vmem>>
      %swap3A_2048 = arith.constant 48 : index
      %swap3A_2049 = tpu.vector_load %swap3A_2047[%swap3A_2048] {strides = array<i32>} : memref<128xf32, #tpu.memory_space<vmem>>, vector<16xf32>,
      %swap3A_2050 = vector.shape_cast %swap3A_2049 : vector<16xf32> to vector<16xf32>
      %swap3A_2051 = vector.shape_cast %gather3A_2019 : vector<16xf32> to vector<16xf32>
      tpu.vector_store %swap3A_2047[%swap3A_2048], %swap3A_2051 {strides = array<i32>} : memref<128xf32, #tpu.memory_space<vmem>>, vector<16xf32>,
      %swap3A_2052 = arith.constant 0 : i32
      %swap3A_2053 = tpu.memref_slice %arg7[%add3A_2023, %swap3A_2052] : memref<400x128xf32, #tpu.memory_space<vmem>> -> memref<1x128xf32, #tpu.memory_space<vmem>>
      %swap3A_2054 = tpu.memref_squeeze %swap3A_2053 : memref<1x128xf32, #tpu.memory_space<vmem>> -> memref<128xf32, #tpu.memory_space<vmem>>
      %swap3A_2055 = arith.constant 64 : index
      %swap3A_2056 = tpu.vector_load %swap3A_2054[%swap3A_2055] {strides = array<i32>} : memref<128xf32, #tpu.memory_space<vmem>>, vector<16xf32>,
      %swap3A_2057 = vector.shape_cast %swap3A_2056 : vector<16xf32> to vector<16xf32>
      %swap3A_2058 = vector.shape_cast %gather3A_2019 : vector<16xf32> to vector<16xf32>
      tpu.vector_store %swap3A_2054[%swap3A_2055], %swap3A_2058 {strides = array<i32>} : memref<128xf32, #tpu.memory_space<vmem>>, vector<16xf32>,
      %swap3A_2059 = arith.constant 0 : i32
      %swap3A_2060 = tpu.memref_slice %arg7[%add3A_2023, %swap3A_2059] : memref<400x128xf32, #tpu.memory_space<vmem>> -> memref<1x128xf32, #tpu.memory_space<vmem>>
      %swap3A_2061 = tpu.memref_squeeze %swap3A_2060 : memref<1x128xf32, #tpu.memory_space<vmem>> -> memref<128xf32, #tpu.memory_space<vmem>>
      %swap3A_2062 = arith.constant 80 : index
      %swap3A_2063 = tpu.vector_load %swap3A_2061[%swap3A_2062] {strides = array<i32>} : memref<128xf32, #tpu.memory_space<vmem>>, vector<16xf32>,
      %swap3A_2064 = vector.shape_cast %swap3A_2063 : vector<16xf32> to vector<16xf32>
      %swap3A_2065 = vector.shape_cast %gather3A_2019 : vector<16xf32> to vector<16xf32>
      tpu.vector_store %swap3A_2061[%swap3A_2062], %swap3A_2065 {strides = array<i32>} : memref<128xf32, #tpu.memory_space<vmem>>, vector<16xf32>,
      %swap3A_2066 = arith.constant 0 : i32
      %swap3A_2067 = tpu.memref_slice %arg7[%add3A_2023, %swap3A_2066] : memref<400x128xf32, #tpu.memory_space<vmem>> -> memref<1x128xf32, #tpu.memory_space<vmem>>
      %swap3A_2068 = tpu.memref_squeeze %swap3A_2067 : memref<1x128xf32, #tpu.memory_space<vmem>> -> memref<128xf32, #tpu.memory_space<vmem>>
      %swap3A_2069 = arith.constant 96 : index
      %swap3A_2070 = tpu.vector_load %swap3A_2068[%swap3A_2069] {strides = array<i32>} : memref<128xf32, #tpu.memory_space<vmem>>, vector<16xf32>,
      %swap3A_2071 = vector.shape_cast %swap3A_2070 : vector<16xf32> to vector<16xf32>
      %swap3A_2072 = vector.shape_cast %gather3A_2019 : vector<16xf32> to vector<16xf32>
      tpu.vector_store %swap3A_2068[%swap3A_2069], %swap3A_2072 {strides = array<i32>} : memref<128xf32, #tpu.memory_space<vmem>>, vector<16xf32>,
      %swap3A_2073 = arith.constant 0 : i32
      %swap3A_2074 = tpu.memref_slice %arg7[%add3A_2023, %swap3A_2073] : memref<400x128xf32, #tpu.memory_space<vmem>> -> memref<1x128xf32, #tpu.memory_space<vmem>>
      %swap3A_2075 = tpu.memref_squeeze %swap3A_2074 : memref<1x128xf32, #tpu.memory_space<vmem>> -> memref<128xf32, #tpu.memory_space<vmem>>
      %swap3A_2076 = arith.constant 112 : index
      %swap3A_2077 = tpu.vector_load %swap3A_2075[%swap3A_2076] {strides = array<i32>} : memref<128xf32, #tpu.memory_space<vmem>>, vector<16xf32>,
      %swap3A_2078 = vector.shape_cast %swap3A_2077 : vector<16xf32> to vector<16xf32>
      %swap3A_2079 = vector.shape_cast %gather3A_2019 : vector<16xf32> to vector<16xf32>
      tpu.vector_store %swap3A_2075[%swap3A_2076], %swap3A_2079 {strides = array<i32>} : memref<128xf32, #tpu.memory_space<vmem>>, vector<16xf32>,
      %broadcast_in_dim3A_2080 = arith.constant 9 : i32
      %broadcast_in_dim3A_2081 = vector.broadcast %broadcast_in_dim3A_2080 : i32 to vector<16xi32>
      %lt3A_2082 = arith.constant 0 : i32
      %lt3A_2083 = vector.broadcast %lt3A_2082 : i32 to vector<16xi32>
      %lt3A_2084 = arith.cmpi slt, %broadcast_in_dim3A_2081, %lt3A_2083 : vector<16xi32>
      %add3A_2085 = arith.constant 16 : i32
      %add3A_2086 = vector.broadcast %add3A_2085 : i32 to vector<16xi32>
      %add3A_2087 = arith.addi %broadcast_in_dim3A_2081, %add3A_2086 : vector<16xi32>
      %select_n3A_2088 = arith.select %lt3A_2084, %add3A_2087, %broadcast_in_dim3A_2081 : vector<16xi1>, vector<16xi32>
      %broadcast_in_dim3A_2089 = vector.shape_cast %select_n3A_2088 : vector<16xi32> to vector<16x1xi32>
      %gather3A_2090 = vector.shape_cast %broadcast_in_dim3A_2089 : vector<16x1xi32> to vector<16xi32>
      %gather3A_2091 = tpu.dynamic_gather %add3A_1436[%gather3A_2090] in [0] : vector<16xf32>, vector<16xi32> -> vector<16xf32>
      %mul3A_2092 = arith.constant 16 : i32
      %mul3A_2093 = arith.muli %scan3A_1428, %mul3A_2092 : i32
      %add3A_2094 = arith.constant 9 : i32
      %add3A_2095 = arith.addi %mul3A_2093, %add3A_2094 : i32
      %swap3A_2096 = arith.constant 0 : i32
      %swap3A_2097 = tpu.memref_slice %arg7[%add3A_2095, %swap3A_2096] : memref<400x128xf32, #tpu.memory_space<vmem>> -> memref<1x128xf32, #tpu.memory_space<vmem>>
      %swap3A_2098 = tpu.memref_squeeze %swap3A_2097 : memref<1x128xf32, #tpu.memory_space<vmem>> -> memref<128xf32, #tpu.memory_space<vmem>>
      %swap3A_2099 = arith.constant 0 : index
      %swap3A_2100 = tpu.vector_load %swap3A_2098[%swap3A_2099] {strides = array<i32>} : memref<128xf32, #tpu.memory_space<vmem>>, vector<16xf32>,
      %swap3A_2101 = vector.shape_cast %swap3A_2100 : vector<16xf32> to vector<16xf32>
      %swap3A_2102 = vector.shape_cast %gather3A_2091 : vector<16xf32> to vector<16xf32>
      tpu.vector_store %swap3A_2098[%swap3A_2099], %swap3A_2102 {strides = array<i32>} : memref<128xf32, #tpu.memory_space<vmem>>, vector<16xf32>,
      %swap3A_2103 = arith.constant 0 : i32
      %swap3A_2104 = tpu.memref_slice %arg7[%add3A_2095, %swap3A_2103] : memref<400x128xf32, #tpu.memory_space<vmem>> -> memref<1x128xf32, #tpu.memory_space<vmem>>
      %swap3A_2105 = tpu.memref_squeeze %swap3A_2104 : memref<1x128xf32, #tpu.memory_space<vmem>> -> memref<128xf32, #tpu.memory_space<vmem>>
      %swap3A_2106 = arith.constant 16 : index
      %swap3A_2107 = tpu.vector_load %swap3A_2105[%swap3A_2106] {strides = array<i32>} : memref<128xf32, #tpu.memory_space<vmem>>, vector<16xf32>,
      %swap3A_2108 = vector.shape_cast %swap3A_2107 : vector<16xf32> to vector<16xf32>
      %swap3A_2109 = vector.shape_cast %gather3A_2091 : vector<16xf32> to vector<16xf32>
      tpu.vector_store %swap3A_2105[%swap3A_2106], %swap3A_2109 {strides = array<i32>} : memref<128xf32, #tpu.memory_space<vmem>>, vector<16xf32>,
      %swap3A_2110 = arith.constant 0 : i32
      %swap3A_2111 = tpu.memref_slice %arg7[%add3A_2095, %swap3A_2110] : memref<400x128xf32, #tpu.memory_space<vmem>> -> memref<1x128xf32, #tpu.memory_space<vmem>>
      %swap3A_2112 = tpu.memref_squeeze %swap3A_2111 : memref<1x128xf32, #tpu.memory_space<vmem>> -> memref<128xf32, #tpu.memory_space<vmem>>
      %swap3A_2113 = arith.constant 32 : index
      %swap3A_2114 = tpu.vector_load %swap3A_2112[%swap3A_2113] {strides = array<i32>} : memref<128xf32, #tpu.memory_space<vmem>>, vector<16xf32>,
      %swap3A_2115 = vector.shape_cast %swap3A_2114 : vector<16xf32> to vector<16xf32>
      %swap3A_2116 = vector.shape_cast %gather3A_2091 : vector<16xf32> to vector<16xf32>
      tpu.vector_store %swap3A_2112[%swap3A_2113], %swap3A_2116 {strides = array<i32>} : memref<128xf32, #tpu.memory_space<vmem>>, vector<16xf32>,
      %swap3A_2117 = arith.constant 0 : i32
      %swap3A_2118 = tpu.memref_slice %arg7[%add3A_2095, %swap3A_2117] : memref<400x128xf32, #tpu.memory_space<vmem>> -> memref<1x128xf32, #tpu.memory_space<vmem>>
      %swap3A_2119 = tpu.memref_squeeze %swap3A_2118 : memref<1x128xf32, #tpu.memory_space<vmem>> -> memref<128xf32, #tpu.memory_space<vmem>>
      %swap3A_2120 = arith.constant 48 : index
      %swap3A_2121 = tpu.vector_load %swap3A_2119[%swap3A_2120] {strides = array<i32>} : memref<128xf32, #tpu.memory_space<vmem>>, vector<16xf32>,
      %swap3A_2122 = vector.shape_cast %swap3A_2121 : vector<16xf32> to vector<16xf32>
      %swap3A_2123 = vector.shape_cast %gather3A_2091 : vector<16xf32> to vector<16xf32>
      tpu.vector_store %swap3A_2119[%swap3A_2120], %swap3A_2123 {strides = array<i32>} : memref<128xf32, #tpu.memory_space<vmem>>, vector<16xf32>,
      %swap3A_2124 = arith.constant 0 : i32
      %swap3A_2125 = tpu.memref_slice %arg7[%add3A_2095, %swap3A_2124] : memref<400x128xf32, #tpu.memory_space<vmem>> -> memref<1x128xf32, #tpu.memory_space<vmem>>
      %swap3A_2126 = tpu.memref_squeeze %swap3A_2125 : memref<1x128xf32, #tpu.memory_space<vmem>> -> memref<128xf32, #tpu.memory_space<vmem>>
      %swap3A_2127 = arith.constant 64 : index
      %swap3A_2128 = tpu.vector_load %swap3A_2126[%swap3A_2127] {strides = array<i32>} : memref<128xf32, #tpu.memory_space<vmem>>, vector<16xf32>,
      %swap3A_2129 = vector.shape_cast %swap3A_2128 : vector<16xf32> to vector<16xf32>
      %swap3A_2130 = vector.shape_cast %gather3A_2091 : vector<16xf32> to vector<16xf32>
      tpu.vector_store %swap3A_2126[%swap3A_2127], %swap3A_2130 {strides = array<i32>} : memref<128xf32, #tpu.memory_space<vmem>>, vector<16xf32>,
      %swap3A_2131 = arith.constant 0 : i32
      %swap3A_2132 = tpu.memref_slice %arg7[%add3A_2095, %swap3A_2131] : memref<400x128xf32, #tpu.memory_space<vmem>> -> memref<1x128xf32, #tpu.memory_space<vmem>>
      %swap3A_2133 = tpu.memref_squeeze %swap3A_2132 : memref<1x128xf32, #tpu.memory_space<vmem>> -> memref<128xf32, #tpu.memory_space<vmem>>
      %swap3A_2134 = arith.constant 80 : index
      %swap3A_2135 = tpu.vector_load %swap3A_2133[%swap3A_2134] {strides = array<i32>} : memref<128xf32, #tpu.memory_space<vmem>>, vector<16xf32>,
      %swap3A_2136 = vector.shape_cast %swap3A_2135 : vector<16xf32> to vector<16xf32>
      %swap3A_2137 = vector.shape_cast %gather3A_2091 : vector<16xf32> to vector<16xf32>
      tpu.vector_store %swap3A_2133[%swap3A_2134], %swap3A_2137 {strides = array<i32>} : memref<128xf32, #tpu.memory_space<vmem>>, vector<16xf32>,
      %swap3A_2138 = arith.constant 0 : i32
      %swap3A_2139 = tpu.memref_slice %arg7[%add3A_2095, %swap3A_2138] : memref<400x128xf32, #tpu.memory_space<vmem>> -> memref<1x128xf32, #tpu.memory_space<vmem>>
      %swap3A_2140 = tpu.memref_squeeze %swap3A_2139 : memref<1x128xf32, #tpu.memory_space<vmem>> -> memref<128xf32, #tpu.memory_space<vmem>>
      %swap3A_2141 = arith.constant 96 : index
      %swap3A_2142 = tpu.vector_load %swap3A_2140[%swap3A_2141] {strides = array<i32>} : memref<128xf32, #tpu.memory_space<vmem>>, vector<16xf32>,
      %swap3A_2143 = vector.shape_cast %swap3A_2142 : vector<16xf32> to vector<16xf32>
      %swap3A_2144 = vector.shape_cast %gather3A_2091 : vector<16xf32> to vector<16xf32>
      tpu.vector_store %swap3A_2140[%swap3A_2141], %swap3A_2144 {strides = array<i32>} : memref<128xf32, #tpu.memory_space<vmem>>, vector<16xf32>,
      %swap3A_2145 = arith.constant 0 : i32
      %swap3A_2146 = tpu.memref_slice %arg7[%add3A_2095, %swap3A_2145] : memref<400x128xf32, #tpu.memory_space<vmem>> -> memref<1x128xf32, #tpu.memory_space<vmem>>
      %swap3A_2147 = tpu.memref_squeeze %swap3A_2146 : memref<1x128xf32, #tpu.memory_space<vmem>> -> memref<128xf32, #tpu.memory_space<vmem>>
      %swap3A_2148 = arith.constant 112 : index
      %swap3A_2149 = tpu.vector_load %swap3A_2147[%swap3A_2148] {strides = array<i32>} : memref<128xf32, #tpu.memory_space<vmem>>, vector<16xf32>,
      %swap3A_2150 = vector.shape_cast %swap3A_2149 : vector<16xf32> to vector<16xf32>
      %swap3A_2151 = vector.shape_cast %gather3A_2091 : vector<16xf32> to vector<16xf32>
      tpu.vector_store %swap3A_2147[%swap3A_2148], %swap3A_2151 {strides = array<i32>} : memref<128xf32, #tpu.memory_space<vmem>>, vector<16xf32>,
      %broadcast_in_dim3A_2152 = arith.constant 10 : i32
      %broadcast_in_dim3A_2153 = vector.broadcast %broadcast_in_dim3A_2152 : i32 to vector<16xi32>
      %lt3A_2154 = arith.constant 0 : i32
      %lt3A_2155 = vector.broadcast %lt3A_2154 : i32 to vector<16xi32>
      %lt3A_2156 = arith.cmpi slt, %broadcast_in_dim3A_2153, %lt3A_2155 : vector<16xi32>
      %add3A_2157 = arith.constant 16 : i32
      %add3A_2158 = vector.broadcast %add3A_2157 : i32 to vector<16xi32>
      %add3A_2159 = arith.addi %broadcast_in_dim3A_2153, %add3A_2158 : vector<16xi32>
      %select_n3A_2160 = arith.select %lt3A_2156, %add3A_2159, %broadcast_in_dim3A_2153 : vector<16xi1>, vector<16xi32>
      %broadcast_in_dim3A_2161 = vector.shape_cast %select_n3A_2160 : vector<16xi32> to vector<16x1xi32>
      %gather3A_2162 = vector.shape_cast %broadcast_in_dim3A_2161 : vector<16x1xi32> to vector<16xi32>
      %gather3A_2163 = tpu.dynamic_gather %add3A_1436[%gather3A_2162] in [0] : vector<16xf32>, vector<16xi32> -> vector<16xf32>
      %mul3A_2164 = arith.constant 16 : i32
      %mul3A_2165 = arith.muli %scan3A_1428, %mul3A_2164 : i32
      %add3A_2166 = arith.constant 10 : i32
      %add3A_2167 = arith.addi %mul3A_2165, %add3A_2166 : i32
      %swap3A_2168 = arith.constant 0 : i32
      %swap3A_2169 = tpu.memref_slice %arg7[%add3A_2167, %swap3A_2168] : memref<400x128xf32, #tpu.memory_space<vmem>> -> memref<1x128xf32, #tpu.memory_space<vmem>>
      %swap3A_2170 = tpu.memref_squeeze %swap3A_2169 : memref<1x128xf32, #tpu.memory_space<vmem>> -> memref<128xf32, #tpu.memory_space<vmem>>
      %swap3A_2171 = arith.constant 0 : index
      %swap3A_2172 = tpu.vector_load %swap3A_2170[%swap3A_2171] {strides = array<i32>} : memref<128xf32, #tpu.memory_space<vmem>>, vector<16xf32>,
      %swap3A_2173 = vector.shape_cast %swap3A_2172 : vector<16xf32> to vector<16xf32>
      %swap3A_2174 = vector.shape_cast %gather3A_2163 : vector<16xf32> to vector<16xf32>
      tpu.vector_store %swap3A_2170[%swap3A_2171], %swap3A_2174 {strides = array<i32>} : memref<128xf32, #tpu.memory_space<vmem>>, vector<16xf32>,
      %swap3A_2175 = arith.constant 0 : i32
      %swap3A_2176 = tpu.memref_slice %arg7[%add3A_2167, %swap3A_2175] : memref<400x128xf32, #tpu.memory_space<vmem>> -> memref<1x128xf32, #tpu.memory_space<vmem>>
      %swap3A_2177 = tpu.memref_squeeze %swap3A_2176 : memref<1x128xf32, #tpu.memory_space<vmem>> -> memref<128xf32, #tpu.memory_space<vmem>>
      %swap3A_2178 = arith.constant 16 : index
      %swap3A_2179 = tpu.vector_load %swap3A_2177[%swap3A_2178] {strides = array<i32>} : memref<128xf32, #tpu.memory_space<vmem>>, vector<16xf32>,
      %swap3A_2180 = vector.shape_cast %swap3A_2179 : vector<16xf32> to vector<16xf32>
      %swap3A_2181 = vector.shape_cast %gather3A_2163 : vector<16xf32> to vector<16xf32>
      tpu.vector_store %swap3A_2177[%swap3A_2178], %swap3A_2181 {strides = array<i32>} : memref<128xf32, #tpu.memory_space<vmem>>, vector<16xf32>,
      %swap3A_2182 = arith.constant 0 : i32
      %swap3A_2183 = tpu.memref_slice %arg7[%add3A_2167, %swap3A_2182] : memref<400x128xf32, #tpu.memory_space<vmem>> -> memref<1x128xf32, #tpu.memory_space<vmem>>
      %swap3A_2184 = tpu.memref_squeeze %swap3A_2183 : memref<1x128xf32, #tpu.memory_space<vmem>> -> memref<128xf32, #tpu.memory_space<vmem>>
      %swap3A_2185 = arith.constant 32 : index
      %swap3A_2186 = tpu.vector_load %swap3A_2184[%swap3A_2185] {strides = array<i32>} : memref<128xf32, #tpu.memory_space<vmem>>, vector<16xf32>,
      %swap3A_2187 = vector.shape_cast %swap3A_2186 : vector<16xf32> to vector<16xf32>
      %swap3A_2188 = vector.shape_cast %gather3A_2163 : vector<16xf32> to vector<16xf32>
      tpu.vector_store %swap3A_2184[%swap3A_2185], %swap3A_2188 {strides = array<i32>} : memref<128xf32, #tpu.memory_space<vmem>>, vector<16xf32>,
      %swap3A_2189 = arith.constant 0 : i32
      %swap3A_2190 = tpu.memref_slice %arg7[%add3A_2167, %swap3A_2189] : memref<400x128xf32, #tpu.memory_space<vmem>> -> memref<1x128xf32, #tpu.memory_space<vmem>>
      %swap3A_2191 = tpu.memref_squeeze %swap3A_2190 : memref<1x128xf32, #tpu.memory_space<vmem>> -> memref<128xf32, #tpu.memory_space<vmem>>
      %swap3A_2192 = arith.constant 48 : index
      %swap3A_2193 = tpu.vector_load %swap3A_2191[%swap3A_2192] {strides = array<i32>} : memref<128xf32, #tpu.memory_space<vmem>>, vector<16xf32>,
      %swap3A_2194 = vector.shape_cast %swap3A_2193 : vector<16xf32> to vector<16xf32>
      %swap3A_2195 = vector.shape_cast %gather3A_2163 : vector<16xf32> to vector<16xf32>
      tpu.vector_store %swap3A_2191[%swap3A_2192], %swap3A_2195 {strides = array<i32>} : memref<128xf32, #tpu.memory_space<vmem>>, vector<16xf32>,
      %swap3A_2196 = arith.constant 0 : i32
      %swap3A_2197 = tpu.memref_slice %arg7[%add3A_2167, %swap3A_2196] : memref<400x128xf32, #tpu.memory_space<vmem>> -> memref<1x128xf32, #tpu.memory_space<vmem>>
      %swap3A_2198 = tpu.memref_squeeze %swap3A_2197 : memref<1x128xf32, #tpu.memory_space<vmem>> -> memref<128xf32, #tpu.memory_space<vmem>>
      %swap3A_2199 = arith.constant 64 : index
      %swap3A_2200 = tpu.vector_load %swap3A_2198[%swap3A_2199] {strides = array<i32>} : memref<128xf32, #tpu.memory_space<vmem>>, vector<16xf32>,
      %swap3A_2201 = vector.shape_cast %swap3A_2200 : vector<16xf32> to vector<16xf32>
      %swap3A_2202 = vector.shape_cast %gather3A_2163 : vector<16xf32> to vector<16xf32>
      tpu.vector_store %swap3A_2198[%swap3A_2199], %swap3A_2202 {strides = array<i32>} : memref<128xf32, #tpu.memory_space<vmem>>, vector<16xf32>,
      %swap3A_2203 = arith.constant 0 : i32
      %swap3A_2204 = tpu.memref_slice %arg7[%add3A_2167, %swap3A_2203] : memref<400x128xf32, #tpu.memory_space<vmem>> -> memref<1x128xf32, #tpu.memory_space<vmem>>
      %swap3A_2205 = tpu.memref_squeeze %swap3A_2204 : memref<1x128xf32, #tpu.memory_space<vmem>> -> memref<128xf32, #tpu.memory_space<vmem>>
      %swap3A_2206 = arith.constant 80 : index
      %swap3A_2207 = tpu.vector_load %swap3A_2205[%swap3A_2206] {strides = array<i32>} : memref<128xf32, #tpu.memory_space<vmem>>, vector<16xf32>,
      %swap3A_2208 = vector.shape_cast %swap3A_2207 : vector<16xf32> to vector<16xf32>
      %swap3A_2209 = vector.shape_cast %gather3A_2163 : vector<16xf32> to vector<16xf32>
      tpu.vector_store %swap3A_2205[%swap3A_2206], %swap3A_2209 {strides = array<i32>} : memref<128xf32, #tpu.memory_space<vmem>>, vector<16xf32>,
      %swap3A_2210 = arith.constant 0 : i32
      %swap3A_2211 = tpu.memref_slice %arg7[%add3A_2167, %swap3A_2210] : memref<400x128xf32, #tpu.memory_space<vmem>> -> memref<1x128xf32, #tpu.memory_space<vmem>>
      %swap3A_2212 = tpu.memref_squeeze %swap3A_2211 : memref<1x128xf32, #tpu.memory_space<vmem>> -> memref<128xf32, #tpu.memory_space<vmem>>
      %swap3A_2213 = arith.constant 96 : index
      %swap3A_2214 = tpu.vector_load %swap3A_2212[%swap3A_2213] {strides = array<i32>} : memref<128xf32, #tpu.memory_space<vmem>>, vector<16xf32>,
      %swap3A_2215 = vector.shape_cast %swap3A_2214 : vector<16xf32> to vector<16xf32>
      %swap3A_2216 = vector.shape_cast %gather3A_2163 : vector<16xf32> to vector<16xf32>
      tpu.vector_store %swap3A_2212[%swap3A_2213], %swap3A_2216 {strides = array<i32>} : memref<128xf32, #tpu.memory_space<vmem>>, vector<16xf32>,
      %swap3A_2217 = arith.constant 0 : i32
      %swap3A_2218 = tpu.memref_slice %arg7[%add3A_2167, %swap3A_2217] : memref<400x128xf32, #tpu.memory_space<vmem>> -> memref<1x128xf32, #tpu.memory_space<vmem>>
      %swap3A_2219 = tpu.memref_squeeze %swap3A_2218 : memref<1x128xf32, #tpu.memory_space<vmem>> -> memref<128xf32, #tpu.memory_space<vmem>>
      %swap3A_2220 = arith.constant 112 : index
      %swap3A_2221 = tpu.vector_load %swap3A_2219[%swap3A_2220] {strides = array<i32>} : memref<128xf32, #tpu.memory_space<vmem>>, vector<16xf32>,
      %swap3A_2222 = vector.shape_cast %swap3A_2221 : vector<16xf32> to vector<16xf32>
      %swap3A_2223 = vector.shape_cast %gather3A_2163 : vector<16xf32> to vector<16xf32>
      tpu.vector_store %swap3A_2219[%swap3A_2220], %swap3A_2223 {strides = array<i32>} : memref<128xf32, #tpu.memory_space<vmem>>, vector<16xf32>,
      %broadcast_in_dim3A_2224 = arith.constant 11 : i32
      %broadcast_in_dim3A_2225 = vector.broadcast %broadcast_in_dim3A_2224 : i32 to vector<16xi32>
      %lt3A_2226 = arith.constant 0 : i32
      %lt3A_2227 = vector.broadcast %lt3A_2226 : i32 to vector<16xi32>
      %lt3A_2228 = arith.cmpi slt, %broadcast_in_dim3A_2225, %lt3A_2227 : vector<16xi32>
      %add3A_2229 = arith.constant 16 : i32
      %add3A_2230 = vector.broadcast %add3A_2229 : i32 to vector<16xi32>
      %add3A_2231 = arith.addi %broadcast_in_dim3A_2225, %add3A_2230 : vector<16xi32>
      %select_n3A_2232 = arith.select %lt3A_2228, %add3A_2231, %broadcast_in_dim3A_2225 : vector<16xi1>, vector<16xi32>
      %broadcast_in_dim3A_2233 = vector.shape_cast %select_n3A_2232 : vector<16xi32> to vector<16x1xi32>
      %gather3A_2234 = vector.shape_cast %broadcast_in_dim3A_2233 : vector<16x1xi32> to vector<16xi32>
      %gather3A_2235 = tpu.dynamic_gather %add3A_1436[%gather3A_2234] in [0] : vector<16xf32>, vector<16xi32> -> vector<16xf32>
      %mul3A_2236 = arith.constant 16 : i32
      %mul3A_2237 = arith.muli %scan3A_1428, %mul3A_2236 : i32
      %add3A_2238 = arith.constant 11 : i32
      %add3A_2239 = arith.addi %mul3A_2237, %add3A_2238 : i32
      %swap3A_2240 = arith.constant 0 : i32
      %swap3A_2241 = tpu.memref_slice %arg7[%add3A_2239, %swap3A_2240] : memref<400x128xf32, #tpu.memory_space<vmem>> -> memref<1x128xf32, #tpu.memory_space<vmem>>
      %swap3A_2242 = tpu.memref_squeeze %swap3A_2241 : memref<1x128xf32, #tpu.memory_space<vmem>> -> memref<128xf32, #tpu.memory_space<vmem>>
      %swap3A_2243 = arith.constant 0 : index
      %swap3A_2244 = tpu.vector_load %swap3A_2242[%swap3A_2243] {strides = array<i32>} : memref<128xf32, #tpu.memory_space<vmem>>, vector<16xf32>,
      %swap3A_2245 = vector.shape_cast %swap3A_2244 : vector<16xf32> to vector<16xf32>
      %swap3A_2246 = vector.shape_cast %gather3A_2235 : vector<16xf32> to vector<16xf32>
      tpu.vector_store %swap3A_2242[%swap3A_2243], %swap3A_2246 {strides = array<i32>} : memref<128xf32, #tpu.memory_space<vmem>>, vector<16xf32>,
      %swap3A_2247 = arith.constant 0 : i32
      %swap3A_2248 = tpu.memref_slice %arg7[%add3A_2239, %swap3A_2247] : memref<400x128xf32, #tpu.memory_space<vmem>> -> memref<1x128xf32, #tpu.memory_space<vmem>>
      %swap3A_2249 = tpu.memref_squeeze %swap3A_2248 : memref<1x128xf32, #tpu.memory_space<vmem>> -> memref<128xf32, #tpu.memory_space<vmem>>
      %swap3A_2250 = arith.constant 16 : index
      %swap3A_2251 = tpu.vector_load %swap3A_2249[%swap3A_2250] {strides = array<i32>} : memref<128xf32, #tpu.memory_space<vmem>>, vector<16xf32>,
      %swap3A_2252 = vector.shape_cast %swap3A_2251 : vector<16xf32> to vector<16xf32>
      %swap3A_2253 = vector.shape_cast %gather3A_2235 : vector<16xf32> to vector<16xf32>
      tpu.vector_store %swap3A_2249[%swap3A_2250], %swap3A_2253 {strides = array<i32>} : memref<128xf32, #tpu.memory_space<vmem>>, vector<16xf32>,
      %swap3A_2254 = arith.constant 0 : i32
      %swap3A_2255 = tpu.memref_slice %arg7[%add3A_2239, %swap3A_2254] : memref<400x128xf32, #tpu.memory_space<vmem>> -> memref<1x128xf32, #tpu.memory_space<vmem>>
      %swap3A_2256 = tpu.memref_squeeze %swap3A_2255 : memref<1x128xf32, #tpu.memory_space<vmem>> -> memref<128xf32, #tpu.memory_space<vmem>>
      %swap3A_2257 = arith.constant 32 : index
      %swap3A_2258 = tpu.vector_load %swap3A_2256[%swap3A_2257] {strides = array<i32>} : memref<128xf32, #tpu.memory_space<vmem>>, vector<16xf32>,
      %swap3A_2259 = vector.shape_cast %swap3A_2258 : vector<16xf32> to vector<16xf32>
      %swap3A_2260 = vector.shape_cast %gather3A_2235 : vector<16xf32> to vector<16xf32>
      tpu.vector_store %swap3A_2256[%swap3A_2257], %swap3A_2260 {strides = array<i32>} : memref<128xf32, #tpu.memory_space<vmem>>, vector<16xf32>,
      %swap3A_2261 = arith.constant 0 : i32
      %swap3A_2262 = tpu.memref_slice %arg7[%add3A_2239, %swap3A_2261] : memref<400x128xf32, #tpu.memory_space<vmem>> -> memref<1x128xf32, #tpu.memory_space<vmem>>
      %swap3A_2263 = tpu.memref_squeeze %swap3A_2262 : memref<1x128xf32, #tpu.memory_space<vmem>> -> memref<128xf32, #tpu.memory_space<vmem>>
      %swap3A_2264 = arith.constant 48 : index
      %swap3A_2265 = tpu.vector_load %swap3A_2263[%swap3A_2264] {strides = array<i32>} : memref<128xf32, #tpu.memory_space<vmem>>, vector<16xf32>,
      %swap3A_2266 = vector.shape_cast %swap3A_2265 : vector<16xf32> to vector<16xf32>
      %swap3A_2267 = vector.shape_cast %gather3A_2235 : vector<16xf32> to vector<16xf32>
      tpu.vector_store %swap3A_2263[%swap3A_2264], %swap3A_2267 {strides = array<i32>} : memref<128xf32, #tpu.memory_space<vmem>>, vector<16xf32>,
      %swap3A_2268 = arith.constant 0 : i32
      %swap3A_2269 = tpu.memref_slice %arg7[%add3A_2239, %swap3A_2268] : memref<400x128xf32, #tpu.memory_space<vmem>> -> memref<1x128xf32, #tpu.memory_space<vmem>>
      %swap3A_2270 = tpu.memref_squeeze %swap3A_2269 : memref<1x128xf32, #tpu.memory_space<vmem>> -> memref<128xf32, #tpu.memory_space<vmem>>
      %swap3A_2271 = arith.constant 64 : index
      %swap3A_2272 = tpu.vector_load %swap3A_2270[%swap3A_2271] {strides = array<i32>} : memref<128xf32, #tpu.memory_space<vmem>>, vector<16xf32>,
      %swap3A_2273 = vector.shape_cast %swap3A_2272 : vector<16xf32> to vector<16xf32>
      %swap3A_2274 = vector.shape_cast %gather3A_2235 : vector<16xf32> to vector<16xf32>
      tpu.vector_store %swap3A_2270[%swap3A_2271], %swap3A_2274 {strides = array<i32>} : memref<128xf32, #tpu.memory_space<vmem>>, vector<16xf32>,
      %swap3A_2275 = arith.constant 0 : i32
      %swap3A_2276 = tpu.memref_slice %arg7[%add3A_2239, %swap3A_2275] : memref<400x128xf32, #tpu.memory_space<vmem>> -> memref<1x128xf32, #tpu.memory_space<vmem>>
      %swap3A_2277 = tpu.memref_squeeze %swap3A_2276 : memref<1x128xf32, #tpu.memory_space<vmem>> -> memref<128xf32, #tpu.memory_space<vmem>>
      %swap3A_2278 = arith.constant 80 : index
      %swap3A_2279 = tpu.vector_load %swap3A_2277[%swap3A_2278] {strides = array<i32>} : memref<128xf32, #tpu.memory_space<vmem>>, vector<16xf32>,
      %swap3A_2280 = vector.shape_cast %swap3A_2279 : vector<16xf32> to vector<16xf32>
      %swap3A_2281 = vector.shape_cast %gather3A_2235 : vector<16xf32> to vector<16xf32>
      tpu.vector_store %swap3A_2277[%swap3A_2278], %swap3A_2281 {strides = array<i32>} : memref<128xf32, #tpu.memory_space<vmem>>, vector<16xf32>,
      %swap3A_2282 = arith.constant 0 : i32
      %swap3A_2283 = tpu.memref_slice %arg7[%add3A_2239, %swap3A_2282] : memref<400x128xf32, #tpu.memory_space<vmem>> -> memref<1x128xf32, #tpu.memory_space<vmem>>
      %swap3A_2284 = tpu.memref_squeeze %swap3A_2283 : memref<1x128xf32, #tpu.memory_space<vmem>> -> memref<128xf32, #tpu.memory_space<vmem>>
      %swap3A_2285 = arith.constant 96 : index
      %swap3A_2286 = tpu.vector_load %swap3A_2284[%swap3A_2285] {strides = array<i32>} : memref<128xf32, #tpu.memory_space<vmem>>, vector<16xf32>,
      %swap3A_2287 = vector.shape_cast %swap3A_2286 : vector<16xf32> to vector<16xf32>
      %swap3A_2288 = vector.shape_cast %gather3A_2235 : vector<16xf32> to vector<16xf32>
      tpu.vector_store %swap3A_2284[%swap3A_2285], %swap3A_2288 {strides = array<i32>} : memref<128xf32, #tpu.memory_space<vmem>>, vector<16xf32>,
      %swap3A_2289 = arith.constant 0 : i32
      %swap3A_2290 = tpu.memref_slice %arg7[%add3A_2239, %swap3A_2289] : memref<400x128xf32, #tpu.memory_space<vmem>> -> memref<1x128xf32, #tpu.memory_space<vmem>>
      %swap3A_2291 = tpu.memref_squeeze %swap3A_2290 : memref<1x128xf32, #tpu.memory_space<vmem>> -> memref<128xf32, #tpu.memory_space<vmem>>
      %swap3A_2292 = arith.constant 112 : index
      %swap3A_2293 = tpu.vector_load %swap3A_2291[%swap3A_2292] {strides = array<i32>} : memref<128xf32, #tpu.memory_space<vmem>>, vector<16xf32>,
      %swap3A_2294 = vector.shape_cast %swap3A_2293 : vector<16xf32> to vector<16xf32>
      %swap3A_2295 = vector.shape_cast %gather3A_2235 : vector<16xf32> to vector<16xf32>
      tpu.vector_store %swap3A_2291[%swap3A_2292], %swap3A_2295 {strides = array<i32>} : memref<128xf32, #tpu.memory_space<vmem>>, vector<16xf32>,
      %broadcast_in_dim3A_2296 = arith.constant 12 : i32
      %broadcast_in_dim3A_2297 = vector.broadcast %broadcast_in_dim3A_2296 : i32 to vector<16xi32>
      %lt3A_2298 = arith.constant 0 : i32
      %lt3A_2299 = vector.broadcast %lt3A_2298 : i32 to vector<16xi32>
      %lt3A_2300 = arith.cmpi slt, %broadcast_in_dim3A_2297, %lt3A_2299 : vector<16xi32>
      %add3A_2301 = arith.constant 16 : i32
      %add3A_2302 = vector.broadcast %add3A_2301 : i32 to vector<16xi32>
      %add3A_2303 = arith.addi %broadcast_in_dim3A_2297, %add3A_2302 : vector<16xi32>
      %select_n3A_2304 = arith.select %lt3A_2300, %add3A_2303, %broadcast_in_dim3A_2297 : vector<16xi1>, vector<16xi32>
      %broadcast_in_dim3A_2305 = vector.shape_cast %select_n3A_2304 : vector<16xi32> to vector<16x1xi32>
      %gather3A_2306 = vector.shape_cast %broadcast_in_dim3A_2305 : vector<16x1xi32> to vector<16xi32>
      %gather3A_2307 = tpu.dynamic_gather %add3A_1436[%gather3A_2306] in [0] : vector<16xf32>, vector<16xi32> -> vector<16xf32>
      %mul3A_2308 = arith.constant 16 : i32
      %mul3A_2309 = arith.muli %scan3A_1428, %mul3A_2308 : i32
      %add3A_2310 = arith.constant 12 : i32
      %add3A_2311 = arith.addi %mul3A_2309, %add3A_2310 : i32
      %swap3A_2312 = arith.constant 0 : i32
      %swap3A_2313 = tpu.memref_slice %arg7[%add3A_2311, %swap3A_2312] : memref<400x128xf32, #tpu.memory_space<vmem>> -> memref<1x128xf32, #tpu.memory_space<vmem>>
      %swap3A_2314 = tpu.memref_squeeze %swap3A_2313 : memref<1x128xf32, #tpu.memory_space<vmem>> -> memref<128xf32, #tpu.memory_space<vmem>>
      %swap3A_2315 = arith.constant 0 : index
      %swap3A_2316 = tpu.vector_load %swap3A_2314[%swap3A_2315] {strides = array<i32>} : memref<128xf32, #tpu.memory_space<vmem>>, vector<16xf32>,
      %swap3A_2317 = vector.shape_cast %swap3A_2316 : vector<16xf32> to vector<16xf32>
      %swap3A_2318 = vector.shape_cast %gather3A_2307 : vector<16xf32> to vector<16xf32>
      tpu.vector_store %swap3A_2314[%swap3A_2315], %swap3A_2318 {strides = array<i32>} : memref<128xf32, #tpu.memory_space<vmem>>, vector<16xf32>,
      %swap3A_2319 = arith.constant 0 : i32
      %swap3A_2320 = tpu.memref_slice %arg7[%add3A_2311, %swap3A_2319] : memref<400x128xf32, #tpu.memory_space<vmem>> -> memref<1x128xf32, #tpu.memory_space<vmem>>
      %swap3A_2321 = tpu.memref_squeeze %swap3A_2320 : memref<1x128xf32, #tpu.memory_space<vmem>> -> memref<128xf32, #tpu.memory_space<vmem>>
      %swap3A_2322 = arith.constant 16 : index
      %swap3A_2323 = tpu.vector_load %swap3A_2321[%swap3A_2322] {strides = array<i32>} : memref<128xf32, #tpu.memory_space<vmem>>, vector<16xf32>,
      %swap3A_2324 = vector.shape_cast %swap3A_2323 : vector<16xf32> to vector<16xf32>
      %swap3A_2325 = vector.shape_cast %gather3A_2307 : vector<16xf32> to vector<16xf32>
      tpu.vector_store %swap3A_2321[%swap3A_2322], %swap3A_2325 {strides = array<i32>} : memref<128xf32, #tpu.memory_space<vmem>>, vector<16xf32>,
      %swap3A_2326 = arith.constant 0 : i32
      %swap3A_2327 = tpu.memref_slice %arg7[%add3A_2311, %swap3A_2326] : memref<400x128xf32, #tpu.memory_space<vmem>> -> memref<1x128xf32, #tpu.memory_space<vmem>>
      %swap3A_2328 = tpu.memref_squeeze %swap3A_2327 : memref<1x128xf32, #tpu.memory_space<vmem>> -> memref<128xf32, #tpu.memory_space<vmem>>
      %swap3A_2329 = arith.constant 32 : index
      %swap3A_2330 = tpu.vector_load %swap3A_2328[%swap3A_2329] {strides = array<i32>} : memref<128xf32, #tpu.memory_space<vmem>>, vector<16xf32>,
      %swap3A_2331 = vector.shape_cast %swap3A_2330 : vector<16xf32> to vector<16xf32>
      %swap3A_2332 = vector.shape_cast %gather3A_2307 : vector<16xf32> to vector<16xf32>
      tpu.vector_store %swap3A_2328[%swap3A_2329], %swap3A_2332 {strides = array<i32>} : memref<128xf32, #tpu.memory_space<vmem>>, vector<16xf32>,
      %swap3A_2333 = arith.constant 0 : i32
      %swap3A_2334 = tpu.memref_slice %arg7[%add3A_2311, %swap3A_2333] : memref<400x128xf32, #tpu.memory_space<vmem>> -> memref<1x128xf32, #tpu.memory_space<vmem>>
      %swap3A_2335 = tpu.memref_squeeze %swap3A_2334 : memref<1x128xf32, #tpu.memory_space<vmem>> -> memref<128xf32, #tpu.memory_space<vmem>>
      %swap3A_2336 = arith.constant 48 : index
      %swap3A_2337 = tpu.vector_load %swap3A_2335[%swap3A_2336] {strides = array<i32>} : memref<128xf32, #tpu.memory_space<vmem>>, vector<16xf32>,
      %swap3A_2338 = vector.shape_cast %swap3A_2337 : vector<16xf32> to vector<16xf32>
      %swap3A_2339 = vector.shape_cast %gather3A_2307 : vector<16xf32> to vector<16xf32>
      tpu.vector_store %swap3A_2335[%swap3A_2336], %swap3A_2339 {strides = array<i32>} : memref<128xf32, #tpu.memory_space<vmem>>, vector<16xf32>,
      %swap3A_2340 = arith.constant 0 : i32
      %swap3A_2341 = tpu.memref_slice %arg7[%add3A_2311, %swap3A_2340] : memref<400x128xf32, #tpu.memory_space<vmem>> -> memref<1x128xf32, #tpu.memory_space<vmem>>
      %swap3A_2342 = tpu.memref_squeeze %swap3A_2341 : memref<1x128xf32, #tpu.memory_space<vmem>> -> memref<128xf32, #tpu.memory_space<vmem>>
      %swap3A_2343 = arith.constant 64 : index
      %swap3A_2344 = tpu.vector_load %swap3A_2342[%swap3A_2343] {strides = array<i32>} : memref<128xf32, #tpu.memory_space<vmem>>, vector<16xf32>,
      %swap3A_2345 = vector.shape_cast %swap3A_2344 : vector<16xf32> to vector<16xf32>
      %swap3A_2346 = vector.shape_cast %gather3A_2307 : vector<16xf32> to vector<16xf32>
      tpu.vector_store %swap3A_2342[%swap3A_2343], %swap3A_2346 {strides = array<i32>} : memref<128xf32, #tpu.memory_space<vmem>>, vector<16xf32>,
      %swap3A_2347 = arith.constant 0 : i32
      %swap3A_2348 = tpu.memref_slice %arg7[%add3A_2311, %swap3A_2347] : memref<400x128xf32, #tpu.memory_space<vmem>> -> memref<1x128xf32, #tpu.memory_space<vmem>>
      %swap3A_2349 = tpu.memref_squeeze %swap3A_2348 : memref<1x128xf32, #tpu.memory_space<vmem>> -> memref<128xf32, #tpu.memory_space<vmem>>
      %swap3A_2350 = arith.constant 80 : index
      %swap3A_2351 = tpu.vector_load %swap3A_2349[%swap3A_2350] {strides = array<i32>} : memref<128xf32, #tpu.memory_space<vmem>>, vector<16xf32>,
      %swap3A_2352 = vector.shape_cast %swap3A_2351 : vector<16xf32> to vector<16xf32>
      %swap3A_2353 = vector.shape_cast %gather3A_2307 : vector<16xf32> to vector<16xf32>
      tpu.vector_store %swap3A_2349[%swap3A_2350], %swap3A_2353 {strides = array<i32>} : memref<128xf32, #tpu.memory_space<vmem>>, vector<16xf32>,
      %swap3A_2354 = arith.constant 0 : i32
      %swap3A_2355 = tpu.memref_slice %arg7[%add3A_2311, %swap3A_2354] : memref<400x128xf32, #tpu.memory_space<vmem>> -> memref<1x128xf32, #tpu.memory_space<vmem>>
      %swap3A_2356 = tpu.memref_squeeze %swap3A_2355 : memref<1x128xf32, #tpu.memory_space<vmem>> -> memref<128xf32, #tpu.memory_space<vmem>>
      %swap3A_2357 = arith.constant 96 : index
      %swap3A_2358 = tpu.vector_load %swap3A_2356[%swap3A_2357] {strides = array<i32>} : memref<128xf32, #tpu.memory_space<vmem>>, vector<16xf32>,
      %swap3A_2359 = vector.shape_cast %swap3A_2358 : vector<16xf32> to vector<16xf32>
      %swap3A_2360 = vector.shape_cast %gather3A_2307 : vector<16xf32> to vector<16xf32>
      tpu.vector_store %swap3A_2356[%swap3A_2357], %swap3A_2360 {strides = array<i32>} : memref<128xf32, #tpu.memory_space<vmem>>, vector<16xf32>,
      %swap3A_2361 = arith.constant 0 : i32
      %swap3A_2362 = tpu.memref_slice %arg7[%add3A_2311, %swap3A_2361] : memref<400x128xf32, #tpu.memory_space<vmem>> -> memref<1x128xf32, #tpu.memory_space<vmem>>
      %swap3A_2363 = tpu.memref_squeeze %swap3A_2362 : memref<1x128xf32, #tpu.memory_space<vmem>> -> memref<128xf32, #tpu.memory_space<vmem>>
      %swap3A_2364 = arith.constant 112 : index
      %swap3A_2365 = tpu.vector_load %swap3A_2363[%swap3A_2364] {strides = array<i32>} : memref<128xf32, #tpu.memory_space<vmem>>, vector<16xf32>,
      %swap3A_2366 = vector.shape_cast %swap3A_2365 : vector<16xf32> to vector<16xf32>
      %swap3A_2367 = vector.shape_cast %gather3A_2307 : vector<16xf32> to vector<16xf32>
      tpu.vector_store %swap3A_2363[%swap3A_2364], %swap3A_2367 {strides = array<i32>} : memref<128xf32, #tpu.memory_space<vmem>>, vector<16xf32>,
      %broadcast_in_dim3A_2368 = arith.constant 13 : i32
      %broadcast_in_dim3A_2369 = vector.broadcast %broadcast_in_dim3A_2368 : i32 to vector<16xi32>
      %lt3A_2370 = arith.constant 0 : i32
      %lt3A_2371 = vector.broadcast %lt3A_2370 : i32 to vector<16xi32>
      %lt3A_2372 = arith.cmpi slt, %broadcast_in_dim3A_2369, %lt3A_2371 : vector<16xi32>
      %add3A_2373 = arith.constant 16 : i32
      %add3A_2374 = vector.broadcast %add3A_2373 : i32 to vector<16xi32>
      %add3A_2375 = arith.addi %broadcast_in_dim3A_2369, %add3A_2374 : vector<16xi32>
      %select_n3A_2376 = arith.select %lt3A_2372, %add3A_2375, %broadcast_in_dim3A_2369 : vector<16xi1>, vector<16xi32>
      %broadcast_in_dim3A_2377 = vector.shape_cast %select_n3A_2376 : vector<16xi32> to vector<16x1xi32>
      %gather3A_2378 = vector.shape_cast %broadcast_in_dim3A_2377 : vector<16x1xi32> to vector<16xi32>
      %gather3A_2379 = tpu.dynamic_gather %add3A_1436[%gather3A_2378] in [0] : vector<16xf32>, vector<16xi32> -> vector<16xf32>
      %mul3A_2380 = arith.constant 16 : i32
      %mul3A_2381 = arith.muli %scan3A_1428, %mul3A_2380 : i32
      %add3A_2382 = arith.constant 13 : i32
      %add3A_2383 = arith.addi %mul3A_2381, %add3A_2382 : i32
      %swap3A_2384 = arith.constant 0 : i32
      %swap3A_2385 = tpu.memref_slice %arg7[%add3A_2383, %swap3A_2384] : memref<400x128xf32, #tpu.memory_space<vmem>> -> memref<1x128xf32, #tpu.memory_space<vmem>>
      %swap3A_2386 = tpu.memref_squeeze %swap3A_2385 : memref<1x128xf32, #tpu.memory_space<vmem>> -> memref<128xf32, #tpu.memory_space<vmem>>
      %swap3A_2387 = arith.constant 0 : index
      %swap3A_2388 = tpu.vector_load %swap3A_2386[%swap3A_2387] {strides = array<i32>} : memref<128xf32, #tpu.memory_space<vmem>>, vector<16xf32>,
      %swap3A_2389 = vector.shape_cast %swap3A_2388 : vector<16xf32> to vector<16xf32>
      %swap3A_2390 = vector.shape_cast %gather3A_2379 : vector<16xf32> to vector<16xf32>
      tpu.vector_store %swap3A_2386[%swap3A_2387], %swap3A_2390 {strides = array<i32>} : memref<128xf32, #tpu.memory_space<vmem>>, vector<16xf32>,
      %swap3A_2391 = arith.constant 0 : i32
      %swap3A_2392 = tpu.memref_slice %arg7[%add3A_2383, %swap3A_2391] : memref<400x128xf32, #tpu.memory_space<vmem>> -> memref<1x128xf32, #tpu.memory_space<vmem>>
      %swap3A_2393 = tpu.memref_squeeze %swap3A_2392 : memref<1x128xf32, #tpu.memory_space<vmem>> -> memref<128xf32, #tpu.memory_space<vmem>>
      %swap3A_2394 = arith.constant 16 : index
      %swap3A_2395 = tpu.vector_load %swap3A_2393[%swap3A_2394] {strides = array<i32>} : memref<128xf32, #tpu.memory_space<vmem>>, vector<16xf32>,
      %swap3A_2396 = vector.shape_cast %swap3A_2395 : vector<16xf32> to vector<16xf32>
      %swap3A_2397 = vector.shape_cast %gather3A_2379 : vector<16xf32> to vector<16xf32>
      tpu.vector_store %swap3A_2393[%swap3A_2394], %swap3A_2397 {strides = array<i32>} : memref<128xf32, #tpu.memory_space<vmem>>, vector<16xf32>,
      %swap3A_2398 = arith.constant 0 : i32
      %swap3A_2399 = tpu.memref_slice %arg7[%add3A_2383, %swap3A_2398] : memref<400x128xf32, #tpu.memory_space<vmem>> -> memref<1x128xf32, #tpu.memory_space<vmem>>
      %swap3A_2400 = tpu.memref_squeeze %swap3A_2399 : memref<1x128xf32, #tpu.memory_space<vmem>> -> memref<128xf32, #tpu.memory_space<vmem>>
      %swap3A_2401 = arith.constant 32 : index
      %swap3A_2402 = tpu.vector_load %swap3A_2400[%swap3A_2401] {strides = array<i32>} : memref<128xf32, #tpu.memory_space<vmem>>, vector<16xf32>,
      %swap3A_2403 = vector.shape_cast %swap3A_2402 : vector<16xf32> to vector<16xf32>
      %swap3A_2404 = vector.shape_cast %gather3A_2379 : vector<16xf32> to vector<16xf32>
      tpu.vector_store %swap3A_2400[%swap3A_2401], %swap3A_2404 {strides = array<i32>} : memref<128xf32, #tpu.memory_space<vmem>>, vector<16xf32>,
      %swap3A_2405 = arith.constant 0 : i32
      %swap3A_2406 = tpu.memref_slice %arg7[%add3A_2383, %swap3A_2405] : memref<400x128xf32, #tpu.memory_space<vmem>> -> memref<1x128xf32, #tpu.memory_space<vmem>>
      %swap3A_2407 = tpu.memref_squeeze %swap3A_2406 : memref<1x128xf32, #tpu.memory_space<vmem>> -> memref<128xf32, #tpu.memory_space<vmem>>
      %swap3A_2408 = arith.constant 48 : index
      %swap3A_2409 = tpu.vector_load %swap3A_2407[%swap3A_2408] {strides = array<i32>} : memref<128xf32, #tpu.memory_space<vmem>>, vector<16xf32>,
      %swap3A_2410 = vector.shape_cast %swap3A_2409 : vector<16xf32> to vector<16xf32>
      %swap3A_2411 = vector.shape_cast %gather3A_2379 : vector<16xf32> to vector<16xf32>
      tpu.vector_store %swap3A_2407[%swap3A_2408], %swap3A_2411 {strides = array<i32>} : memref<128xf32, #tpu.memory_space<vmem>>, vector<16xf32>,
      %swap3A_2412 = arith.constant 0 : i32
      %swap3A_2413 = tpu.memref_slice %arg7[%add3A_2383, %swap3A_2412] : memref<400x128xf32, #tpu.memory_space<vmem>> -> memref<1x128xf32, #tpu.memory_space<vmem>>
      %swap3A_2414 = tpu.memref_squeeze %swap3A_2413 : memref<1x128xf32, #tpu.memory_space<vmem>> -> memref<128xf32, #tpu.memory_space<vmem>>
      %swap3A_2415 = arith.constant 64 : index
      %swap3A_2416 = tpu.vector_load %swap3A_2414[%swap3A_2415] {strides = array<i32>} : memref<128xf32, #tpu.memory_space<vmem>>, vector<16xf32>,
      %swap3A_2417 = vector.shape_cast %swap3A_2416 : vector<16xf32> to vector<16xf32>
      %swap3A_2418 = vector.shape_cast %gather3A_2379 : vector<16xf32> to vector<16xf32>
      tpu.vector_store %swap3A_2414[%swap3A_2415], %swap3A_2418 {strides = array<i32>} : memref<128xf32, #tpu.memory_space<vmem>>, vector<16xf32>,
      %swap3A_2419 = arith.constant 0 : i32
      %swap3A_2420 = tpu.memref_slice %arg7[%add3A_2383, %swap3A_2419] : memref<400x128xf32, #tpu.memory_space<vmem>> -> memref<1x128xf32, #tpu.memory_space<vmem>>
      %swap3A_2421 = tpu.memref_squeeze %swap3A_2420 : memref<1x128xf32, #tpu.memory_space<vmem>> -> memref<128xf32, #tpu.memory_space<vmem>>
      %swap3A_2422 = arith.constant 80 : index
      %swap3A_2423 = tpu.vector_load %swap3A_2421[%swap3A_2422] {strides = array<i32>} : memref<128xf32, #tpu.memory_space<vmem>>, vector<16xf32>,
      %swap3A_2424 = vector.shape_cast %swap3A_2423 : vector<16xf32> to vector<16xf32>
      %swap3A_2425 = vector.shape_cast %gather3A_2379 : vector<16xf32> to vector<16xf32>
      tpu.vector_store %swap3A_2421[%swap3A_2422], %swap3A_2425 {strides = array<i32>} : memref<128xf32, #tpu.memory_space<vmem>>, vector<16xf32>,
      %swap3A_2426 = arith.constant 0 : i32
      %swap3A_2427 = tpu.memref_slice %arg7[%add3A_2383, %swap3A_2426] : memref<400x128xf32, #tpu.memory_space<vmem>> -> memref<1x128xf32, #tpu.memory_space<vmem>>
      %swap3A_2428 = tpu.memref_squeeze %swap3A_2427 : memref<1x128xf32, #tpu.memory_space<vmem>> -> memref<128xf32, #tpu.memory_space<vmem>>
      %swap3A_2429 = arith.constant 96 : index
      %swap3A_2430 = tpu.vector_load %swap3A_2428[%swap3A_2429] {strides = array<i32>} : memref<128xf32, #tpu.memory_space<vmem>>, vector<16xf32>,
      %swap3A_2431 = vector.shape_cast %swap3A_2430 : vector<16xf32> to vector<16xf32>
      %swap3A_2432 = vector.shape_cast %gather3A_2379 : vector<16xf32> to vector<16xf32>
      tpu.vector_store %swap3A_2428[%swap3A_2429], %swap3A_2432 {strides = array<i32>} : memref<128xf32, #tpu.memory_space<vmem>>, vector<16xf32>,
      %swap3A_2433 = arith.constant 0 : i32
      %swap3A_2434 = tpu.memref_slice %arg7[%add3A_2383, %swap3A_2433] : memref<400x128xf32, #tpu.memory_space<vmem>> -> memref<1x128xf32, #tpu.memory_space<vmem>>
      %swap3A_2435 = tpu.memref_squeeze %swap3A_2434 : memref<1x128xf32, #tpu.memory_space<vmem>> -> memref<128xf32, #tpu.memory_space<vmem>>
      %swap3A_2436 = arith.constant 112 : index
      %swap3A_2437 = tpu.vector_load %swap3A_2435[%swap3A_2436] {strides = array<i32>} : memref<128xf32, #tpu.memory_space<vmem>>, vector<16xf32>,
      %swap3A_2438 = vector.shape_cast %swap3A_2437 : vector<16xf32> to vector<16xf32>
      %swap3A_2439 = vector.shape_cast %gather3A_2379 : vector<16xf32> to vector<16xf32>
      tpu.vector_store %swap3A_2435[%swap3A_2436], %swap3A_2439 {strides = array<i32>} : memref<128xf32, #tpu.memory_space<vmem>>, vector<16xf32>,
      %broadcast_in_dim3A_2440 = arith.constant 14 : i32
      %broadcast_in_dim3A_2441 = vector.broadcast %broadcast_in_dim3A_2440 : i32 to vector<16xi32>
      %lt3A_2442 = arith.constant 0 : i32
      %lt3A_2443 = vector.broadcast %lt3A_2442 : i32 to vector<16xi32>
      %lt3A_2444 = arith.cmpi slt, %broadcast_in_dim3A_2441, %lt3A_2443 : vector<16xi32>
      %add3A_2445 = arith.constant 16 : i32
      %add3A_2446 = vector.broadcast %add3A_2445 : i32 to vector<16xi32>
      %add3A_2447 = arith.addi %broadcast_in_dim3A_2441, %add3A_2446 : vector<16xi32>
      %select_n3A_2448 = arith.select %lt3A_2444, %add3A_2447, %broadcast_in_dim3A_2441 : vector<16xi1>, vector<16xi32>
      %broadcast_in_dim3A_2449 = vector.shape_cast %select_n3A_2448 : vector<16xi32> to vector<16x1xi32>
      %gather3A_2450 = vector.shape_cast %broadcast_in_dim3A_2449 : vector<16x1xi32> to vector<16xi32>
      %gather3A_2451 = tpu.dynamic_gather %add3A_1436[%gather3A_2450] in [0] : vector<16xf32>, vector<16xi32> -> vector<16xf32>
      %mul3A_2452 = arith.constant 16 : i32
      %mul3A_2453 = arith.muli %scan3A_1428, %mul3A_2452 : i32
      %add3A_2454 = arith.constant 14 : i32
      %add3A_2455 = arith.addi %mul3A_2453, %add3A_2454 : i32
      %swap3A_2456 = arith.constant 0 : i32
      %swap3A_2457 = tpu.memref_slice %arg7[%add3A_2455, %swap3A_2456] : memref<400x128xf32, #tpu.memory_space<vmem>> -> memref<1x128xf32, #tpu.memory_space<vmem>>
      %swap3A_2458 = tpu.memref_squeeze %swap3A_2457 : memref<1x128xf32, #tpu.memory_space<vmem>> -> memref<128xf32, #tpu.memory_space<vmem>>
      %swap3A_2459 = arith.constant 0 : index
      %swap3A_2460 = tpu.vector_load %swap3A_2458[%swap3A_2459] {strides = array<i32>} : memref<128xf32, #tpu.memory_space<vmem>>, vector<16xf32>,
      %swap3A_2461 = vector.shape_cast %swap3A_2460 : vector<16xf32> to vector<16xf32>
      %swap3A_2462 = vector.shape_cast %gather3A_2451 : vector<16xf32> to vector<16xf32>
      tpu.vector_store %swap3A_2458[%swap3A_2459], %swap3A_2462 {strides = array<i32>} : memref<128xf32, #tpu.memory_space<vmem>>, vector<16xf32>,
      %swap3A_2463 = arith.constant 0 : i32
      %swap3A_2464 = tpu.memref_slice %arg7[%add3A_2455, %swap3A_2463] : memref<400x128xf32, #tpu.memory_space<vmem>> -> memref<1x128xf32, #tpu.memory_space<vmem>>
      %swap3A_2465 = tpu.memref_squeeze %swap3A_2464 : memref<1x128xf32, #tpu.memory_space<vmem>> -> memref<128xf32, #tpu.memory_space<vmem>>
      %swap3A_2466 = arith.constant 16 : index
      %swap3A_2467 = tpu.vector_load %swap3A_2465[%swap3A_2466] {strides = array<i32>} : memref<128xf32, #tpu.memory_space<vmem>>, vector<16xf32>,
      %swap3A_2468 = vector.shape_cast %swap3A_2467 : vector<16xf32> to vector<16xf32>
      %swap3A_2469 = vector.shape_cast %gather3A_2451 : vector<16xf32> to vector<16xf32>
      tpu.vector_store %swap3A_2465[%swap3A_2466], %swap3A_2469 {strides = array<i32>} : memref<128xf32, #tpu.memory_space<vmem>>, vector<16xf32>,
      %swap3A_2470 = arith.constant 0 : i32
      %swap3A_2471 = tpu.memref_slice %arg7[%add3A_2455, %swap3A_2470] : memref<400x128xf32, #tpu.memory_space<vmem>> -> memref<1x128xf32, #tpu.memory_space<vmem>>
      %swap3A_2472 = tpu.memref_squeeze %swap3A_2471 : memref<1x128xf32, #tpu.memory_space<vmem>> -> memref<128xf32, #tpu.memory_space<vmem>>
      %swap3A_2473 = arith.constant 32 : index
      %swap3A_2474 = tpu.vector_load %swap3A_2472[%swap3A_2473] {strides = array<i32>} : memref<128xf32, #tpu.memory_space<vmem>>, vector<16xf32>,
      %swap3A_2475 = vector.shape_cast %swap3A_2474 : vector<16xf32> to vector<16xf32>
      %swap3A_2476 = vector.shape_cast %gather3A_2451 : vector<16xf32> to vector<16xf32>
      tpu.vector_store %swap3A_2472[%swap3A_2473], %swap3A_2476 {strides = array<i32>} : memref<128xf32, #tpu.memory_space<vmem>>, vector<16xf32>,
      %swap3A_2477 = arith.constant 0 : i32
      %swap3A_2478 = tpu.memref_slice %arg7[%add3A_2455, %swap3A_2477] : memref<400x128xf32, #tpu.memory_space<vmem>> -> memref<1x128xf32, #tpu.memory_space<vmem>>
      %swap3A_2479 = tpu.memref_squeeze %swap3A_2478 : memref<1x128xf32, #tpu.memory_space<vmem>> -> memref<128xf32, #tpu.memory_space<vmem>>
      %swap3A_2480 = arith.constant 48 : index
      %swap3A_2481 = tpu.vector_load %swap3A_2479[%swap3A_2480] {strides = array<i32>} : memref<128xf32, #tpu.memory_space<vmem>>, vector<16xf32>,
      %swap3A_2482 = vector.shape_cast %swap3A_2481 : vector<16xf32> to vector<16xf32>
      %swap3A_2483 = vector.shape_cast %gather3A_2451 : vector<16xf32> to vector<16xf32>
      tpu.vector_store %swap3A_2479[%swap3A_2480], %swap3A_2483 {strides = array<i32>} : memref<128xf32, #tpu.memory_space<vmem>>, vector<16xf32>,
      %swap3A_2484 = arith.constant 0 : i32
      %swap3A_2485 = tpu.memref_slice %arg7[%add3A_2455, %swap3A_2484] : memref<400x128xf32, #tpu.memory_space<vmem>> -> memref<1x128xf32, #tpu.memory_space<vmem>>
      %swap3A_2486 = tpu.memref_squeeze %swap3A_2485 : memref<1x128xf32, #tpu.memory_space<vmem>> -> memref<128xf32, #tpu.memory_space<vmem>>
      %swap3A_2487 = arith.constant 64 : index
      %swap3A_2488 = tpu.vector_load %swap3A_2486[%swap3A_2487] {strides = array<i32>} : memref<128xf32, #tpu.memory_space<vmem>>, vector<16xf32>,
      %swap3A_2489 = vector.shape_cast %swap3A_2488 : vector<16xf32> to vector<16xf32>
      %swap3A_2490 = vector.shape_cast %gather3A_2451 : vector<16xf32> to vector<16xf32>
      tpu.vector_store %swap3A_2486[%swap3A_2487], %swap3A_2490 {strides = array<i32>} : memref<128xf32, #tpu.memory_space<vmem>>, vector<16xf32>,
      %swap3A_2491 = arith.constant 0 : i32
      %swap3A_2492 = tpu.memref_slice %arg7[%add3A_2455, %swap3A_2491] : memref<400x128xf32, #tpu.memory_space<vmem>> -> memref<1x128xf32, #tpu.memory_space<vmem>>
      %swap3A_2493 = tpu.memref_squeeze %swap3A_2492 : memref<1x128xf32, #tpu.memory_space<vmem>> -> memref<128xf32, #tpu.memory_space<vmem>>
      %swap3A_2494 = arith.constant 80 : index
      %swap3A_2495 = tpu.vector_load %swap3A_2493[%swap3A_2494] {strides = array<i32>} : memref<128xf32, #tpu.memory_space<vmem>>, vector<16xf32>,
      %swap3A_2496 = vector.shape_cast %swap3A_2495 : vector<16xf32> to vector<16xf32>
      %swap3A_2497 = vector.shape_cast %gather3A_2451 : vector<16xf32> to vector<16xf32>
      tpu.vector_store %swap3A_2493[%swap3A_2494], %swap3A_2497 {strides = array<i32>} : memref<128xf32, #tpu.memory_space<vmem>>, vector<16xf32>,
      %swap3A_2498 = arith.constant 0 : i32
      %swap3A_2499 = tpu.memref_slice %arg7[%add3A_2455, %swap3A_2498] : memref<400x128xf32, #tpu.memory_space<vmem>> -> memref<1x128xf32, #tpu.memory_space<vmem>>
      %swap3A_2500 = tpu.memref_squeeze %swap3A_2499 : memref<1x128xf32, #tpu.memory_space<vmem>> -> memref<128xf32, #tpu.memory_space<vmem>>
      %swap3A_2501 = arith.constant 96 : index
      %swap3A_2502 = tpu.vector_load %swap3A_2500[%swap3A_2501] {strides = array<i32>} : memref<128xf32, #tpu.memory_space<vmem>>, vector<16xf32>,
      %swap3A_2503 = vector.shape_cast %swap3A_2502 : vector<16xf32> to vector<16xf32>
      %swap3A_2504 = vector.shape_cast %gather3A_2451 : vector<16xf32> to vector<16xf32>
      tpu.vector_store %swap3A_2500[%swap3A_2501], %swap3A_2504 {strides = array<i32>} : memref<128xf32, #tpu.memory_space<vmem>>, vector<16xf32>,
      %swap3A_2505 = arith.constant 0 : i32
      %swap3A_2506 = tpu.memref_slice %arg7[%add3A_2455, %swap3A_2505] : memref<400x128xf32, #tpu.memory_space<vmem>> -> memref<1x128xf32, #tpu.memory_space<vmem>>
      %swap3A_2507 = tpu.memref_squeeze %swap3A_2506 : memref<1x128xf32, #tpu.memory_space<vmem>> -> memref<128xf32, #tpu.memory_space<vmem>>
      %swap3A_2508 = arith.constant 112 : index
      %swap3A_2509 = tpu.vector_load %swap3A_2507[%swap3A_2508] {strides = array<i32>} : memref<128xf32, #tpu.memory_space<vmem>>, vector<16xf32>,
      %swap3A_2510 = vector.shape_cast %swap3A_2509 : vector<16xf32> to vector<16xf32>
      %swap3A_2511 = vector.shape_cast %gather3A_2451 : vector<16xf32> to vector<16xf32>
      tpu.vector_store %swap3A_2507[%swap3A_2508], %swap3A_2511 {strides = array<i32>} : memref<128xf32, #tpu.memory_space<vmem>>, vector<16xf32>,
      %broadcast_in_dim3A_2512 = arith.constant 15 : i32
      %broadcast_in_dim3A_2513 = vector.broadcast %broadcast_in_dim3A_2512 : i32 to vector<16xi32>
      %lt3A_2514 = arith.constant 0 : i32
      %lt3A_2515 = vector.broadcast %lt3A_2514 : i32 to vector<16xi32>
      %lt3A_2516 = arith.cmpi slt, %broadcast_in_dim3A_2513, %lt3A_2515 : vector<16xi32>
      %add3A_2517 = arith.constant 16 : i32
      %add3A_2518 = vector.broadcast %add3A_2517 : i32 to vector<16xi32>
      %add3A_2519 = arith.addi %broadcast_in_dim3A_2513, %add3A_2518 : vector<16xi32>
      %select_n3A_2520 = arith.select %lt3A_2516, %add3A_2519, %broadcast_in_dim3A_2513 : vector<16xi1>, vector<16xi32>
      %broadcast_in_dim3A_2521 = vector.shape_cast %select_n3A_2520 : vector<16xi32> to vector<16x1xi32>
      %gather3A_2522 = vector.shape_cast %broadcast_in_dim3A_2521 : vector<16x1xi32> to vector<16xi32>
      %gather3A_2523 = tpu.dynamic_gather %add3A_1436[%gather3A_2522] in [0] : vector<16xf32>, vector<16xi32> -> vector<16xf32>
      %mul3A_2524 = arith.constant 16 : i32
      %mul3A_2525 = arith.muli %scan3A_1428, %mul3A_2524 : i32
      %add3A_2526 = arith.constant 15 : i32
      %add3A_2527 = arith.addi %mul3A_2525, %add3A_2526 : i32
      %swap3A_2528 = arith.constant 0 : i32
      %swap3A_2529 = tpu.memref_slice %arg7[%add3A_2527, %swap3A_2528] : memref<400x128xf32, #tpu.memory_space<vmem>> -> memref<1x128xf32, #tpu.memory_space<vmem>>
      %swap3A_2530 = tpu.memref_squeeze %swap3A_2529 : memref<1x128xf32, #tpu.memory_space<vmem>> -> memref<128xf32, #tpu.memory_space<vmem>>
      %swap3A_2531 = arith.constant 0 : index
      %swap3A_2532 = tpu.vector_load %swap3A_2530[%swap3A_2531] {strides = array<i32>} : memref<128xf32, #tpu.memory_space<vmem>>, vector<16xf32>,
      %swap3A_2533 = vector.shape_cast %swap3A_2532 : vector<16xf32> to vector<16xf32>
      %swap3A_2534 = vector.shape_cast %gather3A_2523 : vector<16xf32> to vector<16xf32>
      tpu.vector_store %swap3A_2530[%swap3A_2531], %swap3A_2534 {strides = array<i32>} : memref<128xf32, #tpu.memory_space<vmem>>, vector<16xf32>,
      %swap3A_2535 = arith.constant 0 : i32
      %swap3A_2536 = tpu.memref_slice %arg7[%add3A_2527, %swap3A_2535] : memref<400x128xf32, #tpu.memory_space<vmem>> -> memref<1x128xf32, #tpu.memory_space<vmem>>
      %swap3A_2537 = tpu.memref_squeeze %swap3A_2536 : memref<1x128xf32, #tpu.memory_space<vmem>> -> memref<128xf32, #tpu.memory_space<vmem>>
      %swap3A_2538 = arith.constant 16 : index
      %swap3A_2539 = tpu.vector_load %swap3A_2537[%swap3A_2538] {strides = array<i32>} : memref<128xf32, #tpu.memory_space<vmem>>, vector<16xf32>,
      %swap3A_2540 = vector.shape_cast %swap3A_2539 : vector<16xf32> to vector<16xf32>
      %swap3A_2541 = vector.shape_cast %gather3A_2523 : vector<16xf32> to vector<16xf32>
      tpu.vector_store %swap3A_2537[%swap3A_2538], %swap3A_2541 {strides = array<i32>} : memref<128xf32, #tpu.memory_space<vmem>>, vector<16xf32>,
      %swap3A_2542 = arith.constant 0 : i32
      %swap3A_2543 = tpu.memref_slice %arg7[%add3A_2527, %swap3A_2542] : memref<400x128xf32, #tpu.memory_space<vmem>> -> memref<1x128xf32, #tpu.memory_space<vmem>>
      %swap3A_2544 = tpu.memref_squeeze %swap3A_2543 : memref<1x128xf32, #tpu.memory_space<vmem>> -> memref<128xf32, #tpu.memory_space<vmem>>
      %swap3A_2545 = arith.constant 32 : index
      %swap3A_2546 = tpu.vector_load %swap3A_2544[%swap3A_2545] {strides = array<i32>} : memref<128xf32, #tpu.memory_space<vmem>>, vector<16xf32>,
      %swap3A_2547 = vector.shape_cast %swap3A_2546 : vector<16xf32> to vector<16xf32>
      %swap3A_2548 = vector.shape_cast %gather3A_2523 : vector<16xf32> to vector<16xf32>
      tpu.vector_store %swap3A_2544[%swap3A_2545], %swap3A_2548 {strides = array<i32>} : memref<128xf32, #tpu.memory_space<vmem>>, vector<16xf32>,
      %swap3A_2549 = arith.constant 0 : i32
      %swap3A_2550 = tpu.memref_slice %arg7[%add3A_2527, %swap3A_2549] : memref<400x128xf32, #tpu.memory_space<vmem>> -> memref<1x128xf32, #tpu.memory_space<vmem>>
      %swap3A_2551 = tpu.memref_squeeze %swap3A_2550 : memref<1x128xf32, #tpu.memory_space<vmem>> -> memref<128xf32, #tpu.memory_space<vmem>>
      %swap3A_2552 = arith.constant 48 : index
      %swap3A_2553 = tpu.vector_load %swap3A_2551[%swap3A_2552] {strides = array<i32>} : memref<128xf32, #tpu.memory_space<vmem>>, vector<16xf32>,
      %swap3A_2554 = vector.shape_cast %swap3A_2553 : vector<16xf32> to vector<16xf32>
      %swap3A_2555 = vector.shape_cast %gather3A_2523 : vector<16xf32> to vector<16xf32>
      tpu.vector_store %swap3A_2551[%swap3A_2552], %swap3A_2555 {strides = array<i32>} : memref<128xf32, #tpu.memory_space<vmem>>, vector<16xf32>,
      %swap3A_2556 = arith.constant 0 : i32
      %swap3A_2557 = tpu.memref_slice %arg7[%add3A_2527, %swap3A_2556] : memref<400x128xf32, #tpu.memory_space<vmem>> -> memref<1x128xf32, #tpu.memory_space<vmem>>
      %swap3A_2558 = tpu.memref_squeeze %swap3A_2557 : memref<1x128xf32, #tpu.memory_space<vmem>> -> memref<128xf32, #tpu.memory_space<vmem>>
      %swap3A_2559 = arith.constant 64 : index
      %swap3A_2560 = tpu.vector_load %swap3A_2558[%swap3A_2559] {strides = array<i32>} : memref<128xf32, #tpu.memory_space<vmem>>, vector<16xf32>,
      %swap3A_2561 = vector.shape_cast %swap3A_2560 : vector<16xf32> to vector<16xf32>
      %swap3A_2562 = vector.shape_cast %gather3A_2523 : vector<16xf32> to vector<16xf32>
      tpu.vector_store %swap3A_2558[%swap3A_2559], %swap3A_2562 {strides = array<i32>} : memref<128xf32, #tpu.memory_space<vmem>>, vector<16xf32>,
      %swap3A_2563 = arith.constant 0 : i32
      %swap3A_2564 = tpu.memref_slice %arg7[%add3A_2527, %swap3A_2563] : memref<400x128xf32, #tpu.memory_space<vmem>> -> memref<1x128xf32, #tpu.memory_space<vmem>>
      %swap3A_2565 = tpu.memref_squeeze %swap3A_2564 : memref<1x128xf32, #tpu.memory_space<vmem>> -> memref<128xf32, #tpu.memory_space<vmem>>
      %swap3A_2566 = arith.constant 80 : index
      %swap3A_2567 = tpu.vector_load %swap3A_2565[%swap3A_2566] {strides = array<i32>} : memref<128xf32, #tpu.memory_space<vmem>>, vector<16xf32>,
      %swap3A_2568 = vector.shape_cast %swap3A_2567 : vector<16xf32> to vector<16xf32>
      %swap3A_2569 = vector.shape_cast %gather3A_2523 : vector<16xf32> to vector<16xf32>
      tpu.vector_store %swap3A_2565[%swap3A_2566], %swap3A_2569 {strides = array<i32>} : memref<128xf32, #tpu.memory_space<vmem>>, vector<16xf32>,
      %swap3A_2570 = arith.constant 0 : i32
      %swap3A_2571 = tpu.memref_slice %arg7[%add3A_2527, %swap3A_2570] : memref<400x128xf32, #tpu.memory_space<vmem>> -> memref<1x128xf32, #tpu.memory_space<vmem>>
      %swap3A_2572 = tpu.memref_squeeze %swap3A_2571 : memref<1x128xf32, #tpu.memory_space<vmem>> -> memref<128xf32, #tpu.memory_space<vmem>>
      %swap3A_2573 = arith.constant 96 : index
      %swap3A_2574 = tpu.vector_load %swap3A_2572[%swap3A_2573] {strides = array<i32>} : memref<128xf32, #tpu.memory_space<vmem>>, vector<16xf32>,
      %swap3A_2575 = vector.shape_cast %swap3A_2574 : vector<16xf32> to vector<16xf32>
      %swap3A_2576 = vector.shape_cast %gather3A_2523 : vector<16xf32> to vector<16xf32>
      tpu.vector_store %swap3A_2572[%swap3A_2573], %swap3A_2576 {strides = array<i32>} : memref<128xf32, #tpu.memory_space<vmem>>, vector<16xf32>,
      %swap3A_2577 = arith.constant 0 : i32
      %swap3A_2578 = tpu.memref_slice %arg7[%add3A_2527, %swap3A_2577] : memref<400x128xf32, #tpu.memory_space<vmem>> -> memref<1x128xf32, #tpu.memory_space<vmem>>
      %swap3A_2579 = tpu.memref_squeeze %swap3A_2578 : memref<1x128xf32, #tpu.memory_space<vmem>> -> memref<128xf32, #tpu.memory_space<vmem>>
      %swap3A_2580 = arith.constant 112 : index
      %swap3A_2581 = tpu.vector_load %swap3A_2579[%swap3A_2580] {strides = array<i32>} : memref<128xf32, #tpu.memory_space<vmem>>, vector<16xf32>,
      %swap3A_2582 = vector.shape_cast %swap3A_2581 : vector<16xf32> to vector<16xf32>
      %swap3A_2583 = vector.shape_cast %gather3A_2523 : vector<16xf32> to vector<16xf32>
      tpu.vector_store %swap3A_2579[%swap3A_2580], %swap3A_2583 {strides = array<i32>} : memref<128xf32, #tpu.memory_space<vmem>>, vector<16xf32>,
    }
    %scan3A_403 = arith.constant 13 : i32
    %add3A_404 = arith.constant 192 : i32
    %add3A_405 = arith.addi %mul3A_2, %add3A_404 : i32
    %dma_start3A_406 = arith.constant 192 : i32
    %dma_start3A_407 = arith.constant 0 : i32
    %dma_start3A_408 = tpu.memref_slice %arg7[%dma_start3A_406, %dma_start3A_407] : memref<400x128xf32, #tpu.memory_space<vmem>> -> memref<208x128xf32, #tpu.memory_space<vmem>>
    %dma_start3A_409 = arith.constant 0 : i32
    %dma_start3A_410 = tpu.memref_slice %arg4[%add3A_405, %dma_start3A_409] : memref<12800x4096xf32, #tpu.memory_space<hbm>> -> memref<208x128xf32, #tpu.memory_space<hbm>>
    %dma_start3A_411 = arith.constant 0 : i32
    %dma_start3A_412 = tpu.memref_slice %arg4[%add3A_405, %dma_start3A_411] : memref<12800x4096xf32, #tpu.memory_space<hbm>> -> memref<208x128xf32, #tpu.memory_space<hbm>>
    %dma_start3A_413 = arith.constant 192 : i32
    %dma_start3A_414 = arith.constant 0 : i32
    %dma_start3A_415 = tpu.memref_slice %arg7[%dma_start3A_413, %dma_start3A_414] : memref<400x128xf32, #tpu.memory_space<vmem>> -> memref<208x128xf32, #tpu.memory_space<vmem>>
    tpu.enqueue_dma source(%dma_start3A_415 : memref<208x128xf32, #tpu.memory_space<vmem>>) target(%dma_start3A_412 : memref<208x128xf32, #tpu.memory_space<hbm>>) target_semaphore(%arg8 : memref<!tpu.dma_semaphore, #tpu.memory_space<semaphore_mem>>)
    %add3A_416 = arith.constant 192 : i32
    %add3A_417 = arith.addi %mul3A_2, %add3A_416 : i32
    %dma_start3A_418 = arith.constant 192 : i32
    %dma_start3A_419 = arith.constant 0 : i32
    %dma_start3A_420 = tpu.memref_slice %arg7[%dma_start3A_418, %dma_start3A_419] : memref<400x128xf32, #tpu.memory_space<vmem>> -> memref<208x128xf32, #tpu.memory_space<vmem>>
    %dma_start3A_421 = arith.constant 128 : i32
    %dma_start3A_422 = tpu.memref_slice %arg4[%add3A_417, %dma_start3A_421] : memref<12800x4096xf32, #tpu.memory_space<hbm>> -> memref<208x128xf32, #tpu.memory_space<hbm>>
    %dma_start3A_423 = arith.constant 128 : i32
    %dma_start3A_424 = tpu.memref_slice %arg4[%add3A_417, %dma_start3A_423] : memref<12800x4096xf32, #tpu.memory_space<hbm>> -> memref<208x128xf32, #tpu.memory_space<hbm>>
    %dma_start3A_425 = arith.constant 192 : i32
    %dma_start3A_426 = arith.constant 0 : i32
    %dma_start3A_427 = tpu.memref_slice %arg7[%dma_start3A_425, %dma_start3A_426] : memref<400x128xf32, #tpu.memory_space<vmem>> -> memref<208x128xf32, #tpu.memory_space<vmem>>
    tpu.enqueue_dma source(%dma_start3A_427 : memref<208x128xf32, #tpu.memory_space<vmem>>) target(%dma_start3A_424 : memref<208x128xf32, #tpu.memory_space<hbm>>) target_semaphore(%arg8 : memref<!tpu.dma_semaphore, #tpu.memory_space<semaphore_mem>>)
    %add3A_428 = arith.constant 192 : i32
    %add3A_429 = arith.addi %mul3A_2, %add3A_428 : i32
    %dma_start3A_430 = arith.constant 192 : i32
    %dma_start3A_431 = arith.constant 0 : i32
    %dma_start3A_432 = tpu.memref_slice %arg7[%dma_start3A_430, %dma_start3A_431] : memref<400x128xf32, #tpu.memory_space<vmem>> -> memref<208x128xf32, #tpu.memory_space<vmem>>
    %dma_start3A_433 = arith.constant 256 : i32
    %dma_start3A_434 = tpu.memref_slice %arg4[%add3A_429, %dma_start3A_433] : memref<12800x4096xf32, #tpu.memory_space<hbm>> -> memref<208x128xf32, #tpu.memory_space<hbm>>
    %dma_start3A_435 = arith.constant 256 : i32
    %dma_start3A_436 = tpu.memref_slice %arg4[%add3A_429, %dma_start3A_435] : memref<12800x4096xf32, #tpu.memory_space<hbm>> -> memref<208x128xf32, #tpu.memory_space<hbm>>
    %dma_start3A_437 = arith.constant 192 : i32
    %dma_start3A_438 = arith.constant 0 : i32
    %dma_start3A_439 = tpu.memref_slice %arg7[%dma_start3A_437, %dma_start3A_438] : memref<400x128xf32, #tpu.memory_space<vmem>> -> memref<208x128xf32, #tpu.memory_space<vmem>>
    tpu.enqueue_dma source(%dma_start3A_439 : memref<208x128xf32, #tpu.memory_space<vmem>>) target(%dma_start3A_436 : memref<208x128xf32, #tpu.memory_space<hbm>>) target_semaphore(%arg8 : memref<!tpu.dma_semaphore, #tpu.memory_space<semaphore_mem>>)
    %add3A_440 = arith.constant 192 : i32
    %add3A_441 = arith.addi %mul3A_2, %add3A_440 : i32
    %dma_start3A_442 = arith.constant 192 : i32
    %dma_start3A_443 = arith.constant 0 : i32
    %dma_start3A_444 = tpu.memref_slice %arg7[%dma_start3A_442, %dma_start3A_443] : memref<400x128xf32, #tpu.memory_space<vmem>> -> memref<208x128xf32, #tpu.memory_space<vmem>>
    %dma_start3A_445 = arith.constant 384 : i32
    %dma_start3A_446 = tpu.memref_slice %arg4[%add3A_441, %dma_start3A_445] : memref<12800x4096xf32, #tpu.memory_space<hbm>> -> memref<208x128xf32, #tpu.memory_space<hbm>>
    %dma_start3A_447 = arith.constant 384 : i32
    %dma_start3A_448 = tpu.memref_slice %arg4[%add3A_441, %dma_start3A_447] : memref<12800x4096xf32, #tpu.memory_space<hbm>> -> memref<208x128xf32, #tpu.memory_space<hbm>>
    %dma_start3A_449 = arith.constant 192 : i32
    %dma_start3A_450 = arith.constant 0 : i32
    %dma_start3A_451 = tpu.memref_slice %arg7[%dma_start3A_449, %dma_start3A_450] : memref<400x128xf32, #tpu.memory_space<vmem>> -> memref<208x128xf32, #tpu.memory_space<vmem>>
    tpu.enqueue_dma source(%dma_start3A_451 : memref<208x128xf32, #tpu.memory_space<vmem>>) target(%dma_start3A_448 : memref<208x128xf32, #tpu.memory_space<hbm>>) target_semaphore(%arg8 : memref<!tpu.dma_semaphore, #tpu.memory_space<semaphore_mem>>)
    %add3A_452 = arith.constant 192 : i32
    %add3A_453 = arith.addi %mul3A_2, %add3A_452 : i32
    %dma_start3A_454 = arith.constant 192 : i32
    %dma_start3A_455 = arith.constant 0 : i32
    %dma_start3A_456 = tpu.memref_slice %arg7[%dma_start3A_454, %dma_start3A_455] : memref<400x128xf32, #tpu.memory_space<vmem>> -> memref<208x128xf32, #tpu.memory_space<vmem>>
    %dma_start3A_457 = arith.constant 512 : i32
    %dma_start3A_458 = tpu.memref_slice %arg4[%add3A_453, %dma_start3A_457] : memref<12800x4096xf32, #tpu.memory_space<hbm>> -> memref<208x128xf32, #tpu.memory_space<hbm>>
    %dma_start3A_459 = arith.constant 512 : i32
    %dma_start3A_460 = tpu.memref_slice %arg4[%add3A_453, %dma_start3A_459] : memref<12800x4096xf32, #tpu.memory_space<hbm>> -> memref<208x128xf32, #tpu.memory_space<hbm>>
    %dma_start3A_461 = arith.constant 192 : i32
    %dma_start3A_462 = arith.constant 0 : i32
    %dma_start3A_463 = tpu.memref_slice %arg7[%dma_start3A_461, %dma_start3A_462] : memref<400x128xf32, #tpu.memory_space<vmem>> -> memref<208x128xf32, #tpu.memory_space<vmem>>
    tpu.enqueue_dma source(%dma_start3A_463 : memref<208x128xf32, #tpu.memory_space<vmem>>) target(%dma_start3A_460 : memref<208x128xf32, #tpu.memory_space<hbm>>) target_semaphore(%arg8 : memref<!tpu.dma_semaphore, #tpu.memory_space<semaphore_mem>>)
    %add3A_464 = arith.constant 192 : i32
    %add3A_465 = arith.addi %mul3A_2, %add3A_464 : i32
    %dma_start3A_466 = arith.constant 192 : i32
    %dma_start3A_467 = arith.constant 0 : i32
    %dma_start3A_468 = tpu.memref_slice %arg7[%dma_start3A_466, %dma_start3A_467] : memref<400x128xf32, #tpu.memory_space<vmem>> -> memref<208x128xf32, #tpu.memory_space<vmem>>
    %dma_start3A_469 = arith.constant 640 : i32
    %dma_start3A_470 = tpu.memref_slice %arg4[%add3A_465, %dma_start3A_469] : memref<12800x4096xf32, #tpu.memory_space<hbm>> -> memref<208x128xf32, #tpu.memory_space<hbm>>
    %dma_start3A_471 = arith.constant 640 : i32
    %dma_start3A_472 = tpu.memref_slice %arg4[%add3A_465, %dma_start3A_471] : memref<12800x4096xf32, #tpu.memory_space<hbm>> -> memref<208x128xf32, #tpu.memory_space<hbm>>
    %dma_start3A_473 = arith.constant 192 : i32
    %dma_start3A_474 = arith.constant 0 : i32
    %dma_start3A_475 = tpu.memref_slice %arg7[%dma_start3A_473, %dma_start3A_474] : memref<400x128xf32, #tpu.memory_space<vmem>> -> memref<208x128xf32, #tpu.memory_space<vmem>>
    tpu.enqueue_dma source(%dma_start3A_475 : memref<208x128xf32, #tpu.memory_space<vmem>>) target(%dma_start3A_472 : memref<208x128xf32, #tpu.memory_space<hbm>>) target_semaphore(%arg8 : memref<!tpu.dma_semaphore, #tpu.memory_space<semaphore_mem>>)
    %add3A_476 = arith.constant 192 : i32
    %add3A_477 = arith.addi %mul3A_2, %add3A_476 : i32
    %dma_start3A_478 = arith.constant 192 : i32
    %dma_start3A_479 = arith.constant 0 : i32
    %dma_start3A_480 = tpu.memref_slice %arg7[%dma_start3A_478, %dma_start3A_479] : memref<400x128xf32, #tpu.memory_space<vmem>> -> memref<208x128xf32, #tpu.memory_space<vmem>>
    %dma_start3A_481 = arith.constant 768 : i32
    %dma_start3A_482 = tpu.memref_slice %arg4[%add3A_477, %dma_start3A_481] : memref<12800x4096xf32, #tpu.memory_space<hbm>> -> memref<208x128xf32, #tpu.memory_space<hbm>>
    %dma_start3A_483 = arith.constant 768 : i32
    %dma_start3A_484 = tpu.memref_slice %arg4[%add3A_477, %dma_start3A_483] : memref<12800x4096xf32, #tpu.memory_space<hbm>> -> memref<208x128xf32, #tpu.memory_space<hbm>>
    %dma_start3A_485 = arith.constant 192 : i32
    %dma_start3A_486 = arith.constant 0 : i32
    %dma_start3A_487 = tpu.memref_slice %arg7[%dma_start3A_485, %dma_start3A_486] : memref<400x128xf32, #tpu.memory_space<vmem>> -> memref<208x128xf32, #tpu.memory_space<vmem>>
    tpu.enqueue_dma source(%dma_start3A_487 : memref<208x128xf32, #tpu.memory_space<vmem>>) target(%dma_start3A_484 : memref<208x128xf32, #tpu.memory_space<hbm>>) target_semaphore(%arg8 : memref<!tpu.dma_semaphore, #tpu.memory_space<semaphore_mem>>)
    %add3A_488 = arith.constant 192 : i32
    %add3A_489 = arith.addi %mul3A_2, %add3A_488 : i32
    %dma_start3A_490 = arith.constant 192 : i32
    %dma_start3A_491 = arith.constant 0 : i32
    %dma_start3A_492 = tpu.memref_slice %arg7[%dma_start3A_490, %dma_start3A_491] : memref<400x128xf32, #tpu.memory_space<vmem>> -> memref<208x128xf32, #tpu.memory_space<vmem>>
    %dma_start3A_493 = arith.constant 896 : i32
    %dma_start3A_494 = tpu.memref_slice %arg4[%add3A_489, %dma_start3A_493] : memref<12800x4096xf32, #tpu.memory_space<hbm>> -> memref<208x128xf32, #tpu.memory_space<hbm>>
    %dma_start3A_495 = arith.constant 896 : i32
    %dma_start3A_496 = tpu.memref_slice %arg4[%add3A_489, %dma_start3A_495] : memref<12800x4096xf32, #tpu.memory_space<hbm>> -> memref<208x128xf32, #tpu.memory_space<hbm>>
    %dma_start3A_497 = arith.constant 192 : i32
    %dma_start3A_498 = arith.constant 0 : i32
    %dma_start3A_499 = tpu.memref_slice %arg7[%dma_start3A_497, %dma_start3A_498] : memref<400x128xf32, #tpu.memory_space<vmem>> -> memref<208x128xf32, #tpu.memory_space<vmem>>
    tpu.enqueue_dma source(%dma_start3A_499 : memref<208x128xf32, #tpu.memory_space<vmem>>) target(%dma_start3A_496 : memref<208x128xf32, #tpu.memory_space<hbm>>) target_semaphore(%arg8 : memref<!tpu.dma_semaphore, #tpu.memory_space<semaphore_mem>>)
    %add3A_500 = arith.constant 192 : i32
    %add3A_501 = arith.addi %mul3A_2, %add3A_500 : i32
    %dma_start3A_502 = arith.constant 192 : i32
    %dma_start3A_503 = arith.constant 0 : i32
    %dma_start3A_504 = tpu.memref_slice %arg7[%dma_start3A_502, %dma_start3A_503] : memref<400x128xf32, #tpu.memory_space<vmem>> -> memref<208x128xf32, #tpu.memory_space<vmem>>
    %dma_start3A_505 = arith.constant 1024 : i32
    %dma_start3A_506 = tpu.memref_slice %arg4[%add3A_501, %dma_start3A_505] : memref<12800x4096xf32, #tpu.memory_space<hbm>> -> memref<208x128xf32, #tpu.memory_space<hbm>>
    %dma_start3A_507 = arith.constant 1024 : i32
    %dma_start3A_508 = tpu.memref_slice %arg4[%add3A_501, %dma_start3A_507] : memref<12800x4096xf32, #tpu.memory_space<hbm>> -> memref<208x128xf32, #tpu.memory_space<hbm>>
    %dma_start3A_509 = arith.constant 192 : i32
    %dma_start3A_510 = arith.constant 0 : i32
    %dma_start3A_511 = tpu.memref_slice %arg7[%dma_start3A_509, %dma_start3A_510] : memref<400x128xf32, #tpu.memory_space<vmem>> -> memref<208x128xf32, #tpu.memory_space<vmem>>
    tpu.enqueue_dma source(%dma_start3A_511 : memref<208x128xf32, #tpu.memory_space<vmem>>) target(%dma_start3A_508 : memref<208x128xf32, #tpu.memory_space<hbm>>) target_semaphore(%arg8 : memref<!tpu.dma_semaphore, #tpu.memory_space<semaphore_mem>>)
    %add3A_512 = arith.constant 192 : i32
    %add3A_513 = arith.addi %mul3A_2, %add3A_512 : i32
    %dma_start3A_514 = arith.constant 192 : i32
    %dma_start3A_515 = arith.constant 0 : i32
    %dma_start3A_516 = tpu.memref_slice %arg7[%dma_start3A_514, %dma_start3A_515] : memref<400x128xf32, #tpu.memory_space<vmem>> -> memref<208x128xf32, #tpu.memory_space<vmem>>
    %dma_start3A_517 = arith.constant 1152 : i32
    %dma_start3A_518 = tpu.memref_slice %arg4[%add3A_513, %dma_start3A_517] : memref<12800x4096xf32, #tpu.memory_space<hbm>> -> memref<208x128xf32, #tpu.memory_space<hbm>>
    %dma_start3A_519 = arith.constant 1152 : i32
    %dma_start3A_520 = tpu.memref_slice %arg4[%add3A_513, %dma_start3A_519] : memref<12800x4096xf32, #tpu.memory_space<hbm>> -> memref<208x128xf32, #tpu.memory_space<hbm>>
    %dma_start3A_521 = arith.constant 192 : i32
    %dma_start3A_522 = arith.constant 0 : i32
    %dma_start3A_523 = tpu.memref_slice %arg7[%dma_start3A_521, %dma_start3A_522] : memref<400x128xf32, #tpu.memory_space<vmem>> -> memref<208x128xf32, #tpu.memory_space<vmem>>
    tpu.enqueue_dma source(%dma_start3A_523 : memref<208x128xf32, #tpu.memory_space<vmem>>) target(%dma_start3A_520 : memref<208x128xf32, #tpu.memory_space<hbm>>) target_semaphore(%arg8 : memref<!tpu.dma_semaphore, #tpu.memory_space<semaphore_mem>>)
    %add3A_524 = arith.constant 192 : i32
    %add3A_525 = arith.addi %mul3A_2, %add3A_524 : i32
    %dma_start3A_526 = arith.constant 192 : i32
    %dma_start3A_527 = arith.constant 0 : i32
    %dma_start3A_528 = tpu.memref_slice %arg7[%dma_start3A_526, %dma_start3A_527] : memref<400x128xf32, #tpu.memory_space<vmem>> -> memref<208x128xf32, #tpu.memory_space<vmem>>
    %dma_start3A_529 = arith.constant 1280 : i32
    %dma_start3A_530 = tpu.memref_slice %arg4[%add3A_525, %dma_start3A_529] : memref<12800x4096xf32, #tpu.memory_space<hbm>> -> memref<208x128xf32, #tpu.memory_space<hbm>>
    %dma_start3A_531 = arith.constant 1280 : i32
    %dma_start3A_532 = tpu.memref_slice %arg4[%add3A_525, %dma_start3A_531] : memref<12800x4096xf32, #tpu.memory_space<hbm>> -> memref<208x128xf32, #tpu.memory_space<hbm>>
    %dma_start3A_533 = arith.constant 192 : i32
    %dma_start3A_534 = arith.constant 0 : i32
    %dma_start3A_535 = tpu.memref_slice %arg7[%dma_start3A_533, %dma_start3A_534] : memref<400x128xf32, #tpu.memory_space<vmem>> -> memref<208x128xf32, #tpu.memory_space<vmem>>
    tpu.enqueue_dma source(%dma_start3A_535 : memref<208x128xf32, #tpu.memory_space<vmem>>) target(%dma_start3A_532 : memref<208x128xf32, #tpu.memory_space<hbm>>) target_semaphore(%arg8 : memref<!tpu.dma_semaphore, #tpu.memory_space<semaphore_mem>>)
    %add3A_536 = arith.constant 192 : i32
    %add3A_537 = arith.addi %mul3A_2, %add3A_536 : i32
    %dma_start3A_538 = arith.constant 192 : i32
    %dma_start3A_539 = arith.constant 0 : i32
    %dma_start3A_540 = tpu.memref_slice %arg7[%dma_start3A_538, %dma_start3A_539] : memref<400x128xf32, #tpu.memory_space<vmem>> -> memref<208x128xf32, #tpu.memory_space<vmem>>
    %dma_start3A_541 = arith.constant 1408 : i32
    %dma_start3A_542 = tpu.memref_slice %arg4[%add3A_537, %dma_start3A_541] : memref<12800x4096xf32, #tpu.memory_space<hbm>> -> memref<208x128xf32, #tpu.memory_space<hbm>>
    %dma_start3A_543 = arith.constant 1408 : i32
    %dma_start3A_544 = tpu.memref_slice %arg4[%add3A_537, %dma_start3A_543] : memref<12800x4096xf32, #tpu.memory_space<hbm>> -> memref<208x128xf32, #tpu.memory_space<hbm>>
    %dma_start3A_545 = arith.constant 192 : i32
    %dma_start3A_546 = arith.constant 0 : i32
    %dma_start3A_547 = tpu.memref_slice %arg7[%dma_start3A_545, %dma_start3A_546] : memref<400x128xf32, #tpu.memory_space<vmem>> -> memref<208x128xf32, #tpu.memory_space<vmem>>
    tpu.enqueue_dma source(%dma_start3A_547 : memref<208x128xf32, #tpu.memory_space<vmem>>) target(%dma_start3A_544 : memref<208x128xf32, #tpu.memory_space<hbm>>) target_semaphore(%arg8 : memref<!tpu.dma_semaphore, #tpu.memory_space<semaphore_mem>>)
    %add3A_548 = arith.constant 192 : i32
    %add3A_549 = arith.addi %mul3A_2, %add3A_548 : i32
    %dma_start3A_550 = arith.constant 192 : i32
    %dma_start3A_551 = arith.constant 0 : i32
    %dma_start3A_552 = tpu.memref_slice %arg7[%dma_start3A_550, %dma_start3A_551] : memref<400x128xf32, #tpu.memory_space<vmem>> -> memref<208x128xf32, #tpu.memory_space<vmem>>
    %dma_start3A_553 = arith.constant 1536 : i32
    %dma_start3A_554 = tpu.memref_slice %arg4[%add3A_549, %dma_start3A_553] : memref<12800x4096xf32, #tpu.memory_space<hbm>> -> memref<208x128xf32, #tpu.memory_space<hbm>>
    %dma_start3A_555 = arith.constant 1536 : i32
    %dma_start3A_556 = tpu.memref_slice %arg4[%add3A_549, %dma_start3A_555] : memref<12800x4096xf32, #tpu.memory_space<hbm>> -> memref<208x128xf32, #tpu.memory_space<hbm>>
    %dma_start3A_557 = arith.constant 192 : i32
    %dma_start3A_558 = arith.constant 0 : i32
    %dma_start3A_559 = tpu.memref_slice %arg7[%dma_start3A_557, %dma_start3A_558] : memref<400x128xf32, #tpu.memory_space<vmem>> -> memref<208x128xf32, #tpu.memory_space<vmem>>
    tpu.enqueue_dma source(%dma_start3A_559 : memref<208x128xf32, #tpu.memory_space<vmem>>) target(%dma_start3A_556 : memref<208x128xf32, #tpu.memory_space<hbm>>) target_semaphore(%arg8 : memref<!tpu.dma_semaphore, #tpu.memory_space<semaphore_mem>>)
    %add3A_560 = arith.constant 192 : i32
    %add3A_561 = arith.addi %mul3A_2, %add3A_560 : i32
    %dma_start3A_562 = arith.constant 192 : i32
    %dma_start3A_563 = arith.constant 0 : i32
    %dma_start3A_564 = tpu.memref_slice %arg7[%dma_start3A_562, %dma_start3A_563] : memref<400x128xf32, #tpu.memory_space<vmem>> -> memref<208x128xf32, #tpu.memory_space<vmem>>
    %dma_start3A_565 = arith.constant 1664 : i32
    %dma_start3A_566 = tpu.memref_slice %arg4[%add3A_561, %dma_start3A_565] : memref<12800x4096xf32, #tpu.memory_space<hbm>> -> memref<208x128xf32, #tpu.memory_space<hbm>>
    %dma_start3A_567 = arith.constant 1664 : i32
    %dma_start3A_568 = tpu.memref_slice %arg4[%add3A_561, %dma_start3A_567] : memref<12800x4096xf32, #tpu.memory_space<hbm>> -> memref<208x128xf32, #tpu.memory_space<hbm>>
    %dma_start3A_569 = arith.constant 192 : i32
    %dma_start3A_570 = arith.constant 0 : i32
    %dma_start3A_571 = tpu.memref_slice %arg7[%dma_start3A_569, %dma_start3A_570] : memref<400x128xf32, #tpu.memory_space<vmem>> -> memref<208x128xf32, #tpu.memory_space<vmem>>
    tpu.enqueue_dma source(%dma_start3A_571 : memref<208x128xf32, #tpu.memory_space<vmem>>) target(%dma_start3A_568 : memref<208x128xf32, #tpu.memory_space<hbm>>) target_semaphore(%arg8 : memref<!tpu.dma_semaphore, #tpu.memory_space<semaphore_mem>>)
    %add3A_572 = arith.constant 192 : i32
    %add3A_573 = arith.addi %mul3A_2, %add3A_572 : i32
    %dma_start3A_574 = arith.constant 192 : i32
    %dma_start3A_575 = arith.constant 0 : i32
    %dma_start3A_576 = tpu.memref_slice %arg7[%dma_start3A_574, %dma_start3A_575] : memref<400x128xf32, #tpu.memory_space<vmem>> -> memref<208x128xf32, #tpu.memory_space<vmem>>
    %dma_start3A_577 = arith.constant 1792 : i32
    %dma_start3A_578 = tpu.memref_slice %arg4[%add3A_573, %dma_start3A_577] : memref<12800x4096xf32, #tpu.memory_space<hbm>> -> memref<208x128xf32, #tpu.memory_space<hbm>>
    %dma_start3A_579 = arith.constant 1792 : i32
    %dma_start3A_580 = tpu.memref_slice %arg4[%add3A_573, %dma_start3A_579] : memref<12800x4096xf32, #tpu.memory_space<hbm>> -> memref<208x128xf32, #tpu.memory_space<hbm>>
    %dma_start3A_581 = arith.constant 192 : i32
    %dma_start3A_582 = arith.constant 0 : i32
    %dma_start3A_583 = tpu.memref_slice %arg7[%dma_start3A_581, %dma_start3A_582] : memref<400x128xf32, #tpu.memory_space<vmem>> -> memref<208x128xf32, #tpu.memory_space<vmem>>
    tpu.enqueue_dma source(%dma_start3A_583 : memref<208x128xf32, #tpu.memory_space<vmem>>) target(%dma_start3A_580 : memref<208x128xf32, #tpu.memory_space<hbm>>) target_semaphore(%arg8 : memref<!tpu.dma_semaphore, #tpu.memory_space<semaphore_mem>>)
    %add3A_584 = arith.constant 192 : i32
    %add3A_585 = arith.addi %mul3A_2, %add3A_584 : i32
    %dma_start3A_586 = arith.constant 192 : i32
    %dma_start3A_587 = arith.constant 0 : i32
    %dma_start3A_588 = tpu.memref_slice %arg7[%dma_start3A_586, %dma_start3A_587] : memref<400x128xf32, #tpu.memory_space<vmem>> -> memref<208x128xf32, #tpu.memory_space<vmem>>
    %dma_start3A_589 = arith.constant 1920 : i32
    %dma_start3A_590 = tpu.memref_slice %arg4[%add3A_585, %dma_start3A_589] : memref<12800x4096xf32, #tpu.memory_space<hbm>> -> memref<208x128xf32, #tpu.memory_space<hbm>>
    %dma_start3A_591 = arith.constant 1920 : i32
    %dma_start3A_592 = tpu.memref_slice %arg4[%add3A_585, %dma_start3A_591] : memref<12800x4096xf32, #tpu.memory_space<hbm>> -> memref<208x128xf32, #tpu.memory_space<hbm>>
    %dma_start3A_593 = arith.constant 192 : i32
    %dma_start3A_594 = arith.constant 0 : i32
    %dma_start3A_595 = tpu.memref_slice %arg7[%dma_start3A_593, %dma_start3A_594] : memref<400x128xf32, #tpu.memory_space<vmem>> -> memref<208x128xf32, #tpu.memory_space<vmem>>
    tpu.enqueue_dma source(%dma_start3A_595 : memref<208x128xf32, #tpu.memory_space<vmem>>) target(%dma_start3A_592 : memref<208x128xf32, #tpu.memory_space<hbm>>) target_semaphore(%arg8 : memref<!tpu.dma_semaphore, #tpu.memory_space<semaphore_mem>>)
    %add3A_596 = arith.constant 192 : i32
    %add3A_597 = arith.addi %mul3A_2, %add3A_596 : i32
    %dma_start3A_598 = arith.constant 192 : i32
    %dma_start3A_599 = arith.constant 0 : i32
    %dma_start3A_600 = tpu.memref_slice %arg7[%dma_start3A_598, %dma_start3A_599] : memref<400x128xf32, #tpu.memory_space<vmem>> -> memref<208x128xf32, #tpu.memory_space<vmem>>
    %dma_start3A_601 = arith.constant 2048 : i32
    %dma_start3A_602 = tpu.memref_slice %arg4[%add3A_597, %dma_start3A_601] : memref<12800x4096xf32, #tpu.memory_space<hbm>> -> memref<208x128xf32, #tpu.memory_space<hbm>>
    %dma_start3A_603 = arith.constant 2048 : i32
    %dma_start3A_604 = tpu.memref_slice %arg4[%add3A_597, %dma_start3A_603] : memref<12800x4096xf32, #tpu.memory_space<hbm>> -> memref<208x128xf32, #tpu.memory_space<hbm>>
    %dma_start3A_605 = arith.constant 192 : i32
    %dma_start3A_606 = arith.constant 0 : i32
    %dma_start3A_607 = tpu.memref_slice %arg7[%dma_start3A_605, %dma_start3A_606] : memref<400x128xf32, #tpu.memory_space<vmem>> -> memref<208x128xf32, #tpu.memory_space<vmem>>
    tpu.enqueue_dma source(%dma_start3A_607 : memref<208x128xf32, #tpu.memory_space<vmem>>) target(%dma_start3A_604 : memref<208x128xf32, #tpu.memory_space<hbm>>) target_semaphore(%arg8 : memref<!tpu.dma_semaphore, #tpu.memory_space<semaphore_mem>>)
    %add3A_608 = arith.constant 192 : i32
    %add3A_609 = arith.addi %mul3A_2, %add3A_608 : i32
    %dma_start3A_610 = arith.constant 192 : i32
    %dma_start3A_611 = arith.constant 0 : i32
    %dma_start3A_612 = tpu.memref_slice %arg7[%dma_start3A_610, %dma_start3A_611] : memref<400x128xf32, #tpu.memory_space<vmem>> -> memref<208x128xf32, #tpu.memory_space<vmem>>
    %dma_start3A_613 = arith.constant 2176 : i32
    %dma_start3A_614 = tpu.memref_slice %arg4[%add3A_609, %dma_start3A_613] : memref<12800x4096xf32, #tpu.memory_space<hbm>> -> memref<208x128xf32, #tpu.memory_space<hbm>>
    %dma_start3A_615 = arith.constant 2176 : i32
    %dma_start3A_616 = tpu.memref_slice %arg4[%add3A_609, %dma_start3A_615] : memref<12800x4096xf32, #tpu.memory_space<hbm>> -> memref<208x128xf32, #tpu.memory_space<hbm>>
    %dma_start3A_617 = arith.constant 192 : i32
    %dma_start3A_618 = arith.constant 0 : i32
    %dma_start3A_619 = tpu.memref_slice %arg7[%dma_start3A_617, %dma_start3A_618] : memref<400x128xf32, #tpu.memory_space<vmem>> -> memref<208x128xf32, #tpu.memory_space<vmem>>
    tpu.enqueue_dma source(%dma_start3A_619 : memref<208x128xf32, #tpu.memory_space<vmem>>) target(%dma_start3A_616 : memref<208x128xf32, #tpu.memory_space<hbm>>) target_semaphore(%arg8 : memref<!tpu.dma_semaphore, #tpu.memory_space<semaphore_mem>>)
    %add3A_620 = arith.constant 192 : i32
    %add3A_621 = arith.addi %mul3A_2, %add3A_620 : i32
    %dma_start3A_622 = arith.constant 192 : i32
    %dma_start3A_623 = arith.constant 0 : i32
    %dma_start3A_624 = tpu.memref_slice %arg7[%dma_start3A_622, %dma_start3A_623] : memref<400x128xf32, #tpu.memory_space<vmem>> -> memref<208x128xf32, #tpu.memory_space<vmem>>
    %dma_start3A_625 = arith.constant 2304 : i32
    %dma_start3A_626 = tpu.memref_slice %arg4[%add3A_621, %dma_start3A_625] : memref<12800x4096xf32, #tpu.memory_space<hbm>> -> memref<208x128xf32, #tpu.memory_space<hbm>>
    %dma_start3A_627 = arith.constant 2304 : i32
    %dma_start3A_628 = tpu.memref_slice %arg4[%add3A_621, %dma_start3A_627] : memref<12800x4096xf32, #tpu.memory_space<hbm>> -> memref<208x128xf32, #tpu.memory_space<hbm>>
    %dma_start3A_629 = arith.constant 192 : i32
    %dma_start3A_630 = arith.constant 0 : i32
    %dma_start3A_631 = tpu.memref_slice %arg7[%dma_start3A_629, %dma_start3A_630] : memref<400x128xf32, #tpu.memory_space<vmem>> -> memref<208x128xf32, #tpu.memory_space<vmem>>
    tpu.enqueue_dma source(%dma_start3A_631 : memref<208x128xf32, #tpu.memory_space<vmem>>) target(%dma_start3A_628 : memref<208x128xf32, #tpu.memory_space<hbm>>) target_semaphore(%arg8 : memref<!tpu.dma_semaphore, #tpu.memory_space<semaphore_mem>>)
    %add3A_632 = arith.constant 192 : i32
    %add3A_633 = arith.addi %mul3A_2, %add3A_632 : i32
    %dma_start3A_634 = arith.constant 192 : i32
    %dma_start3A_635 = arith.constant 0 : i32
    %dma_start3A_636 = tpu.memref_slice %arg7[%dma_start3A_634, %dma_start3A_635] : memref<400x128xf32, #tpu.memory_space<vmem>> -> memref<208x128xf32, #tpu.memory_space<vmem>>
    %dma_start3A_637 = arith.constant 2432 : i32
    %dma_start3A_638 = tpu.memref_slice %arg4[%add3A_633, %dma_start3A_637] : memref<12800x4096xf32, #tpu.memory_space<hbm>> -> memref<208x128xf32, #tpu.memory_space<hbm>>
    %dma_start3A_639 = arith.constant 2432 : i32
    %dma_start3A_640 = tpu.memref_slice %arg4[%add3A_633, %dma_start3A_639] : memref<12800x4096xf32, #tpu.memory_space<hbm>> -> memref<208x128xf32, #tpu.memory_space<hbm>>
    %dma_start3A_641 = arith.constant 192 : i32
    %dma_start3A_642 = arith.constant 0 : i32
    %dma_start3A_643 = tpu.memref_slice %arg7[%dma_start3A_641, %dma_start3A_642] : memref<400x128xf32, #tpu.memory_space<vmem>> -> memref<208x128xf32, #tpu.memory_space<vmem>>
    tpu.enqueue_dma source(%dma_start3A_643 : memref<208x128xf32, #tpu.memory_space<vmem>>) target(%dma_start3A_640 : memref<208x128xf32, #tpu.memory_space<hbm>>) target_semaphore(%arg8 : memref<!tpu.dma_semaphore, #tpu.memory_space<semaphore_mem>>)
    %add3A_644 = arith.constant 192 : i32
    %add3A_645 = arith.addi %mul3A_2, %add3A_644 : i32
    %dma_start3A_646 = arith.constant 192 : i32
    %dma_start3A_647 = arith.constant 0 : i32
    %dma_start3A_648 = tpu.memref_slice %arg7[%dma_start3A_646, %dma_start3A_647] : memref<400x128xf32, #tpu.memory_space<vmem>> -> memref<208x128xf32, #tpu.memory_space<vmem>>
    %dma_start3A_649 = arith.constant 2560 : i32
    %dma_start3A_650 = tpu.memref_slice %arg4[%add3A_645, %dma_start3A_649] : memref<12800x4096xf32, #tpu.memory_space<hbm>> -> memref<208x128xf32, #tpu.memory_space<hbm>>
    %dma_start3A_651 = arith.constant 2560 : i32
    %dma_start3A_652 = tpu.memref_slice %arg4[%add3A_645, %dma_start3A_651] : memref<12800x4096xf32, #tpu.memory_space<hbm>> -> memref<208x128xf32, #tpu.memory_space<hbm>>
    %dma_start3A_653 = arith.constant 192 : i32
    %dma_start3A_654 = arith.constant 0 : i32
    %dma_start3A_655 = tpu.memref_slice %arg7[%dma_start3A_653, %dma_start3A_654] : memref<400x128xf32, #tpu.memory_space<vmem>> -> memref<208x128xf32, #tpu.memory_space<vmem>>
    tpu.enqueue_dma source(%dma_start3A_655 : memref<208x128xf32, #tpu.memory_space<vmem>>) target(%dma_start3A_652 : memref<208x128xf32, #tpu.memory_space<hbm>>) target_semaphore(%arg8 : memref<!tpu.dma_semaphore, #tpu.memory_space<semaphore_mem>>)
    %add3A_656 = arith.constant 192 : i32
    %add3A_657 = arith.addi %mul3A_2, %add3A_656 : i32
    %dma_start3A_658 = arith.constant 192 : i32
    %dma_start3A_659 = arith.constant 0 : i32
    %dma_start3A_660 = tpu.memref_slice %arg7[%dma_start3A_658, %dma_start3A_659] : memref<400x128xf32, #tpu.memory_space<vmem>> -> memref<208x128xf32, #tpu.memory_space<vmem>>
    %dma_start3A_661 = arith.constant 2688 : i32
    %dma_start3A_662 = tpu.memref_slice %arg4[%add3A_657, %dma_start3A_661] : memref<12800x4096xf32, #tpu.memory_space<hbm>> -> memref<208x128xf32, #tpu.memory_space<hbm>>
    %dma_start3A_663 = arith.constant 2688 : i32
    %dma_start3A_664 = tpu.memref_slice %arg4[%add3A_657, %dma_start3A_663] : memref<12800x4096xf32, #tpu.memory_space<hbm>> -> memref<208x128xf32, #tpu.memory_space<hbm>>
    %dma_start3A_665 = arith.constant 192 : i32
    %dma_start3A_666 = arith.constant 0 : i32
    %dma_start3A_667 = tpu.memref_slice %arg7[%dma_start3A_665, %dma_start3A_666] : memref<400x128xf32, #tpu.memory_space<vmem>> -> memref<208x128xf32, #tpu.memory_space<vmem>>
    tpu.enqueue_dma source(%dma_start3A_667 : memref<208x128xf32, #tpu.memory_space<vmem>>) target(%dma_start3A_664 : memref<208x128xf32, #tpu.memory_space<hbm>>) target_semaphore(%arg8 : memref<!tpu.dma_semaphore, #tpu.memory_space<semaphore_mem>>)
    %add3A_668 = arith.constant 192 : i32
    %add3A_669 = arith.addi %mul3A_2, %add3A_668 : i32
    %dma_start3A_670 = arith.constant 192 : i32
    %dma_start3A_671 = arith.constant 0 : i32
    %dma_start3A_672 = tpu.memref_slice %arg7[%dma_start3A_670, %dma_start3A_671] : memref<400x128xf32, #tpu.memory_space<vmem>> -> memref<208x128xf32, #tpu.memory_space<vmem>>
    %dma_start3A_673 = arith.constant 2816 : i32
    %dma_start3A_674 = tpu.memref_slice %arg4[%add3A_669, %dma_start3A_673] : memref<12800x4096xf32, #tpu.memory_space<hbm>> -> memref<208x128xf32, #tpu.memory_space<hbm>>
    %dma_start3A_675 = arith.constant 2816 : i32
    %dma_start3A_676 = tpu.memref_slice %arg4[%add3A_669, %dma_start3A_675] : memref<12800x4096xf32, #tpu.memory_space<hbm>> -> memref<208x128xf32, #tpu.memory_space<hbm>>
    %dma_start3A_677 = arith.constant 192 : i32
    %dma_start3A_678 = arith.constant 0 : i32
    %dma_start3A_679 = tpu.memref_slice %arg7[%dma_start3A_677, %dma_start3A_678] : memref<400x128xf32, #tpu.memory_space<vmem>> -> memref<208x128xf32, #tpu.memory_space<vmem>>
    tpu.enqueue_dma source(%dma_start3A_679 : memref<208x128xf32, #tpu.memory_space<vmem>>) target(%dma_start3A_676 : memref<208x128xf32, #tpu.memory_space<hbm>>) target_semaphore(%arg8 : memref<!tpu.dma_semaphore, #tpu.memory_space<semaphore_mem>>)
    %add3A_680 = arith.constant 192 : i32
    %add3A_681 = arith.addi %mul3A_2, %add3A_680 : i32
    %dma_start3A_682 = arith.constant 192 : i32
    %dma_start3A_683 = arith.constant 0 : i32
    %dma_start3A_684 = tpu.memref_slice %arg7[%dma_start3A_682, %dma_start3A_683] : memref<400x128xf32, #tpu.memory_space<vmem>> -> memref<208x128xf32, #tpu.memory_space<vmem>>
    %dma_start3A_685 = arith.constant 2944 : i32
    %dma_start3A_686 = tpu.memref_slice %arg4[%add3A_681, %dma_start3A_685] : memref<12800x4096xf32, #tpu.memory_space<hbm>> -> memref<208x128xf32, #tpu.memory_space<hbm>>
    %dma_start3A_687 = arith.constant 2944 : i32
    %dma_start3A_688 = tpu.memref_slice %arg4[%add3A_681, %dma_start3A_687] : memref<12800x4096xf32, #tpu.memory_space<hbm>> -> memref<208x128xf32, #tpu.memory_space<hbm>>
    %dma_start3A_689 = arith.constant 192 : i32
    %dma_start3A_690 = arith.constant 0 : i32
    %dma_start3A_691 = tpu.memref_slice %arg7[%dma_start3A_689, %dma_start3A_690] : memref<400x128xf32, #tpu.memory_space<vmem>> -> memref<208x128xf32, #tpu.memory_space<vmem>>
    tpu.enqueue_dma source(%dma_start3A_691 : memref<208x128xf32, #tpu.memory_space<vmem>>) target(%dma_start3A_688 : memref<208x128xf32, #tpu.memory_space<hbm>>) target_semaphore(%arg8 : memref<!tpu.dma_semaphore, #tpu.memory_space<semaphore_mem>>)
    %add3A_692 = arith.constant 192 : i32
    %add3A_693 = arith.addi %mul3A_2, %add3A_692 : i32
    %dma_start3A_694 = arith.constant 192 : i32
    %dma_start3A_695 = arith.constant 0 : i32
    %dma_start3A_696 = tpu.memref_slice %arg7[%dma_start3A_694, %dma_start3A_695] : memref<400x128xf32, #tpu.memory_space<vmem>> -> memref<208x128xf32, #tpu.memory_space<vmem>>
    %dma_start3A_697 = arith.constant 3072 : i32
    %dma_start3A_698 = tpu.memref_slice %arg4[%add3A_693, %dma_start3A_697] : memref<12800x4096xf32, #tpu.memory_space<hbm>> -> memref<208x128xf32, #tpu.memory_space<hbm>>
    %dma_start3A_699 = arith.constant 3072 : i32
    %dma_start3A_700 = tpu.memref_slice %arg4[%add3A_693, %dma_start3A_699] : memref<12800x4096xf32, #tpu.memory_space<hbm>> -> memref<208x128xf32, #tpu.memory_space<hbm>>
    %dma_start3A_701 = arith.constant 192 : i32
    %dma_start3A_702 = arith.constant 0 : i32
    %dma_start3A_703 = tpu.memref_slice %arg7[%dma_start3A_701, %dma_start3A_702] : memref<400x128xf32, #tpu.memory_space<vmem>> -> memref<208x128xf32, #tpu.memory_space<vmem>>
    tpu.enqueue_dma source(%dma_start3A_703 : memref<208x128xf32, #tpu.memory_space<vmem>>) target(%dma_start3A_700 : memref<208x128xf32, #tpu.memory_space<hbm>>) target_semaphore(%arg8 : memref<!tpu.dma_semaphore, #tpu.memory_space<semaphore_mem>>)
    %add3A_704 = arith.constant 192 : i32
    %add3A_705 = arith.addi %mul3A_2, %add3A_704 : i32
    %dma_start3A_706 = arith.constant 192 : i32
    %dma_start3A_707 = arith.constant 0 : i32
    %dma_start3A_708 = tpu.memref_slice %arg7[%dma_start3A_706, %dma_start3A_707] : memref<400x128xf32, #tpu.memory_space<vmem>> -> memref<208x128xf32, #tpu.memory_space<vmem>>
    %dma_start3A_709 = arith.constant 3200 : i32
    %dma_start3A_710 = tpu.memref_slice %arg4[%add3A_705, %dma_start3A_709] : memref<12800x4096xf32, #tpu.memory_space<hbm>> -> memref<208x128xf32, #tpu.memory_space<hbm>>
    %dma_start3A_711 = arith.constant 3200 : i32
    %dma_start3A_712 = tpu.memref_slice %arg4[%add3A_705, %dma_start3A_711] : memref<12800x4096xf32, #tpu.memory_space<hbm>> -> memref<208x128xf32, #tpu.memory_space<hbm>>
    %dma_start3A_713 = arith.constant 192 : i32
    %dma_start3A_714 = arith.constant 0 : i32
    %dma_start3A_715 = tpu.memref_slice %arg7[%dma_start3A_713, %dma_start3A_714] : memref<400x128xf32, #tpu.memory_space<vmem>> -> memref<208x128xf32, #tpu.memory_space<vmem>>
    tpu.enqueue_dma source(%dma_start3A_715 : memref<208x128xf32, #tpu.memory_space<vmem>>) target(%dma_start3A_712 : memref<208x128xf32, #tpu.memory_space<hbm>>) target_semaphore(%arg8 : memref<!tpu.dma_semaphore, #tpu.memory_space<semaphore_mem>>)
    %add3A_716 = arith.constant 192 : i32
    %add3A_717 = arith.addi %mul3A_2, %add3A_716 : i32
    %dma_start3A_718 = arith.constant 192 : i32
    %dma_start3A_719 = arith.constant 0 : i32
    %dma_start3A_720 = tpu.memref_slice %arg7[%dma_start3A_718, %dma_start3A_719] : memref<400x128xf32, #tpu.memory_space<vmem>> -> memref<208x128xf32, #tpu.memory_space<vmem>>
    %dma_start3A_721 = arith.constant 3328 : i32
    %dma_start3A_722 = tpu.memref_slice %arg4[%add3A_717, %dma_start3A_721] : memref<12800x4096xf32, #tpu.memory_space<hbm>> -> memref<208x128xf32, #tpu.memory_space<hbm>>
    %dma_start3A_723 = arith.constant 3328 : i32
    %dma_start3A_724 = tpu.memref_slice %arg4[%add3A_717, %dma_start3A_723] : memref<12800x4096xf32, #tpu.memory_space<hbm>> -> memref<208x128xf32, #tpu.memory_space<hbm>>
    %dma_start3A_725 = arith.constant 192 : i32
    %dma_start3A_726 = arith.constant 0 : i32
    %dma_start3A_727 = tpu.memref_slice %arg7[%dma_start3A_725, %dma_start3A_726] : memref<400x128xf32, #tpu.memory_space<vmem>> -> memref<208x128xf32, #tpu.memory_space<vmem>>
    tpu.enqueue_dma source(%dma_start3A_727 : memref<208x128xf32, #tpu.memory_space<vmem>>) target(%dma_start3A_724 : memref<208x128xf32, #tpu.memory_space<hbm>>) target_semaphore(%arg8 : memref<!tpu.dma_semaphore, #tpu.memory_space<semaphore_mem>>)
    %add3A_728 = arith.constant 192 : i32
    %add3A_729 = arith.addi %mul3A_2, %add3A_728 : i32
    %dma_start3A_730 = arith.constant 192 : i32
    %dma_start3A_731 = arith.constant 0 : i32
    %dma_start3A_732 = tpu.memref_slice %arg7[%dma_start3A_730, %dma_start3A_731] : memref<400x128xf32, #tpu.memory_space<vmem>> -> memref<208x128xf32, #tpu.memory_space<vmem>>
    %dma_start3A_733 = arith.constant 3456 : i32
    %dma_start3A_734 = tpu.memref_slice %arg4[%add3A_729, %dma_start3A_733] : memref<12800x4096xf32, #tpu.memory_space<hbm>> -> memref<208x128xf32, #tpu.memory_space<hbm>>
    %dma_start3A_735 = arith.constant 3456 : i32
    %dma_start3A_736 = tpu.memref_slice %arg4[%add3A_729, %dma_start3A_735] : memref<12800x4096xf32, #tpu.memory_space<hbm>> -> memref<208x128xf32, #tpu.memory_space<hbm>>
    %dma_start3A_737 = arith.constant 192 : i32
    %dma_start3A_738 = arith.constant 0 : i32
    %dma_start3A_739 = tpu.memref_slice %arg7[%dma_start3A_737, %dma_start3A_738] : memref<400x128xf32, #tpu.memory_space<vmem>> -> memref<208x128xf32, #tpu.memory_space<vmem>>
    tpu.enqueue_dma source(%dma_start3A_739 : memref<208x128xf32, #tpu.memory_space<vmem>>) target(%dma_start3A_736 : memref<208x128xf32, #tpu.memory_space<hbm>>) target_semaphore(%arg8 : memref<!tpu.dma_semaphore, #tpu.memory_space<semaphore_mem>>)
    %add3A_740 = arith.constant 192 : i32
    %add3A_741 = arith.addi %mul3A_2, %add3A_740 : i32
    %dma_start3A_742 = arith.constant 192 : i32
    %dma_start3A_743 = arith.constant 0 : i32
    %dma_start3A_744 = tpu.memref_slice %arg7[%dma_start3A_742, %dma_start3A_743] : memref<400x128xf32, #tpu.memory_space<vmem>> -> memref<208x128xf32, #tpu.memory_space<vmem>>
    %dma_start3A_745 = arith.constant 3584 : i32
    %dma_start3A_746 = tpu.memref_slice %arg4[%add3A_741, %dma_start3A_745] : memref<12800x4096xf32, #tpu.memory_space<hbm>> -> memref<208x128xf32, #tpu.memory_space<hbm>>
    %dma_start3A_747 = arith.constant 3584 : i32
    %dma_start3A_748 = tpu.memref_slice %arg4[%add3A_741, %dma_start3A_747] : memref<12800x4096xf32, #tpu.memory_space<hbm>> -> memref<208x128xf32, #tpu.memory_space<hbm>>
    %dma_start3A_749 = arith.constant 192 : i32
    %dma_start3A_750 = arith.constant 0 : i32
    %dma_start3A_751 = tpu.memref_slice %arg7[%dma_start3A_749, %dma_start3A_750] : memref<400x128xf32, #tpu.memory_space<vmem>> -> memref<208x128xf32, #tpu.memory_space<vmem>>
    tpu.enqueue_dma source(%dma_start3A_751 : memref<208x128xf32, #tpu.memory_space<vmem>>) target(%dma_start3A_748 : memref<208x128xf32, #tpu.memory_space<hbm>>) target_semaphore(%arg8 : memref<!tpu.dma_semaphore, #tpu.memory_space<semaphore_mem>>)
    %add3A_752 = arith.constant 192 : i32
    %add3A_753 = arith.addi %mul3A_2, %add3A_752 : i32
    %dma_start3A_754 = arith.constant 192 : i32
    %dma_start3A_755 = arith.constant 0 : i32
    %dma_start3A_756 = tpu.memref_slice %arg7[%dma_start3A_754, %dma_start3A_755] : memref<400x128xf32, #tpu.memory_space<vmem>> -> memref<208x128xf32, #tpu.memory_space<vmem>>
    %dma_start3A_757 = arith.constant 3712 : i32
    %dma_start3A_758 = tpu.memref_slice %arg4[%add3A_753, %dma_start3A_757] : memref<12800x4096xf32, #tpu.memory_space<hbm>> -> memref<208x128xf32, #tpu.memory_space<hbm>>
    %dma_start3A_759 = arith.constant 3712 : i32
    %dma_start3A_760 = tpu.memref_slice %arg4[%add3A_753, %dma_start3A_759] : memref<12800x4096xf32, #tpu.memory_space<hbm>> -> memref<208x128xf32, #tpu.memory_space<hbm>>
    %dma_start3A_761 = arith.constant 192 : i32
    %dma_start3A_762 = arith.constant 0 : i32
    %dma_start3A_763 = tpu.memref_slice %arg7[%dma_start3A_761, %dma_start3A_762] : memref<400x128xf32, #tpu.memory_space<vmem>> -> memref<208x128xf32, #tpu.memory_space<vmem>>
    tpu.enqueue_dma source(%dma_start3A_763 : memref<208x128xf32, #tpu.memory_space<vmem>>) target(%dma_start3A_760 : memref<208x128xf32, #tpu.memory_space<hbm>>) target_semaphore(%arg8 : memref<!tpu.dma_semaphore, #tpu.memory_space<semaphore_mem>>)
    %add3A_764 = arith.constant 192 : i32
    %add3A_765 = arith.addi %mul3A_2, %add3A_764 : i32
    %dma_start3A_766 = arith.constant 192 : i32
    %dma_start3A_767 = arith.constant 0 : i32
    %dma_start3A_768 = tpu.memref_slice %arg7[%dma_start3A_766, %dma_start3A_767] : memref<400x128xf32, #tpu.memory_space<vmem>> -> memref<208x128xf32, #tpu.memory_space<vmem>>
    %dma_start3A_769 = arith.constant 3840 : i32
    %dma_start3A_770 = tpu.memref_slice %arg4[%add3A_765, %dma_start3A_769] : memref<12800x4096xf32, #tpu.memory_space<hbm>> -> memref<208x128xf32, #tpu.memory_space<hbm>>
    %dma_start3A_771 = arith.constant 3840 : i32
    %dma_start3A_772 = tpu.memref_slice %arg4[%add3A_765, %dma_start3A_771] : memref<12800x4096xf32, #tpu.memory_space<hbm>> -> memref<208x128xf32, #tpu.memory_space<hbm>>
    %dma_start3A_773 = arith.constant 192 : i32
    %dma_start3A_774 = arith.constant 0 : i32
    %dma_start3A_775 = tpu.memref_slice %arg7[%dma_start3A_773, %dma_start3A_774] : memref<400x128xf32, #tpu.memory_space<vmem>> -> memref<208x128xf32, #tpu.memory_space<vmem>>
    tpu.enqueue_dma source(%dma_start3A_775 : memref<208x128xf32, #tpu.memory_space<vmem>>) target(%dma_start3A_772 : memref<208x128xf32, #tpu.memory_space<hbm>>) target_semaphore(%arg8 : memref<!tpu.dma_semaphore, #tpu.memory_space<semaphore_mem>>)
    %add3A_776 = arith.constant 192 : i32
    %add3A_777 = arith.addi %mul3A_2, %add3A_776 : i32
    %dma_start3A_778 = arith.constant 192 : i32
    %dma_start3A_779 = arith.constant 0 : i32
    %dma_start3A_780 = tpu.memref_slice %arg7[%dma_start3A_778, %dma_start3A_779] : memref<400x128xf32, #tpu.memory_space<vmem>> -> memref<208x128xf32, #tpu.memory_space<vmem>>
    %dma_start3A_781 = arith.constant 3968 : i32
    %dma_start3A_782 = tpu.memref_slice %arg4[%add3A_777, %dma_start3A_781] : memref<12800x4096xf32, #tpu.memory_space<hbm>> -> memref<208x128xf32, #tpu.memory_space<hbm>>
    %dma_start3A_783 = arith.constant 3968 : i32
    %dma_start3A_784 = tpu.memref_slice %arg4[%add3A_777, %dma_start3A_783] : memref<12800x4096xf32, #tpu.memory_space<hbm>> -> memref<208x128xf32, #tpu.memory_space<hbm>>
    %dma_start3A_785 = arith.constant 192 : i32
    %dma_start3A_786 = arith.constant 0 : i32
    %dma_start3A_787 = tpu.memref_slice %arg7[%dma_start3A_785, %dma_start3A_786] : memref<400x128xf32, #tpu.memory_space<vmem>> -> memref<208x128xf32, #tpu.memory_space<vmem>>
    tpu.enqueue_dma source(%dma_start3A_787 : memref<208x128xf32, #tpu.memory_space<vmem>>) target(%dma_start3A_784 : memref<208x128xf32, #tpu.memory_space<hbm>>) target_semaphore(%arg8 : memref<!tpu.dma_semaphore, #tpu.memory_space<semaphore_mem>>)
    %dma_wait3A_788 = arith.constant 0 : i32
    %dma_wait3A_789 = arith.constant 0 : i32
    %dma_wait3A_790 = tpu.memref_slice %arg7[%dma_wait3A_788, %dma_wait3A_789] : memref<400x128xf32, #tpu.memory_space<vmem>> -> memref<192x128xf32, #tpu.memory_space<vmem>>
    %dma_wait3A_791 = arith.constant 0 : i32
    %dma_wait3A_792 = tpu.memref_slice %arg4[%add3A_15, %dma_wait3A_791] : memref<12800x4096xf32, #tpu.memory_space<hbm>> -> memref<192x128xf32, #tpu.memory_space<hbm>>
    %dma_wait3A_793 = arith.constant 0 : i32
    %dma_wait3A_794 = tpu.memref_slice %arg4[%add3A_15, %dma_wait3A_793] : memref<12800x4096xf32, #tpu.memory_space<hbm>> -> memref<192x128xf32, #tpu.memory_space<hbm>>
    %dma_wait3A_795 = arith.constant 0 : i32
    %dma_wait3A_796 = arith.constant 0 : i32
    %dma_wait3A_797 = tpu.memref_slice %arg7[%dma_wait3A_795, %dma_wait3A_796] : memref<400x128xf32, #tpu.memory_space<vmem>> -> memref<192x128xf32, #tpu.memory_space<vmem>>
    tpu.wait_dma2 semaphore(%arg8 : memref<!tpu.dma_semaphore, #tpu.memory_space<semaphore_mem>>) src(%dma_wait3A_797 : memref<192x128xf32, #tpu.memory_space<vmem>>) dst(%dma_wait3A_794 : memref<192x128xf32, #tpu.memory_space<hbm>>)
    %dma_wait3A_798 = arith.constant 0 : i32
    %dma_wait3A_799 = arith.constant 0 : i32
    %dma_wait3A_800 = tpu.memref_slice %arg7[%dma_wait3A_798, %dma_wait3A_799] : memref<400x128xf32, #tpu.memory_space<vmem>> -> memref<192x128xf32, #tpu.memory_space<vmem>>
    %dma_wait3A_801 = arith.constant 128 : i32
    %dma_wait3A_802 = tpu.memref_slice %arg4[%add3A_27, %dma_wait3A_801] : memref<12800x4096xf32, #tpu.memory_space<hbm>> -> memref<192x128xf32, #tpu.memory_space<hbm>>
    %dma_wait3A_803 = arith.constant 128 : i32
    %dma_wait3A_804 = tpu.memref_slice %arg4[%add3A_27, %dma_wait3A_803] : memref<12800x4096xf32, #tpu.memory_space<hbm>> -> memref<192x128xf32, #tpu.memory_space<hbm>>
    %dma_wait3A_805 = arith.constant 0 : i32
    %dma_wait3A_806 = arith.constant 0 : i32
    %dma_wait3A_807 = tpu.memref_slice %arg7[%dma_wait3A_805, %dma_wait3A_806] : memref<400x128xf32, #tpu.memory_space<vmem>> -> memref<192x128xf32, #tpu.memory_space<vmem>>
    tpu.wait_dma2 semaphore(%arg8 : memref<!tpu.dma_semaphore, #tpu.memory_space<semaphore_mem>>) src(%dma_wait3A_807 : memref<192x128xf32, #tpu.memory_space<vmem>>) dst(%dma_wait3A_804 : memref<192x128xf32, #tpu.memory_space<hbm>>)
    %dma_wait3A_808 = arith.constant 0 : i32
    %dma_wait3A_809 = arith.constant 0 : i32
    %dma_wait3A_810 = tpu.memref_slice %arg7[%dma_wait3A_808, %dma_wait3A_809] : memref<400x128xf32, #tpu.memory_space<vmem>> -> memref<192x128xf32, #tpu.memory_space<vmem>>
    %dma_wait3A_811 = arith.constant 256 : i32
    %dma_wait3A_812 = tpu.memref_slice %arg4[%add3A_39, %dma_wait3A_811] : memref<12800x4096xf32, #tpu.memory_space<hbm>> -> memref<192x128xf32, #tpu.memory_space<hbm>>
    %dma_wait3A_813 = arith.constant 256 : i32
    %dma_wait3A_814 = tpu.memref_slice %arg4[%add3A_39, %dma_wait3A_813] : memref<12800x4096xf32, #tpu.memory_space<hbm>> -> memref<192x128xf32, #tpu.memory_space<hbm>>
    %dma_wait3A_815 = arith.constant 0 : i32
    %dma_wait3A_816 = arith.constant 0 : i32
    %dma_wait3A_817 = tpu.memref_slice %arg7[%dma_wait3A_815, %dma_wait3A_816] : memref<400x128xf32, #tpu.memory_space<vmem>> -> memref<192x128xf32, #tpu.memory_space<vmem>>
    tpu.wait_dma2 semaphore(%arg8 : memref<!tpu.dma_semaphore, #tpu.memory_space<semaphore_mem>>) src(%dma_wait3A_817 : memref<192x128xf32, #tpu.memory_space<vmem>>) dst(%dma_wait3A_814 : memref<192x128xf32, #tpu.memory_space<hbm>>)
    %dma_wait3A_818 = arith.constant 0 : i32
    %dma_wait3A_819 = arith.constant 0 : i32
    %dma_wait3A_820 = tpu.memref_slice %arg7[%dma_wait3A_818, %dma_wait3A_819] : memref<400x128xf32, #tpu.memory_space<vmem>> -> memref<192x128xf32, #tpu.memory_space<vmem>>
    %dma_wait3A_821 = arith.constant 384 : i32
    %dma_wait3A_822 = tpu.memref_slice %arg4[%add3A_51, %dma_wait3A_821] : memref<12800x4096xf32, #tpu.memory_space<hbm>> -> memref<192x128xf32, #tpu.memory_space<hbm>>
    %dma_wait3A_823 = arith.constant 384 : i32
    %dma_wait3A_824 = tpu.memref_slice %arg4[%add3A_51, %dma_wait3A_823] : memref<12800x4096xf32, #tpu.memory_space<hbm>> -> memref<192x128xf32, #tpu.memory_space<hbm>>
    %dma_wait3A_825 = arith.constant 0 : i32
    %dma_wait3A_826 = arith.constant 0 : i32
    %dma_wait3A_827 = tpu.memref_slice %arg7[%dma_wait3A_825, %dma_wait3A_826] : memref<400x128xf32, #tpu.memory_space<vmem>> -> memref<192x128xf32, #tpu.memory_space<vmem>>
    tpu.wait_dma2 semaphore(%arg8 : memref<!tpu.dma_semaphore, #tpu.memory_space<semaphore_mem>>) src(%dma_wait3A_827 : memref<192x128xf32, #tpu.memory_space<vmem>>) dst(%dma_wait3A_824 : memref<192x128xf32, #tpu.memory_space<hbm>>)
    %dma_wait3A_828 = arith.constant 0 : i32
    %dma_wait3A_829 = arith.constant 0 : i32
    %dma_wait3A_830 = tpu.memref_slice %arg7[%dma_wait3A_828, %dma_wait3A_829] : memref<400x128xf32, #tpu.memory_space<vmem>> -> memref<192x128xf32, #tpu.memory_space<vmem>>
    %dma_wait3A_831 = arith.constant 512 : i32
    %dma_wait3A_832 = tpu.memref_slice %arg4[%add3A_63, %dma_wait3A_831] : memref<12800x4096xf32, #tpu.memory_space<hbm>> -> memref<192x128xf32, #tpu.memory_space<hbm>>
    %dma_wait3A_833 = arith.constant 512 : i32
    %dma_wait3A_834 = tpu.memref_slice %arg4[%add3A_63, %dma_wait3A_833] : memref<12800x4096xf32, #tpu.memory_space<hbm>> -> memref<192x128xf32, #tpu.memory_space<hbm>>
    %dma_wait3A_835 = arith.constant 0 : i32
    %dma_wait3A_836 = arith.constant 0 : i32
    %dma_wait3A_837 = tpu.memref_slice %arg7[%dma_wait3A_835, %dma_wait3A_836] : memref<400x128xf32, #tpu.memory_space<vmem>> -> memref<192x128xf32, #tpu.memory_space<vmem>>
    tpu.wait_dma2 semaphore(%arg8 : memref<!tpu.dma_semaphore, #tpu.memory_space<semaphore_mem>>) src(%dma_wait3A_837 : memref<192x128xf32, #tpu.memory_space<vmem>>) dst(%dma_wait3A_834 : memref<192x128xf32, #tpu.memory_space<hbm>>)
    %dma_wait3A_838 = arith.constant 0 : i32
    %dma_wait3A_839 = arith.constant 0 : i32
    %dma_wait3A_840 = tpu.memref_slice %arg7[%dma_wait3A_838, %dma_wait3A_839] : memref<400x128xf32, #tpu.memory_space<vmem>> -> memref<192x128xf32, #tpu.memory_space<vmem>>
    %dma_wait3A_841 = arith.constant 640 : i32
    %dma_wait3A_842 = tpu.memref_slice %arg4[%add3A_75, %dma_wait3A_841] : memref<12800x4096xf32, #tpu.memory_space<hbm>> -> memref<192x128xf32, #tpu.memory_space<hbm>>
    %dma_wait3A_843 = arith.constant 640 : i32
    %dma_wait3A_844 = tpu.memref_slice %arg4[%add3A_75, %dma_wait3A_843] : memref<12800x4096xf32, #tpu.memory_space<hbm>> -> memref<192x128xf32, #tpu.memory_space<hbm>>
    %dma_wait3A_845 = arith.constant 0 : i32
    %dma_wait3A_846 = arith.constant 0 : i32
    %dma_wait3A_847 = tpu.memref_slice %arg7[%dma_wait3A_845, %dma_wait3A_846] : memref<400x128xf32, #tpu.memory_space<vmem>> -> memref<192x128xf32, #tpu.memory_space<vmem>>
    tpu.wait_dma2 semaphore(%arg8 : memref<!tpu.dma_semaphore, #tpu.memory_space<semaphore_mem>>) src(%dma_wait3A_847 : memref<192x128xf32, #tpu.memory_space<vmem>>) dst(%dma_wait3A_844 : memref<192x128xf32, #tpu.memory_space<hbm>>)
    %dma_wait3A_848 = arith.constant 0 : i32
    %dma_wait3A_849 = arith.constant 0 : i32
    %dma_wait3A_850 = tpu.memref_slice %arg7[%dma_wait3A_848, %dma_wait3A_849] : memref<400x128xf32, #tpu.memory_space<vmem>> -> memref<192x128xf32, #tpu.memory_space<vmem>>
    %dma_wait3A_851 = arith.constant 768 : i32
    %dma_wait3A_852 = tpu.memref_slice %arg4[%add3A_87, %dma_wait3A_851] : memref<12800x4096xf32, #tpu.memory_space<hbm>> -> memref<192x128xf32, #tpu.memory_space<hbm>>
    %dma_wait3A_853 = arith.constant 768 : i32
    %dma_wait3A_854 = tpu.memref_slice %arg4[%add3A_87, %dma_wait3A_853] : memref<12800x4096xf32, #tpu.memory_space<hbm>> -> memref<192x128xf32, #tpu.memory_space<hbm>>
    %dma_wait3A_855 = arith.constant 0 : i32
    %dma_wait3A_856 = arith.constant 0 : i32
    %dma_wait3A_857 = tpu.memref_slice %arg7[%dma_wait3A_855, %dma_wait3A_856] : memref<400x128xf32, #tpu.memory_space<vmem>> -> memref<192x128xf32, #tpu.memory_space<vmem>>
    tpu.wait_dma2 semaphore(%arg8 : memref<!tpu.dma_semaphore, #tpu.memory_space<semaphore_mem>>) src(%dma_wait3A_857 : memref<192x128xf32, #tpu.memory_space<vmem>>) dst(%dma_wait3A_854 : memref<192x128xf32, #tpu.memory_space<hbm>>)
    %dma_wait3A_858 = arith.constant 0 : i32
    %dma_wait3A_859 = arith.constant 0 : i32
    %dma_wait3A_860 = tpu.memref_slice %arg7[%dma_wait3A_858, %dma_wait3A_859] : memref<400x128xf32, #tpu.memory_space<vmem>> -> memref<192x128xf32, #tpu.memory_space<vmem>>
    %dma_wait3A_861 = arith.constant 896 : i32
    %dma_wait3A_862 = tpu.memref_slice %arg4[%add3A_99, %dma_wait3A_861] : memref<12800x4096xf32, #tpu.memory_space<hbm>> -> memref<192x128xf32, #tpu.memory_space<hbm>>
    %dma_wait3A_863 = arith.constant 896 : i32
    %dma_wait3A_864 = tpu.memref_slice %arg4[%add3A_99, %dma_wait3A_863] : memref<12800x4096xf32, #tpu.memory_space<hbm>> -> memref<192x128xf32, #tpu.memory_space<hbm>>
    %dma_wait3A_865 = arith.constant 0 : i32
    %dma_wait3A_866 = arith.constant 0 : i32
    %dma_wait3A_867 = tpu.memref_slice %arg7[%dma_wait3A_865, %dma_wait3A_866] : memref<400x128xf32, #tpu.memory_space<vmem>> -> memref<192x128xf32, #tpu.memory_space<vmem>>
    tpu.wait_dma2 semaphore(%arg8 : memref<!tpu.dma_semaphore, #tpu.memory_space<semaphore_mem>>) src(%dma_wait3A_867 : memref<192x128xf32, #tpu.memory_space<vmem>>) dst(%dma_wait3A_864 : memref<192x128xf32, #tpu.memory_space<hbm>>)
    %dma_wait3A_868 = arith.constant 0 : i32
    %dma_wait3A_869 = arith.constant 0 : i32
    %dma_wait3A_870 = tpu.memref_slice %arg7[%dma_wait3A_868, %dma_wait3A_869] : memref<400x128xf32, #tpu.memory_space<vmem>> -> memref<192x128xf32, #tpu.memory_space<vmem>>
    %dma_wait3A_871 = arith.constant 1024 : i32
    %dma_wait3A_872 = tpu.memref_slice %arg4[%add3A_111, %dma_wait3A_871] : memref<12800x4096xf32, #tpu.memory_space<hbm>> -> memref<192x128xf32, #tpu.memory_space<hbm>>
    %dma_wait3A_873 = arith.constant 1024 : i32
    %dma_wait3A_874 = tpu.memref_slice %arg4[%add3A_111, %dma_wait3A_873] : memref<12800x4096xf32, #tpu.memory_space<hbm>> -> memref<192x128xf32, #tpu.memory_space<hbm>>
    %dma_wait3A_875 = arith.constant 0 : i32
    %dma_wait3A_876 = arith.constant 0 : i32
    %dma_wait3A_877 = tpu.memref_slice %arg7[%dma_wait3A_875, %dma_wait3A_876] : memref<400x128xf32, #tpu.memory_space<vmem>> -> memref<192x128xf32, #tpu.memory_space<vmem>>
    tpu.wait_dma2 semaphore(%arg8 : memref<!tpu.dma_semaphore, #tpu.memory_space<semaphore_mem>>) src(%dma_wait3A_877 : memref<192x128xf32, #tpu.memory_space<vmem>>) dst(%dma_wait3A_874 : memref<192x128xf32, #tpu.memory_space<hbm>>)
    %dma_wait3A_878 = arith.constant 0 : i32
    %dma_wait3A_879 = arith.constant 0 : i32
    %dma_wait3A_880 = tpu.memref_slice %arg7[%dma_wait3A_878, %dma_wait3A_879] : memref<400x128xf32, #tpu.memory_space<vmem>> -> memref<192x128xf32, #tpu.memory_space<vmem>>
    %dma_wait3A_881 = arith.constant 1152 : i32
    %dma_wait3A_882 = tpu.memref_slice %arg4[%add3A_123, %dma_wait3A_881] : memref<12800x4096xf32, #tpu.memory_space<hbm>> -> memref<192x128xf32, #tpu.memory_space<hbm>>
    %dma_wait3A_883 = arith.constant 1152 : i32
    %dma_wait3A_884 = tpu.memref_slice %arg4[%add3A_123, %dma_wait3A_883] : memref<12800x4096xf32, #tpu.memory_space<hbm>> -> memref<192x128xf32, #tpu.memory_space<hbm>>
    %dma_wait3A_885 = arith.constant 0 : i32
    %dma_wait3A_886 = arith.constant 0 : i32
    %dma_wait3A_887 = tpu.memref_slice %arg7[%dma_wait3A_885, %dma_wait3A_886] : memref<400x128xf32, #tpu.memory_space<vmem>> -> memref<192x128xf32, #tpu.memory_space<vmem>>
    tpu.wait_dma2 semaphore(%arg8 : memref<!tpu.dma_semaphore, #tpu.memory_space<semaphore_mem>>) src(%dma_wait3A_887 : memref<192x128xf32, #tpu.memory_space<vmem>>) dst(%dma_wait3A_884 : memref<192x128xf32, #tpu.memory_space<hbm>>)
    %dma_wait3A_888 = arith.constant 0 : i32
    %dma_wait3A_889 = arith.constant 0 : i32
    %dma_wait3A_890 = tpu.memref_slice %arg7[%dma_wait3A_888, %dma_wait3A_889] : memref<400x128xf32, #tpu.memory_space<vmem>> -> memref<192x128xf32, #tpu.memory_space<vmem>>
    %dma_wait3A_891 = arith.constant 1280 : i32
    %dma_wait3A_892 = tpu.memref_slice %arg4[%add3A_135, %dma_wait3A_891] : memref<12800x4096xf32, #tpu.memory_space<hbm>> -> memref<192x128xf32, #tpu.memory_space<hbm>>
    %dma_wait3A_893 = arith.constant 1280 : i32
    %dma_wait3A_894 = tpu.memref_slice %arg4[%add3A_135, %dma_wait3A_893] : memref<12800x4096xf32, #tpu.memory_space<hbm>> -> memref<192x128xf32, #tpu.memory_space<hbm>>
    %dma_wait3A_895 = arith.constant 0 : i32
    %dma_wait3A_896 = arith.constant 0 : i32
    %dma_wait3A_897 = tpu.memref_slice %arg7[%dma_wait3A_895, %dma_wait3A_896] : memref<400x128xf32, #tpu.memory_space<vmem>> -> memref<192x128xf32, #tpu.memory_space<vmem>>
    tpu.wait_dma2 semaphore(%arg8 : memref<!tpu.dma_semaphore, #tpu.memory_space<semaphore_mem>>) src(%dma_wait3A_897 : memref<192x128xf32, #tpu.memory_space<vmem>>) dst(%dma_wait3A_894 : memref<192x128xf32, #tpu.memory_space<hbm>>)
    %dma_wait3A_898 = arith.constant 0 : i32
    %dma_wait3A_899 = arith.constant 0 : i32
    %dma_wait3A_900 = tpu.memref_slice %arg7[%dma_wait3A_898, %dma_wait3A_899] : memref<400x128xf32, #tpu.memory_space<vmem>> -> memref<192x128xf32, #tpu.memory_space<vmem>>
    %dma_wait3A_901 = arith.constant 1408 : i32
    %dma_wait3A_902 = tpu.memref_slice %arg4[%add3A_147, %dma_wait3A_901] : memref<12800x4096xf32, #tpu.memory_space<hbm>> -> memref<192x128xf32, #tpu.memory_space<hbm>>
    %dma_wait3A_903 = arith.constant 1408 : i32
    %dma_wait3A_904 = tpu.memref_slice %arg4[%add3A_147, %dma_wait3A_903] : memref<12800x4096xf32, #tpu.memory_space<hbm>> -> memref<192x128xf32, #tpu.memory_space<hbm>>
    %dma_wait3A_905 = arith.constant 0 : i32
    %dma_wait3A_906 = arith.constant 0 : i32
    %dma_wait3A_907 = tpu.memref_slice %arg7[%dma_wait3A_905, %dma_wait3A_906] : memref<400x128xf32, #tpu.memory_space<vmem>> -> memref<192x128xf32, #tpu.memory_space<vmem>>
    tpu.wait_dma2 semaphore(%arg8 : memref<!tpu.dma_semaphore, #tpu.memory_space<semaphore_mem>>) src(%dma_wait3A_907 : memref<192x128xf32, #tpu.memory_space<vmem>>) dst(%dma_wait3A_904 : memref<192x128xf32, #tpu.memory_space<hbm>>)
    %dma_wait3A_908 = arith.constant 0 : i32
    %dma_wait3A_909 = arith.constant 0 : i32
    %dma_wait3A_910 = tpu.memref_slice %arg7[%dma_wait3A_908, %dma_wait3A_909] : memref<400x128xf32, #tpu.memory_space<vmem>> -> memref<192x128xf32, #tpu.memory_space<vmem>>
    %dma_wait3A_911 = arith.constant 1536 : i32
    %dma_wait3A_912 = tpu.memref_slice %arg4[%add3A_159, %dma_wait3A_911] : memref<12800x4096xf32, #tpu.memory_space<hbm>> -> memref<192x128xf32, #tpu.memory_space<hbm>>
    %dma_wait3A_913 = arith.constant 1536 : i32
    %dma_wait3A_914 = tpu.memref_slice %arg4[%add3A_159, %dma_wait3A_913] : memref<12800x4096xf32, #tpu.memory_space<hbm>> -> memref<192x128xf32, #tpu.memory_space<hbm>>
    %dma_wait3A_915 = arith.constant 0 : i32
    %dma_wait3A_916 = arith.constant 0 : i32
    %dma_wait3A_917 = tpu.memref_slice %arg7[%dma_wait3A_915, %dma_wait3A_916] : memref<400x128xf32, #tpu.memory_space<vmem>> -> memref<192x128xf32, #tpu.memory_space<vmem>>
    tpu.wait_dma2 semaphore(%arg8 : memref<!tpu.dma_semaphore, #tpu.memory_space<semaphore_mem>>) src(%dma_wait3A_917 : memref<192x128xf32, #tpu.memory_space<vmem>>) dst(%dma_wait3A_914 : memref<192x128xf32, #tpu.memory_space<hbm>>)
    %dma_wait3A_918 = arith.constant 0 : i32
    %dma_wait3A_919 = arith.constant 0 : i32
    %dma_wait3A_920 = tpu.memref_slice %arg7[%dma_wait3A_918, %dma_wait3A_919] : memref<400x128xf32, #tpu.memory_space<vmem>> -> memref<192x128xf32, #tpu.memory_space<vmem>>
    %dma_wait3A_921 = arith.constant 1664 : i32
    %dma_wait3A_922 = tpu.memref_slice %arg4[%add3A_171, %dma_wait3A_921] : memref<12800x4096xf32, #tpu.memory_space<hbm>> -> memref<192x128xf32, #tpu.memory_space<hbm>>
    %dma_wait3A_923 = arith.constant 1664 : i32
    %dma_wait3A_924 = tpu.memref_slice %arg4[%add3A_171, %dma_wait3A_923] : memref<12800x4096xf32, #tpu.memory_space<hbm>> -> memref<192x128xf32, #tpu.memory_space<hbm>>
    %dma_wait3A_925 = arith.constant 0 : i32
    %dma_wait3A_926 = arith.constant 0 : i32
    %dma_wait3A_927 = tpu.memref_slice %arg7[%dma_wait3A_925, %dma_wait3A_926] : memref<400x128xf32, #tpu.memory_space<vmem>> -> memref<192x128xf32, #tpu.memory_space<vmem>>
    tpu.wait_dma2 semaphore(%arg8 : memref<!tpu.dma_semaphore, #tpu.memory_space<semaphore_mem>>) src(%dma_wait3A_927 : memref<192x128xf32, #tpu.memory_space<vmem>>) dst(%dma_wait3A_924 : memref<192x128xf32, #tpu.memory_space<hbm>>)
    %dma_wait3A_928 = arith.constant 0 : i32
    %dma_wait3A_929 = arith.constant 0 : i32
    %dma_wait3A_930 = tpu.memref_slice %arg7[%dma_wait3A_928, %dma_wait3A_929] : memref<400x128xf32, #tpu.memory_space<vmem>> -> memref<192x128xf32, #tpu.memory_space<vmem>>
    %dma_wait3A_931 = arith.constant 1792 : i32
    %dma_wait3A_932 = tpu.memref_slice %arg4[%add3A_183, %dma_wait3A_931] : memref<12800x4096xf32, #tpu.memory_space<hbm>> -> memref<192x128xf32, #tpu.memory_space<hbm>>
    %dma_wait3A_933 = arith.constant 1792 : i32
    %dma_wait3A_934 = tpu.memref_slice %arg4[%add3A_183, %dma_wait3A_933] : memref<12800x4096xf32, #tpu.memory_space<hbm>> -> memref<192x128xf32, #tpu.memory_space<hbm>>
    %dma_wait3A_935 = arith.constant 0 : i32
    %dma_wait3A_936 = arith.constant 0 : i32
    %dma_wait3A_937 = tpu.memref_slice %arg7[%dma_wait3A_935, %dma_wait3A_936] : memref<400x128xf32, #tpu.memory_space<vmem>> -> memref<192x128xf32, #tpu.memory_space<vmem>>
    tpu.wait_dma2 semaphore(%arg8 : memref<!tpu.dma_semaphore, #tpu.memory_space<semaphore_mem>>) src(%dma_wait3A_937 : memref<192x128xf32, #tpu.memory_space<vmem>>) dst(%dma_wait3A_934 : memref<192x128xf32, #tpu.memory_space<hbm>>)
    %dma_wait3A_938 = arith.constant 0 : i32
    %dma_wait3A_939 = arith.constant 0 : i32
    %dma_wait3A_940 = tpu.memref_slice %arg7[%dma_wait3A_938, %dma_wait3A_939] : memref<400x128xf32, #tpu.memory_space<vmem>> -> memref<192x128xf32, #tpu.memory_space<vmem>>
    %dma_wait3A_941 = arith.constant 1920 : i32
    %dma_wait3A_942 = tpu.memref_slice %arg4[%add3A_195, %dma_wait3A_941] : memref<12800x4096xf32, #tpu.memory_space<hbm>> -> memref<192x128xf32, #tpu.memory_space<hbm>>
    %dma_wait3A_943 = arith.constant 1920 : i32
    %dma_wait3A_944 = tpu.memref_slice %arg4[%add3A_195, %dma_wait3A_943] : memref<12800x4096xf32, #tpu.memory_space<hbm>> -> memref<192x128xf32, #tpu.memory_space<hbm>>
    %dma_wait3A_945 = arith.constant 0 : i32
    %dma_wait3A_946 = arith.constant 0 : i32
    %dma_wait3A_947 = tpu.memref_slice %arg7[%dma_wait3A_945, %dma_wait3A_946] : memref<400x128xf32, #tpu.memory_space<vmem>> -> memref<192x128xf32, #tpu.memory_space<vmem>>
    tpu.wait_dma2 semaphore(%arg8 : memref<!tpu.dma_semaphore, #tpu.memory_space<semaphore_mem>>) src(%dma_wait3A_947 : memref<192x128xf32, #tpu.memory_space<vmem>>) dst(%dma_wait3A_944 : memref<192x128xf32, #tpu.memory_space<hbm>>)
    %dma_wait3A_948 = arith.constant 0 : i32
    %dma_wait3A_949 = arith.constant 0 : i32
    %dma_wait3A_950 = tpu.memref_slice %arg7[%dma_wait3A_948, %dma_wait3A_949] : memref<400x128xf32, #tpu.memory_space<vmem>> -> memref<192x128xf32, #tpu.memory_space<vmem>>
    %dma_wait3A_951 = arith.constant 2048 : i32
    %dma_wait3A_952 = tpu.memref_slice %arg4[%add3A_207, %dma_wait3A_951] : memref<12800x4096xf32, #tpu.memory_space<hbm>> -> memref<192x128xf32, #tpu.memory_space<hbm>>
    %dma_wait3A_953 = arith.constant 2048 : i32
    %dma_wait3A_954 = tpu.memref_slice %arg4[%add3A_207, %dma_wait3A_953] : memref<12800x4096xf32, #tpu.memory_space<hbm>> -> memref<192x128xf32, #tpu.memory_space<hbm>>
    %dma_wait3A_955 = arith.constant 0 : i32
    %dma_wait3A_956 = arith.constant 0 : i32
    %dma_wait3A_957 = tpu.memref_slice %arg7[%dma_wait3A_955, %dma_wait3A_956] : memref<400x128xf32, #tpu.memory_space<vmem>> -> memref<192x128xf32, #tpu.memory_space<vmem>>
    tpu.wait_dma2 semaphore(%arg8 : memref<!tpu.dma_semaphore, #tpu.memory_space<semaphore_mem>>) src(%dma_wait3A_957 : memref<192x128xf32, #tpu.memory_space<vmem>>) dst(%dma_wait3A_954 : memref<192x128xf32, #tpu.memory_space<hbm>>)
    %dma_wait3A_958 = arith.constant 0 : i32
    %dma_wait3A_959 = arith.constant 0 : i32
    %dma_wait3A_960 = tpu.memref_slice %arg7[%dma_wait3A_958, %dma_wait3A_959] : memref<400x128xf32, #tpu.memory_space<vmem>> -> memref<192x128xf32, #tpu.memory_space<vmem>>
    %dma_wait3A_961 = arith.constant 2176 : i32
    %dma_wait3A_962 = tpu.memref_slice %arg4[%add3A_219, %dma_wait3A_961] : memref<12800x4096xf32, #tpu.memory_space<hbm>> -> memref<192x128xf32, #tpu.memory_space<hbm>>
    %dma_wait3A_963 = arith.constant 2176 : i32
    %dma_wait3A_964 = tpu.memref_slice %arg4[%add3A_219, %dma_wait3A_963] : memref<12800x4096xf32, #tpu.memory_space<hbm>> -> memref<192x128xf32, #tpu.memory_space<hbm>>
    %dma_wait3A_965 = arith.constant 0 : i32
    %dma_wait3A_966 = arith.constant 0 : i32
    %dma_wait3A_967 = tpu.memref_slice %arg7[%dma_wait3A_965, %dma_wait3A_966] : memref<400x128xf32, #tpu.memory_space<vmem>> -> memref<192x128xf32, #tpu.memory_space<vmem>>
    tpu.wait_dma2 semaphore(%arg8 : memref<!tpu.dma_semaphore, #tpu.memory_space<semaphore_mem>>) src(%dma_wait3A_967 : memref<192x128xf32, #tpu.memory_space<vmem>>) dst(%dma_wait3A_964 : memref<192x128xf32, #tpu.memory_space<hbm>>)
    %dma_wait3A_968 = arith.constant 0 : i32
    %dma_wait3A_969 = arith.constant 0 : i32
    %dma_wait3A_970 = tpu.memref_slice %arg7[%dma_wait3A_968, %dma_wait3A_969] : memref<400x128xf32, #tpu.memory_space<vmem>> -> memref<192x128xf32, #tpu.memory_space<vmem>>
    %dma_wait3A_971 = arith.constant 2304 : i32
    %dma_wait3A_972 = tpu.memref_slice %arg4[%add3A_231, %dma_wait3A_971] : memref<12800x4096xf32, #tpu.memory_space<hbm>> -> memref<192x128xf32, #tpu.memory_space<hbm>>
    %dma_wait3A_973 = arith.constant 2304 : i32
    %dma_wait3A_974 = tpu.memref_slice %arg4[%add3A_231, %dma_wait3A_973] : memref<12800x4096xf32, #tpu.memory_space<hbm>> -> memref<192x128xf32, #tpu.memory_space<hbm>>
    %dma_wait3A_975 = arith.constant 0 : i32
    %dma_wait3A_976 = arith.constant 0 : i32
    %dma_wait3A_977 = tpu.memref_slice %arg7[%dma_wait3A_975, %dma_wait3A_976] : memref<400x128xf32, #tpu.memory_space<vmem>> -> memref<192x128xf32, #tpu.memory_space<vmem>>
    tpu.wait_dma2 semaphore(%arg8 : memref<!tpu.dma_semaphore, #tpu.memory_space<semaphore_mem>>) src(%dma_wait3A_977 : memref<192x128xf32, #tpu.memory_space<vmem>>) dst(%dma_wait3A_974 : memref<192x128xf32, #tpu.memory_space<hbm>>)
    %dma_wait3A_978 = arith.constant 0 : i32
    %dma_wait3A_979 = arith.constant 0 : i32
    %dma_wait3A_980 = tpu.memref_slice %arg7[%dma_wait3A_978, %dma_wait3A_979] : memref<400x128xf32, #tpu.memory_space<vmem>> -> memref<192x128xf32, #tpu.memory_space<vmem>>
    %dma_wait3A_981 = arith.constant 2432 : i32
    %dma_wait3A_982 = tpu.memref_slice %arg4[%add3A_243, %dma_wait3A_981] : memref<12800x4096xf32, #tpu.memory_space<hbm>> -> memref<192x128xf32, #tpu.memory_space<hbm>>
    %dma_wait3A_983 = arith.constant 2432 : i32
    %dma_wait3A_984 = tpu.memref_slice %arg4[%add3A_243, %dma_wait3A_983] : memref<12800x4096xf32, #tpu.memory_space<hbm>> -> memref<192x128xf32, #tpu.memory_space<hbm>>
    %dma_wait3A_985 = arith.constant 0 : i32
    %dma_wait3A_986 = arith.constant 0 : i32
    %dma_wait3A_987 = tpu.memref_slice %arg7[%dma_wait3A_985, %dma_wait3A_986] : memref<400x128xf32, #tpu.memory_space<vmem>> -> memref<192x128xf32, #tpu.memory_space<vmem>>
    tpu.wait_dma2 semaphore(%arg8 : memref<!tpu.dma_semaphore, #tpu.memory_space<semaphore_mem>>) src(%dma_wait3A_987 : memref<192x128xf32, #tpu.memory_space<vmem>>) dst(%dma_wait3A_984 : memref<192x128xf32, #tpu.memory_space<hbm>>)
    %dma_wait3A_988 = arith.constant 0 : i32
    %dma_wait3A_989 = arith.constant 0 : i32
    %dma_wait3A_990 = tpu.memref_slice %arg7[%dma_wait3A_988, %dma_wait3A_989] : memref<400x128xf32, #tpu.memory_space<vmem>> -> memref<192x128xf32, #tpu.memory_space<vmem>>
    %dma_wait3A_991 = arith.constant 2560 : i32
    %dma_wait3A_992 = tpu.memref_slice %arg4[%add3A_255, %dma_wait3A_991] : memref<12800x4096xf32, #tpu.memory_space<hbm>> -> memref<192x128xf32, #tpu.memory_space<hbm>>
    %dma_wait3A_993 = arith.constant 2560 : i32
    %dma_wait3A_994 = tpu.memref_slice %arg4[%add3A_255, %dma_wait3A_993] : memref<12800x4096xf32, #tpu.memory_space<hbm>> -> memref<192x128xf32, #tpu.memory_space<hbm>>
    %dma_wait3A_995 = arith.constant 0 : i32
    %dma_wait3A_996 = arith.constant 0 : i32
    %dma_wait3A_997 = tpu.memref_slice %arg7[%dma_wait3A_995, %dma_wait3A_996] : memref<400x128xf32, #tpu.memory_space<vmem>> -> memref<192x128xf32, #tpu.memory_space<vmem>>
    tpu.wait_dma2 semaphore(%arg8 : memref<!tpu.dma_semaphore, #tpu.memory_space<semaphore_mem>>) src(%dma_wait3A_997 : memref<192x128xf32, #tpu.memory_space<vmem>>) dst(%dma_wait3A_994 : memref<192x128xf32, #tpu.memory_space<hbm>>)
    %dma_wait3A_998 = arith.constant 0 : i32
    %dma_wait3A_999 = arith.constant 0 : i32
    %dma_wait3A_1000 = tpu.memref_slice %arg7[%dma_wait3A_998, %dma_wait3A_999] : memref<400x128xf32, #tpu.memory_space<vmem>> -> memref<192x128xf32, #tpu.memory_space<vmem>>
    %dma_wait3A_1001 = arith.constant 2688 : i32
    %dma_wait3A_1002 = tpu.memref_slice %arg4[%add3A_267, %dma_wait3A_1001] : memref<12800x4096xf32, #tpu.memory_space<hbm>> -> memref<192x128xf32, #tpu.memory_space<hbm>>
    %dma_wait3A_1003 = arith.constant 2688 : i32
    %dma_wait3A_1004 = tpu.memref_slice %arg4[%add3A_267, %dma_wait3A_1003] : memref<12800x4096xf32, #tpu.memory_space<hbm>> -> memref<192x128xf32, #tpu.memory_space<hbm>>
    %dma_wait3A_1005 = arith.constant 0 : i32
    %dma_wait3A_1006 = arith.constant 0 : i32
    %dma_wait3A_1007 = tpu.memref_slice %arg7[%dma_wait3A_1005, %dma_wait3A_1006] : memref<400x128xf32, #tpu.memory_space<vmem>> -> memref<192x128xf32, #tpu.memory_space<vmem>>
    tpu.wait_dma2 semaphore(%arg8 : memref<!tpu.dma_semaphore, #tpu.memory_space<semaphore_mem>>) src(%dma_wait3A_1007 : memref<192x128xf32, #tpu.memory_space<vmem>>) dst(%dma_wait3A_1004 : memref<192x128xf32, #tpu.memory_space<hbm>>)
    %dma_wait3A_1008 = arith.constant 0 : i32
    %dma_wait3A_1009 = arith.constant 0 : i32
    %dma_wait3A_1010 = tpu.memref_slice %arg7[%dma_wait3A_1008, %dma_wait3A_1009] : memref<400x128xf32, #tpu.memory_space<vmem>> -> memref<192x128xf32, #tpu.memory_space<vmem>>
    %dma_wait3A_1011 = arith.constant 2816 : i32
    %dma_wait3A_1012 = tpu.memref_slice %arg4[%add3A_279, %dma_wait3A_1011] : memref<12800x4096xf32, #tpu.memory_space<hbm>> -> memref<192x128xf32, #tpu.memory_space<hbm>>
    %dma_wait3A_1013 = arith.constant 2816 : i32
    %dma_wait3A_1014 = tpu.memref_slice %arg4[%add3A_279, %dma_wait3A_1013] : memref<12800x4096xf32, #tpu.memory_space<hbm>> -> memref<192x128xf32, #tpu.memory_space<hbm>>
    %dma_wait3A_1015 = arith.constant 0 : i32
    %dma_wait3A_1016 = arith.constant 0 : i32
    %dma_wait3A_1017 = tpu.memref_slice %arg7[%dma_wait3A_1015, %dma_wait3A_1016] : memref<400x128xf32, #tpu.memory_space<vmem>> -> memref<192x128xf32, #tpu.memory_space<vmem>>
    tpu.wait_dma2 semaphore(%arg8 : memref<!tpu.dma_semaphore, #tpu.memory_space<semaphore_mem>>) src(%dma_wait3A_1017 : memref<192x128xf32, #tpu.memory_space<vmem>>) dst(%dma_wait3A_1014 : memref<192x128xf32, #tpu.memory_space<hbm>>)
    %dma_wait3A_1018 = arith.constant 0 : i32
    %dma_wait3A_1019 = arith.constant 0 : i32
    %dma_wait3A_1020 = tpu.memref_slice %arg7[%dma_wait3A_1018, %dma_wait3A_1019] : memref<400x128xf32, #tpu.memory_space<vmem>> -> memref<192x128xf32, #tpu.memory_space<vmem>>
    %dma_wait3A_1021 = arith.constant 2944 : i32
    %dma_wait3A_1022 = tpu.memref_slice %arg4[%add3A_291, %dma_wait3A_1021] : memref<12800x4096xf32, #tpu.memory_space<hbm>> -> memref<192x128xf32, #tpu.memory_space<hbm>>
    %dma_wait3A_1023 = arith.constant 2944 : i32
    %dma_wait3A_1024 = tpu.memref_slice %arg4[%add3A_291, %dma_wait3A_1023] : memref<12800x4096xf32, #tpu.memory_space<hbm>> -> memref<192x128xf32, #tpu.memory_space<hbm>>
    %dma_wait3A_1025 = arith.constant 0 : i32
    %dma_wait3A_1026 = arith.constant 0 : i32
    %dma_wait3A_1027 = tpu.memref_slice %arg7[%dma_wait3A_1025, %dma_wait3A_1026] : memref<400x128xf32, #tpu.memory_space<vmem>> -> memref<192x128xf32, #tpu.memory_space<vmem>>
    tpu.wait_dma2 semaphore(%arg8 : memref<!tpu.dma_semaphore, #tpu.memory_space<semaphore_mem>>) src(%dma_wait3A_1027 : memref<192x128xf32, #tpu.memory_space<vmem>>) dst(%dma_wait3A_1024 : memref<192x128xf32, #tpu.memory_space<hbm>>)
    %dma_wait3A_1028 = arith.constant 0 : i32
    %dma_wait3A_1029 = arith.constant 0 : i32
    %dma_wait3A_1030 = tpu.memref_slice %arg7[%dma_wait3A_1028, %dma_wait3A_1029] : memref<400x128xf32, #tpu.memory_space<vmem>> -> memref<192x128xf32, #tpu.memory_space<vmem>>
    %dma_wait3A_1031 = arith.constant 3072 : i32
    %dma_wait3A_1032 = tpu.memref_slice %arg4[%add3A_303, %dma_wait3A_1031] : memref<12800x4096xf32, #tpu.memory_space<hbm>> -> memref<192x128xf32, #tpu.memory_space<hbm>>
    %dma_wait3A_1033 = arith.constant 3072 : i32
    %dma_wait3A_1034 = tpu.memref_slice %arg4[%add3A_303, %dma_wait3A_1033] : memref<12800x4096xf32, #tpu.memory_space<hbm>> -> memref<192x128xf32, #tpu.memory_space<hbm>>
    %dma_wait3A_1035 = arith.constant 0 : i32
    %dma_wait3A_1036 = arith.constant 0 : i32
    %dma_wait3A_1037 = tpu.memref_slice %arg7[%dma_wait3A_1035, %dma_wait3A_1036] : memref<400x128xf32, #tpu.memory_space<vmem>> -> memref<192x128xf32, #tpu.memory_space<vmem>>
    tpu.wait_dma2 semaphore(%arg8 : memref<!tpu.dma_semaphore, #tpu.memory_space<semaphore_mem>>) src(%dma_wait3A_1037 : memref<192x128xf32, #tpu.memory_space<vmem>>) dst(%dma_wait3A_1034 : memref<192x128xf32, #tpu.memory_space<hbm>>)
    %dma_wait3A_1038 = arith.constant 0 : i32
    %dma_wait3A_1039 = arith.constant 0 : i32
    %dma_wait3A_1040 = tpu.memref_slice %arg7[%dma_wait3A_1038, %dma_wait3A_1039] : memref<400x128xf32, #tpu.memory_space<vmem>> -> memref<192x128xf32, #tpu.memory_space<vmem>>
    %dma_wait3A_1041 = arith.constant 3200 : i32
    %dma_wait3A_1042 = tpu.memref_slice %arg4[%add3A_315, %dma_wait3A_1041] : memref<12800x4096xf32, #tpu.memory_space<hbm>> -> memref<192x128xf32, #tpu.memory_space<hbm>>
    %dma_wait3A_1043 = arith.constant 3200 : i32
    %dma_wait3A_1044 = tpu.memref_slice %arg4[%add3A_315, %dma_wait3A_1043] : memref<12800x4096xf32, #tpu.memory_space<hbm>> -> memref<192x128xf32, #tpu.memory_space<hbm>>
    %dma_wait3A_1045 = arith.constant 0 : i32
    %dma_wait3A_1046 = arith.constant 0 : i32
    %dma_wait3A_1047 = tpu.memref_slice %arg7[%dma_wait3A_1045, %dma_wait3A_1046] : memref<400x128xf32, #tpu.memory_space<vmem>> -> memref<192x128xf32, #tpu.memory_space<vmem>>
    tpu.wait_dma2 semaphore(%arg8 : memref<!tpu.dma_semaphore, #tpu.memory_space<semaphore_mem>>) src(%dma_wait3A_1047 : memref<192x128xf32, #tpu.memory_space<vmem>>) dst(%dma_wait3A_1044 : memref<192x128xf32, #tpu.memory_space<hbm>>)
    %dma_wait3A_1048 = arith.constant 0 : i32
    %dma_wait3A_1049 = arith.constant 0 : i32
    %dma_wait3A_1050 = tpu.memref_slice %arg7[%dma_wait3A_1048, %dma_wait3A_1049] : memref<400x128xf32, #tpu.memory_space<vmem>> -> memref<192x128xf32, #tpu.memory_space<vmem>>
    %dma_wait3A_1051 = arith.constant 3328 : i32
    %dma_wait3A_1052 = tpu.memref_slice %arg4[%add3A_327, %dma_wait3A_1051] : memref<12800x4096xf32, #tpu.memory_space<hbm>> -> memref<192x128xf32, #tpu.memory_space<hbm>>
    %dma_wait3A_1053 = arith.constant 3328 : i32
    %dma_wait3A_1054 = tpu.memref_slice %arg4[%add3A_327, %dma_wait3A_1053] : memref<12800x4096xf32, #tpu.memory_space<hbm>> -> memref<192x128xf32, #tpu.memory_space<hbm>>
    %dma_wait3A_1055 = arith.constant 0 : i32
    %dma_wait3A_1056 = arith.constant 0 : i32
    %dma_wait3A_1057 = tpu.memref_slice %arg7[%dma_wait3A_1055, %dma_wait3A_1056] : memref<400x128xf32, #tpu.memory_space<vmem>> -> memref<192x128xf32, #tpu.memory_space<vmem>>
    tpu.wait_dma2 semaphore(%arg8 : memref<!tpu.dma_semaphore, #tpu.memory_space<semaphore_mem>>) src(%dma_wait3A_1057 : memref<192x128xf32, #tpu.memory_space<vmem>>) dst(%dma_wait3A_1054 : memref<192x128xf32, #tpu.memory_space<hbm>>)
    %dma_wait3A_1058 = arith.constant 0 : i32
    %dma_wait3A_1059 = arith.constant 0 : i32
    %dma_wait3A_1060 = tpu.memref_slice %arg7[%dma_wait3A_1058, %dma_wait3A_1059] : memref<400x128xf32, #tpu.memory_space<vmem>> -> memref<192x128xf32, #tpu.memory_space<vmem>>
    %dma_wait3A_1061 = arith.constant 3456 : i32
    %dma_wait3A_1062 = tpu.memref_slice %arg4[%add3A_339, %dma_wait3A_1061] : memref<12800x4096xf32, #tpu.memory_space<hbm>> -> memref<192x128xf32, #tpu.memory_space<hbm>>
    %dma_wait3A_1063 = arith.constant 3456 : i32
    %dma_wait3A_1064 = tpu.memref_slice %arg4[%add3A_339, %dma_wait3A_1063] : memref<12800x4096xf32, #tpu.memory_space<hbm>> -> memref<192x128xf32, #tpu.memory_space<hbm>>
    %dma_wait3A_1065 = arith.constant 0 : i32
    %dma_wait3A_1066 = arith.constant 0 : i32
    %dma_wait3A_1067 = tpu.memref_slice %arg7[%dma_wait3A_1065, %dma_wait3A_1066] : memref<400x128xf32, #tpu.memory_space<vmem>> -> memref<192x128xf32, #tpu.memory_space<vmem>>
    tpu.wait_dma2 semaphore(%arg8 : memref<!tpu.dma_semaphore, #tpu.memory_space<semaphore_mem>>) src(%dma_wait3A_1067 : memref<192x128xf32, #tpu.memory_space<vmem>>) dst(%dma_wait3A_1064 : memref<192x128xf32, #tpu.memory_space<hbm>>)
    %dma_wait3A_1068 = arith.constant 0 : i32
    %dma_wait3A_1069 = arith.constant 0 : i32
    %dma_wait3A_1070 = tpu.memref_slice %arg7[%dma_wait3A_1068, %dma_wait3A_1069] : memref<400x128xf32, #tpu.memory_space<vmem>> -> memref<192x128xf32, #tpu.memory_space<vmem>>
    %dma_wait3A_1071 = arith.constant 3584 : i32
    %dma_wait3A_1072 = tpu.memref_slice %arg4[%add3A_351, %dma_wait3A_1071] : memref<12800x4096xf32, #tpu.memory_space<hbm>> -> memref<192x128xf32, #tpu.memory_space<hbm>>
    %dma_wait3A_1073 = arith.constant 3584 : i32
    %dma_wait3A_1074 = tpu.memref_slice %arg4[%add3A_351, %dma_wait3A_1073] : memref<12800x4096xf32, #tpu.memory_space<hbm>> -> memref<192x128xf32, #tpu.memory_space<hbm>>
    %dma_wait3A_1075 = arith.constant 0 : i32
    %dma_wait3A_1076 = arith.constant 0 : i32
    %dma_wait3A_1077 = tpu.memref_slice %arg7[%dma_wait3A_1075, %dma_wait3A_1076] : memref<400x128xf32, #tpu.memory_space<vmem>> -> memref<192x128xf32, #tpu.memory_space<vmem>>
    tpu.wait_dma2 semaphore(%arg8 : memref<!tpu.dma_semaphore, #tpu.memory_space<semaphore_mem>>) src(%dma_wait3A_1077 : memref<192x128xf32, #tpu.memory_space<vmem>>) dst(%dma_wait3A_1074 : memref<192x128xf32, #tpu.memory_space<hbm>>)
    %dma_wait3A_1078 = arith.constant 0 : i32
    %dma_wait3A_1079 = arith.constant 0 : i32
    %dma_wait3A_1080 = tpu.memref_slice %arg7[%dma_wait3A_1078, %dma_wait3A_1079] : memref<400x128xf32, #tpu.memory_space<vmem>> -> memref<192x128xf32, #tpu.memory_space<vmem>>
    %dma_wait3A_1081 = arith.constant 3712 : i32
    %dma_wait3A_1082 = tpu.memref_slice %arg4[%add3A_363, %dma_wait3A_1081] : memref<12800x4096xf32, #tpu.memory_space<hbm>> -> memref<192x128xf32, #tpu.memory_space<hbm>>
    %dma_wait3A_1083 = arith.constant 3712 : i32
    %dma_wait3A_1084 = tpu.memref_slice %arg4[%add3A_363, %dma_wait3A_1083] : memref<12800x4096xf32, #tpu.memory_space<hbm>> -> memref<192x128xf32, #tpu.memory_space<hbm>>
    %dma_wait3A_1085 = arith.constant 0 : i32
    %dma_wait3A_1086 = arith.constant 0 : i32
    %dma_wait3A_1087 = tpu.memref_slice %arg7[%dma_wait3A_1085, %dma_wait3A_1086] : memref<400x128xf32, #tpu.memory_space<vmem>> -> memref<192x128xf32, #tpu.memory_space<vmem>>
    tpu.wait_dma2 semaphore(%arg8 : memref<!tpu.dma_semaphore, #tpu.memory_space<semaphore_mem>>) src(%dma_wait3A_1087 : memref<192x128xf32, #tpu.memory_space<vmem>>) dst(%dma_wait3A_1084 : memref<192x128xf32, #tpu.memory_space<hbm>>)
    %dma_wait3A_1088 = arith.constant 0 : i32
    %dma_wait3A_1089 = arith.constant 0 : i32
    %dma_wait3A_1090 = tpu.memref_slice %arg7[%dma_wait3A_1088, %dma_wait3A_1089] : memref<400x128xf32, #tpu.memory_space<vmem>> -> memref<192x128xf32, #tpu.memory_space<vmem>>
    %dma_wait3A_1091 = arith.constant 3840 : i32
    %dma_wait3A_1092 = tpu.memref_slice %arg4[%add3A_375, %dma_wait3A_1091] : memref<12800x4096xf32, #tpu.memory_space<hbm>> -> memref<192x128xf32, #tpu.memory_space<hbm>>
    %dma_wait3A_1093 = arith.constant 3840 : i32
    %dma_wait3A_1094 = tpu.memref_slice %arg4[%add3A_375, %dma_wait3A_1093] : memref<12800x4096xf32, #tpu.memory_space<hbm>> -> memref<192x128xf32, #tpu.memory_space<hbm>>
    %dma_wait3A_1095 = arith.constant 0 : i32
    %dma_wait3A_1096 = arith.constant 0 : i32
    %dma_wait3A_1097 = tpu.memref_slice %arg7[%dma_wait3A_1095, %dma_wait3A_1096] : memref<400x128xf32, #tpu.memory_space<vmem>> -> memref<192x128xf32, #tpu.memory_space<vmem>>
    tpu.wait_dma2 semaphore(%arg8 : memref<!tpu.dma_semaphore, #tpu.memory_space<semaphore_mem>>) src(%dma_wait3A_1097 : memref<192x128xf32, #tpu.memory_space<vmem>>) dst(%dma_wait3A_1094 : memref<192x128xf32, #tpu.memory_space<hbm>>)
    %dma_wait3A_1098 = arith.constant 0 : i32
    %dma_wait3A_1099 = arith.constant 0 : i32
    %dma_wait3A_1100 = tpu.memref_slice %arg7[%dma_wait3A_1098, %dma_wait3A_1099] : memref<400x128xf32, #tpu.memory_space<vmem>> -> memref<192x128xf32, #tpu.memory_space<vmem>>
    %dma_wait3A_1101 = arith.constant 3968 : i32
    %dma_wait3A_1102 = tpu.memref_slice %arg4[%add3A_387, %dma_wait3A_1101] : memref<12800x4096xf32, #tpu.memory_space<hbm>> -> memref<192x128xf32, #tpu.memory_space<hbm>>
    %dma_wait3A_1103 = arith.constant 3968 : i32
    %dma_wait3A_1104 = tpu.memref_slice %arg4[%add3A_387, %dma_wait3A_1103] : memref<12800x4096xf32, #tpu.memory_space<hbm>> -> memref<192x128xf32, #tpu.memory_space<hbm>>
    %dma_wait3A_1105 = arith.constant 0 : i32
    %dma_wait3A_1106 = arith.constant 0 : i32
    %dma_wait3A_1107 = tpu.memref_slice %arg7[%dma_wait3A_1105, %dma_wait3A_1106] : memref<400x128xf32, #tpu.memory_space<vmem>> -> memref<192x128xf32, #tpu.memory_space<vmem>>
    tpu.wait_dma2 semaphore(%arg8 : memref<!tpu.dma_semaphore, #tpu.memory_space<semaphore_mem>>) src(%dma_wait3A_1107 : memref<192x128xf32, #tpu.memory_space<vmem>>) dst(%dma_wait3A_1104 : memref<192x128xf32, #tpu.memory_space<hbm>>)
    %dma_wait3A_1108 = arith.constant 192 : i32
    %dma_wait3A_1109 = arith.constant 0 : i32
    %dma_wait3A_1110 = tpu.memref_slice %arg7[%dma_wait3A_1108, %dma_wait3A_1109] : memref<400x128xf32, #tpu.memory_space<vmem>> -> memref<208x128xf32, #tpu.memory_space<vmem>>
    %dma_wait3A_1111 = arith.constant 0 : i32
    %dma_wait3A_1112 = tpu.memref_slice %arg4[%add3A_405, %dma_wait3A_1111] : memref<12800x4096xf32, #tpu.memory_space<hbm>> -> memref<208x128xf32, #tpu.memory_space<hbm>>
    %dma_wait3A_1113 = arith.constant 0 : i32
    %dma_wait3A_1114 = tpu.memref_slice %arg4[%add3A_405, %dma_wait3A_1113] : memref<12800x4096xf32, #tpu.memory_space<hbm>> -> memref<208x128xf32, #tpu.memory_space<hbm>>
    %dma_wait3A_1115 = arith.constant 192 : i32
    %dma_wait3A_1116 = arith.constant 0 : i32
    %dma_wait3A_1117 = tpu.memref_slice %arg7[%dma_wait3A_1115, %dma_wait3A_1116] : memref<400x128xf32, #tpu.memory_space<vmem>> -> memref<208x128xf32, #tpu.memory_space<vmem>>
    tpu.wait_dma2 semaphore(%arg8 : memref<!tpu.dma_semaphore, #tpu.memory_space<semaphore_mem>>) src(%dma_wait3A_1117 : memref<208x128xf32, #tpu.memory_space<vmem>>) dst(%dma_wait3A_1114 : memref<208x128xf32, #tpu.memory_space<hbm>>)
    %dma_wait3A_1118 = arith.constant 192 : i32
    %dma_wait3A_1119 = arith.constant 0 : i32
    %dma_wait3A_1120 = tpu.memref_slice %arg7[%dma_wait3A_1118, %dma_wait3A_1119] : memref<400x128xf32, #tpu.memory_space<vmem>> -> memref<208x128xf32, #tpu.memory_space<vmem>>
    %dma_wait3A_1121 = arith.constant 128 : i32
    %dma_wait3A_1122 = tpu.memref_slice %arg4[%add3A_417, %dma_wait3A_1121] : memref<12800x4096xf32, #tpu.memory_space<hbm>> -> memref<208x128xf32, #tpu.memory_space<hbm>>
    %dma_wait3A_1123 = arith.constant 128 : i32
    %dma_wait3A_1124 = tpu.memref_slice %arg4[%add3A_417, %dma_wait3A_1123] : memref<12800x4096xf32, #tpu.memory_space<hbm>> -> memref<208x128xf32, #tpu.memory_space<hbm>>
    %dma_wait3A_1125 = arith.constant 192 : i32
    %dma_wait3A_1126 = arith.constant 0 : i32
    %dma_wait3A_1127 = tpu.memref_slice %arg7[%dma_wait3A_1125, %dma_wait3A_1126] : memref<400x128xf32, #tpu.memory_space<vmem>> -> memref<208x128xf32, #tpu.memory_space<vmem>>
    tpu.wait_dma2 semaphore(%arg8 : memref<!tpu.dma_semaphore, #tpu.memory_space<semaphore_mem>>) src(%dma_wait3A_1127 : memref<208x128xf32, #tpu.memory_space<vmem>>) dst(%dma_wait3A_1124 : memref<208x128xf32, #tpu.memory_space<hbm>>)
    %dma_wait3A_1128 = arith.constant 192 : i32
    %dma_wait3A_1129 = arith.constant 0 : i32
    %dma_wait3A_1130 = tpu.memref_slice %arg7[%dma_wait3A_1128, %dma_wait3A_1129] : memref<400x128xf32, #tpu.memory_space<vmem>> -> memref<208x128xf32, #tpu.memory_space<vmem>>
    %dma_wait3A_1131 = arith.constant 256 : i32
    %dma_wait3A_1132 = tpu.memref_slice %arg4[%add3A_429, %dma_wait3A_1131] : memref<12800x4096xf32, #tpu.memory_space<hbm>> -> memref<208x128xf32, #tpu.memory_space<hbm>>
    %dma_wait3A_1133 = arith.constant 256 : i32
    %dma_wait3A_1134 = tpu.memref_slice %arg4[%add3A_429, %dma_wait3A_1133] : memref<12800x4096xf32, #tpu.memory_space<hbm>> -> memref<208x128xf32, #tpu.memory_space<hbm>>
    %dma_wait3A_1135 = arith.constant 192 : i32
    %dma_wait3A_1136 = arith.constant 0 : i32
    %dma_wait3A_1137 = tpu.memref_slice %arg7[%dma_wait3A_1135, %dma_wait3A_1136] : memref<400x128xf32, #tpu.memory_space<vmem>> -> memref<208x128xf32, #tpu.memory_space<vmem>>
    tpu.wait_dma2 semaphore(%arg8 : memref<!tpu.dma_semaphore, #tpu.memory_space<semaphore_mem>>) src(%dma_wait3A_1137 : memref<208x128xf32, #tpu.memory_space<vmem>>) dst(%dma_wait3A_1134 : memref<208x128xf32, #tpu.memory_space<hbm>>)
    %dma_wait3A_1138 = arith.constant 192 : i32
    %dma_wait3A_1139 = arith.constant 0 : i32
    %dma_wait3A_1140 = tpu.memref_slice %arg7[%dma_wait3A_1138, %dma_wait3A_1139] : memref<400x128xf32, #tpu.memory_space<vmem>> -> memref<208x128xf32, #tpu.memory_space<vmem>>
    %dma_wait3A_1141 = arith.constant 384 : i32
    %dma_wait3A_1142 = tpu.memref_slice %arg4[%add3A_441, %dma_wait3A_1141] : memref<12800x4096xf32, #tpu.memory_space<hbm>> -> memref<208x128xf32, #tpu.memory_space<hbm>>
    %dma_wait3A_1143 = arith.constant 384 : i32
    %dma_wait3A_1144 = tpu.memref_slice %arg4[%add3A_441, %dma_wait3A_1143] : memref<12800x4096xf32, #tpu.memory_space<hbm>> -> memref<208x128xf32, #tpu.memory_space<hbm>>
    %dma_wait3A_1145 = arith.constant 192 : i32
    %dma_wait3A_1146 = arith.constant 0 : i32
    %dma_wait3A_1147 = tpu.memref_slice %arg7[%dma_wait3A_1145, %dma_wait3A_1146] : memref<400x128xf32, #tpu.memory_space<vmem>> -> memref<208x128xf32, #tpu.memory_space<vmem>>
    tpu.wait_dma2 semaphore(%arg8 : memref<!tpu.dma_semaphore, #tpu.memory_space<semaphore_mem>>) src(%dma_wait3A_1147 : memref<208x128xf32, #tpu.memory_space<vmem>>) dst(%dma_wait3A_1144 : memref<208x128xf32, #tpu.memory_space<hbm>>)
    %dma_wait3A_1148 = arith.constant 192 : i32
    %dma_wait3A_1149 = arith.constant 0 : i32
    %dma_wait3A_1150 = tpu.memref_slice %arg7[%dma_wait3A_1148, %dma_wait3A_1149] : memref<400x128xf32, #tpu.memory_space<vmem>> -> memref<208x128xf32, #tpu.memory_space<vmem>>
    %dma_wait3A_1151 = arith.constant 512 : i32
    %dma_wait3A_1152 = tpu.memref_slice %arg4[%add3A_453, %dma_wait3A_1151] : memref<12800x4096xf32, #tpu.memory_space<hbm>> -> memref<208x128xf32, #tpu.memory_space<hbm>>
    %dma_wait3A_1153 = arith.constant 512 : i32
    %dma_wait3A_1154 = tpu.memref_slice %arg4[%add3A_453, %dma_wait3A_1153] : memref<12800x4096xf32, #tpu.memory_space<hbm>> -> memref<208x128xf32, #tpu.memory_space<hbm>>
    %dma_wait3A_1155 = arith.constant 192 : i32
    %dma_wait3A_1156 = arith.constant 0 : i32
    %dma_wait3A_1157 = tpu.memref_slice %arg7[%dma_wait3A_1155, %dma_wait3A_1156] : memref<400x128xf32, #tpu.memory_space<vmem>> -> memref<208x128xf32, #tpu.memory_space<vmem>>
    tpu.wait_dma2 semaphore(%arg8 : memref<!tpu.dma_semaphore, #tpu.memory_space<semaphore_mem>>) src(%dma_wait3A_1157 : memref<208x128xf32, #tpu.memory_space<vmem>>) dst(%dma_wait3A_1154 : memref<208x128xf32, #tpu.memory_space<hbm>>)
    %dma_wait3A_1158 = arith.constant 192 : i32
    %dma_wait3A_1159 = arith.constant 0 : i32
    %dma_wait3A_1160 = tpu.memref_slice %arg7[%dma_wait3A_1158, %dma_wait3A_1159] : memref<400x128xf32, #tpu.memory_space<vmem>> -> memref<208x128xf32, #tpu.memory_space<vmem>>
    %dma_wait3A_1161 = arith.constant 640 : i32
    %dma_wait3A_1162 = tpu.memref_slice %arg4[%add3A_465, %dma_wait3A_1161] : memref<12800x4096xf32, #tpu.memory_space<hbm>> -> memref<208x128xf32, #tpu.memory_space<hbm>>
    %dma_wait3A_1163 = arith.constant 640 : i32
    %dma_wait3A_1164 = tpu.memref_slice %arg4[%add3A_465, %dma_wait3A_1163] : memref<12800x4096xf32, #tpu.memory_space<hbm>> -> memref<208x128xf32, #tpu.memory_space<hbm>>
    %dma_wait3A_1165 = arith.constant 192 : i32
    %dma_wait3A_1166 = arith.constant 0 : i32
    %dma_wait3A_1167 = tpu.memref_slice %arg7[%dma_wait3A_1165, %dma_wait3A_1166] : memref<400x128xf32, #tpu.memory_space<vmem>> -> memref<208x128xf32, #tpu.memory_space<vmem>>
    tpu.wait_dma2 semaphore(%arg8 : memref<!tpu.dma_semaphore, #tpu.memory_space<semaphore_mem>>) src(%dma_wait3A_1167 : memref<208x128xf32, #tpu.memory_space<vmem>>) dst(%dma_wait3A_1164 : memref<208x128xf32, #tpu.memory_space<hbm>>)
    %dma_wait3A_1168 = arith.constant 192 : i32
    %dma_wait3A_1169 = arith.constant 0 : i32
    %dma_wait3A_1170 = tpu.memref_slice %arg7[%dma_wait3A_1168, %dma_wait3A_1169] : memref<400x128xf32, #tpu.memory_space<vmem>> -> memref<208x128xf32, #tpu.memory_space<vmem>>
    %dma_wait3A_1171 = arith.constant 768 : i32
    %dma_wait3A_1172 = tpu.memref_slice %arg4[%add3A_477, %dma_wait3A_1171] : memref<12800x4096xf32, #tpu.memory_space<hbm>> -> memref<208x128xf32, #tpu.memory_space<hbm>>
    %dma_wait3A_1173 = arith.constant 768 : i32
    %dma_wait3A_1174 = tpu.memref_slice %arg4[%add3A_477, %dma_wait3A_1173] : memref<12800x4096xf32, #tpu.memory_space<hbm>> -> memref<208x128xf32, #tpu.memory_space<hbm>>
    %dma_wait3A_1175 = arith.constant 192 : i32
    %dma_wait3A_1176 = arith.constant 0 : i32
    %dma_wait3A_1177 = tpu.memref_slice %arg7[%dma_wait3A_1175, %dma_wait3A_1176] : memref<400x128xf32, #tpu.memory_space<vmem>> -> memref<208x128xf32, #tpu.memory_space<vmem>>
    tpu.wait_dma2 semaphore(%arg8 : memref<!tpu.dma_semaphore, #tpu.memory_space<semaphore_mem>>) src(%dma_wait3A_1177 : memref<208x128xf32, #tpu.memory_space<vmem>>) dst(%dma_wait3A_1174 : memref<208x128xf32, #tpu.memory_space<hbm>>)
    %dma_wait3A_1178 = arith.constant 192 : i32
    %dma_wait3A_1179 = arith.constant 0 : i32
    %dma_wait3A_1180 = tpu.memref_slice %arg7[%dma_wait3A_1178, %dma_wait3A_1179] : memref<400x128xf32, #tpu.memory_space<vmem>> -> memref<208x128xf32, #tpu.memory_space<vmem>>
    %dma_wait3A_1181 = arith.constant 896 : i32
    %dma_wait3A_1182 = tpu.memref_slice %arg4[%add3A_489, %dma_wait3A_1181] : memref<12800x4096xf32, #tpu.memory_space<hbm>> -> memref<208x128xf32, #tpu.memory_space<hbm>>
    %dma_wait3A_1183 = arith.constant 896 : i32
    %dma_wait3A_1184 = tpu.memref_slice %arg4[%add3A_489, %dma_wait3A_1183] : memref<12800x4096xf32, #tpu.memory_space<hbm>> -> memref<208x128xf32, #tpu.memory_space<hbm>>
    %dma_wait3A_1185 = arith.constant 192 : i32
    %dma_wait3A_1186 = arith.constant 0 : i32
    %dma_wait3A_1187 = tpu.memref_slice %arg7[%dma_wait3A_1185, %dma_wait3A_1186] : memref<400x128xf32, #tpu.memory_space<vmem>> -> memref<208x128xf32, #tpu.memory_space<vmem>>
    tpu.wait_dma2 semaphore(%arg8 : memref<!tpu.dma_semaphore, #tpu.memory_space<semaphore_mem>>) src(%dma_wait3A_1187 : memref<208x128xf32, #tpu.memory_space<vmem>>) dst(%dma_wait3A_1184 : memref<208x128xf32, #tpu.memory_space<hbm>>)
    %dma_wait3A_1188 = arith.constant 192 : i32
    %dma_wait3A_1189 = arith.constant 0 : i32
    %dma_wait3A_1190 = tpu.memref_slice %arg7[%dma_wait3A_1188, %dma_wait3A_1189] : memref<400x128xf32, #tpu.memory_space<vmem>> -> memref<208x128xf32, #tpu.memory_space<vmem>>
    %dma_wait3A_1191 = arith.constant 1024 : i32
    %dma_wait3A_1192 = tpu.memref_slice %arg4[%add3A_501, %dma_wait3A_1191] : memref<12800x4096xf32, #tpu.memory_space<hbm>> -> memref<208x128xf32, #tpu.memory_space<hbm>>
    %dma_wait3A_1193 = arith.constant 1024 : i32
    %dma_wait3A_1194 = tpu.memref_slice %arg4[%add3A_501, %dma_wait3A_1193] : memref<12800x4096xf32, #tpu.memory_space<hbm>> -> memref<208x128xf32, #tpu.memory_space<hbm>>
    %dma_wait3A_1195 = arith.constant 192 : i32
    %dma_wait3A_1196 = arith.constant 0 : i32
    %dma_wait3A_1197 = tpu.memref_slice %arg7[%dma_wait3A_1195, %dma_wait3A_1196] : memref<400x128xf32, #tpu.memory_space<vmem>> -> memref<208x128xf32, #tpu.memory_space<vmem>>
    tpu.wait_dma2 semaphore(%arg8 : memref<!tpu.dma_semaphore, #tpu.memory_space<semaphore_mem>>) src(%dma_wait3A_1197 : memref<208x128xf32, #tpu.memory_space<vmem>>) dst(%dma_wait3A_1194 : memref<208x128xf32, #tpu.memory_space<hbm>>)
    %dma_wait3A_1198 = arith.constant 192 : i32
    %dma_wait3A_1199 = arith.constant 0 : i32
    %dma_wait3A_1200 = tpu.memref_slice %arg7[%dma_wait3A_1198, %dma_wait3A_1199] : memref<400x128xf32, #tpu.memory_space<vmem>> -> memref<208x128xf32, #tpu.memory_space<vmem>>
    %dma_wait3A_1201 = arith.constant 1152 : i32
    %dma_wait3A_1202 = tpu.memref_slice %arg4[%add3A_513, %dma_wait3A_1201] : memref<12800x4096xf32, #tpu.memory_space<hbm>> -> memref<208x128xf32, #tpu.memory_space<hbm>>
    %dma_wait3A_1203 = arith.constant 1152 : i32
    %dma_wait3A_1204 = tpu.memref_slice %arg4[%add3A_513, %dma_wait3A_1203] : memref<12800x4096xf32, #tpu.memory_space<hbm>> -> memref<208x128xf32, #tpu.memory_space<hbm>>
    %dma_wait3A_1205 = arith.constant 192 : i32
    %dma_wait3A_1206 = arith.constant 0 : i32
    %dma_wait3A_1207 = tpu.memref_slice %arg7[%dma_wait3A_1205, %dma_wait3A_1206] : memref<400x128xf32, #tpu.memory_space<vmem>> -> memref<208x128xf32, #tpu.memory_space<vmem>>
    tpu.wait_dma2 semaphore(%arg8 : memref<!tpu.dma_semaphore, #tpu.memory_space<semaphore_mem>>) src(%dma_wait3A_1207 : memref<208x128xf32, #tpu.memory_space<vmem>>) dst(%dma_wait3A_1204 : memref<208x128xf32, #tpu.memory_space<hbm>>)
    %dma_wait3A_1208 = arith.constant 192 : i32
    %dma_wait3A_1209 = arith.constant 0 : i32
    %dma_wait3A_1210 = tpu.memref_slice %arg7[%dma_wait3A_1208, %dma_wait3A_1209] : memref<400x128xf32, #tpu.memory_space<vmem>> -> memref<208x128xf32, #tpu.memory_space<vmem>>
    %dma_wait3A_1211 = arith.constant 1280 : i32
    %dma_wait3A_1212 = tpu.memref_slice %arg4[%add3A_525, %dma_wait3A_1211] : memref<12800x4096xf32, #tpu.memory_space<hbm>> -> memref<208x128xf32, #tpu.memory_space<hbm>>
    %dma_wait3A_1213 = arith.constant 1280 : i32
    %dma_wait3A_1214 = tpu.memref_slice %arg4[%add3A_525, %dma_wait3A_1213] : memref<12800x4096xf32, #tpu.memory_space<hbm>> -> memref<208x128xf32, #tpu.memory_space<hbm>>
    %dma_wait3A_1215 = arith.constant 192 : i32
    %dma_wait3A_1216 = arith.constant 0 : i32
    %dma_wait3A_1217 = tpu.memref_slice %arg7[%dma_wait3A_1215, %dma_wait3A_1216] : memref<400x128xf32, #tpu.memory_space<vmem>> -> memref<208x128xf32, #tpu.memory_space<vmem>>
    tpu.wait_dma2 semaphore(%arg8 : memref<!tpu.dma_semaphore, #tpu.memory_space<semaphore_mem>>) src(%dma_wait3A_1217 : memref<208x128xf32, #tpu.memory_space<vmem>>) dst(%dma_wait3A_1214 : memref<208x128xf32, #tpu.memory_space<hbm>>)
    %dma_wait3A_1218 = arith.constant 192 : i32
    %dma_wait3A_1219 = arith.constant 0 : i32
    %dma_wait3A_1220 = tpu.memref_slice %arg7[%dma_wait3A_1218, %dma_wait3A_1219] : memref<400x128xf32, #tpu.memory_space<vmem>> -> memref<208x128xf32, #tpu.memory_space<vmem>>
    %dma_wait3A_1221 = arith.constant 1408 : i32
    %dma_wait3A_1222 = tpu.memref_slice %arg4[%add3A_537, %dma_wait3A_1221] : memref<12800x4096xf32, #tpu.memory_space<hbm>> -> memref<208x128xf32, #tpu.memory_space<hbm>>
    %dma_wait3A_1223 = arith.constant 1408 : i32
    %dma_wait3A_1224 = tpu.memref_slice %arg4[%add3A_537, %dma_wait3A_1223] : memref<12800x4096xf32, #tpu.memory_space<hbm>> -> memref<208x128xf32, #tpu.memory_space<hbm>>
    %dma_wait3A_1225 = arith.constant 192 : i32
    %dma_wait3A_1226 = arith.constant 0 : i32
    %dma_wait3A_1227 = tpu.memref_slice %arg7[%dma_wait3A_1225, %dma_wait3A_1226] : memref<400x128xf32, #tpu.memory_space<vmem>> -> memref<208x128xf32, #tpu.memory_space<vmem>>
    tpu.wait_dma2 semaphore(%arg8 : memref<!tpu.dma_semaphore, #tpu.memory_space<semaphore_mem>>) src(%dma_wait3A_1227 : memref<208x128xf32, #tpu.memory_space<vmem>>) dst(%dma_wait3A_1224 : memref<208x128xf32, #tpu.memory_space<hbm>>)
    %dma_wait3A_1228 = arith.constant 192 : i32
    %dma_wait3A_1229 = arith.constant 0 : i32
    %dma_wait3A_1230 = tpu.memref_slice %arg7[%dma_wait3A_1228, %dma_wait3A_1229] : memref<400x128xf32, #tpu.memory_space<vmem>> -> memref<208x128xf32, #tpu.memory_space<vmem>>
    %dma_wait3A_1231 = arith.constant 1536 : i32
    %dma_wait3A_1232 = tpu.memref_slice %arg4[%add3A_549, %dma_wait3A_1231] : memref<12800x4096xf32, #tpu.memory_space<hbm>> -> memref<208x128xf32, #tpu.memory_space<hbm>>
    %dma_wait3A_1233 = arith.constant 1536 : i32
    %dma_wait3A_1234 = tpu.memref_slice %arg4[%add3A_549, %dma_wait3A_1233] : memref<12800x4096xf32, #tpu.memory_space<hbm>> -> memref<208x128xf32, #tpu.memory_space<hbm>>
    %dma_wait3A_1235 = arith.constant 192 : i32
    %dma_wait3A_1236 = arith.constant 0 : i32
    %dma_wait3A_1237 = tpu.memref_slice %arg7[%dma_wait3A_1235, %dma_wait3A_1236] : memref<400x128xf32, #tpu.memory_space<vmem>> -> memref<208x128xf32, #tpu.memory_space<vmem>>
    tpu.wait_dma2 semaphore(%arg8 : memref<!tpu.dma_semaphore, #tpu.memory_space<semaphore_mem>>) src(%dma_wait3A_1237 : memref<208x128xf32, #tpu.memory_space<vmem>>) dst(%dma_wait3A_1234 : memref<208x128xf32, #tpu.memory_space<hbm>>)
    %dma_wait3A_1238 = arith.constant 192 : i32
    %dma_wait3A_1239 = arith.constant 0 : i32
    %dma_wait3A_1240 = tpu.memref_slice %arg7[%dma_wait3A_1238, %dma_wait3A_1239] : memref<400x128xf32, #tpu.memory_space<vmem>> -> memref<208x128xf32, #tpu.memory_space<vmem>>
    %dma_wait3A_1241 = arith.constant 1664 : i32
    %dma_wait3A_1242 = tpu.memref_slice %arg4[%add3A_561, %dma_wait3A_1241] : memref<12800x4096xf32, #tpu.memory_space<hbm>> -> memref<208x128xf32, #tpu.memory_space<hbm>>
    %dma_wait3A_1243 = arith.constant 1664 : i32
    %dma_wait3A_1244 = tpu.memref_slice %arg4[%add3A_561, %dma_wait3A_1243] : memref<12800x4096xf32, #tpu.memory_space<hbm>> -> memref<208x128xf32, #tpu.memory_space<hbm>>
    %dma_wait3A_1245 = arith.constant 192 : i32
    %dma_wait3A_1246 = arith.constant 0 : i32
    %dma_wait3A_1247 = tpu.memref_slice %arg7[%dma_wait3A_1245, %dma_wait3A_1246] : memref<400x128xf32, #tpu.memory_space<vmem>> -> memref<208x128xf32, #tpu.memory_space<vmem>>
    tpu.wait_dma2 semaphore(%arg8 : memref<!tpu.dma_semaphore, #tpu.memory_space<semaphore_mem>>) src(%dma_wait3A_1247 : memref<208x128xf32, #tpu.memory_space<vmem>>) dst(%dma_wait3A_1244 : memref<208x128xf32, #tpu.memory_space<hbm>>)
    %dma_wait3A_1248 = arith.constant 192 : i32
    %dma_wait3A_1249 = arith.constant 0 : i32
    %dma_wait3A_1250 = tpu.memref_slice %arg7[%dma_wait3A_1248, %dma_wait3A_1249] : memref<400x128xf32, #tpu.memory_space<vmem>> -> memref<208x128xf32, #tpu.memory_space<vmem>>
    %dma_wait3A_1251 = arith.constant 1792 : i32
    %dma_wait3A_1252 = tpu.memref_slice %arg4[%add3A_573, %dma_wait3A_1251] : memref<12800x4096xf32, #tpu.memory_space<hbm>> -> memref<208x128xf32, #tpu.memory_space<hbm>>
    %dma_wait3A_1253 = arith.constant 1792 : i32
    %dma_wait3A_1254 = tpu.memref_slice %arg4[%add3A_573, %dma_wait3A_1253] : memref<12800x4096xf32, #tpu.memory_space<hbm>> -> memref<208x128xf32, #tpu.memory_space<hbm>>
    %dma_wait3A_1255 = arith.constant 192 : i32
    %dma_wait3A_1256 = arith.constant 0 : i32
    %dma_wait3A_1257 = tpu.memref_slice %arg7[%dma_wait3A_1255, %dma_wait3A_1256] : memref<400x128xf32, #tpu.memory_space<vmem>> -> memref<208x128xf32, #tpu.memory_space<vmem>>
    tpu.wait_dma2 semaphore(%arg8 : memref<!tpu.dma_semaphore, #tpu.memory_space<semaphore_mem>>) src(%dma_wait3A_1257 : memref<208x128xf32, #tpu.memory_space<vmem>>) dst(%dma_wait3A_1254 : memref<208x128xf32, #tpu.memory_space<hbm>>)
    %dma_wait3A_1258 = arith.constant 192 : i32
    %dma_wait3A_1259 = arith.constant 0 : i32
    %dma_wait3A_1260 = tpu.memref_slice %arg7[%dma_wait3A_1258, %dma_wait3A_1259] : memref<400x128xf32, #tpu.memory_space<vmem>> -> memref<208x128xf32, #tpu.memory_space<vmem>>
    %dma_wait3A_1261 = arith.constant 1920 : i32
    %dma_wait3A_1262 = tpu.memref_slice %arg4[%add3A_585, %dma_wait3A_1261] : memref<12800x4096xf32, #tpu.memory_space<hbm>> -> memref<208x128xf32, #tpu.memory_space<hbm>>
    %dma_wait3A_1263 = arith.constant 1920 : i32
    %dma_wait3A_1264 = tpu.memref_slice %arg4[%add3A_585, %dma_wait3A_1263] : memref<12800x4096xf32, #tpu.memory_space<hbm>> -> memref<208x128xf32, #tpu.memory_space<hbm>>
    %dma_wait3A_1265 = arith.constant 192 : i32
    %dma_wait3A_1266 = arith.constant 0 : i32
    %dma_wait3A_1267 = tpu.memref_slice %arg7[%dma_wait3A_1265, %dma_wait3A_1266] : memref<400x128xf32, #tpu.memory_space<vmem>> -> memref<208x128xf32, #tpu.memory_space<vmem>>
    tpu.wait_dma2 semaphore(%arg8 : memref<!tpu.dma_semaphore, #tpu.memory_space<semaphore_mem>>) src(%dma_wait3A_1267 : memref<208x128xf32, #tpu.memory_space<vmem>>) dst(%dma_wait3A_1264 : memref<208x128xf32, #tpu.memory_space<hbm>>)
    %dma_wait3A_1268 = arith.constant 192 : i32
    %dma_wait3A_1269 = arith.constant 0 : i32
    %dma_wait3A_1270 = tpu.memref_slice %arg7[%dma_wait3A_1268, %dma_wait3A_1269] : memref<400x128xf32, #tpu.memory_space<vmem>> -> memref<208x128xf32, #tpu.memory_space<vmem>>
    %dma_wait3A_1271 = arith.constant 2048 : i32
    %dma_wait3A_1272 = tpu.memref_slice %arg4[%add3A_597, %dma_wait3A_1271] : memref<12800x4096xf32, #tpu.memory_space<hbm>> -> memref<208x128xf32, #tpu.memory_space<hbm>>
    %dma_wait3A_1273 = arith.constant 2048 : i32
    %dma_wait3A_1274 = tpu.memref_slice %arg4[%add3A_597, %dma_wait3A_1273] : memref<12800x4096xf32, #tpu.memory_space<hbm>> -> memref<208x128xf32, #tpu.memory_space<hbm>>
    %dma_wait3A_1275 = arith.constant 192 : i32
    %dma_wait3A_1276 = arith.constant 0 : i32
    %dma_wait3A_1277 = tpu.memref_slice %arg7[%dma_wait3A_1275, %dma_wait3A_1276] : memref<400x128xf32, #tpu.memory_space<vmem>> -> memref<208x128xf32, #tpu.memory_space<vmem>>
    tpu.wait_dma2 semaphore(%arg8 : memref<!tpu.dma_semaphore, #tpu.memory_space<semaphore_mem>>) src(%dma_wait3A_1277 : memref<208x128xf32, #tpu.memory_space<vmem>>) dst(%dma_wait3A_1274 : memref<208x128xf32, #tpu.memory_space<hbm>>)
    %dma_wait3A_1278 = arith.constant 192 : i32
    %dma_wait3A_1279 = arith.constant 0 : i32
    %dma_wait3A_1280 = tpu.memref_slice %arg7[%dma_wait3A_1278, %dma_wait3A_1279] : memref<400x128xf32, #tpu.memory_space<vmem>> -> memref<208x128xf32, #tpu.memory_space<vmem>>
    %dma_wait3A_1281 = arith.constant 2176 : i32
    %dma_wait3A_1282 = tpu.memref_slice %arg4[%add3A_609, %dma_wait3A_1281] : memref<12800x4096xf32, #tpu.memory_space<hbm>> -> memref<208x128xf32, #tpu.memory_space<hbm>>
    %dma_wait3A_1283 = arith.constant 2176 : i32
    %dma_wait3A_1284 = tpu.memref_slice %arg4[%add3A_609, %dma_wait3A_1283] : memref<12800x4096xf32, #tpu.memory_space<hbm>> -> memref<208x128xf32, #tpu.memory_space<hbm>>
    %dma_wait3A_1285 = arith.constant 192 : i32
    %dma_wait3A_1286 = arith.constant 0 : i32
    %dma_wait3A_1287 = tpu.memref_slice %arg7[%dma_wait3A_1285, %dma_wait3A_1286] : memref<400x128xf32, #tpu.memory_space<vmem>> -> memref<208x128xf32, #tpu.memory_space<vmem>>
    tpu.wait_dma2 semaphore(%arg8 : memref<!tpu.dma_semaphore, #tpu.memory_space<semaphore_mem>>) src(%dma_wait3A_1287 : memref<208x128xf32, #tpu.memory_space<vmem>>) dst(%dma_wait3A_1284 : memref<208x128xf32, #tpu.memory_space<hbm>>)
    %dma_wait3A_1288 = arith.constant 192 : i32
    %dma_wait3A_1289 = arith.constant 0 : i32
    %dma_wait3A_1290 = tpu.memref_slice %arg7[%dma_wait3A_1288, %dma_wait3A_1289] : memref<400x128xf32, #tpu.memory_space<vmem>> -> memref<208x128xf32, #tpu.memory_space<vmem>>
    %dma_wait3A_1291 = arith.constant 2304 : i32
    %dma_wait3A_1292 = tpu.memref_slice %arg4[%add3A_621, %dma_wait3A_1291] : memref<12800x4096xf32, #tpu.memory_space<hbm>> -> memref<208x128xf32, #tpu.memory_space<hbm>>
    %dma_wait3A_1293 = arith.constant 2304 : i32
    %dma_wait3A_1294 = tpu.memref_slice %arg4[%add3A_621, %dma_wait3A_1293] : memref<12800x4096xf32, #tpu.memory_space<hbm>> -> memref<208x128xf32, #tpu.memory_space<hbm>>
    %dma_wait3A_1295 = arith.constant 192 : i32
    %dma_wait3A_1296 = arith.constant 0 : i32
    %dma_wait3A_1297 = tpu.memref_slice %arg7[%dma_wait3A_1295, %dma_wait3A_1296] : memref<400x128xf32, #tpu.memory_space<vmem>> -> memref<208x128xf32, #tpu.memory_space<vmem>>
    tpu.wait_dma2 semaphore(%arg8 : memref<!tpu.dma_semaphore, #tpu.memory_space<semaphore_mem>>) src(%dma_wait3A_1297 : memref<208x128xf32, #tpu.memory_space<vmem>>) dst(%dma_wait3A_1294 : memref<208x128xf32, #tpu.memory_space<hbm>>)
    %dma_wait3A_1298 = arith.constant 192 : i32
    %dma_wait3A_1299 = arith.constant 0 : i32
    %dma_wait3A_1300 = tpu.memref_slice %arg7[%dma_wait3A_1298, %dma_wait3A_1299] : memref<400x128xf32, #tpu.memory_space<vmem>> -> memref<208x128xf32, #tpu.memory_space<vmem>>
    %dma_wait3A_1301 = arith.constant 2432 : i32
    %dma_wait3A_1302 = tpu.memref_slice %arg4[%add3A_633, %dma_wait3A_1301] : memref<12800x4096xf32, #tpu.memory_space<hbm>> -> memref<208x128xf32, #tpu.memory_space<hbm>>
    %dma_wait3A_1303 = arith.constant 2432 : i32
    %dma_wait3A_1304 = tpu.memref_slice %arg4[%add3A_633, %dma_wait3A_1303] : memref<12800x4096xf32, #tpu.memory_space<hbm>> -> memref<208x128xf32, #tpu.memory_space<hbm>>
    %dma_wait3A_1305 = arith.constant 192 : i32
    %dma_wait3A_1306 = arith.constant 0 : i32
    %dma_wait3A_1307 = tpu.memref_slice %arg7[%dma_wait3A_1305, %dma_wait3A_1306] : memref<400x128xf32, #tpu.memory_space<vmem>> -> memref<208x128xf32, #tpu.memory_space<vmem>>
    tpu.wait_dma2 semaphore(%arg8 : memref<!tpu.dma_semaphore, #tpu.memory_space<semaphore_mem>>) src(%dma_wait3A_1307 : memref<208x128xf32, #tpu.memory_space<vmem>>) dst(%dma_wait3A_1304 : memref<208x128xf32, #tpu.memory_space<hbm>>)
    %dma_wait3A_1308 = arith.constant 192 : i32
    %dma_wait3A_1309 = arith.constant 0 : i32
    %dma_wait3A_1310 = tpu.memref_slice %arg7[%dma_wait3A_1308, %dma_wait3A_1309] : memref<400x128xf32, #tpu.memory_space<vmem>> -> memref<208x128xf32, #tpu.memory_space<vmem>>
    %dma_wait3A_1311 = arith.constant 2560 : i32
    %dma_wait3A_1312 = tpu.memref_slice %arg4[%add3A_645, %dma_wait3A_1311] : memref<12800x4096xf32, #tpu.memory_space<hbm>> -> memref<208x128xf32, #tpu.memory_space<hbm>>
    %dma_wait3A_1313 = arith.constant 2560 : i32
    %dma_wait3A_1314 = tpu.memref_slice %arg4[%add3A_645, %dma_wait3A_1313] : memref<12800x4096xf32, #tpu.memory_space<hbm>> -> memref<208x128xf32, #tpu.memory_space<hbm>>
    %dma_wait3A_1315 = arith.constant 192 : i32
    %dma_wait3A_1316 = arith.constant 0 : i32
    %dma_wait3A_1317 = tpu.memref_slice %arg7[%dma_wait3A_1315, %dma_wait3A_1316] : memref<400x128xf32, #tpu.memory_space<vmem>> -> memref<208x128xf32, #tpu.memory_space<vmem>>
    tpu.wait_dma2 semaphore(%arg8 : memref<!tpu.dma_semaphore, #tpu.memory_space<semaphore_mem>>) src(%dma_wait3A_1317 : memref<208x128xf32, #tpu.memory_space<vmem>>) dst(%dma_wait3A_1314 : memref<208x128xf32, #tpu.memory_space<hbm>>)
    %dma_wait3A_1318 = arith.constant 192 : i32
    %dma_wait3A_1319 = arith.constant 0 : i32
    %dma_wait3A_1320 = tpu.memref_slice %arg7[%dma_wait3A_1318, %dma_wait3A_1319] : memref<400x128xf32, #tpu.memory_space<vmem>> -> memref<208x128xf32, #tpu.memory_space<vmem>>
    %dma_wait3A_1321 = arith.constant 2688 : i32
    %dma_wait3A_1322 = tpu.memref_slice %arg4[%add3A_657, %dma_wait3A_1321] : memref<12800x4096xf32, #tpu.memory_space<hbm>> -> memref<208x128xf32, #tpu.memory_space<hbm>>
    %dma_wait3A_1323 = arith.constant 2688 : i32
    %dma_wait3A_1324 = tpu.memref_slice %arg4[%add3A_657, %dma_wait3A_1323] : memref<12800x4096xf32, #tpu.memory_space<hbm>> -> memref<208x128xf32, #tpu.memory_space<hbm>>
    %dma_wait3A_1325 = arith.constant 192 : i32
    %dma_wait3A_1326 = arith.constant 0 : i32
    %dma_wait3A_1327 = tpu.memref_slice %arg7[%dma_wait3A_1325, %dma_wait3A_1326] : memref<400x128xf32, #tpu.memory_space<vmem>> -> memref<208x128xf32, #tpu.memory_space<vmem>>
    tpu.wait_dma2 semaphore(%arg8 : memref<!tpu.dma_semaphore, #tpu.memory_space<semaphore_mem>>) src(%dma_wait3A_1327 : memref<208x128xf32, #tpu.memory_space<vmem>>) dst(%dma_wait3A_1324 : memref<208x128xf32, #tpu.memory_space<hbm>>)
    %dma_wait3A_1328 = arith.constant 192 : i32
    %dma_wait3A_1329 = arith.constant 0 : i32
    %dma_wait3A_1330 = tpu.memref_slice %arg7[%dma_wait3A_1328, %dma_wait3A_1329] : memref<400x128xf32, #tpu.memory_space<vmem>> -> memref<208x128xf32, #tpu.memory_space<vmem>>
    %dma_wait3A_1331 = arith.constant 2816 : i32
    %dma_wait3A_1332 = tpu.memref_slice %arg4[%add3A_669, %dma_wait3A_1331] : memref<12800x4096xf32, #tpu.memory_space<hbm>> -> memref<208x128xf32, #tpu.memory_space<hbm>>
    %dma_wait3A_1333 = arith.constant 2816 : i32
    %dma_wait3A_1334 = tpu.memref_slice %arg4[%add3A_669, %dma_wait3A_1333] : memref<12800x4096xf32, #tpu.memory_space<hbm>> -> memref<208x128xf32, #tpu.memory_space<hbm>>
    %dma_wait3A_1335 = arith.constant 192 : i32
    %dma_wait3A_1336 = arith.constant 0 : i32
    %dma_wait3A_1337 = tpu.memref_slice %arg7[%dma_wait3A_1335, %dma_wait3A_1336] : memref<400x128xf32, #tpu.memory_space<vmem>> -> memref<208x128xf32, #tpu.memory_space<vmem>>
    tpu.wait_dma2 semaphore(%arg8 : memref<!tpu.dma_semaphore, #tpu.memory_space<semaphore_mem>>) src(%dma_wait3A_1337 : memref<208x128xf32, #tpu.memory_space<vmem>>) dst(%dma_wait3A_1334 : memref<208x128xf32, #tpu.memory_space<hbm>>)
    %dma_wait3A_1338 = arith.constant 192 : i32
    %dma_wait3A_1339 = arith.constant 0 : i32
    %dma_wait3A_1340 = tpu.memref_slice %arg7[%dma_wait3A_1338, %dma_wait3A_1339] : memref<400x128xf32, #tpu.memory_space<vmem>> -> memref<208x128xf32, #tpu.memory_space<vmem>>
    %dma_wait3A_1341 = arith.constant 2944 : i32
    %dma_wait3A_1342 = tpu.memref_slice %arg4[%add3A_681, %dma_wait3A_1341] : memref<12800x4096xf32, #tpu.memory_space<hbm>> -> memref<208x128xf32, #tpu.memory_space<hbm>>
    %dma_wait3A_1343 = arith.constant 2944 : i32
    %dma_wait3A_1344 = tpu.memref_slice %arg4[%add3A_681, %dma_wait3A_1343] : memref<12800x4096xf32, #tpu.memory_space<hbm>> -> memref<208x128xf32, #tpu.memory_space<hbm>>
    %dma_wait3A_1345 = arith.constant 192 : i32
    %dma_wait3A_1346 = arith.constant 0 : i32
    %dma_wait3A_1347 = tpu.memref_slice %arg7[%dma_wait3A_1345, %dma_wait3A_1346] : memref<400x128xf32, #tpu.memory_space<vmem>> -> memref<208x128xf32, #tpu.memory_space<vmem>>
    tpu.wait_dma2 semaphore(%arg8 : memref<!tpu.dma_semaphore, #tpu.memory_space<semaphore_mem>>) src(%dma_wait3A_1347 : memref<208x128xf32, #tpu.memory_space<vmem>>) dst(%dma_wait3A_1344 : memref<208x128xf32, #tpu.memory_space<hbm>>)
    %dma_wait3A_1348 = arith.constant 192 : i32
    %dma_wait3A_1349 = arith.constant 0 : i32
    %dma_wait3A_1350 = tpu.memref_slice %arg7[%dma_wait3A_1348, %dma_wait3A_1349] : memref<400x128xf32, #tpu.memory_space<vmem>> -> memref<208x128xf32, #tpu.memory_space<vmem>>
    %dma_wait3A_1351 = arith.constant 3072 : i32
    %dma_wait3A_1352 = tpu.memref_slice %arg4[%add3A_693, %dma_wait3A_1351] : memref<12800x4096xf32, #tpu.memory_space<hbm>> -> memref<208x128xf32, #tpu.memory_space<hbm>>
    %dma_wait3A_1353 = arith.constant 3072 : i32
    %dma_wait3A_1354 = tpu.memref_slice %arg4[%add3A_693, %dma_wait3A_1353] : memref<12800x4096xf32, #tpu.memory_space<hbm>> -> memref<208x128xf32, #tpu.memory_space<hbm>>
    %dma_wait3A_1355 = arith.constant 192 : i32
    %dma_wait3A_1356 = arith.constant 0 : i32
    %dma_wait3A_1357 = tpu.memref_slice %arg7[%dma_wait3A_1355, %dma_wait3A_1356] : memref<400x128xf32, #tpu.memory_space<vmem>> -> memref<208x128xf32, #tpu.memory_space<vmem>>
    tpu.wait_dma2 semaphore(%arg8 : memref<!tpu.dma_semaphore, #tpu.memory_space<semaphore_mem>>) src(%dma_wait3A_1357 : memref<208x128xf32, #tpu.memory_space<vmem>>) dst(%dma_wait3A_1354 : memref<208x128xf32, #tpu.memory_space<hbm>>)
    %dma_wait3A_1358 = arith.constant 192 : i32
    %dma_wait3A_1359 = arith.constant 0 : i32
    %dma_wait3A_1360 = tpu.memref_slice %arg7[%dma_wait3A_1358, %dma_wait3A_1359] : memref<400x128xf32, #tpu.memory_space<vmem>> -> memref<208x128xf32, #tpu.memory_space<vmem>>
    %dma_wait3A_1361 = arith.constant 3200 : i32
    %dma_wait3A_1362 = tpu.memref_slice %arg4[%add3A_705, %dma_wait3A_1361] : memref<12800x4096xf32, #tpu.memory_space<hbm>> -> memref<208x128xf32, #tpu.memory_space<hbm>>
    %dma_wait3A_1363 = arith.constant 3200 : i32
    %dma_wait3A_1364 = tpu.memref_slice %arg4[%add3A_705, %dma_wait3A_1363] : memref<12800x4096xf32, #tpu.memory_space<hbm>> -> memref<208x128xf32, #tpu.memory_space<hbm>>
    %dma_wait3A_1365 = arith.constant 192 : i32
    %dma_wait3A_1366 = arith.constant 0 : i32
    %dma_wait3A_1367 = tpu.memref_slice %arg7[%dma_wait3A_1365, %dma_wait3A_1366] : memref<400x128xf32, #tpu.memory_space<vmem>> -> memref<208x128xf32, #tpu.memory_space<vmem>>
    tpu.wait_dma2 semaphore(%arg8 : memref<!tpu.dma_semaphore, #tpu.memory_space<semaphore_mem>>) src(%dma_wait3A_1367 : memref<208x128xf32, #tpu.memory_space<vmem>>) dst(%dma_wait3A_1364 : memref<208x128xf32, #tpu.memory_space<hbm>>)
    %dma_wait3A_1368 = arith.constant 192 : i32
    %dma_wait3A_1369 = arith.constant 0 : i32
    %dma_wait3A_1370 = tpu.memref_slice %arg7[%dma_wait3A_1368, %dma_wait3A_1369] : memref<400x128xf32, #tpu.memory_space<vmem>> -> memref<208x128xf32, #tpu.memory_space<vmem>>
    %dma_wait3A_1371 = arith.constant 3328 : i32
    %dma_wait3A_1372 = tpu.memref_slice %arg4[%add3A_717, %dma_wait3A_1371] : memref<12800x4096xf32, #tpu.memory_space<hbm>> -> memref<208x128xf32, #tpu.memory_space<hbm>>
    %dma_wait3A_1373 = arith.constant 3328 : i32
    %dma_wait3A_1374 = tpu.memref_slice %arg4[%add3A_717, %dma_wait3A_1373] : memref<12800x4096xf32, #tpu.memory_space<hbm>> -> memref<208x128xf32, #tpu.memory_space<hbm>>
    %dma_wait3A_1375 = arith.constant 192 : i32
    %dma_wait3A_1376 = arith.constant 0 : i32
    %dma_wait3A_1377 = tpu.memref_slice %arg7[%dma_wait3A_1375, %dma_wait3A_1376] : memref<400x128xf32, #tpu.memory_space<vmem>> -> memref<208x128xf32, #tpu.memory_space<vmem>>
    tpu.wait_dma2 semaphore(%arg8 : memref<!tpu.dma_semaphore, #tpu.memory_space<semaphore_mem>>) src(%dma_wait3A_1377 : memref<208x128xf32, #tpu.memory_space<vmem>>) dst(%dma_wait3A_1374 : memref<208x128xf32, #tpu.memory_space<hbm>>)
    %dma_wait3A_1378 = arith.constant 192 : i32
    %dma_wait3A_1379 = arith.constant 0 : i32
    %dma_wait3A_1380 = tpu.memref_slice %arg7[%dma_wait3A_1378, %dma_wait3A_1379] : memref<400x128xf32, #tpu.memory_space<vmem>> -> memref<208x128xf32, #tpu.memory_space<vmem>>
    %dma_wait3A_1381 = arith.constant 3456 : i32
    %dma_wait3A_1382 = tpu.memref_slice %arg4[%add3A_729, %dma_wait3A_1381] : memref<12800x4096xf32, #tpu.memory_space<hbm>> -> memref<208x128xf32, #tpu.memory_space<hbm>>
    %dma_wait3A_1383 = arith.constant 3456 : i32
    %dma_wait3A_1384 = tpu.memref_slice %arg4[%add3A_729, %dma_wait3A_1383] : memref<12800x4096xf32, #tpu.memory_space<hbm>> -> memref<208x128xf32, #tpu.memory_space<hbm>>
    %dma_wait3A_1385 = arith.constant 192 : i32
    %dma_wait3A_1386 = arith.constant 0 : i32
    %dma_wait3A_1387 = tpu.memref_slice %arg7[%dma_wait3A_1385, %dma_wait3A_1386] : memref<400x128xf32, #tpu.memory_space<vmem>> -> memref<208x128xf32, #tpu.memory_space<vmem>>
    tpu.wait_dma2 semaphore(%arg8 : memref<!tpu.dma_semaphore, #tpu.memory_space<semaphore_mem>>) src(%dma_wait3A_1387 : memref<208x128xf32, #tpu.memory_space<vmem>>) dst(%dma_wait3A_1384 : memref<208x128xf32, #tpu.memory_space<hbm>>)
    %dma_wait3A_1388 = arith.constant 192 : i32
    %dma_wait3A_1389 = arith.constant 0 : i32
    %dma_wait3A_1390 = tpu.memref_slice %arg7[%dma_wait3A_1388, %dma_wait3A_1389] : memref<400x128xf32, #tpu.memory_space<vmem>> -> memref<208x128xf32, #tpu.memory_space<vmem>>
    %dma_wait3A_1391 = arith.constant 3584 : i32
    %dma_wait3A_1392 = tpu.memref_slice %arg4[%add3A_741, %dma_wait3A_1391] : memref<12800x4096xf32, #tpu.memory_space<hbm>> -> memref<208x128xf32, #tpu.memory_space<hbm>>
    %dma_wait3A_1393 = arith.constant 3584 : i32
    %dma_wait3A_1394 = tpu.memref_slice %arg4[%add3A_741, %dma_wait3A_1393] : memref<12800x4096xf32, #tpu.memory_space<hbm>> -> memref<208x128xf32, #tpu.memory_space<hbm>>
    %dma_wait3A_1395 = arith.constant 192 : i32
    %dma_wait3A_1396 = arith.constant 0 : i32
    %dma_wait3A_1397 = tpu.memref_slice %arg7[%dma_wait3A_1395, %dma_wait3A_1396] : memref<400x128xf32, #tpu.memory_space<vmem>> -> memref<208x128xf32, #tpu.memory_space<vmem>>
    tpu.wait_dma2 semaphore(%arg8 : memref<!tpu.dma_semaphore, #tpu.memory_space<semaphore_mem>>) src(%dma_wait3A_1397 : memref<208x128xf32, #tpu.memory_space<vmem>>) dst(%dma_wait3A_1394 : memref<208x128xf32, #tpu.memory_space<hbm>>)
    %dma_wait3A_1398 = arith.constant 192 : i32
    %dma_wait3A_1399 = arith.constant 0 : i32
    %dma_wait3A_1400 = tpu.memref_slice %arg7[%dma_wait3A_1398, %dma_wait3A_1399] : memref<400x128xf32, #tpu.memory_space<vmem>> -> memref<208x128xf32, #tpu.memory_space<vmem>>
    %dma_wait3A_1401 = arith.constant 3712 : i32
    %dma_wait3A_1402 = tpu.memref_slice %arg4[%add3A_753, %dma_wait3A_1401] : memref<12800x4096xf32, #tpu.memory_space<hbm>> -> memref<208x128xf32, #tpu.memory_space<hbm>>
    %dma_wait3A_1403 = arith.constant 3712 : i32
    %dma_wait3A_1404 = tpu.memref_slice %arg4[%add3A_753, %dma_wait3A_1403] : memref<12800x4096xf32, #tpu.memory_space<hbm>> -> memref<208x128xf32, #tpu.memory_space<hbm>>
    %dma_wait3A_1405 = arith.constant 192 : i32
    %dma_wait3A_1406 = arith.constant 0 : i32
    %dma_wait3A_1407 = tpu.memref_slice %arg7[%dma_wait3A_1405, %dma_wait3A_1406] : memref<400x128xf32, #tpu.memory_space<vmem>> -> memref<208x128xf32, #tpu.memory_space<vmem>>
    tpu.wait_dma2 semaphore(%arg8 : memref<!tpu.dma_semaphore, #tpu.memory_space<semaphore_mem>>) src(%dma_wait3A_1407 : memref<208x128xf32, #tpu.memory_space<vmem>>) dst(%dma_wait3A_1404 : memref<208x128xf32, #tpu.memory_space<hbm>>)
    %dma_wait3A_1408 = arith.constant 192 : i32
    %dma_wait3A_1409 = arith.constant 0 : i32
    %dma_wait3A_1410 = tpu.memref_slice %arg7[%dma_wait3A_1408, %dma_wait3A_1409] : memref<400x128xf32, #tpu.memory_space<vmem>> -> memref<208x128xf32, #tpu.memory_space<vmem>>
    %dma_wait3A_1411 = arith.constant 3840 : i32
    %dma_wait3A_1412 = tpu.memref_slice %arg4[%add3A_765, %dma_wait3A_1411] : memref<12800x4096xf32, #tpu.memory_space<hbm>> -> memref<208x128xf32, #tpu.memory_space<hbm>>
    %dma_wait3A_1413 = arith.constant 3840 : i32
    %dma_wait3A_1414 = tpu.memref_slice %arg4[%add3A_765, %dma_wait3A_1413] : memref<12800x4096xf32, #tpu.memory_space<hbm>> -> memref<208x128xf32, #tpu.memory_space<hbm>>
    %dma_wait3A_1415 = arith.constant 192 : i32
    %dma_wait3A_1416 = arith.constant 0 : i32
    %dma_wait3A_1417 = tpu.memref_slice %arg7[%dma_wait3A_1415, %dma_wait3A_1416] : memref<400x128xf32, #tpu.memory_space<vmem>> -> memref<208x128xf32, #tpu.memory_space<vmem>>
    tpu.wait_dma2 semaphore(%arg8 : memref<!tpu.dma_semaphore, #tpu.memory_space<semaphore_mem>>) src(%dma_wait3A_1417 : memref<208x128xf32, #tpu.memory_space<vmem>>) dst(%dma_wait3A_1414 : memref<208x128xf32, #tpu.memory_space<hbm>>)
    %dma_wait3A_1418 = arith.constant 192 : i32
    %dma_wait3A_1419 = arith.constant 0 : i32
    %dma_wait3A_1420 = tpu.memref_slice %arg7[%dma_wait3A_1418, %dma_wait3A_1419] : memref<400x128xf32, #tpu.memory_space<vmem>> -> memref<208x128xf32, #tpu.memory_space<vmem>>
    %dma_wait3A_1421 = arith.constant 3968 : i32
    %dma_wait3A_1422 = tpu.memref_slice %arg4[%add3A_777, %dma_wait3A_1421] : memref<12800x4096xf32, #tpu.memory_space<hbm>> -> memref<208x128xf32, #tpu.memory_space<hbm>>
    %dma_wait3A_1423 = arith.constant 3968 : i32
    %dma_wait3A_1424 = tpu.memref_slice %arg4[%add3A_777, %dma_wait3A_1423] : memref<12800x4096xf32, #tpu.memory_space<hbm>> -> memref<208x128xf32, #tpu.memory_space<hbm>>
    %dma_wait3A_1425 = arith.constant 192 : i32
    %dma_wait3A_1426 = arith.constant 0 : i32
    %dma_wait3A_1427 = tpu.memref_slice %arg7[%dma_wait3A_1425, %dma_wait3A_1426] : memref<400x128xf32, #tpu.memory_space<vmem>> -> memref<208x128xf32, #tpu.memory_space<vmem>>
    tpu.wait_dma2 semaphore(%arg8 : memref<!tpu.dma_semaphore, #tpu.memory_space<semaphore_mem>>) src(%dma_wait3A_1427 : memref<208x128xf32, #tpu.memory_space<vmem>>) dst(%dma_wait3A_1424 : memref<208x128xf32, #tpu.memory_space<hbm>>)
    return
  }
}

</mosaic_0001>

<sc_bundles>
// kernel: kernel.3.cloned.1.call-start
scs
__scs_entry_jumppad:
0x0: {  	(pc) =	sbr.rel $0x88, $3  }
0x1: {  	(tag) =	ssettag $0x0;
	lr =	simm.s32 $0x1  }
0x2: {  	[smem:$0x3F9F] =	sst lr;
	_ =	strace $0xD0000000  }
0x3: {  	_ = 	snop  }
0x4: {  	_ = 	snop  }
0x5: {  	_ = 	snop  }
0x6: {  	_ = 	snop  }
0x7: {  	_ = 	snop  }
__scs_overlays_trampoline_lowered:
0x8: {  	[smem:$0x3FAE] =	sst s0  }
0x9: {  	[smem:$0x3FAF] =	sst s1  }
0xa: {  	[smem:$0x3FB0] =	sst s2  }
0xb: {  	[smem:$0x3FB1] =	sst s3  }
0xc: {  	[smem:$0x3FB2] =	sst s4  }
0xd: {  	[smem:$0x3FB3] =	sst s5  }
0xe: {  	[smem:$0x3FB4] =	sst s6  }
0xf: {  	[smem:$0x3FB5] =	sst s7  }
0x10: {  	[smem:$0x3FB6] =	sst s8  }
0x11: {  	[smem:$0x3FB7] =	sst s9;
	s0 =	simm.s32 @!p0 $0x0  }
0x12: {  	s1 =	sld [smem:$0x3F9D];
	s0 =	simm.s32 @p0 $0x1  }
0x13: {  	[smem:$0x3FB8] =	sst s0;
	s0 =	simm.s32 @!p1 $0x0  }
0x14: {  	s2 =	sld [smem:$0x3F9C];
	s0 =	simm.s32 @p1 $0x1  }
0x15: {  	[smem:$0x3FB9] =	sst s0;
	s0 =	simm.s32 @!p2 $0x0  }
0x16: {  	s3 =	sld [smem:$0x3FDB];
	s0 =	simm.s32 @p2 $0x1  }
0x17: {  	s4 =	simm.s32 $0x1BF5;
	[smem:$0x3FBB] =	sst s0  }
0x18: {  	s0 =	sld [smem:$0x3F9E];
	_ =	swait.ge [sflag:s4], $0x0  }
0x19: {  	s7 =	sld [smem:$0x3F9F]  }
0x1a: {  	s8 =	sadd.s32 $0xFFFFE003, lr  }
0x1b: {  	s9 =	sadd.s32 $0xFFFFFEF7, lr;
	s5 =	simm.s32 $0xFFFFFFFF;
	p2 =	slt.u32 s8, $0xFFFFF086  }
0x1c: {  	p1 =	slt.u32 s9, $0xF7A;
	s5 =	simm.s32 @!p2 $0x0  }
0x1d: {  	s5 =	simm.s32 @p1 $0x1;
	p0 =	seq.s32 s7, s2  }
0x1e: {  	s7 =	smul.u32 @!p0 $0xF7A, s2;
	p2 =	seq.s32 @!p0 s5, $0x0  }
0x1f: {  	s9 =	smul.u32 $0xF7A, s1;
	s8 =	simm.s32 @!p0 $0x1BF5;
	p2 =	por !p2, p0  }
0x20: {  	[sflag:s8] =	ssyncset.s32 @!p0 $0xFFFFF086;
	s6 =	sadd.s32 @!p0 s3, s7;
	s7 =	simm.s32 @!p0 $0x108  }
0x21: {  	s3 =	sadd.s32 s3, s9;
	s6 =	sadd.s32 @!p0 $0x88, s6;
	s7 =	simm.s32 @p2 $0x1082  }
0x22: {  	[simem:s7], [sflag:s8] =	dma.local @!p0 [hbm:s6], $0xF7A  }
0x23: {  	s9 =	sor.u32 $0xD0000000, s2;
	s6 =	simm.s32 $0x108;
	_ =	swait.ge @!p0 [sflag:s8], $0x0  }
0x24: {  	s3 =	sadd.s32 $0x88, s3;
	s6 =	simm.s32 @!p1 $0x1082;
	[sflag:s4] =	ssyncset.s32 $0xFFFFF086  }
0x25: {  	[simem:s6], [sflag:s4] =	dma.local [hbm:s3], $0xF7A  }
0x26: {  	[smem:$0x3F9F] =	sst s1;
	(tag) =	ssettag s2;
	_ =	strace s9  }
0x27: {  	s1 =	sld [smem:$0x3FAF]  }
0x28: {  	s2 =	sld [smem:$0x3FB0]  }
0x29: {  	s4 =	sld [smem:$0x3FB2]  }
0x2a: {  	p0 =	seq.s32 s5, $0x0;
	s5 =	sld [smem:$0x3FB3]  }
0x2b: {  	s6 =	sld [smem:$0x3FB4]  }
0x2c: {  	s7 =	sld [smem:$0x3FB5]  }
0x2d: {  	s3 =	simm.s32 $0x108;
	s8 =	sld [smem:$0x3FB6]  }
0x2e: {  	s3 =	simm.s32 @!p0 $0x1082;
	s9 =	sld [smem:$0x3FB7]  }
0x2f: {  	lr =	sadd.s32 s0, s3;
	s0 =	sld [smem:$0x3FAE]  }
0x30: {  	s3 =	sld [smem:$0x3FB1]  }
0x31: {  	[smem:$0x3FBA] =	sst s10  }
0x32: {  	s10 =	sld [smem:$0x3FB8];
	_ =	sdelay $0x3  }
0x33: {  	p0 =	seq.s32 s10, $0x1;
	s10 =	sld [smem:$0x3FBA];
	_ =	sdelay $0x3  }
0x34: {  	[smem:$0x3FBA] =	sst s10  }
0x35: {  	s10 =	sld [smem:$0x3FB9];
	_ =	sdelay $0x3  }
0x36: {  	p1 =	seq.s32 s10, $0x1;
	s10 =	sld [smem:$0x3FBA];
	_ =	sdelay $0x3  }
0x37: {  	[smem:$0x3FBA] =	sst s10  }
0x38: {  	s10 =	sld [smem:$0x3FBB]  }
0x39: {  	_ = 	snop;
	(pc) =	sbr.ind lr, $3  }
0x3a: {  	_ = 	snop  }
0x3b: {  	_ = 	snop  }
0x3c: {  	p2 =	seq.s32 s10, $0x1;
	s10 =	sld [smem:$0x3FBA]  }
0x3d: {  	_ =	shalt  }
0x3e: {  	_ =	shalt  }
0x3f: {  	_ =	shalt  }
0x40: {  	_ =	shalt  }
0x41: {  	_ =	shalt  }
0x42: {  	_ =	shalt  }
0x43: {  	_ =	shalt  }
0x44: {  	_ =	shalt  }
0x45: {  	_ =	shalt  }
0x46: {  	_ =	shalt  }
0x47: {  	_ =	shalt  }
0x48: {  	_ =	shalt  }
0x49: {  	_ =	shalt  }
0x4a: {  	_ =	shalt  }
0x4b: {  	_ =	shalt  }
0x4c: {  	_ =	shalt  }
0x4d: {  	_ =	shalt  }
0x4e: {  	_ =	shalt  }
0x4f: {  	_ =	shalt  }
0x50: {  	_ =	shalt  }
0x51: {  	_ =	shalt  }
0x52: {  	_ =	shalt  }
0x53: {  	_ =	shalt  }
0x54: {  	_ =	shalt  }
0x55: {  	_ =	shalt  }
0x56: {  	_ =	shalt  }
0x57: {  	_ =	shalt  }
0x58: {  	_ =	shalt  }
0x59: {  	_ =	shalt  }
0x5a: {  	_ =	shalt  }
0x5b: {  	_ =	shalt  }
0x5c: {  	_ =	shalt  }
0x5d: {  	_ =	shalt  }
0x5e: {  	_ =	shalt  }
0x5f: {  	_ =	shalt  }
0x60: {  	_ =	shalt  }
0x61: {  	_ =	shalt  }
0x62: {  	_ =	shalt  }
0x63: {  	_ =	shalt  }
0x64: {  	_ =	shalt  }
0x65: {  	_ =	shalt  }
0x66: {  	_ =	shalt  }
0x67: {  	_ =	shalt  }
0x68: {  	_ =	shalt  }
0x69: {  	_ =	shalt  }
0x6a: {  	_ =	shalt  }
0x6b: {  	_ =	shalt  }
0x6c: {  	_ =	shalt  }
0x6d: {  	_ =	shalt  }
0x6e: {  	_ =	shalt  }
0x6f: {  	_ =	shalt  }
0x70: {  	_ =	shalt  }
0x71: {  	_ =	shalt  }
0x72: {  	_ =	shalt  }
0x73: {  	_ =	shalt  }
0x74: {  	_ =	shalt  }
0x75: {  	_ =	shalt  }
0x76: {  	_ =	shalt  }
0x77: {  	_ =	shalt  }
0x78: {  	_ =	shalt  }
0x79: {  	_ =	shalt  }
0x7a: {  	_ =	shalt  }
0x7b: {  	_ =	shalt  }
0x7c: {  	_ =	shalt  }
0x7d: {  	_ =	shalt  }
0x7e: {  	_ =	shalt  }
0x7f: {  	_ =	shalt  }
0x80: {  	_ =	shalt  }
0x81: {  	_ =	shalt  }
0x82: {  	_ =	shalt  }
0x83: {  	_ =	shalt  }
0x84: {  	_ =	shalt  }
0x85: {  	_ =	shalt  }
0x86: {  	_ =	shalt  }
0x87: {  	_ =	shalt  }
.Lfunc_end0:
.L_simem_size_0:
called_computation_lowered:
.L_overlay_start_0:
0x88: {  	s2 =	sld [smem:$0x3FD9]  }
0x89: {  	s3 =	sld [smem:$0x3FFE];
	_ =	sdelay $0x1  }
0x8a: {  	s1 =	srdreg.scid  }
0x8b: {  	s0 =	sand.u32 $0x1, s1  }
0x8c: {  	s17 =	sshll.u32 s0, $0xA;
	s2 =	sadd.s32 s3, s2  }
0x8d: {  	s2 =	sadd.s32 s2, s17  }
0x8e: {  	[smem:$0x3FC6] =	sst s2  }
0x8f: {  	_ = 	snop  }
0x90: {  	s2 =	sld [smem:$0x3FD0];
	(tm) =	ssettm $0x1  }
0x91: {  	s18 =	sld [smem:$0x3FFB];
	_ =	sdelay $0x3  }
0x92: {  	_ =	strace s18  }
0x93: {  	s3 =	sld [smem:$0x3FFC];
	_ =	sdelay $0x3  }
0x94: {  	_ =	strace s3  }
0x95: {  	s3 =	sld [smem:$0x3FFD];
	_ =	sdelay $0x3  }
0x96: {  	_ =	strace s3  }
0x97: {  	_ =	strace $0x8FFFFFFF  }
0x98: {  	s19 =	sld [smem:$0x3FDB];
	_ =	sdelay $0x1  }
0x99: {  	s4 =	simm.s32 $_scs_section_size  }
0x9a: {  	s5 =	simm.s32 $_size__tile_overlayer_lowered;
	s6 =	simm.s32 $_tile_overlayer_lowered  }
0x9b: {  	s22 =	simm.s32 $0x1BFF;
	s21 =	sshll.u32 s6, $0x1;
	s3 =	sadd.s32 s4, s19  }
0x9c: {  	s7 =	simm.s32 $0x0;
	s20 =	sshll.u32 s5, $0x1;
	s5 =	sadd.s32 s21, s3  }
0x9d: {  	[timem:s7], [sflag:s22] =	dma.local [hbm:s5], s20  }
0x9e: {  	_ =	swait.ge [sflag:s22], s20  }
0x9f: {  	s4 =	ssub.s32 $0x0, s20;
	[sflag:s22] =	ssyncset.done $0x0  }
0xa0: {  	[sflag:s22] =	ssyncadd.s32 s4;
	_ =	sdelay $0x1  }
0xa1: {  	s23 =	simm.s32 $0x1B8B  }
0xa2: {  	_ =	swait.ge [sflag:s23], $0x1  }
0xa3: {  	[sflag:s23] =	ssyncset.done $0x0  }
0xa4: {  	s25 =	simm.s32 $0x1B8E;
	s24 =	sld [smem:$0x3FFE];
	[sflag:s23] =	ssyncadd.s32 $0xFFFFFFFF  }
0xa5: {  	s26 =	simm.s32 $execute0_lowered;
	[smem:$0x3FD2] =	sst s25  }
0xa6: {  	s5 =	sshll.u32 s26, $0x1;
	_ =	strace $0x80000046;
	[dreg:$0x1] =	wrdreg $0xFFFFFFFF  }
0xa7: {  	s28 =	simm.s32 $_size_execute0_lowered;
	s3 =	sadd.s32 s3, s5;
	[dreg:$0x0] =	wrdreg $0x0  }
0xa8: {  	s5 =	sshll.u32 s28, $0x1;
	[dreg:$0x2] =	wrdreg s3  }
0xa9: {  	[dreg:$0x3] =	wrdreg s5  }
0xaa: {  	[dreg:$0x4] =	wrdreg $0xC0  }
0xab: {  	_ =	task [dreg:s7], $0x5FFFF  }
0xac: {  	[dreg:$0x1] =	wrdreg $0xFFFFFFFF  }
0xad: {  	[dreg:$0x0] =	wrdreg $0x60  }
0xae: {  	[dreg:$0x2] =	wrdreg s24  }
0xaf: {  	[dreg:$0x3] =	wrdreg s2  }
0xb0: {  	[dreg:$0x4] =	wrdreg $0x9  }
0xb1: {  	_ =	task.clear_ibuf [dreg:s7], $0x5FFFF;
	_ =	strace $0x90000046  }
0xb2: {  	s29 =	simm.s32 $0x9;
	_ =	strace $0x80000048  }
0xb3: {  	_ =	swait.ge [sflag:s29], $0x1  }
0xb4: {  	[sflag:s29] =	ssyncadd.s32 $0xFFFFFFFF  }
0xb5: {  	_ =	strace $0x90000048  }
0xb6: {  	_ =	sfence  }
0xb7: {  	s30 =	sld [smem:$0x0];
	_ =	sdelay $0x2  }
0xb8: {  	s31 =	sshll.u32 s1, $0xD;
	s1 =	sshrl.u32 s1, $0x2  }
0xb9: {  	s3 =	sand.u32 $0x4000, s31;
	s1 =	sadd.s32 s1, s30  }
0xba: {  	s0 =	sor.u32 s3, s0;
	s1 =	sshll.u32 s1, $0x11  }
0xbb: {  	s0 =	sor.u32 s1, s0  }
0xbc: {  	s0 =	sadd.s32 $0x8F2B, s0  }
0xbd: {  	[sflag:s0] =	ssyncadd.remote.s32 $0x1  }
0xbe: {  	_ =	sfence.sel $0xFFFF  }
0xbf: {  	[dreg:$0x0] =	wrdreg $0xFFFFFFFF;
	(pc) =	sbr.abs _section_cstart, $3  }
0xc0: {  	[dreg:$0x1] =	wrdreg $0xFFFFFFFF  }
0xc1: {  	_ =	task.clear_ibuf [dreg:s7], $0x2FFFF;
	_ =	strace $0x9FFFFFFF  }
0xc2: {  	(tm) =	ssettm $0x7FFFFFFF  }
0xc3: {  	_ =	shalt  }
tec
execute0_lowered:
.L_overlay_start_1:
0x0: {  	(tag) =	ssettag $0x1  }
0x1: {  	s0 =	srdreg.scid;
	s2 =	stileid.u32  }
0x2: {  	s0 =	sand.u32 $0x1, s0;
	s2 =	sshll.u32 s2, $0x1  }
0x3: {  	s1 =	rddreg [dreg:$0x0];
	s2 =	sor.u32 s0, s2  }
0x4: {  	s3 =	rddreg [dreg:$0x1];
	s0 =	ssub.s32 $0x2, s0;
	s4 =	smul.u32 $0x190000, s2  }
0x5: {  	s5 =	simm.s32 $0x0;
	s2 =	smul.u32 $0x32, s2;
	s7 =	sshrl.u32 s0, $0x1  }
0x6: {  	[smem:$0x7FF] =	sst s5;
	s0 =	ssub.s32 s0, s7  }
0x7: {  	_ =	strace $0x80000047;
	s1 =	sadd.s32 s2, s1;
	s0 =	smax.u32 s0, $0x1  }
0x8: {  	s4 =	sshrl.u32 s4, $0x3;
	s2 =	sadd.s32 $0x400, s1;
	[dreg:$0x18] =	wrdreg s0  }
0x9: {  	s3 =	sadd.s32 s3, s4;
	s1 =	sadd.s32 $0xC00, s1;
	[dreg:$0x3] =	wrdreg s2  }
0xa: {  	[dreg:$0x4] =	wrdreg s1;
	s8 =	sadd.s32 $0x80, s3  }
0xb: {  	s9 =	sadd.s32 $0x100, s3;
	[dreg:$0x5] =	wrdreg s8  }
0xc: {  	s10 =	sadd.s32 $0x180, s3;
	[dreg:$0x6] =	wrdreg s9  }
0xd: {  	s11 =	sadd.s32 $0x200, s3;
	[dreg:$0x7] =	wrdreg s10  }
0xe: {  	s12 =	sadd.s32 $0x280, s3;
	[dreg:$0x8] =	wrdreg s11  }
0xf: {  	s13 =	sadd.s32 $0x300, s3;
	[dreg:$0x9] =	wrdreg s12  }
0x10: {  	s14 =	sadd.s32 $0x380, s3;
	[dreg:$0xa] =	wrdreg s13  }
0x11: {  	s15 =	sadd.s32 $0x400, s3;
	[dreg:$0xb] =	wrdreg s14  }
0x12: {  	s16 =	sadd.s32 $0x480, s3;
	[dreg:$0xc] =	wrdreg s15  }
0x13: {  	s17 =	sadd.s32 $0x500, s3;
	[dreg:$0xd] =	wrdreg s16  }
0x14: {  	s18 =	sadd.s32 $0x580, s3;
	[dreg:$0xe] =	wrdreg s17  }
0x15: {  	s19 =	sadd.s32 $0x600, s3;
	[dreg:$0xf] =	wrdreg s18  }
0x16: {  	s20 =	sadd.s32 $0x680, s3;
	[dreg:$0x10] =	wrdreg s19  }
0x17: {  	s21 =	sadd.s32 $0x700, s3;
	[dreg:$0x11] =	wrdreg s20  }
0x18: {  	s22 =	sadd.s32 $0x780, s3;
	[dreg:$0x12] =	wrdreg s21  }
0x19: {  	s23 =	sadd.s32 $0x800, s3;
	[dreg:$0x13] =	wrdreg s22  }
0x1a: {  	s24 =	sadd.s32 $0x880, s3;
	[dreg:$0x14] =	wrdreg s23  }
0x1b: {  	s25 =	sadd.s32 $0x900, s3;
	[dreg:$0x15] =	wrdreg s24  }
0x1c: {  	s26 =	sadd.s32 $0x980, s3;
	[dreg:$0x16] =	wrdreg s25  }
0x1d: {  	s2 =	sadd.s32 $0xA00, s3;
	[dreg:$0x17] =	wrdreg s26  }
0x1e: {  	s4 =	sadd.s32 $0xA80, s3;
	[dreg:$0x19] =	wrdreg s2  }
0x1f: {  	s5 =	sadd.s32 $0xB00, s3;
	[dreg:$0x1a] =	wrdreg s4  }
0x20: {  	s6 =	sadd.s32 $0xB80, s3;
	[dreg:$0x1b] =	wrdreg s5  }
0x21: {  	s7 =	sadd.s32 $0xC00, s3;
	[dreg:$0x1c] =	wrdreg s6  }
0x22: {  	[dreg:$0x1d] =	wrdreg s7;
	s8 =	sadd.s32 $0xC80, s3  }
0x23: {  	s9 =	sadd.s32 $0xD00, s3;
	[dreg:$0x1e] =	wrdreg s8  }
0x24: {  	s10 =	sadd.s32 $0xD80, s3;
	[dreg:$0x1f] =	wrdreg s9  }
0x25: {  	s11 =	sadd.s32 $0xE00, s3;
	[smem:$0x7ED] =	sst s10  }
0x26: {  	s12 =	sadd.s32 $0xE80, s3;
	[smem:$0x7EE] =	sst s11  }
0x27: {  	s13 =	sadd.s32 $0xF00, s3;
	[smem:$0x7EF] =	sst s12  }
0x28: {  	s14 =	sadd.s32 $0xF80, s3;
	[smem:$0x7F0] =	sst s13  }
0x29: {  	s15 =	sadd.s32 $0x18000, s3;
	[smem:$0x7F1] =	sst s14  }
0x2a: {  	s28 =	sadd.s32 $0x18980, s3;
	s16 =	sadd.s32 $0x18080, s3;
	[smem:$0x7F2] =	sst s15  }
0x2b: {  	s29 =	sadd.s32 $0x18A00, s3;
	s17 =	sadd.s32 $0x18100, s3;
	[smem:$0x7F3] =	sst s16  }
0x2c: {  	s30 =	sadd.s32 $0x18A80, s3;
	s18 =	sadd.s32 $0x18180, s3;
	[smem:$0x7F4] =	sst s17  }
0x2d: {  	s31 =	sadd.s32 $0x18B00, s3;
	s19 =	sadd.s32 $0x18200, s3;
	[smem:$0x7F5] =	sst s18  }
0x2e: {  	s1 =	sadd.s32 $0x18B80, s3;
	s20 =	sadd.s32 $0x18280, s3;
	[smem:$0x7F6] =	sst s19  }
0x2f: {  	s0 =	sadd.s32 $0x18C00, s3;
	s21 =	sadd.s32 $0x18300, s3;
	[smem:$0x7F7] =	sst s20  }
0x30: {  	s22 =	sadd.s32 $0x18380, s3;
	s23 =	sadd.s32 $0x18400, s3;
	[smem:$0x7F8] =	sst s21  }
0x31: {  	s24 =	sadd.s32 $0x18480, s3;
	s25 =	sadd.s32 $0x18500, s3;
	[smem:$0x7F9] =	sst s22  }
0x32: {  	s26 =	sadd.s32 $0x18580, s3;
	s2 =	sadd.s32 $0x18C80, s3;
	[smem:$0x7FA] =	sst s23  }
0x33: {  	s4 =	sadd.s32 $0x18D00, s3;
	s5 =	sadd.s32 $0x18D80, s3;
	[smem:$0x7FB] =	sst s24  }
0x34: {  	v0 =	vimm.s32 $0x0;
	s6 =	sadd.s32 $0x18E00, s3;
	s7 =	sadd.s32 $0x18E80, s3;
	[smem:$0x7FC] =	sst s25  }
0x35: {  	v1 =	vimm.s32 $0x1;
	v2 =	vimm.s32 $0x2;
	v3 =	vimm.s32 $0x3;
	[smem:$0x7FD] =	sst s26;
	s20 =	sadd.s32 $0x18600, s3;
	s21 =	sadd.s32 $0x18680, s3  }
0x36: {  	v4 =	vimm.s32 $0x4;
	v5 =	vimm.s32 $0x5;
	v6 =	vimm.s32 $0x6;
	s22 =	sadd.s32 $0x18700, s3;
	s23 =	sadd.s32 $0x18780, s3;
	s24 =	sadd.s32 $0x18800, s3  }
0x37: {  	v7 =	vimm.s32 $0x7;
	v8 =	vimm.s32 $0x8;
	v9 =	vimm.s32 $0x9;
	s25 =	sadd.s32 $0x18880, s3;
	s26 =	sadd.s32 $0x18900, s3;
	s8 =	sadd.s32 $0x18F00, s3  }
0x38: {  	v10 =	vimm.s32 $0xA;
	v11 =	vimm.s32 $0xB;
	v12 =	vimm.s32 $0xC;
	s9 =	sadd.s32 $0x18F80, s3;
	s10 =	simm.s32 $0x1;
	s11 =	simm.s32 $0x8000  }
0x39: {  	v13 =	vimm.s32 $0xD;
	v14 =	vimm.s32 $0xE;
	v15 =	vimm.s32 $0xF;
	s12 =	simm.s32 $0x400;
	s13 =	simm.s32 $0x6400;
	s14 =	simm.s32 $0x0  }
.LBB2_1:
0x3a: {  	s15 =	simm.s32 $0x0;
	s16 =	rddreg [dreg:$0x3]  }
0x3b: {  	[tilespmem:s15], [sflag:$0x1] =	stream.linear.gather [hbm4b:s16+s15], $0x190, $0x38;
	[tilespmem:$0xCC00] =	vst v63  }
0x3c: {  	s18 =	rddreg [dreg:$0x4];
	s17 =	simm.s32 $0x200  }
0x3d: {  	[tilespmem:s17], [sflag:$0x1] =	stream.linear.gather [hbm4b:s18+s15], $0x190, $0x38;
	[tilespmem:$0xCC00] =	vst v63  }
0x3e: {  	_ =	swait.ge [sflag:s10], $0x190  }
0x3f: {  	[sflag:s10] =	ssyncset.done $0x0  }
0x40: {  	[sflag:s10] =	ssyncadd.s32 $0xFFFFFE70  }
0x41: {  	_ =	swait.ge [sflag:s10], $0x190  }
0x42: {  	[sflag:s10] =	ssyncset.done $0x0  }
0x43: {  	s19 =	simm.s32 $0x0;
	[sflag:s10] =	ssyncadd.s32 $0xFFFFFE70  }
0x44: {  	v16 =	vld [tilespmem:s19+$0x200]  }
0x45: {  	v17 =	vld [tilespmem:s19+$0x0];
	_ =	sdelay $0x4  }
0x46: {  	v16 =	vadd.f32 v16, v17;
	_ =	sdelay $0x1  }
0x47: {  	v17 =	vperm.xlane v16, v0  }
0x48: {  	s15 =	simm.s32 $0x800  }
0x49: {  	[tilespmem:s15+$0xFFFFFC00] =	vst v17  }
0x4a: {  	[tilespmem:s15+$0xFFFFFC10] =	vst v17  }
0x4b: {  	[tilespmem:s15+$0xFFFFFC20] =	vst v17  }
0x4c: {  	[tilespmem:s15+$0xFFFFFC30] =	vst v17  }
0x4d: {  	[tilespmem:s15+$0xFFFFFC40] =	vst v17  }
0x4e: {  	[tilespmem:s15+$0xFFFFFC50] =	vst v17  }
0x4f: {  	v18 =	vperm.xlane v16, v1;
	[tilespmem:s15+$0xFFFFFC60] =	vst v17  }
0x50: {  	[tilespmem:s15+$0xFFFFFC70] =	vst v17  }
0x51: {  	[tilespmem:s15+$0xFFFFFC80] =	vst v18  }
0x52: {  	[tilespmem:s15+$0xFFFFFC90] =	vst v18  }
0x53: {  	[tilespmem:s15+$0xFFFFFCA0] =	vst v18  }
0x54: {  	[tilespmem:s15+$0xFFFFFCB0] =	vst v18  }
0x55: {  	[tilespmem:s15+$0xFFFFFCC0] =	vst v18  }
0x56: {  	[tilespmem:s15+$0xFFFFFCD0] =	vst v18  }
0x57: {  	v17 =	vperm.xlane v16, v2;
	[tilespmem:s15+$0xFFFFFCE0] =	vst v18  }
0x58: {  	[tilespmem:s15+$0xFFFFFCF0] =	vst v18  }
0x59: {  	[tilespmem:s15+$0xFFFFFD00] =	vst v17  }
0x5a: {  	[tilespmem:s15+$0xFFFFFD10] =	vst v17  }
0x5b: {  	[tilespmem:s15+$0xFFFFFD20] =	vst v17  }
0x5c: {  	[tilespmem:s15+$0xFFFFFD30] =	vst v17  }
0x5d: {  	[tilespmem:s15+$0xFFFFFD40] =	vst v17  }
0x5e: {  	[tilespmem:s15+$0xFFFFFD50] =	vst v17  }
0x5f: {  	v18 =	vperm.xlane v16, v3;
	[tilespmem:s15+$0xFFFFFD60] =	vst v17  }
0x60: {  	[tilespmem:s15+$0xFFFFFD70] =	vst v17  }
0x61: {  	[tilespmem:s15+$0xFFFFFD80] =	vst v18  }
0x62: {  	[tilespmem:s15+$0xFFFFFD90] =	vst v18  }
0x63: {  	[tilespmem:s15+$0xFFFFFDA0] =	vst v18  }
0x64: {  	[tilespmem:s15+$0xFFFFFDB0] =	vst v18  }
0x65: {  	[tilespmem:s15+$0xFFFFFDC0] =	vst v18  }
0x66: {  	[tilespmem:s15+$0xFFFFFDD0] =	vst v18  }
0x67: {  	v17 =	vperm.xlane v16, v4;
	[tilespmem:s15+$0xFFFFFDE0] =	vst v18  }
0x68: {  	[tilespmem:s15+$0xFFFFFDF0] =	vst v18  }
0x69: {  	[tilespmem:s15+$0xFFFFFE00] =	vst v17  }
0x6a: {  	[tilespmem:s15+$0xFFFFFE10] =	vst v17  }
0x6b: {  	[tilespmem:s15+$0xFFFFFE20] =	vst v17  }
0x6c: {  	[tilespmem:s15+$0xFFFFFE30] =	vst v17  }
0x6d: {  	[tilespmem:s15+$0xFFFFFE40] =	vst v17  }
0x6e: {  	[tilespmem:s15+$0xFFFFFE50] =	vst v17  }
0x6f: {  	v18 =	vperm.xlane v16, v5;
	[tilespmem:s15+$0xFFFFFE60] =	vst v17  }
0x70: {  	[tilespmem:s15+$0xFFFFFE70] =	vst v17  }
0x71: {  	[tilespmem:s15+$0xFFFFFE80] =	vst v18  }
0x72: {  	[tilespmem:s15+$0xFFFFFE90] =	vst v18  }
0x73: {  	[tilespmem:s15+$0xFFFFFEA0] =	vst v18  }
0x74: {  	[tilespmem:s15+$0xFFFFFEB0] =	vst v18  }
0x75: {  	[tilespmem:s15+$0xFFFFFEC0] =	vst v18  }
0x76: {  	[tilespmem:s15+$0xFFFFFED0] =	vst v18  }
0x77: {  	v17 =	vperm.xlane v16, v6;
	[tilespmem:s15+$0xFFFFFEE0] =	vst v18  }
0x78: {  	[tilespmem:s15+$0xFFFFFEF0] =	vst v18  }
0x79: {  	[tilespmem:s15+$0xFFFFFF00] =	vst v17  }
0x7a: {  	[tilespmem:s15+$0xFFFFFF10] =	vst v17  }
0x7b: {  	[tilespmem:s15+$0xFFFFFF20] =	vst v17  }
0x7c: {  	[tilespmem:s15+$0xFFFFFF30] =	vst v17  }
0x7d: {  	[tilespmem:s15+$0xFFFFFF40] =	vst v17  }
0x7e: {  	[tilespmem:s15+$0xFFFFFF50] =	vst v17  }
0x7f: {  	v18 =	vperm.xlane v16, v7;
	[tilespmem:s15+$0xFFFFFF60] =	vst v17  }
0x80: {  	[tilespmem:s15+$0xFFFFFF70] =	vst v17  }
0x81: {  	[tilespmem:s15+$0xFFFFFF80] =	vst v18  }
0x82: {  	[tilespmem:s15+$0xFFFFFF90] =	vst v18  }
0x83: {  	[tilespmem:s15+$0xFFFFFFA0] =	vst v18  }
0x84: {  	[tilespmem:s15+$0xFFFFFFB0] =	vst v18  }
0x85: {  	[tilespmem:s15+$0xFFFFFFC0] =	vst v18  }
0x86: {  	[tilespmem:s15+$0xFFFFFFD0] =	vst v18  }
0x87: {  	v17 =	vperm.xlane v16, v8;
	[tilespmem:s15+$0xFFFFFFE0] =	vst v18  }
0x88: {  	[tilespmem:s15+$0xFFFFFFF0] =	vst v18  }
0x89: {  	[tilespmem:s15+$0x0] =	vst v17  }
0x8a: {  	[tilespmem:s15+$0x10] =	vst v17  }
0x8b: {  	[tilespmem:s15+$0x20] =	vst v17  }
0x8c: {  	[tilespmem:s15+$0x30] =	vst v17  }
0x8d: {  	[tilespmem:s15+$0x40] =	vst v17  }
0x8e: {  	[tilespmem:s15+$0x50] =	vst v17  }
0x8f: {  	v18 =	vperm.xlane v16, v9;
	[tilespmem:s15+$0x60] =	vst v17  }
0x90: {  	[tilespmem:s15+$0x70] =	vst v17  }
0x91: {  	[tilespmem:s15+$0x80] =	vst v18  }
0x92: {  	[tilespmem:s15+$0x90] =	vst v18  }
0x93: {  	[tilespmem:s15+$0xA0] =	vst v18  }
0x94: {  	[tilespmem:s15+$0xB0] =	vst v18  }
0x95: {  	[tilespmem:s15+$0xC0] =	vst v18  }
0x96: {  	[tilespmem:s15+$0xD0] =	vst v18  }
0x97: {  	v17 =	vperm.xlane v16, v10;
	[tilespmem:s15+$0xE0] =	vst v18  }
0x98: {  	[tilespmem:s15+$0xF0] =	vst v18  }
0x99: {  	[tilespmem:s15+$0x100] =	vst v17  }
0x9a: {  	[tilespmem:s15+$0x110] =	vst v17  }
0x9b: {  	[tilespmem:s15+$0x120] =	vst v17  }
0x9c: {  	[tilespmem:s15+$0x130] =	vst v17  }
0x9d: {  	[tilespmem:s15+$0x140] =	vst v17  }
0x9e: {  	[tilespmem:s15+$0x150] =	vst v17  }
0x9f: {  	v18 =	vperm.xlane v16, v11;
	[tilespmem:s15+$0x160] =	vst v17  }
0xa0: {  	[tilespmem:s15+$0x170] =	vst v17  }
0xa1: {  	[tilespmem:s15+$0x180] =	vst v18  }
0xa2: {  	[tilespmem:s15+$0x190] =	vst v18  }
0xa3: {  	[tilespmem:s15+$0x1A0] =	vst v18  }
0xa4: {  	[tilespmem:s15+$0x1B0] =	vst v18  }
0xa5: {  	[tilespmem:s15+$0x1C0] =	vst v18  }
0xa6: {  	[tilespmem:s15+$0x1D0] =	vst v18  }
0xa7: {  	v17 =	vperm.xlane v16, v12;
	[tilespmem:s15+$0x1E0] =	vst v18  }
0xa8: {  	[tilespmem:s15+$0x1F0] =	vst v18  }
0xa9: {  	[tilespmem:s15+$0x200] =	vst v17  }
0xaa: {  	[tilespmem:s15+$0x210] =	vst v17  }
0xab: {  	[tilespmem:s15+$0x220] =	vst v17  }
0xac: {  	[tilespmem:s15+$0x230] =	vst v17  }
0xad: {  	[tilespmem:s15+$0x240] =	vst v17  }
0xae: {  	[tilespmem:s15+$0x250] =	vst v17  }
0xaf: {  	v18 =	vperm.xlane v16, v13;
	[tilespmem:s15+$0x260] =	vst v17  }
0xb0: {  	[tilespmem:s15+$0x270] =	vst v17  }
0xb1: {  	[tilespmem:s15+$0x280] =	vst v18  }
0xb2: {  	[tilespmem:s15+$0x290] =	vst v18  }
0xb3: {  	[tilespmem:s15+$0x2A0] =	vst v18  }
0xb4: {  	[tilespmem:s15+$0x2B0] =	vst v18  }
0xb5: {  	[tilespmem:s15+$0x2C0] =	vst v18  }
0xb6: {  	[tilespmem:s15+$0x2D0] =	vst v18  }
0xb7: {  	v17 =	vperm.xlane v16, v14;
	[tilespmem:s15+$0x2E0] =	vst v18  }
0xb8: {  	[tilespmem:s15+$0x2F0] =	vst v18  }
0xb9: {  	[tilespmem:s15+$0x300] =	vst v17  }
0xba: {  	[tilespmem:s15+$0x310] =	vst v17  }
0xbb: {  	[tilespmem:s15+$0x320] =	vst v17  }
0xbc: {  	[tilespmem:s15+$0x330] =	vst v17  }
0xbd: {  	[tilespmem:s15+$0x340] =	vst v17  }
0xbe: {  	[tilespmem:s15+$0x350] =	vst v17  }
0xbf: {  	v16 =	vperm.xlane v16, v15;
	[tilespmem:s15+$0x360] =	vst v17  }
0xc0: {  	[tilespmem:s15+$0x370] =	vst v17  }
0xc1: {  	[tilespmem:s15+$0x380] =	vst v16  }
0xc2: {  	[tilespmem:s15+$0x390] =	vst v16  }
0xc3: {  	[tilespmem:s15+$0x3A0] =	vst v16  }
0xc4: {  	[tilespmem:s15+$0x3B0] =	vst v16  }
0xc5: {  	[tilespmem:s15+$0x3C0] =	vst v16  }
0xc6: {  	[tilespmem:s15+$0x3D0] =	vst v16  }
0xc7: {  	[tilespmem:s15+$0x3E0] =	vst v16  }
0xc8: {  	s17 =	simm.s32 $0x10;
	[tilespmem:s15+$0x3F0] =	vst v16  }
0xc9: {  	s16 =	simm.s32 $0x80;
	v16 =	vld [tilespmem:s17+$0x200]  }
.LBB2_2:
0xca: {  	p0 =	sne.s32 s16, $0x2C0;
	v17 =	vld [tilespmem:s17+$0x0];
	_ =	sdelay $0x4  }
0xcb: {  	v16 =	vadd.f32 v16, v17;
	_ =	sdelay $0x1  }
0xcc: {  	v25 =	vperm.xlane v16, v0;
	v26 =	vperm.xlane v16, v1  }
0xcd: {  	s15 =	sadd.s32 $0x800, s15;
	v27 =	vperm.xlane v16, v2;
	v28 =	vperm.xlane v16, v3  }
0xce: {  	v29 =	vperm.xlane v16, v4;
	v30 =	vperm.xlane v16, v5;
	[tilespmem:s15+$0xFFFFFC00] =	vst v25  }
0xcf: {  	v31 =	vperm.xlane v16, v6;
	v24 =	vperm.xlane v16, v7;
	[tilespmem:s15+$0xFFFFFC10] =	vst v25  }
0xd0: {  	v23 =	vperm.xlane v16, v8;
	v22 =	vperm.xlane v16, v9;
	[tilespmem:s15+$0xFFFFFC20] =	vst v25  }
0xd1: {  	v21 =	vperm.xlane v16, v10;
	v20 =	vperm.xlane v16, v11;
	[tilespmem:s15+$0xFFFFFC30] =	vst v25  }
0xd2: {  	v19 =	vperm.xlane v16, v12;
	v18 =	vperm.xlane v16, v13;
	[tilespmem:s15+$0xFFFFFC40] =	vst v25  }
0xd3: {  	v17 =	vperm.xlane v16, v14;
	v16 =	vperm.xlane v16, v15;
	[tilespmem:s15+$0xFFFFFC50] =	vst v25  }
0xd4: {  	[tilespmem:s15+$0xFFFFFC60] =	vst v25  }
0xd5: {  	[tilespmem:s15+$0xFFFFFC70] =	vst v25  }
0xd6: {  	[tilespmem:s15+$0xFFFFFC80] =	vst v26  }
0xd7: {  	[tilespmem:s15+$0xFFFFFC90] =	vst v26  }
0xd8: {  	[tilespmem:s15+$0xFFFFFCA0] =	vst v26  }
0xd9: {  	[tilespmem:s15+$0xFFFFFCB0] =	vst v26  }
0xda: {  	[tilespmem:s15+$0xFFFFFCC0] =	vst v26  }
0xdb: {  	[tilespmem:s15+$0xFFFFFCD0] =	vst v26  }
0xdc: {  	[tilespmem:s15+$0xFFFFFCE0] =	vst v26  }
0xdd: {  	[tilespmem:s15+$0xFFFFFCF0] =	vst v26  }
0xde: {  	[tilespmem:s15+$0xFFFFFD00] =	vst v27  }
0xdf: {  	[tilespmem:s15+$0xFFFFFD10] =	vst v27  }
0xe0: {  	[tilespmem:s15+$0xFFFFFD20] =	vst v27  }
0xe1: {  	[tilespmem:s15+$0xFFFFFD30] =	vst v27  }
0xe2: {  	[tilespmem:s15+$0xFFFFFD40] =	vst v27  }
0xe3: {  	[tilespmem:s15+$0xFFFFFD50] =	vst v27  }
0xe4: {  	[tilespmem:s15+$0xFFFFFD60] =	vst v27  }
0xe5: {  	[tilespmem:s15+$0xFFFFFD70] =	vst v27  }
0xe6: {  	[tilespmem:s15+$0xFFFFFD80] =	vst v28  }
0xe7: {  	[tilespmem:s15+$0xFFFFFD90] =	vst v28  }
0xe8: {  	[tilespmem:s15+$0xFFFFFDA0] =	vst v28  }
0xe9: {  	[tilespmem:s15+$0xFFFFFDB0] =	vst v28  }
0xea: {  	[tilespmem:s15+$0xFFFFFDC0] =	vst v28  }
0xeb: {  	[tilespmem:s15+$0xFFFFFDD0] =	vst v28  }
0xec: {  	[tilespmem:s15+$0xFFFFFDE0] =	vst v28  }
0xed: {  	[tilespmem:s15+$0xFFFFFDF0] =	vst v28  }
0xee: {  	[tilespmem:s15+$0xFFFFFE00] =	vst v29  }
0xef: {  	[tilespmem:s15+$0xFFFFFE10] =	vst v29  }
0xf0: {  	[tilespmem:s15+$0xFFFFFE20] =	vst v29  }
0xf1: {  	[tilespmem:s15+$0xFFFFFE30] =	vst v29  }
0xf2: {  	[tilespmem:s15+$0xFFFFFE40] =	vst v29  }
0xf3: {  	[tilespmem:s15+$0xFFFFFE50] =	vst v29  }
0xf4: {  	[tilespmem:s15+$0xFFFFFE60] =	vst v29  }
0xf5: {  	[tilespmem:s15+$0xFFFFFE70] =	vst v29  }
0xf6: {  	[tilespmem:s15+$0xFFFFFE80] =	vst v30  }
0xf7: {  	[tilespmem:s15+$0xFFFFFE90] =	vst v30  }
0xf8: {  	[tilespmem:s15+$0xFFFFFEA0] =	vst v30  }
0xf9: {  	[tilespmem:s15+$0xFFFFFEB0] =	vst v30  }
0xfa: {  	[tilespmem:s15+$0xFFFFFEC0] =	vst v30  }
0xfb: {  	[tilespmem:s15+$0xFFFFFED0] =	vst v30  }
0xfc: {  	[tilespmem:s15+$0xFFFFFEE0] =	vst v30  }
0xfd: {  	[tilespmem:s15+$0xFFFFFEF0] =	vst v30  }
0xfe: {  	[tilespmem:s15+$0xFFFFFF00] =	vst v31  }
0xff: {  	[tilespmem:s15+$0xFFFFFF10] =	vst v31  }
0x100: {  	[tilespmem:s15+$0xFFFFFF20] =	vst v31  }
0x101: {  	[tilespmem:s15+$0xFFFFFF30] =	vst v31  }
0x102: {  	[tilespmem:s15+$0xFFFFFF40] =	vst v31  }
0x103: {  	[tilespmem:s15+$0xFFFFFF50] =	vst v31  }
0x104: {  	[tilespmem:s15+$0xFFFFFF60] =	vst v31  }
0x105: {  	[tilespmem:s15+$0xFFFFFF70] =	vst v31  }
0x106: {  	[tilespmem:s15+$0xFFFFFF80] =	vst v24  }
0x107: {  	[tilespmem:s15+$0xFFFFFF90] =	vst v24  }
0x108: {  	[tilespmem:s15+$0xFFFFFFA0] =	vst v24  }
0x109: {  	[tilespmem:s15+$0xFFFFFFB0] =	vst v24  }
0x10a: {  	[tilespmem:s15+$0xFFFFFFC0] =	vst v24  }
0x10b: {  	[tilespmem:s15+$0xFFFFFFD0] =	vst v24  }
0x10c: {  	[tilespmem:s15+$0xFFFFFFE0] =	vst v24  }
0x10d: {  	[tilespmem:s15+$0xFFFFFFF0] =	vst v24  }
0x10e: {  	[tilespmem:s15+$0x0] =	vst v23  }
0x10f: {  	[tilespmem:s15+$0x10] =	vst v23  }
0x110: {  	[tilespmem:s15+$0x20] =	vst v23  }
0x111: {  	[tilespmem:s15+$0x30] =	vst v23  }
0x112: {  	[tilespmem:s15+$0x40] =	vst v23  }
0x113: {  	[tilespmem:s15+$0x50] =	vst v23  }
0x114: {  	[tilespmem:s15+$0x60] =	vst v23  }
0x115: {  	[tilespmem:s15+$0x70] =	vst v23  }
0x116: {  	[tilespmem:s15+$0x80] =	vst v22  }
0x117: {  	[tilespmem:s15+$0x90] =	vst v22  }
0x118: {  	[tilespmem:s15+$0xA0] =	vst v22  }
0x119: {  	[tilespmem:s15+$0xB0] =	vst v22  }
0x11a: {  	[tilespmem:s15+$0xC0] =	vst v22  }
0x11b: {  	[tilespmem:s15+$0xD0] =	vst v22  }
0x11c: {  	[tilespmem:s15+$0xE0] =	vst v22  }
0x11d: {  	[tilespmem:s15+$0xF0] =	vst v22  }
0x11e: {  	[tilespmem:s15+$0x100] =	vst v21  }
0x11f: {  	[tilespmem:s15+$0x110] =	vst v21  }
0x120: {  	[tilespmem:s15+$0x120] =	vst v21  }
0x121: {  	[tilespmem:s15+$0x130] =	vst v21  }
0x122: {  	[tilespmem:s15+$0x140] =	vst v21  }
0x123: {  	[tilespmem:s15+$0x150] =	vst v21  }
0x124: {  	[tilespmem:s15+$0x160] =	vst v21  }
0x125: {  	[tilespmem:s15+$0x170] =	vst v21  }
0x126: {  	[tilespmem:s15+$0x180] =	vst v20  }
0x127: {  	[tilespmem:s15+$0x190] =	vst v20  }
0x128: {  	[tilespmem:s15+$0x1A0] =	vst v20  }
0x129: {  	[tilespmem:s15+$0x1B0] =	vst v20  }
0x12a: {  	[tilespmem:s15+$0x1C0] =	vst v20  }
0x12b: {  	[tilespmem:s15+$0x1D0] =	vst v20  }
0x12c: {  	[tilespmem:s15+$0x1E0] =	vst v20  }
0x12d: {  	[tilespmem:s15+$0x1F0] =	vst v20  }
0x12e: {  	[tilespmem:s15+$0x200] =	vst v19  }
0x12f: {  	[tilespmem:s15+$0x210] =	vst v19  }
0x130: {  	[tilespmem:s15+$0x220] =	vst v19  }
0x131: {  	[tilespmem:s15+$0x230] =	vst v19  }
0x132: {  	[tilespmem:s15+$0x240] =	vst v19  }
0x133: {  	[tilespmem:s15+$0x250] =	vst v19  }
0x134: {  	[tilespmem:s15+$0x260] =	vst v19  }
0x135: {  	[tilespmem:s15+$0x270] =	vst v19  }
0x136: {  	[tilespmem:s15+$0x280] =	vst v18  }
0x137: {  	[tilespmem:s15+$0x290] =	vst v18  }
0x138: {  	[tilespmem:s15+$0x2A0] =	vst v18  }
0x139: {  	[tilespmem:s15+$0x2B0] =	vst v18  }
0x13a: {  	[tilespmem:s15+$0x2C0] =	vst v18  }
0x13b: {  	[tilespmem:s15+$0x2D0] =	vst v18  }
0x13c: {  	[tilespmem:s15+$0x2E0] =	vst v18  }
0x13d: {  	[tilespmem:s15+$0x2F0] =	vst v18  }
0x13e: {  	[tilespmem:s15+$0x300] =	vst v17  }
0x13f: {  	[tilespmem:s15+$0x310] =	vst v17  }
0x140: {  	[tilespmem:s15+$0x320] =	vst v17  }
0x141: {  	[tilespmem:s15+$0x330] =	vst v17  }
0x142: {  	[tilespmem:s15+$0x340] =	vst v17  }
0x143: {  	[tilespmem:s15+$0x350] =	vst v17  }
0x144: {  	[tilespmem:s15+$0x360] =	vst v17  }
0x145: {  	[tilespmem:s15+$0x370] =	vst v17  }
0x146: {  	[tilespmem:s15+$0x380] =	vst v16  }
0x147: {  	[tilespmem:s15+$0x390] =	vst v16  }
0x148: {  	[tilespmem:s15+$0x3A0] =	vst v16  }
0x149: {  	[tilespmem:s15+$0x3B0] =	vst v16  }
.Ltmp0:
0x14a: {  	[tilespmem:s15+$0x3C0] =	vst v16;
	(pc) =	sbr.rel @p0 .LBB2_2-.Ltmp0, $4  }
0x14b: {  	[tilespmem:s15+$0x3D0] =	vst v16  }
0x14c: {  	[tilespmem:s15+$0x3E0] =	vst v16  }
0x14d: {  	s17 =	sshra.s32 s16, $0x2;
	[tilespmem:s15+$0x3F0] =	vst v16  }
0x14e: {  	s16 =	sadd.s32 $0x40, s16;
	v16 =	vld [tilespmem:s17+$0x200]  }
0x14f: {  	v17 =	vld [tilespmem:s17+$0x0];
	_ =	sdelay $0x4  }
0x150: {  	v16 =	vadd.f32 v16, v17;
	_ =	sdelay $0x1  }
0x151: {  	v17 =	vperm.xlane v16, v0  }
0x152: {  	s15 =	sadd.s32 $0x800, s15  }
0x153: {  	[tilespmem:s15+$0xFFFFFC00] =	vst v17  }
0x154: {  	[tilespmem:s15+$0xFFFFFC10] =	vst v17  }
0x155: {  	[tilespmem:s15+$0xFFFFFC20] =	vst v17  }
0x156: {  	[tilespmem:s15+$0xFFFFFC30] =	vst v17  }
0x157: {  	[tilespmem:s15+$0xFFFFFC40] =	vst v17  }
0x158: {  	[tilespmem:s15+$0xFFFFFC50] =	vst v17  }
0x159: {  	v18 =	vperm.xlane v16, v1;
	[tilespmem:s15+$0xFFFFFC60] =	vst v17  }
0x15a: {  	[tilespmem:s15+$0xFFFFFC70] =	vst v17  }
0x15b: {  	[tilespmem:s15+$0xFFFFFC80] =	vst v18  }
0x15c: {  	[tilespmem:s15+$0xFFFFFC90] =	vst v18  }
0x15d: {  	[tilespmem:s15+$0xFFFFFCA0] =	vst v18  }
0x15e: {  	[tilespmem:s15+$0xFFFFFCB0] =	vst v18  }
0x15f: {  	[tilespmem:s15+$0xFFFFFCC0] =	vst v18  }
0x160: {  	[tilespmem:s15+$0xFFFFFCD0] =	vst v18  }
0x161: {  	v17 =	vperm.xlane v16, v2;
	[tilespmem:s15+$0xFFFFFCE0] =	vst v18  }
0x162: {  	[tilespmem:s15+$0xFFFFFCF0] =	vst v18  }
0x163: {  	[tilespmem:s15+$0xFFFFFD00] =	vst v17  }
0x164: {  	[tilespmem:s15+$0xFFFFFD10] =	vst v17  }
0x165: {  	[tilespmem:s15+$0xFFFFFD20] =	vst v17  }
0x166: {  	[tilespmem:s15+$0xFFFFFD30] =	vst v17  }
0x167: {  	[tilespmem:s15+$0xFFFFFD40] =	vst v17  }
0x168: {  	[tilespmem:s15+$0xFFFFFD50] =	vst v17  }
0x169: {  	v18 =	vperm.xlane v16, v3;
	[tilespmem:s15+$0xFFFFFD60] =	vst v17  }
0x16a: {  	[tilespmem:s15+$0xFFFFFD70] =	vst v17  }
0x16b: {  	[tilespmem:s15+$0xFFFFFD80] =	vst v18  }
0x16c: {  	[tilespmem:s15+$0xFFFFFD90] =	vst v18  }
0x16d: {  	[tilespmem:s15+$0xFFFFFDA0] =	vst v18  }
0x16e: {  	[tilespmem:s15+$0xFFFFFDB0] =	vst v18  }
0x16f: {  	[tilespmem:s15+$0xFFFFFDC0] =	vst v18  }
0x170: {  	[tilespmem:s15+$0xFFFFFDD0] =	vst v18  }
0x171: {  	v17 =	vperm.xlane v16, v4;
	[tilespmem:s15+$0xFFFFFDE0] =	vst v18  }
0x172: {  	[tilespmem:s15+$0xFFFFFDF0] =	vst v18  }
0x173: {  	[tilespmem:s15+$0xFFFFFE00] =	vst v17  }
0x174: {  	[tilespmem:s15+$0xFFFFFE10] =	vst v17  }
0x175: {  	[tilespmem:s15+$0xFFFFFE20] =	vst v17  }
0x176: {  	[tilespmem:s15+$0xFFFFFE30] =	vst v17  }
0x177: {  	[tilespmem:s15+$0xFFFFFE40] =	vst v17  }
0x178: {  	[tilespmem:s15+$0xFFFFFE50] =	vst v17  }
0x179: {  	v18 =	vperm.xlane v16, v5;
	[tilespmem:s15+$0xFFFFFE60] =	vst v17  }
0x17a: {  	[tilespmem:s15+$0xFFFFFE70] =	vst v17  }
0x17b: {  	[tilespmem:s15+$0xFFFFFE80] =	vst v18  }
0x17c: {  	[tilespmem:s15+$0xFFFFFE90] =	vst v18  }
0x17d: {  	[tilespmem:s15+$0xFFFFFEA0] =	vst v18  }
0x17e: {  	[tilespmem:s15+$0xFFFFFEB0] =	vst v18  }
0x17f: {  	[tilespmem:s15+$0xFFFFFEC0] =	vst v18  }
0x180: {  	[tilespmem:s15+$0xFFFFFED0] =	vst v18  }
0x181: {  	v17 =	vperm.xlane v16, v6;
	[tilespmem:s15+$0xFFFFFEE0] =	vst v18  }
0x182: {  	[tilespmem:s15+$0xFFFFFEF0] =	vst v18  }
0x183: {  	[tilespmem:s15+$0xFFFFFF00] =	vst v17  }
0x184: {  	[tilespmem:s15+$0xFFFFFF10] =	vst v17  }
0x185: {  	[tilespmem:s15+$0xFFFFFF20] =	vst v17  }
0x186: {  	[tilespmem:s15+$0xFFFFFF30] =	vst v17  }
0x187: {  	[tilespmem:s15+$0xFFFFFF40] =	vst v17  }
0x188: {  	[tilespmem:s15+$0xFFFFFF50] =	vst v17  }
0x189: {  	v18 =	vperm.xlane v16, v7;
	[tilespmem:s15+$0xFFFFFF60] =	vst v17  }
0x18a: {  	[tilespmem:s15+$0xFFFFFF70] =	vst v17  }
0x18b: {  	[tilespmem:s15+$0xFFFFFF80] =	vst v18  }
0x18c: {  	[tilespmem:s15+$0xFFFFFF90] =	vst v18  }
0x18d: {  	[tilespmem:s15+$0xFFFFFFA0] =	vst v18  }
0x18e: {  	[tilespmem:s15+$0xFFFFFFB0] =	vst v18  }
0x18f: {  	[tilespmem:s15+$0xFFFFFFC0] =	vst v18  }
0x190: {  	[tilespmem:s15+$0xFFFFFFD0] =	vst v18  }
0x191: {  	v17 =	vperm.xlane v16, v8;
	[tilespmem:s15+$0xFFFFFFE0] =	vst v18  }
0x192: {  	[tilespmem:s15+$0xFFFFFFF0] =	vst v18  }
0x193: {  	[tilespmem:s15+$0x0] =	vst v17  }
0x194: {  	[tilespmem:s15+$0x10] =	vst v17  }
0x195: {  	[tilespmem:s15+$0x20] =	vst v17  }
0x196: {  	[tilespmem:s15+$0x30] =	vst v17  }
0x197: {  	[tilespmem:s15+$0x40] =	vst v17  }
0x198: {  	[tilespmem:s15+$0x50] =	vst v17  }
0x199: {  	v18 =	vperm.xlane v16, v9;
	[tilespmem:s15+$0x60] =	vst v17  }
0x19a: {  	[tilespmem:s15+$0x70] =	vst v17  }
0x19b: {  	[tilespmem:s15+$0x80] =	vst v18  }
0x19c: {  	[tilespmem:s15+$0x90] =	vst v18  }
0x19d: {  	[tilespmem:s15+$0xA0] =	vst v18  }
0x19e: {  	[tilespmem:s15+$0xB0] =	vst v18  }
0x19f: {  	[tilespmem:s15+$0xC0] =	vst v18  }
0x1a0: {  	[tilespmem:s15+$0xD0] =	vst v18  }
0x1a1: {  	v17 =	vperm.xlane v16, v10;
	[tilespmem:s15+$0xE0] =	vst v18  }
0x1a2: {  	[tilespmem:s15+$0xF0] =	vst v18  }
0x1a3: {  	[tilespmem:s15+$0x100] =	vst v17  }
0x1a4: {  	[tilespmem:s15+$0x110] =	vst v17  }
0x1a5: {  	[tilespmem:s15+$0x120] =	vst v17  }
0x1a6: {  	[tilespmem:s15+$0x130] =	vst v17  }
0x1a7: {  	[tilespmem:s15+$0x140] =	vst v17  }
0x1a8: {  	[tilespmem:s15+$0x150] =	vst v17  }
0x1a9: {  	v18 =	vperm.xlane v16, v11;
	[tilespmem:s15+$0x160] =	vst v17  }
0x1aa: {  	[tilespmem:s15+$0x170] =	vst v17  }
0x1ab: {  	[tilespmem:s15+$0x180] =	vst v18  }
0x1ac: {  	[tilespmem:s15+$0x190] =	vst v18  }
0x1ad: {  	[tilespmem:s15+$0x1A0] =	vst v18  }
0x1ae: {  	[tilespmem:s15+$0x1B0] =	vst v18  }
0x1af: {  	[tilespmem:s15+$0x1C0] =	vst v18  }
0x1b0: {  	[tilespmem:s15+$0x1D0] =	vst v18  }
0x1b1: {  	v17 =	vperm.xlane v16, v12;
	[tilespmem:s15+$0x1E0] =	vst v18  }
0x1b2: {  	[tilespmem:s15+$0x1F0] =	vst v18  }
0x1b3: {  	[tilespmem:s15+$0x200] =	vst v17  }
0x1b4: {  	[tilespmem:s15+$0x210] =	vst v17  }
0x1b5: {  	[tilespmem:s15+$0x220] =	vst v17  }
0x1b6: {  	[tilespmem:s15+$0x230] =	vst v17  }
0x1b7: {  	[tilespmem:s15+$0x240] =	vst v17  }
0x1b8: {  	[tilespmem:s15+$0x250] =	vst v17  }
0x1b9: {  	v18 =	vperm.xlane v16, v13;
	[tilespmem:s15+$0x260] =	vst v17  }
0x1ba: {  	[tilespmem:s15+$0x270] =	vst v17  }
0x1bb: {  	[tilespmem:s15+$0x280] =	vst v18  }
0x1bc: {  	[tilespmem:s15+$0x290] =	vst v18  }
0x1bd: {  	[tilespmem:s15+$0x2A0] =	vst v18  }
0x1be: {  	[tilespmem:s15+$0x2B0] =	vst v18  }
0x1bf: {  	[tilespmem:s15+$0x2C0] =	vst v18  }
0x1c0: {  	[tilespmem:s15+$0x2D0] =	vst v18  }
0x1c1: {  	v17 =	vperm.xlane v16, v14;
	[tilespmem:s15+$0x2E0] =	vst v18  }
0x1c2: {  	[tilespmem:s15+$0x2F0] =	vst v18  }
0x1c3: {  	[tilespmem:s15+$0x300] =	vst v17  }
0x1c4: {  	[tilespmem:s15+$0x310] =	vst v17  }
0x1c5: {  	[tilespmem:s15+$0x320] =	vst v17  }
0x1c6: {  	[tilespmem:s15+$0x330] =	vst v17  }
0x1c7: {  	[tilespmem:s15+$0x340] =	vst v17  }
0x1c8: {  	[tilespmem:s15+$0x350] =	vst v17  }
0x1c9: {  	v16 =	vperm.xlane v16, v15;
	[tilespmem:s15+$0x360] =	vst v17  }
0x1ca: {  	[tilespmem:s15+$0x370] =	vst v17  }
0x1cb: {  	[tilespmem:s15+$0x380] =	vst v16  }
0x1cc: {  	[tilespmem:s15+$0x390] =	vst v16  }
0x1cd: {  	[tilespmem:s15+$0x3A0] =	vst v16  }
0x1ce: {  	[tilespmem:s15+$0x3B0] =	vst v16  }
0x1cf: {  	[tilespmem:s15+$0x3C0] =	vst v16  }
0x1d0: {  	[tilespmem:s15+$0x3D0] =	vst v16  }
0x1d1: {  	[tilespmem:s15+$0x3E0] =	vst v16  }
0x1d2: {  	s17 =	rddreg [dreg:$0x5];
	[tilespmem:s15+$0x3F0] =	vst v16  }
0x1d3: {  	[hbm4b:s3+s12] =	stream.strided.scatter [tilespmem:s12], [sflag:$0x1], $0x6000, s11, s12, $0x38;
	[tilespmem:$0xCC00] =	vst v63  }
0x1d4: {  	s18 =	rddreg [dreg:$0x6]  }
0x1d5: {  	[hbm4b:s17+s12] =	stream.strided.scatter [tilespmem:s12], [sflag:$0x1], $0x6000, s11, s12, $0x38;
	[tilespmem:$0xCC00] =	vst v63  }
0x1d6: {  	s19 =	rddreg [dreg:$0x7]  }
0x1d7: {  	[hbm4b:s18+s12] =	stream.strided.scatter [tilespmem:s12], [sflag:$0x1], $0x6000, s11, s12, $0x38;
	[tilespmem:$0xCC00] =	vst v63  }
0x1d8: {  	s16 =	rddreg [dreg:$0x8]  }
0x1d9: {  	[hbm4b:s19+s12] =	stream.strided.scatter [tilespmem:s12], [sflag:$0x1], $0x6000, s11, s12, $0x38;
	[tilespmem:$0xCC00] =	vst v63  }
0x1da: {  	s17 =	rddreg [dreg:$0x9]  }
0x1db: {  	[hbm4b:s16+s12] =	stream.strided.scatter [tilespmem:s12], [sflag:$0x1], $0x6000, s11, s12, $0x38;
	[tilespmem:$0xCC00] =	vst v63  }
0x1dc: {  	s18 =	rddreg [dreg:$0xa]  }
0x1dd: {  	[hbm4b:s17+s12] =	stream.strided.scatter [tilespmem:s12], [sflag:$0x1], $0x6000, s11, s12, $0x38;
	[tilespmem:$0xCC00] =	vst v63  }
0x1de: {  	s19 =	rddreg [dreg:$0xb]  }
0x1df: {  	[hbm4b:s18+s12] =	stream.strided.scatter [tilespmem:s12], [sflag:$0x1], $0x6000, s11, s12, $0x38;
	[tilespmem:$0xCC00] =	vst v63  }
0x1e0: {  	s16 =	rddreg [dreg:$0xc]  }
0x1e1: {  	[hbm4b:s19+s12] =	stream.strided.scatter [tilespmem:s12], [sflag:$0x1], $0x6000, s11, s12, $0x38;
	[tilespmem:$0xCC00] =	vst v63  }
0x1e2: {  	s17 =	rddreg [dreg:$0xd]  }
0x1e3: {  	[hbm4b:s16+s12] =	stream.strided.scatter [tilespmem:s12], [sflag:$0x1], $0x6000, s11, s12, $0x38;
	[tilespmem:$0xCC00] =	vst v63  }
0x1e4: {  	s18 =	rddreg [dreg:$0xe]  }
0x1e5: {  	[hbm4b:s17+s12] =	stream.strided.scatter [tilespmem:s12], [sflag:$0x1], $0x6000, s11, s12, $0x38;
	[tilespmem:$0xCC00] =	vst v63  }
0x1e6: {  	s19 =	rddreg [dreg:$0xf]  }
0x1e7: {  	[hbm4b:s18+s12] =	stream.strided.scatter [tilespmem:s12], [sflag:$0x1], $0x6000, s11, s12, $0x38;
	[tilespmem:$0xCC00] =	vst v63  }
0x1e8: {  	s16 =	rddreg [dreg:$0x10]  }
0x1e9: {  	[hbm4b:s19+s12] =	stream.strided.scatter [tilespmem:s12], [sflag:$0x1], $0x6000, s11, s12, $0x38;
	[tilespmem:$0xCC00] =	vst v63  }
0x1ea: {  	s17 =	rddreg [dreg:$0x11]  }
0x1eb: {  	[hbm4b:s16+s12] =	stream.strided.scatter [tilespmem:s12], [sflag:$0x1], $0x6000, s11, s12, $0x38;
	[tilespmem:$0xCC00] =	vst v63  }
0x1ec: {  	s18 =	rddreg [dreg:$0x12]  }
0x1ed: {  	[hbm4b:s17+s12] =	stream.strided.scatter [tilespmem:s12], [sflag:$0x1], $0x6000, s11, s12, $0x38;
	[tilespmem:$0xCC00] =	vst v63  }
0x1ee: {  	s19 =	rddreg [dreg:$0x13]  }
0x1ef: {  	[hbm4b:s18+s12] =	stream.strided.scatter [tilespmem:s12], [sflag:$0x1], $0x6000, s11, s12, $0x38;
	[tilespmem:$0xCC00] =	vst v63  }
0x1f0: {  	s16 =	rddreg [dreg:$0x14]  }
0x1f1: {  	[hbm4b:s19+s12] =	stream.strided.scatter [tilespmem:s12], [sflag:$0x1], $0x6000, s11, s12, $0x38;
	[tilespmem:$0xCC00] =	vst v63  }
0x1f2: {  	s17 =	rddreg [dreg:$0x15]  }
0x1f3: {  	[hbm4b:s16+s12] =	stream.strided.scatter [tilespmem:s12], [sflag:$0x1], $0x6000, s11, s12, $0x38;
	[tilespmem:$0xCC00] =	vst v63  }
0x1f4: {  	s18 =	rddreg [dreg:$0x16]  }
0x1f5: {  	[hbm4b:s17+s12] =	stream.strided.scatter [tilespmem:s12], [sflag:$0x1], $0x6000, s11, s12, $0x38;
	[tilespmem:$0xCC00] =	vst v63  }
0x1f6: {  	s19 =	rddreg [dreg:$0x17]  }
0x1f7: {  	[hbm4b:s18+s12] =	stream.strided.scatter [tilespmem:s12], [sflag:$0x1], $0x6000, s11, s12, $0x38;
	[tilespmem:$0xCC00] =	vst v63  }
0x1f8: {  	s16 =	rddreg [dreg:$0x19]  }
0x1f9: {  	[hbm4b:s19+s12] =	stream.strided.scatter [tilespmem:s12], [sflag:$0x1], $0x6000, s11, s12, $0x38;
	[tilespmem:$0xCC00] =	vst v63  }
0x1fa: {  	s17 =	rddreg [dreg:$0x1a]  }
0x1fb: {  	[hbm4b:s16+s12] =	stream.strided.scatter [tilespmem:s12], [sflag:$0x1], $0x6000, s11, s12, $0x38;
	[tilespmem:$0xCC00] =	vst v63  }
0x1fc: {  	s18 =	rddreg [dreg:$0x1b]  }
0x1fd: {  	[hbm4b:s17+s12] =	stream.strided.scatter [tilespmem:s12], [sflag:$0x1], $0x6000, s11, s12, $0x38;
	[tilespmem:$0xCC00] =	vst v63  }
0x1fe: {  	s19 =	rddreg [dreg:$0x1c]  }
0x1ff: {  	[hbm4b:s18+s12] =	stream.strided.scatter [tilespmem:s12], [sflag:$0x1], $0x6000, s11, s12, $0x38;
	[tilespmem:$0xCC00] =	vst v63  }
0x200: {  	s16 =	rddreg [dreg:$0x1d]  }
0x201: {  	[hbm4b:s19+s12] =	stream.strided.scatter [tilespmem:s12], [sflag:$0x1], $0x6000, s11, s12, $0x38;
	[tilespmem:$0xCC00] =	vst v63  }
0x202: {  	s17 =	rddreg [dreg:$0x1e]  }
0x203: {  	[hbm4b:s16+s12] =	stream.strided.scatter [tilespmem:s12], [sflag:$0x1], $0x6000, s11, s12, $0x38;
	[tilespmem:$0xCC00] =	vst v63  }
0x204: {  	s18 =	rddreg [dreg:$0x1f]  }
0x205: {  	[hbm4b:s17+s12] =	stream.strided.scatter [tilespmem:s12], [sflag:$0x1], $0x6000, s11, s12, $0x38;
	[tilespmem:$0xCC00] =	vst v63  }
0x206: {  	s19 =	sld [smem:$0x7ED]  }
0x207: {  	[hbm4b:s18+s12] =	stream.strided.scatter [tilespmem:s12], [sflag:$0x1], $0x6000, s11, s12, $0x38;
	[tilespmem:$0xCC00] =	vst v63  }
0x208: {  	s16 =	sld [smem:$0x7EE]  }
0x209: {  	[hbm4b:s19+s12] =	stream.strided.scatter [tilespmem:s12], [sflag:$0x1], $0x6000, s11, s12, $0x38;
	[tilespmem:$0xCC00] =	vst v63  }
0x20a: {  	s17 =	sld [smem:$0x7EF]  }
0x20b: {  	[hbm4b:s16+s12] =	stream.strided.scatter [tilespmem:s12], [sflag:$0x1], $0x6000, s11, s12, $0x38;
	[tilespmem:$0xCC00] =	vst v63  }
0x20c: {  	s18 =	sld [smem:$0x7F0]  }
0x20d: {  	[hbm4b:s17+s12] =	stream.strided.scatter [tilespmem:s12], [sflag:$0x1], $0x6000, s11, s12, $0x38;
	[tilespmem:$0xCC00] =	vst v63  }
0x20e: {  	s19 =	sld [smem:$0x7F1]  }
0x20f: {  	[hbm4b:s18+s12] =	stream.strided.scatter [tilespmem:s12], [sflag:$0x1], $0x6000, s11, s12, $0x38;
	[tilespmem:$0xCC00] =	vst v63  }
0x210: {  	s15 =	simm.s32 $0x2C0  }
0x211: {  	[hbm4b:s19+s12] =	stream.strided.scatter [tilespmem:s12], [sflag:$0x1], $0x6000, s11, s12, $0x38;
	[tilespmem:$0xCC00] =	vst v63  }
0x212: {  	s16 =	simm.s32 $0xC0;
	v16 =	vld [tilespmem:s15+$0x0]  }
0x213: {  	s17 =	simm.s32 $0x0;
	s18 =	simm.s32 $0x2000;
	v17 =	vld [tilespmem:s16+$0x0]  }
.LBB2_4:
0x214: {  	p0 =	sne.s32 s18, $0x18000;
	_ =	sdelay $0x3  }
0x215: {  	v16 =	vadd.f32 v16, v17;
	_ =	sdelay $0x1  }
0x216: {  	v25 =	vperm.xlane v16, v0;
	v26 =	vperm.xlane v16, v1  }
0x217: {  	s19 =	sshra.s32 s17, $0x2;
	s17 =	smov.u32 s18;
	v27 =	vperm.xlane v16, v2;
	v28 =	vperm.xlane v16, v3  }
0x218: {  	v29 =	vperm.xlane v16, v4;
	v30 =	vperm.xlane v16, v5;
	[tilespmem:s19+$0x6400] =	vst v25  }
0x219: {  	v31 =	vperm.xlane v16, v6;
	v24 =	vperm.xlane v16, v7;
	[tilespmem:s19+$0x6410] =	vst v25  }
0x21a: {  	v23 =	vperm.xlane v16, v8;
	v22 =	vperm.xlane v16, v9;
	[tilespmem:s19+$0x6420] =	vst v25  }
0x21b: {  	v21 =	vperm.xlane v16, v10;
	v20 =	vperm.xlane v16, v11;
	[tilespmem:s19+$0x6430] =	vst v25  }
0x21c: {  	v19 =	vperm.xlane v16, v12;
	v18 =	vperm.xlane v16, v13;
	[tilespmem:s19+$0x6440] =	vst v25  }
0x21d: {  	v17 =	vperm.xlane v16, v14;
	v16 =	vperm.xlane v16, v15;
	[tilespmem:s19+$0x6450] =	vst v25  }
0x21e: {  	[tilespmem:s19+$0x6460] =	vst v25  }
0x21f: {  	[tilespmem:s19+$0x6470] =	vst v25  }
0x220: {  	[tilespmem:s19+$0x6480] =	vst v26  }
0x221: {  	[tilespmem:s19+$0x6490] =	vst v26  }
0x222: {  	[tilespmem:s19+$0x64A0] =	vst v26  }
0x223: {  	[tilespmem:s19+$0x64B0] =	vst v26  }
0x224: {  	[tilespmem:s19+$0x64C0] =	vst v26  }
0x225: {  	[tilespmem:s19+$0x64D0] =	vst v26  }
0x226: {  	[tilespmem:s19+$0x64E0] =	vst v26  }
0x227: {  	[tilespmem:s19+$0x64F0] =	vst v26  }
0x228: {  	[tilespmem:s19+$0x6500] =	vst v27  }
0x229: {  	[tilespmem:s19+$0x6510] =	vst v27  }
0x22a: {  	[tilespmem:s19+$0x6520] =	vst v27  }
0x22b: {  	[tilespmem:s19+$0x6530] =	vst v27  }
0x22c: {  	[tilespmem:s19+$0x6540] =	vst v27  }
0x22d: {  	[tilespmem:s19+$0x6550] =	vst v27  }
0x22e: {  	[tilespmem:s19+$0x6560] =	vst v27  }
0x22f: {  	[tilespmem:s19+$0x6570] =	vst v27  }
0x230: {  	[tilespmem:s19+$0x6580] =	vst v28  }
0x231: {  	[tilespmem:s19+$0x6590] =	vst v28  }
0x232: {  	[tilespmem:s19+$0x65A0] =	vst v28  }
0x233: {  	[tilespmem:s19+$0x65B0] =	vst v28  }
0x234: {  	[tilespmem:s19+$0x65C0] =	vst v28  }
0x235: {  	[tilespmem:s19+$0x65D0] =	vst v28  }
0x236: {  	[tilespmem:s19+$0x65E0] =	vst v28  }
0x237: {  	[tilespmem:s19+$0x65F0] =	vst v28  }
0x238: {  	[tilespmem:s19+$0x6600] =	vst v29  }
0x239: {  	[tilespmem:s19+$0x6610] =	vst v29  }
0x23a: {  	[tilespmem:s19+$0x6620] =	vst v29  }
0x23b: {  	[tilespmem:s19+$0x6630] =	vst v29  }
0x23c: {  	[tilespmem:s19+$0x6640] =	vst v29  }
0x23d: {  	[tilespmem:s19+$0x6650] =	vst v29  }
0x23e: {  	[tilespmem:s19+$0x6660] =	vst v29  }
0x23f: {  	[tilespmem:s19+$0x6670] =	vst v29  }
0x240: {  	[tilespmem:s19+$0x6680] =	vst v30  }
0x241: {  	[tilespmem:s19+$0x6690] =	vst v30  }
0x242: {  	[tilespmem:s19+$0x66A0] =	vst v30  }
0x243: {  	[tilespmem:s19+$0x66B0] =	vst v30  }
0x244: {  	[tilespmem:s19+$0x66C0] =	vst v30  }
0x245: {  	[tilespmem:s19+$0x66D0] =	vst v30  }
0x246: {  	[tilespmem:s19+$0x66E0] =	vst v30  }
0x247: {  	[tilespmem:s19+$0x66F0] =	vst v30  }
0x248: {  	[tilespmem:s19+$0x6700] =	vst v31  }
0x249: {  	[tilespmem:s19+$0x6710] =	vst v31  }
0x24a: {  	[tilespmem:s19+$0x6720] =	vst v31  }
0x24b: {  	[tilespmem:s19+$0x6730] =	vst v31  }
0x24c: {  	[tilespmem:s19+$0x6740] =	vst v31  }
0x24d: {  	[tilespmem:s19+$0x6750] =	vst v31  }
0x24e: {  	[tilespmem:s19+$0x6760] =	vst v31  }
0x24f: {  	[tilespmem:s19+$0x6770] =	vst v31  }
0x250: {  	[tilespmem:s19+$0x6780] =	vst v24  }
0x251: {  	[tilespmem:s19+$0x6790] =	vst v24  }
0x252: {  	[tilespmem:s19+$0x67A0] =	vst v24  }
0x253: {  	[tilespmem:s19+$0x67B0] =	vst v24  }
0x254: {  	[tilespmem:s19+$0x67C0] =	vst v24  }
0x255: {  	[tilespmem:s19+$0x67D0] =	vst v24  }
0x256: {  	[tilespmem:s19+$0x67E0] =	vst v24  }
0x257: {  	[tilespmem:s19+$0x67F0] =	vst v24  }
0x258: {  	[tilespmem:s19+$0x6800] =	vst v23  }
0x259: {  	[tilespmem:s19+$0x6810] =	vst v23  }
0x25a: {  	[tilespmem:s19+$0x6820] =	vst v23  }
0x25b: {  	[tilespmem:s19+$0x6830] =	vst v23  }
0x25c: {  	[tilespmem:s19+$0x6840] =	vst v23  }
0x25d: {  	[tilespmem:s19+$0x6850] =	vst v23  }
0x25e: {  	[tilespmem:s19+$0x6860] =	vst v23  }
0x25f: {  	[tilespmem:s19+$0x6870] =	vst v23  }
0x260: {  	[tilespmem:s19+$0x6880] =	vst v22  }
0x261: {  	[tilespmem:s19+$0x6890] =	vst v22  }
0x262: {  	[tilespmem:s19+$0x68A0] =	vst v22  }
0x263: {  	[tilespmem:s19+$0x68B0] =	vst v22  }
0x264: {  	[tilespmem:s19+$0x68C0] =	vst v22  }
0x265: {  	[tilespmem:s19+$0x68D0] =	vst v22  }
0x266: {  	[tilespmem:s19+$0x68E0] =	vst v22  }
0x267: {  	[tilespmem:s19+$0x68F0] =	vst v22  }
0x268: {  	[tilespmem:s19+$0x6900] =	vst v21  }
0x269: {  	[tilespmem:s19+$0x6910] =	vst v21  }
0x26a: {  	[tilespmem:s19+$0x6920] =	vst v21  }
0x26b: {  	[tilespmem:s19+$0x6930] =	vst v21  }
0x26c: {  	[tilespmem:s19+$0x6940] =	vst v21  }
0x26d: {  	[tilespmem:s19+$0x6950] =	vst v21  }
0x26e: {  	[tilespmem:s19+$0x6960] =	vst v21  }
0x26f: {  	[tilespmem:s19+$0x6970] =	vst v21  }
0x270: {  	[tilespmem:s19+$0x6980] =	vst v20  }
0x271: {  	[tilespmem:s19+$0x6990] =	vst v20  }
0x272: {  	[tilespmem:s19+$0x69A0] =	vst v20  }
0x273: {  	[tilespmem:s19+$0x69B0] =	vst v20  }
0x274: {  	[tilespmem:s19+$0x69C0] =	vst v20  }
0x275: {  	[tilespmem:s19+$0x69D0] =	vst v20  }
0x276: {  	[tilespmem:s19+$0x69E0] =	vst v20  }
0x277: {  	[tilespmem:s19+$0x69F0] =	vst v20  }
0x278: {  	[tilespmem:s19+$0x6A00] =	vst v19  }
0x279: {  	[tilespmem:s19+$0x6A10] =	vst v19  }
0x27a: {  	[tilespmem:s19+$0x6A20] =	vst v19  }
0x27b: {  	[tilespmem:s19+$0x6A30] =	vst v19  }
0x27c: {  	[tilespmem:s19+$0x6A40] =	vst v19  }
0x27d: {  	[tilespmem:s19+$0x6A50] =	vst v19  }
0x27e: {  	[tilespmem:s19+$0x6A60] =	vst v19  }
0x27f: {  	[tilespmem:s19+$0x6A70] =	vst v19  }
0x280: {  	[tilespmem:s19+$0x6A80] =	vst v18  }
0x281: {  	[tilespmem:s19+$0x6A90] =	vst v18  }
0x282: {  	[tilespmem:s19+$0x6AA0] =	vst v18  }
0x283: {  	[tilespmem:s19+$0x6AB0] =	vst v18  }
0x284: {  	[tilespmem:s19+$0x6AC0] =	vst v18  }
0x285: {  	[tilespmem:s19+$0x6AD0] =	vst v18  }
0x286: {  	[tilespmem:s19+$0x6AE0] =	vst v18  }
0x287: {  	[tilespmem:s19+$0x6AF0] =	vst v18  }
0x288: {  	[tilespmem:s19+$0x6B00] =	vst v17  }
0x289: {  	[tilespmem:s19+$0x6B10] =	vst v17  }
0x28a: {  	[tilespmem:s19+$0x6B20] =	vst v17  }
0x28b: {  	[tilespmem:s19+$0x6B30] =	vst v17  }
0x28c: {  	[tilespmem:s19+$0x6B40] =	vst v17  }
0x28d: {  	[tilespmem:s19+$0x6B50] =	vst v17  }
0x28e: {  	[tilespmem:s19+$0x6B60] =	vst v17  }
0x28f: {  	[tilespmem:s19+$0x6B70] =	vst v17  }
0x290: {  	[tilespmem:s19+$0x6B80] =	vst v16  }
0x291: {  	[tilespmem:s19+$0x6B90] =	vst v16  }
0x292: {  	[tilespmem:s19+$0x6BA0] =	vst v16  }
0x293: {  	[tilespmem:s19+$0x6BB0] =	vst v16  }
0x294: {  	[tilespmem:s19+$0x6BC0] =	vst v16  }
.Ltmp1:
0x295: {  	[tilespmem:s19+$0x6BD0] =	vst v16;
	(pc) =	sbr.rel @p0 .LBB2_4-.Ltmp1, $4  }
0x296: {  	[tilespmem:s19+$0x6BE0] =	vst v16  }
0x297: {  	s15 =	sadd.s32 $0x10, s15;
	[tilespmem:s19+$0x6BF0] =	vst v16  }
0x298: {  	s16 =	sadd.s32 $0x10, s16;
	v16 =	vld [tilespmem:s15+$0x0]  }
0x299: {  	s18 =	sadd.s32 $0x2000, s18;
	v17 =	vld [tilespmem:s16+$0x0]  }
0x29a: {  	_ =	sdelay $0x3  }
0x29b: {  	v16 =	vadd.f32 v16, v17;
	_ =	sdelay $0x1  }
0x29c: {  	v17 =	vperm.xlane v16, v0  }
0x29d: {  	s15 =	sshra.s32 s17, $0x2  }
0x29e: {  	[tilespmem:s15+$0x6400] =	vst v17  }
0x29f: {  	[tilespmem:s15+$0x6410] =	vst v17  }
0x2a0: {  	[tilespmem:s15+$0x6420] =	vst v17  }
0x2a1: {  	[tilespmem:s15+$0x6430] =	vst v17  }
0x2a2: {  	[tilespmem:s15+$0x6440] =	vst v17  }
0x2a3: {  	[tilespmem:s15+$0x6450] =	vst v17  }
0x2a4: {  	v18 =	vperm.xlane v16, v1;
	[tilespmem:s15+$0x6460] =	vst v17  }
0x2a5: {  	[tilespmem:s15+$0x6470] =	vst v17  }
0x2a6: {  	[tilespmem:s15+$0x6480] =	vst v18  }
0x2a7: {  	[tilespmem:s15+$0x6490] =	vst v18  }
0x2a8: {  	[tilespmem:s15+$0x64A0] =	vst v18  }
0x2a9: {  	[tilespmem:s15+$0x64B0] =	vst v18  }
0x2aa: {  	[tilespmem:s15+$0x64C0] =	vst v18  }
0x2ab: {  	[tilespmem:s15+$0x64D0] =	vst v18  }
0x2ac: {  	v58 =	vperm.xlane v16, v3;
	[tilespmem:s15+$0x64E0] =	vst v18  }
0x2ad: {  	[tilespmem:s15+$0x64F0] =	vst v18  }
0x2ae: {  	[tilespmem:s15+$0x6580] =	vst v58  }
0x2af: {  	[tilespmem:s15+$0x6590] =	vst v58  }
0x2b0: {  	[tilespmem:s15+$0x65A0] =	vst v58  }
0x2b1: {  	[tilespmem:s15+$0x65B0] =	vst v58  }
0x2b2: {  	[tilespmem:s15+$0x65C0] =	vst v58  }
0x2b3: {  	[tilespmem:s15+$0x65D0] =	vst v58  }
0x2b4: {  	v59 =	vperm.xlane v16, v5;
	[tilespmem:s15+$0x65E0] =	vst v58  }
0x2b5: {  	[tilespmem:s15+$0x65F0] =	vst v58  }
0x2b6: {  	[tilespmem:s15+$0x6680] =	vst v59  }
0x2b7: {  	[tilespmem:s15+$0x6690] =	vst v59  }
0x2b8: {  	[tilespmem:s15+$0x66A0] =	vst v59  }
0x2b9: {  	[tilespmem:s15+$0x66B0] =	vst v59  }
0x2ba: {  	[tilespmem:s15+$0x66C0] =	vst v59  }
0x2bb: {  	[tilespmem:s15+$0x66D0] =	vst v59  }
0x2bc: {  	v60 =	vperm.xlane v16, v7;
	[tilespmem:s15+$0x66E0] =	vst v59  }
0x2bd: {  	[tilespmem:s15+$0x66F0] =	vst v59  }
0x2be: {  	[tilespmem:s15+$0x6780] =	vst v60  }
0x2bf: {  	[tilespmem:s15+$0x6790] =	vst v60  }
0x2c0: {  	[tilespmem:s15+$0x67A0] =	vst v60  }
0x2c1: {  	[tilespmem:s15+$0x67B0] =	vst v60  }
0x2c2: {  	[tilespmem:s15+$0x67C0] =	vst v60  }
0x2c3: {  	[tilespmem:s15+$0x67D0] =	vst v60  }
0x2c4: {  	v61 =	vperm.xlane v16, v9;
	[tilespmem:s15+$0x67E0] =	vst v60  }
0x2c5: {  	[tilespmem:s15+$0x67F0] =	vst v60  }
0x2c6: {  	[tilespmem:s15+$0x6880] =	vst v61  }
0x2c7: {  	[tilespmem:s15+$0x6890] =	vst v61  }
0x2c8: {  	[tilespmem:s15+$0x68A0] =	vst v61  }
0x2c9: {  	[tilespmem:s15+$0x68B0] =	vst v61  }
0x2ca: {  	[tilespmem:s15+$0x68C0] =	vst v61  }
0x2cb: {  	[tilespmem:s15+$0x68D0] =	vst v61  }
0x2cc: {  	v62 =	vperm.xlane v16, v11;
	[tilespmem:s15+$0x68E0] =	vst v61  }
0x2cd: {  	[tilespmem:s15+$0x68F0] =	vst v61  }
0x2ce: {  	[tilespmem:s15+$0x6980] =	vst v62  }
0x2cf: {  	[tilespmem:s15+$0x6990] =	vst v62  }
0x2d0: {  	[tilespmem:s15+$0x69A0] =	vst v62  }
0x2d1: {  	[tilespmem:s15+$0x69B0] =	vst v62  }
0x2d2: {  	[tilespmem:s15+$0x69C0] =	vst v62  }
0x2d3: {  	[tilespmem:s15+$0x69D0] =	vst v62  }
0x2d4: {  	v63 =	vperm.xlane v16, v13;
	[tilespmem:s15+$0x69E0] =	vst v62  }
0x2d5: {  	[tilespmem:s15+$0x69F0] =	vst v62  }
0x2d6: {  	v17 =	vperm.xlane v16, v2;
	[tilespmem:s15+$0x6A80] =	vst v63  }
0x2d7: {  	[tilespmem:s15+$0x6A90] =	vst v63  }
0x2d8: {  	[tilespmem:s15+$0x6500] =	vst v17  }
0x2d9: {  	[tilespmem:s15+$0x6510] =	vst v17  }
0x2da: {  	[tilespmem:s15+$0x6520] =	vst v17  }
0x2db: {  	[tilespmem:s15+$0x6530] =	vst v17  }
0x2dc: {  	[tilespmem:s15+$0x6540] =	vst v17  }
0x2dd: {  	[tilespmem:s15+$0x6550] =	vst v17  }
0x2de: {  	[tilespmem:s15+$0x6560] =	vst v17  }
0x2df: {  	[tilespmem:s15+$0x6570] =	vst v17;
	v17 =	vperm.xlane v16, v4  }
0x2e0: {  	[tilespmem:s15+$0x6AA0] =	vst v63  }
0x2e1: {  	[tilespmem:s15+$0x6600] =	vst v17  }
0x2e2: {  	[tilespmem:s15+$0x6610] =	vst v17  }
0x2e3: {  	[tilespmem:s15+$0x6620] =	vst v17  }
0x2e4: {  	[tilespmem:s15+$0x6630] =	vst v17  }
0x2e5: {  	[tilespmem:s15+$0x6640] =	vst v17  }
0x2e6: {  	[tilespmem:s15+$0x6650] =	vst v17  }
0x2e7: {  	[tilespmem:s15+$0x6660] =	vst v17  }
0x2e8: {  	[tilespmem:s15+$0x6670] =	vst v17;
	v17 =	vperm.xlane v16, v6  }
0x2e9: {  	[tilespmem:s15+$0x6AB0] =	vst v63  }
0x2ea: {  	[tilespmem:s15+$0x6700] =	vst v17  }
0x2eb: {  	[tilespmem:s15+$0x6710] =	vst v17  }
0x2ec: {  	[tilespmem:s15+$0x6720] =	vst v17  }
0x2ed: {  	[tilespmem:s15+$0x6730] =	vst v17  }
0x2ee: {  	[tilespmem:s15+$0x6740] =	vst v17  }
0x2ef: {  	[tilespmem:s15+$0x6750] =	vst v17  }
0x2f0: {  	[tilespmem:s15+$0x6760] =	vst v17  }
0x2f1: {  	[tilespmem:s15+$0x6770] =	vst v17;
	v17 =	vperm.xlane v16, v8  }
0x2f2: {  	[tilespmem:s15+$0x6AC0] =	vst v63  }
0x2f3: {  	[tilespmem:s15+$0x6800] =	vst v17  }
0x2f4: {  	[tilespmem:s15+$0x6810] =	vst v17  }
0x2f5: {  	[tilespmem:s15+$0x6820] =	vst v17  }
0x2f6: {  	[tilespmem:s15+$0x6830] =	vst v17  }
0x2f7: {  	[tilespmem:s15+$0x6840] =	vst v17  }
0x2f8: {  	[tilespmem:s15+$0x6850] =	vst v17  }
0x2f9: {  	[tilespmem:s15+$0x6860] =	vst v17  }
0x2fa: {  	[tilespmem:s15+$0x6870] =	vst v17;
	v17 =	vperm.xlane v16, v10  }
0x2fb: {  	[tilespmem:s15+$0x6AD0] =	vst v63  }
0x2fc: {  	[tilespmem:s15+$0x6900] =	vst v17  }
0x2fd: {  	[tilespmem:s15+$0x6910] =	vst v17  }
0x2fe: {  	[tilespmem:s15+$0x6920] =	vst v17  }
0x2ff: {  	[tilespmem:s15+$0x6930] =	vst v17  }
0x300: {  	[tilespmem:s15+$0x6940] =	vst v17  }
0x301: {  	[tilespmem:s15+$0x6950] =	vst v17  }
0x302: {  	[tilespmem:s15+$0x6960] =	vst v17  }
0x303: {  	[tilespmem:s15+$0x6970] =	vst v17;
	v17 =	vperm.xlane v16, v12  }
0x304: {  	[tilespmem:s15+$0x6AE0] =	vst v63  }
0x305: {  	[tilespmem:s15+$0x6A00] =	vst v17  }
0x306: {  	[tilespmem:s15+$0x6A10] =	vst v17  }
0x307: {  	[tilespmem:s15+$0x6A20] =	vst v17  }
0x308: {  	[tilespmem:s15+$0x6A30] =	vst v17  }
0x309: {  	[tilespmem:s15+$0x6A40] =	vst v17  }
0x30a: {  	[tilespmem:s15+$0x6A50] =	vst v17  }
0x30b: {  	[tilespmem:s15+$0x6A60] =	vst v17  }
0x30c: {  	[tilespmem:s15+$0x6A70] =	vst v17;
	v17 =	vperm.xlane v16, v14  }
0x30d: {  	[tilespmem:s15+$0x6AF0] =	vst v63  }
0x30e: {  	[tilespmem:s15+$0x6B00] =	vst v17  }
0x30f: {  	[tilespmem:s15+$0x6B10] =	vst v17  }
0x310: {  	[tilespmem:s15+$0x6B20] =	vst v17  }
0x311: {  	[tilespmem:s15+$0x6B30] =	vst v17  }
0x312: {  	[tilespmem:s15+$0x6B40] =	vst v17  }
0x313: {  	[tilespmem:s15+$0x6B50] =	vst v17  }
0x314: {  	v16 =	vperm.xlane v16, v15;
	[tilespmem:s15+$0x6B60] =	vst v17  }
0x315: {  	[tilespmem:s15+$0x6B70] =	vst v17  }
0x316: {  	[tilespmem:s15+$0x6B80] =	vst v16  }
0x317: {  	[tilespmem:s15+$0x6B90] =	vst v16  }
0x318: {  	[tilespmem:s15+$0x6BA0] =	vst v16  }
0x319: {  	[tilespmem:s15+$0x6BB0] =	vst v16  }
0x31a: {  	[tilespmem:s15+$0x6BC0] =	vst v16  }
0x31b: {  	s19 =	sld [smem:$0x7F2];
	[tilespmem:s15+$0x6BD0] =	vst v16  }
0x31c: {  	[tilespmem:s15+$0x6BE0] =	vst v16  }
0x31d: {  	s16 =	sld [smem:$0x7F3];
	[tilespmem:s15+$0x6BF0] =	vst v16  }
0x31e: {  	[hbm4b:s19+s12] =	stream.strided.scatter [tilespmem:s13], [sflag:$0x1], $0x6800, s11, s12, $0x38;
	[tilespmem:$0xCC00] =	vst v63  }
0x31f: {  	s17 =	sld [smem:$0x7F4]  }
0x320: {  	[hbm4b:s16+s12] =	stream.strided.scatter [tilespmem:s13], [sflag:$0x1], $0x6800, s11, s12, $0x38;
	[tilespmem:$0xCC00] =	vst v63  }
0x321: {  	s18 =	sld [smem:$0x7F5]  }
0x322: {  	[hbm4b:s17+s12] =	stream.strided.scatter [tilespmem:s13], [sflag:$0x1], $0x6800, s11, s12, $0x38;
	[tilespmem:$0xCC00] =	vst v63  }
0x323: {  	s19 =	sld [smem:$0x7F6]  }
0x324: {  	[hbm4b:s18+s12] =	stream.strided.scatter [tilespmem:s13], [sflag:$0x1], $0x6800, s11, s12, $0x38;
	[tilespmem:$0xCC00] =	vst v63  }
0x325: {  	s16 =	sld [smem:$0x7F7]  }
0x326: {  	[hbm4b:s19+s12] =	stream.strided.scatter [tilespmem:s13], [sflag:$0x1], $0x6800, s11, s12, $0x38;
	[tilespmem:$0xCC00] =	vst v63  }
0x327: {  	s17 =	sld [smem:$0x7F8]  }
0x328: {  	[hbm4b:s16+s12] =	stream.strided.scatter [tilespmem:s13], [sflag:$0x1], $0x6800, s11, s12, $0x38;
	[tilespmem:$0xCC00] =	vst v63  }
0x329: {  	s18 =	sld [smem:$0x7F9]  }
0x32a: {  	[hbm4b:s17+s12] =	stream.strided.scatter [tilespmem:s13], [sflag:$0x1], $0x6800, s11, s12, $0x38;
	[tilespmem:$0xCC00] =	vst v63  }
0x32b: {  	s19 =	sld [smem:$0x7FA]  }
0x32c: {  	[hbm4b:s18+s12] =	stream.strided.scatter [tilespmem:s13], [sflag:$0x1], $0x6800, s11, s12, $0x38;
	[tilespmem:$0xCC00] =	vst v63  }
0x32d: {  	s16 =	sld [smem:$0x7FB]  }
0x32e: {  	[hbm4b:s19+s12] =	stream.strided.scatter [tilespmem:s13], [sflag:$0x1], $0x6800, s11, s12, $0x38;
	[tilespmem:$0xCC00] =	vst v63  }
0x32f: {  	s17 =	sld [smem:$0x7FC]  }
0x330: {  	[hbm4b:s16+s12] =	stream.strided.scatter [tilespmem:s13], [sflag:$0x1], $0x6800, s11, s12, $0x38;
	[tilespmem:$0xCC00] =	vst v63  }
0x331: {  	s18 =	sld [smem:$0x7FD]  }
0x332: {  	[hbm4b:s17+s12] =	stream.strided.scatter [tilespmem:s13], [sflag:$0x1], $0x6800, s11, s12, $0x38;
	[tilespmem:$0xCC00] =	vst v63  }
0x333: {  	_ = 	snop  }
0x334: {  	[hbm4b:s18+s12] =	stream.strided.scatter [tilespmem:s13], [sflag:$0x1], $0x6800, s11, s12, $0x38;
	[tilespmem:$0xCC00] =	vst v63  }
0x335: {  	_ = 	snop  }
0x336: {  	[hbm4b:s20+s12] =	stream.strided.scatter [tilespmem:s13], [sflag:$0x1], $0x6800, s11, s12, $0x38;
	[tilespmem:$0xCC00] =	vst v63  }
0x337: {  	_ = 	snop  }
0x338: {  	[hbm4b:s21+s12] =	stream.strided.scatter [tilespmem:s13], [sflag:$0x1], $0x6800, s11, s12, $0x38;
	[tilespmem:$0xCC00] =	vst v63  }
0x339: {  	_ = 	snop  }
0x33a: {  	[hbm4b:s22+s12] =	stream.strided.scatter [tilespmem:s13], [sflag:$0x1], $0x6800, s11, s12, $0x38;
	[tilespmem:$0xCC00] =	vst v63  }
0x33b: {  	_ = 	snop  }
0x33c: {  	[hbm4b:s23+s12] =	stream.strided.scatter [tilespmem:s13], [sflag:$0x1], $0x6800, s11, s12, $0x38;
	[tilespmem:$0xCC00] =	vst v63  }
0x33d: {  	_ = 	snop  }
0x33e: {  	[hbm4b:s24+s12] =	stream.strided.scatter [tilespmem:s13], [sflag:$0x1], $0x6800, s11, s12, $0x38;
	[tilespmem:$0xCC00] =	vst v63  }
0x33f: {  	_ = 	snop  }
0x340: {  	[hbm4b:s25+s12] =	stream.strided.scatter [tilespmem:s13], [sflag:$0x1], $0x6800, s11, s12, $0x38;
	[tilespmem:$0xCC00] =	vst v63  }
0x341: {  	_ = 	snop  }
0x342: {  	[hbm4b:s26+s12] =	stream.strided.scatter [tilespmem:s13], [sflag:$0x1], $0x6800, s11, s12, $0x38;
	[tilespmem:$0xCC00] =	vst v63  }
0x343: {  	_ = 	snop  }
0x344: {  	[hbm4b:s28+s12] =	stream.strided.scatter [tilespmem:s13], [sflag:$0x1], $0x6800, s11, s12, $0x38;
	[tilespmem:$0xCC00] =	vst v63  }
0x345: {  	_ = 	snop  }
0x346: {  	[hbm4b:s29+s12] =	stream.strided.scatter [tilespmem:s13], [sflag:$0x1], $0x6800, s11, s12, $0x38;
	[tilespmem:$0xCC00] =	vst v63  }
0x347: {  	_ = 	snop  }
0x348: {  	[hbm4b:s30+s12] =	stream.strided.scatter [tilespmem:s13], [sflag:$0x1], $0x6800, s11, s12, $0x38;
	[tilespmem:$0xCC00] =	vst v63  }
0x349: {  	_ = 	snop  }
0x34a: {  	[hbm4b:s31+s12] =	stream.strided.scatter [tilespmem:s13], [sflag:$0x1], $0x6800, s11, s12, $0x38;
	[tilespmem:$0xCC00] =	vst v63  }
0x34b: {  	_ = 	snop  }
0x34c: {  	[hbm4b:s1+s12] =	stream.strided.scatter [tilespmem:s13], [sflag:$0x1], $0x6800, s11, s12, $0x38;
	[tilespmem:$0xCC00] =	vst v63  }
0x34d: {  	_ = 	snop  }
0x34e: {  	[hbm4b:s0+s12] =	stream.strided.scatter [tilespmem:s13], [sflag:$0x1], $0x6800, s11, s12, $0x38;
	[tilespmem:$0xCC00] =	vst v63  }
0x34f: {  	_ = 	snop  }
0x350: {  	[hbm4b:s2+s12] =	stream.strided.scatter [tilespmem:s13], [sflag:$0x1], $0x6800, s11, s12, $0x38;
	[tilespmem:$0xCC00] =	vst v63  }
0x351: {  	_ = 	snop  }
0x352: {  	[hbm4b:s4+s12] =	stream.strided.scatter [tilespmem:s13], [sflag:$0x1], $0x6800, s11, s12, $0x38;
	[tilespmem:$0xCC00] =	vst v63  }
0x353: {  	_ = 	snop  }
0x354: {  	[hbm4b:s5+s12] =	stream.strided.scatter [tilespmem:s13], [sflag:$0x1], $0x6800, s11, s12, $0x38;
	[tilespmem:$0xCC00] =	vst v63  }
0x355: {  	_ = 	snop  }
0x356: {  	[hbm4b:s6+s12] =	stream.strided.scatter [tilespmem:s13], [sflag:$0x1], $0x6800, s11, s12, $0x38;
	[tilespmem:$0xCC00] =	vst v63  }
0x357: {  	_ = 	snop  }
0x358: {  	[hbm4b:s7+s12] =	stream.strided.scatter [tilespmem:s13], [sflag:$0x1], $0x6800, s11, s12, $0x38;
	[tilespmem:$0xCC00] =	vst v63  }
0x359: {  	_ = 	snop  }
0x35a: {  	[hbm4b:s8+s12] =	stream.strided.scatter [tilespmem:s13], [sflag:$0x1], $0x6800, s11, s12, $0x38;
	[tilespmem:$0xCC00] =	vst v63  }
0x35b: {  	_ = 	snop  }
0x35c: {  	[hbm4b:s9+s12] =	stream.strided.scatter [tilespmem:s13], [sflag:$0x1], $0x6800, s11, s12, $0x38;
	[tilespmem:$0xCC00] =	vst v63  }
0x35d: {  	_ =	swait.ge [sflag:s10], $0x6000  }
0x35e: {  	[sflag:s10] =	ssyncset.done $0x0  }
0x35f: {  	[sflag:s10] =	ssyncadd.s32 $0xFFFFA000  }
0x360: {  	_ =	swait.ge [sflag:s10], $0x6000  }
0x361: {  	[sflag:s10] =	ssyncset.done $0x0  }
0x362: {  	[sflag:s10] =	ssyncadd.s32 $0xFFFFA000  }
0x363: {  	_ =	swait.ge [sflag:s10], $0x6000  }
0x364: {  	[sflag:s10] =	ssyncset.done $0x0  }
0x365: {  	[sflag:s10] =	ssyncadd.s32 $0xFFFFA000  }
0x366: {  	_ =	swait.ge [sflag:s10], $0x6000  }
0x367: {  	[sflag:s10] =	ssyncset.done $0x0  }
0x368: {  	[sflag:s10] =	ssyncadd.s32 $0xFFFFA000  }
0x369: {  	_ =	swait.ge [sflag:s10], $0x6000  }
0x36a: {  	[sflag:s10] =	ssyncset.done $0x0  }
0x36b: {  	[sflag:s10] =	ssyncadd.s32 $0xFFFFA000  }
0x36c: {  	_ =	swait.ge [sflag:s10], $0x6000  }
0x36d: {  	[sflag:s10] =	ssyncset.done $0x0  }
0x36e: {  	[sflag:s10] =	ssyncadd.s32 $0xFFFFA000  }
0x36f: {  	_ =	swait.ge [sflag:s10], $0x6000  }
0x370: {  	[sflag:s10] =	ssyncset.done $0x0  }
0x371: {  	[sflag:s10] =	ssyncadd.s32 $0xFFFFA000  }
0x372: {  	_ =	swait.ge [sflag:s10], $0x6000  }
0x373: {  	[sflag:s10] =	ssyncset.done $0x0  }
0x374: {  	[sflag:s10] =	ssyncadd.s32 $0xFFFFA000  }
0x375: {  	_ =	swait.ge [sflag:s10], $0x6000  }
0x376: {  	[sflag:s10] =	ssyncset.done $0x0  }
0x377: {  	[sflag:s10] =	ssyncadd.s32 $0xFFFFA000  }
0x378: {  	_ =	swait.ge [sflag:s10], $0x6000  }
0x379: {  	[sflag:s10] =	ssyncset.done $0x0  }
0x37a: {  	[sflag:s10] =	ssyncadd.s32 $0xFFFFA000  }
0x37b: {  	_ =	swait.ge [sflag:s10], $0x6000  }
0x37c: {  	[sflag:s10] =	ssyncset.done $0x0  }
0x37d: {  	[sflag:s10] =	ssyncadd.s32 $0xFFFFA000  }
0x37e: {  	_ =	swait.ge [sflag:s10], $0x6000  }
0x37f: {  	[sflag:s10] =	ssyncset.done $0x0  }
0x380: {  	[sflag:s10] =	ssyncadd.s32 $0xFFFFA000  }
0x381: {  	_ =	swait.ge [sflag:s10], $0x6000  }
0x382: {  	[sflag:s10] =	ssyncset.done $0x0  }
0x383: {  	[sflag:s10] =	ssyncadd.s32 $0xFFFFA000  }
0x384: {  	_ =	swait.ge [sflag:s10], $0x6000  }
0x385: {  	[sflag:s10] =	ssyncset.done $0x0  }
0x386: {  	[sflag:s10] =	ssyncadd.s32 $0xFFFFA000  }
0x387: {  	_ =	swait.ge [sflag:s10], $0x6000  }
0x388: {  	[sflag:s10] =	ssyncset.done $0x0  }
0x389: {  	[sflag:s10] =	ssyncadd.s32 $0xFFFFA000  }
0x38a: {  	_ =	swait.ge [sflag:s10], $0x6000  }
0x38b: {  	[sflag:s10] =	ssyncset.done $0x0  }
0x38c: {  	[sflag:s10] =	ssyncadd.s32 $0xFFFFA000  }
0x38d: {  	_ =	swait.ge [sflag:s10], $0x6000  }
0x38e: {  	[sflag:s10] =	ssyncset.done $0x0  }
0x38f: {  	[sflag:s10] =	ssyncadd.s32 $0xFFFFA000  }
0x390: {  	_ =	swait.ge [sflag:s10], $0x6000  }
0x391: {  	[sflag:s10] =	ssyncset.done $0x0  }
0x392: {  	[sflag:s10] =	ssyncadd.s32 $0xFFFFA000  }
0x393: {  	_ =	swait.ge [sflag:s10], $0x6000  }
0x394: {  	[sflag:s10] =	ssyncset.done $0x0  }
0x395: {  	[sflag:s10] =	ssyncadd.s32 $0xFFFFA000  }
0x396: {  	_ =	swait.ge [sflag:s10], $0x6000  }
0x397: {  	[sflag:s10] =	ssyncset.done $0x0  }
0x398: {  	[sflag:s10] =	ssyncadd.s32 $0xFFFFA000  }
0x399: {  	_ =	swait.ge [sflag:s10], $0x6000  }
0x39a: {  	[sflag:s10] =	ssyncset.done $0x0  }
0x39b: {  	[sflag:s10] =	ssyncadd.s32 $0xFFFFA000  }
0x39c: {  	_ =	swait.ge [sflag:s10], $0x6000  }
0x39d: {  	[sflag:s10] =	ssyncset.done $0x0  }
0x39e: {  	[sflag:s10] =	ssyncadd.s32 $0xFFFFA000  }
0x39f: {  	_ =	swait.ge [sflag:s10], $0x6000  }
0x3a0: {  	[sflag:s10] =	ssyncset.done $0x0  }
0x3a1: {  	[sflag:s10] =	ssyncadd.s32 $0xFFFFA000  }
0x3a2: {  	_ =	swait.ge [sflag:s10], $0x6000  }
0x3a3: {  	[sflag:s10] =	ssyncset.done $0x0  }
0x3a4: {  	[sflag:s10] =	ssyncadd.s32 $0xFFFFA000  }
0x3a5: {  	_ =	swait.ge [sflag:s10], $0x6000  }
0x3a6: {  	[sflag:s10] =	ssyncset.done $0x0  }
0x3a7: {  	[sflag:s10] =	ssyncadd.s32 $0xFFFFA000  }
0x3a8: {  	_ =	swait.ge [sflag:s10], $0x6000  }
0x3a9: {  	[sflag:s10] =	ssyncset.done $0x0  }
0x3aa: {  	[sflag:s10] =	ssyncadd.s32 $0xFFFFA000  }
0x3ab: {  	_ =	swait.ge [sflag:s10], $0x6000  }
0x3ac: {  	[sflag:s10] =	ssyncset.done $0x0  }
0x3ad: {  	[sflag:s10] =	ssyncadd.s32 $0xFFFFA000  }
0x3ae: {  	_ =	swait.ge [sflag:s10], $0x6000  }
0x3af: {  	[sflag:s10] =	ssyncset.done $0x0  }
0x3b0: {  	[sflag:s10] =	ssyncadd.s32 $0xFFFFA000  }
0x3b1: {  	_ =	swait.ge [sflag:s10], $0x6000  }
0x3b2: {  	[sflag:s10] =	ssyncset.done $0x0  }
0x3b3: {  	[sflag:s10] =	ssyncadd.s32 $0xFFFFA000  }
0x3b4: {  	_ =	swait.ge [sflag:s10], $0x6000  }
0x3b5: {  	[sflag:s10] =	ssyncset.done $0x0  }
0x3b6: {  	[sflag:s10] =	ssyncadd.s32 $0xFFFFA000  }
0x3b7: {  	_ =	swait.ge [sflag:s10], $0x6000  }
0x3b8: {  	[sflag:s10] =	ssyncset.done $0x0  }
0x3b9: {  	[sflag:s10] =	ssyncadd.s32 $0xFFFFA000  }
0x3ba: {  	_ =	swait.ge [sflag:s10], $0x6000  }
0x3bb: {  	[sflag:s10] =	ssyncset.done $0x0  }
0x3bc: {  	[sflag:s10] =	ssyncadd.s32 $0xFFFFA000  }
0x3bd: {  	_ =	swait.ge [sflag:s10], $0x6800  }
0x3be: {  	[sflag:s10] =	ssyncset.done $0x0  }
0x3bf: {  	[sflag:s10] =	ssyncadd.s32 $0xFFFF9800  }
0x3c0: {  	_ =	swait.ge [sflag:s10], $0x6800  }
0x3c1: {  	[sflag:s10] =	ssyncset.done $0x0  }
0x3c2: {  	[sflag:s10] =	ssyncadd.s32 $0xFFFF9800  }
0x3c3: {  	_ =	swait.ge [sflag:s10], $0x6800  }
0x3c4: {  	[sflag:s10] =	ssyncset.done $0x0  }
0x3c5: {  	[sflag:s10] =	ssyncadd.s32 $0xFFFF9800  }
0x3c6: {  	_ =	swait.ge [sflag:s10], $0x6800  }
0x3c7: {  	[sflag:s10] =	ssyncset.done $0x0  }
0x3c8: {  	[sflag:s10] =	ssyncadd.s32 $0xFFFF9800  }
0x3c9: {  	_ =	swait.ge [sflag:s10], $0x6800  }
0x3ca: {  	[sflag:s10] =	ssyncset.done $0x0  }
0x3cb: {  	[sflag:s10] =	ssyncadd.s32 $0xFFFF9800  }
0x3cc: {  	_ =	swait.ge [sflag:s10], $0x6800  }
0x3cd: {  	[sflag:s10] =	ssyncset.done $0x0  }
0x3ce: {  	[sflag:s10] =	ssyncadd.s32 $0xFFFF9800  }
0x3cf: {  	_ =	swait.ge [sflag:s10], $0x6800  }
0x3d0: {  	[sflag:s10] =	ssyncset.done $0x0  }
0x3d1: {  	[sflag:s10] =	ssyncadd.s32 $0xFFFF9800  }
0x3d2: {  	_ =	swait.ge [sflag:s10], $0x6800  }
0x3d3: {  	[sflag:s10] =	ssyncset.done $0x0  }
0x3d4: {  	[sflag:s10] =	ssyncadd.s32 $0xFFFF9800  }
0x3d5: {  	_ =	swait.ge [sflag:s10], $0x6800  }
0x3d6: {  	[sflag:s10] =	ssyncset.done $0x0  }
0x3d7: {  	[sflag:s10] =	ssyncadd.s32 $0xFFFF9800  }
0x3d8: {  	_ =	swait.ge [sflag:s10], $0x6800  }
0x3d9: {  	[sflag:s10] =	ssyncset.done $0x0  }
0x3da: {  	[sflag:s10] =	ssyncadd.s32 $0xFFFF9800  }
0x3db: {  	_ =	swait.ge [sflag:s10], $0x6800  }
0x3dc: {  	[sflag:s10] =	ssyncset.done $0x0  }
0x3dd: {  	[sflag:s10] =	ssyncadd.s32 $0xFFFF9800  }
0x3de: {  	_ =	swait.ge [sflag:s10], $0x6800  }
0x3df: {  	[sflag:s10] =	ssyncset.done $0x0  }
0x3e0: {  	[sflag:s10] =	ssyncadd.s32 $0xFFFF9800  }
0x3e1: {  	_ =	swait.ge [sflag:s10], $0x6800  }
0x3e2: {  	[sflag:s10] =	ssyncset.done $0x0  }
0x3e3: {  	[sflag:s10] =	ssyncadd.s32 $0xFFFF9800  }
0x3e4: {  	_ =	swait.ge [sflag:s10], $0x6800  }
0x3e5: {  	[sflag:s10] =	ssyncset.done $0x0  }
0x3e6: {  	[sflag:s10] =	ssyncadd.s32 $0xFFFF9800  }
0x3e7: {  	_ =	swait.ge [sflag:s10], $0x6800  }
0x3e8: {  	[sflag:s10] =	ssyncset.done $0x0  }
0x3e9: {  	[sflag:s10] =	ssyncadd.s32 $0xFFFF9800  }
0x3ea: {  	_ =	swait.ge [sflag:s10], $0x6800  }
0x3eb: {  	[sflag:s10] =	ssyncset.done $0x0  }
0x3ec: {  	[sflag:s10] =	ssyncadd.s32 $0xFFFF9800  }
0x3ed: {  	_ =	swait.ge [sflag:s10], $0x6800  }
0x3ee: {  	[sflag:s10] =	ssyncset.done $0x0  }
0x3ef: {  	[sflag:s10] =	ssyncadd.s32 $0xFFFF9800  }
0x3f0: {  	_ =	swait.ge [sflag:s10], $0x6800  }
0x3f1: {  	[sflag:s10] =	ssyncset.done $0x0  }
0x3f2: {  	[sflag:s10] =	ssyncadd.s32 $0xFFFF9800  }
0x3f3: {  	_ =	swait.ge [sflag:s10], $0x6800  }
0x3f4: {  	[sflag:s10] =	ssyncset.done $0x0  }
0x3f5: {  	[sflag:s10] =	ssyncadd.s32 $0xFFFF9800  }
0x3f6: {  	_ =	swait.ge [sflag:s10], $0x6800  }
0x3f7: {  	[sflag:s10] =	ssyncset.done $0x0  }
0x3f8: {  	[sflag:s10] =	ssyncadd.s32 $0xFFFF9800  }
0x3f9: {  	_ =	swait.ge [sflag:s10], $0x6800  }
0x3fa: {  	[sflag:s10] =	ssyncset.done $0x0  }
0x3fb: {  	[sflag:s10] =	ssyncadd.s32 $0xFFFF9800  }
0x3fc: {  	_ =	swait.ge [sflag:s10], $0x6800  }
0x3fd: {  	[sflag:s10] =	ssyncset.done $0x0  }
0x3fe: {  	[sflag:s10] =	ssyncadd.s32 $0xFFFF9800  }
0x3ff: {  	_ =	swait.ge [sflag:s10], $0x6800  }
0x400: {  	[sflag:s10] =	ssyncset.done $0x0  }
0x401: {  	[sflag:s10] =	ssyncadd.s32 $0xFFFF9800  }
0x402: {  	_ =	swait.ge [sflag:s10], $0x6800  }
0x403: {  	[sflag:s10] =	ssyncset.done $0x0  }
0x404: {  	[sflag:s10] =	ssyncadd.s32 $0xFFFF9800  }
0x405: {  	_ =	swait.ge [sflag:s10], $0x6800  }
0x406: {  	[sflag:s10] =	ssyncset.done $0x0  }
0x407: {  	[sflag:s10] =	ssyncadd.s32 $0xFFFF9800  }
0x408: {  	_ =	swait.ge [sflag:s10], $0x6800  }
0x409: {  	[sflag:s10] =	ssyncset.done $0x0  }
0x40a: {  	[sflag:s10] =	ssyncadd.s32 $0xFFFF9800  }
0x40b: {  	_ =	swait.ge [sflag:s10], $0x6800  }
0x40c: {  	[sflag:s10] =	ssyncset.done $0x0  }
0x40d: {  	[sflag:s10] =	ssyncadd.s32 $0xFFFF9800  }
0x40e: {  	_ =	swait.ge [sflag:s10], $0x6800  }
0x40f: {  	[sflag:s10] =	ssyncset.done $0x0  }
0x410: {  	[sflag:s10] =	ssyncadd.s32 $0xFFFF9800  }
0x411: {  	_ =	swait.ge [sflag:s10], $0x6800  }
0x412: {  	[sflag:s10] =	ssyncset.done $0x0  }
0x413: {  	[sflag:s10] =	ssyncadd.s32 $0xFFFF9800  }
0x414: {  	_ =	swait.ge [sflag:s10], $0x6800  }
0x415: {  	[sflag:s10] =	ssyncset.done $0x0  }
0x416: {  	[sflag:s10] =	ssyncadd.s32 $0xFFFF9800  }
0x417: {  	_ =	swait.ge [sflag:s10], $0x6800  }
0x418: {  	[sflag:s10] =	ssyncset.done $0x0  }
0x419: {  	[sflag:s10] =	ssyncadd.s32 $0xFFFF9800  }
0x41a: {  	_ =	swait.ge [sflag:s10], $0x6800  }
0x41b: {  	s14 =	sadd.s32 $0x1, s14;
	s19 =	rddreg [dreg:$0x18]  }
0x41c: {  	p0 =	sne.s32 s14, s19  }
.Ltmp2:
0x41d: {  	_ = 	snop;
	(pc) =	sbr.rel @p0 .LBB2_1-.Ltmp2, $3  }
0x41e: {  	_ =	sdelay $0x1  }
0x41f: {  	[sflag:s10] =	ssyncset.done $0x0  }
0x420: {  	[sflag:s10] =	ssyncadd.s32 $0xFFFF9800  }
0x421: {  	_ =	sfence.sel $0x180000  }
0x422: {  	[bflag:$0x0] =	sbarrier.arrive $0xFFFF  }
0x423: {  	_ =	strace $0x90000047  }
0x424: {  	s0 =	stileid.u32;
	[bflag:$0x2] =	sbarrier.arrive $0xFFFF  }
0x425: {  	p0 =	sne.s32 s0, $0x0;
	s0 =	rddreg [dreg:$0x2]  }
0x426: {  	s0 =	sadd.s32 @!p0 $0x100000, s0  }
0x427: {  	[sflag:s0] =	ssyncadd.tile.s32 @!p0 $0x1;
	_ =	shalt  }
.Lfunc_end2:
_tile_overlayer_lowered:
.L_overlay_start_2:
0x428: {  	(tag) =	ssettag $0x2  }
0x429: {  	s0 =	rddreg [dreg:$0x0];
	s2 =	stileid.u32  }
0x42a: {  	s1 =	rddreg [dreg:$0x1];
	p0 =	sne.s32 s2, $0x0  }
0x42b: {  	s3 =	rddreg [dreg:$0x2];
	[bflag:$0x3] =	sbarrier.arrive $0xFFFF;
	s2 =	simm.s32 @!p0 $0x1C02  }
0x42c: {  	[timem:s3], [sflag:s2] =	dma.local @!p0 [hbm:s0], s1  }
0x42d: {  	s0 =	simm.s32 @!p0 $0x2  }
0x42e: {  	_ =	swait.ge @!p0 [sflag:s0], s1  }
0x42f: {  	s1 =	ssub.s32 @!p0 $0x0, s1;
	[sflag:s0] =	ssyncset.done @!p0 $0x0  }
0x430: {  	[sflag:s0] =	ssyncadd.s32 @!p0 s1  }
0x431: {  	[bflag:$0x3] =	sbarrier.arrive $0xFFFF  }
0x432: {  	_ =	shalt  }

</sc_bundles>
